<compile_context>
chip_gen: v7x
topology: tpu7x:2x2x1
jax: 0.10.2.dev20260603
libtpu: 0.0.44.dev20260713+nightly
codegen_flags: <defaults>
</compile_context>

<pallas_src>
import jax
import jax.numpy as jnp
from jax import lax
from jax.experimental import pallas as pl
from jax.experimental.pallas import tpu as pltpu
from jax.experimental.pallas import tpu_sc as plsc


def _sc_geometry():
    try:
        info = plsc.get_sparse_core_info()
        return info.num_cores, info.num_subcores, info.num_lanes
    except Exception:
        return 2, 16, 16


def _build_sc_call(V, H, N, VP):
    NC, NS, L = _sc_geometry()
    NW = NC * NS
    S = N + 1
    RPW = N // NW
    RCHUNK = 8
    NM = RPW // RCHUNK
    BLKS = N // L
    WP = (S // L + 1) * L

    mesh = plsc.VectorSubcoreMesh(core_axis_name="c", subcore_axis_name="s",
                                  num_cores=NC, num_subcores=NS)

    def body(tab_hbm, idxp_hbm, out_hbm, tab_v, idx_v, ob0, ob1, sem0, sem1):
        c = lax.axis_index("c")
        s = lax.axis_index("s")
        wid = s * NC + c

        pltpu.sync_copy(tab_hbm, tab_v)

        zf = jnp.zeros((L,), jnp.float32)
        z16 = jnp.zeros((L,), jnp.int32)
        lane = lax.iota(jnp.int32, L)
        m01 = jnp.where(lane == 0, 0.0, 1.0)
        lane0 = lane == 0
        colN = jnp.full((L,), N, jnp.int32)

        tab_slices = [tab_v.at[pl.ds(h * VP, VP)] for h in range(H)]

        def fill_buf(buf, rr):
            @plsc.parallel_loop(1, BLKS, unroll=4)
            def blk(j):
                vidx = idx_v[rr, pl.ds(j * L, L)]
                for h in range(H):
                    buf[0, h, pl.ds(j * L, L)] = plsc.load_gather(
                        tab_slices[h], [vidx])

            vidx0 = idx_v[rr, pl.ds(0, L)]
            vidxN = idx_v[rr, pl.ds(N, L)]
            for h in range(H):
                v0 = plsc.load_gather(tab_slices[h], [vidx0])
                buf[0, h, pl.ds(0, L)] = v0 * m01
                vN = plsc.load_gather(tab_slices[h], [vidxN])
                plsc.store_scatter(buf, [z16, z16 + h, colN], vN,
                                   mask=lane0)

        def zero_buf(buf):
            def hloop(h, carry):
                def zblk(j, inner):
                    buf[0, h, pl.ds(j * L, L)] = zf
                    return inner

                lax.fori_loop(0, BLKS, zblk, 0)
                plsc.store_scatter(buf, [z16, z16 + h, colN], zf,
                                   mask=lane0)
                return carry

            lax.fori_loop(0, H, hloop, 0)

        base = wid * RPW

        def drain(buf, sem):
            pltpu.make_async_copy(buf, out_hbm.at[pl.ds(0, 1)], sem).wait()

        pltpu.sync_copy(idxp_hbm.at[pl.ds(pl.multiple_of(base, RCHUNK),
                                          RCHUNK)], idx_v)
        fill_buf(ob0, 0)

        @pl.when(wid == 0)
        def _z():
            zero_buf(ob0)

        pltpu.async_copy(ob0, out_hbm.at[pl.ds(base, 1)], sem0)
        fill_buf(ob1, 1)
        pltpu.async_copy(ob1, out_hbm.at[pl.ds(base + 1, 1)], sem1)

        def pair(g, carry):
            row = base + 2 * g
            rr = (2 * g) % RCHUNK

            @pl.when(rr == 0)
            def _reload():
                i0 = pl.multiple_of(row, RCHUNK)
                pltpu.sync_copy(idxp_hbm.at[pl.ds(i0, RCHUNK)], idx_v)

            drain(ob0, sem0)
            fill_buf(ob0, rr)
            pltpu.async_copy(ob0, out_hbm.at[pl.ds(row, 1)], sem0)
            drain(ob1, sem1)
            fill_buf(ob1, rr + 1)
            pltpu.async_copy(ob1, out_hbm.at[pl.ds(row + 1, 1)], sem1)
            return carry

        lax.fori_loop(1, RPW // 2, pair, 0)
        drain(ob0, sem0)
        drain(ob1, sem1)

        @pl.when(wid == NW - 1)
        def _tail():
            pltpu.sync_copy(idxp_hbm.at[pl.ds(N, 1)],
                            idx_v.at[pl.ds(0, 1)])
            fill_buf(ob0, 0)
            pltpu.sync_copy(ob0, out_hbm.at[pl.ds(N, 1)])

    call = pl.kernel(
        body,
        out_type=jax.ShapeDtypeStruct((S, H, S), jnp.float32),
        mesh=mesh,
        compiler_params=pltpu.CompilerParams(needs_layout_passes=False),
        scratch_types=[
            pltpu.VMEM((H * VP,), jnp.float32),
            pltpu.VMEM((RCHUNK, WP), jnp.int32),
            pltpu.VMEM((1, H, S), jnp.float32),
            pltpu.VMEM((1, H, S), jnp.float32),
            pltpu.SemaphoreType.DMA,
            pltpu.SemaphoreType.DMA,
        ],
    )
    return call


def kernel(relative_position_bias_table, relative_position_index, seq_len):
    V, H = relative_position_bias_table.shape
    N = relative_position_index.shape[0]
    S = N + 1
    L = 16
    WP = (S // L + 1) * L
    VP = -(-V // 128) * 128
    tab_flat = jnp.pad(relative_position_bias_table.T,
                       ((0, 0), (0, VP - V))).reshape(-1)
    idx = relative_position_index.astype(jnp.int32)
    idx_pad = jnp.pad(idx, ((1, 0), (1, WP - S)))
    call = _build_sc_call(V, H, N, VP)
    out = call(tab_flat, idx_pad)
    return jnp.transpose(out, (1, 0, 2))[None]

# --- scband reference (transcript-rebuilt; emitter-appended) ---
"""Pipeline reference for scband-relative-position-bias-43310450212959 (READ-ONLY COPY).

The authoritative reference and input builder live on the scoring server;
editing this copy changes nothing except your own understanding.
"""

import jax, jax.numpy as jnp
import numpy as np

GRID = 32
NUM_HEADS = 16

def _build_relative_index(grid):
    coords_h = np.arange(grid)
    coords_w = np.arange(grid)
    coords = np.stack(np.meshgrid(coords_h, coords_w, indexing='ij'))  # (2, g, g)
    coords_flat = coords.reshape(2, -1)  # (2, g*g)
    rel = coords_flat[:, :, None] - coords_flat[:, None, :]  # (2, N, N)
    rel = rel.transpose(1, 2, 0).copy()  # (N, N, 2)
    rel[:, :, 0] += grid - 1
    rel[:, :, 1] += grid - 1
    rel[:, :, 0] *= 2 * grid - 1
    return rel.sum(-1).astype(np.int32)  # (N, N)

def setup_inputs(seed: int = 0) -> dict:
    key = jax.random.key(seed)
    table_size = 2 * GRID - 1
    table = jax.random.normal(key, (table_size * table_size, NUM_HEADS), dtype=jnp.float32) * 0.02
    rel_index = jnp.asarray(_build_relative_index(GRID))
    seq_len = GRID * GRID + 1  # 1025
    return {"relative_position_bias_table": table, "relative_position_index": rel_index, "seq_len": seq_len}

def reference(relative_position_bias_table, relative_position_index, seq_len):
    num_patches = relative_position_index.shape[0]
    num_heads = relative_position_bias_table.shape[1]
    bias = jnp.take(relative_position_bias_table, relative_position_index.reshape(-1), axis=0)
    bias = bias.reshape(num_patches, num_patches, num_heads)
    bias = jnp.transpose(bias, (2, 0, 1))  # (H, N, N)
    seq_len_static = num_patches + 1
    seq_len_arr = jnp.asarray(seq_len)
    full_bias = jnp.zeros((num_heads, seq_len_static, seq_len_static), dtype=bias.dtype)
    full_bias = full_bias + (seq_len_arr - seq_len_arr).astype(bias.dtype)
    full_bias = full_bias.at[:, 1:, 1:].set(bias)
    return full_bias[None]  # (1, H, S, S)

if __name__ == "__main__":
    import jax
    _d = setup_inputs()
    print(jax.jit(kernel)(*tuple(_d.values())))

</pallas_src>

<mosaic_0001>
#map = affine_map<(d0, d1) -> (0)>
#map1 = affine_map<(d0, d1) -> (0, 0)>
#map2 = affine_map<(d0, d1) -> (0, 0, 0)>
module attributes {stable_mosaic.version = 14 : i64} {
  func.func @body(%arg0: i32, %arg1: i32, %arg2: memref<65536xf32, #tpu.memory_space<hbm>>, %arg3: memref<1025x1040xi32, #tpu.memory_space<hbm>>, %arg4: memref<1025x16x1025xf32, #tpu.memory_space<hbm>>, %arg5: memref<65536xf32, #tpu.memory_space<vmem>>, %arg6: memref<8x1040xi32, #tpu.memory_space<vmem>>, %arg7: memref<1x16x1025xf32, #tpu.memory_space<vmem>>, %arg8: memref<1x16x1025xf32, #tpu.memory_space<vmem>>, %arg9: memref<!tpu.dma_semaphore, #tpu.memory_space<semaphore_mem>>, %arg10: memref<!tpu.dma_semaphore, #tpu.memory_space<semaphore_mem>>) attributes {dimension_semantics = [#tpu.dimension_semantics<core_parallel>, #tpu.dimension_semantics<subcore_parallel>], iteration_bounds = array<i64: 2, 16>, scalar_prefetch = 0 : i64, scratch_operands = 6 : i64, tpu.core_type = #tpu.core_type<sc_vector_subcore>, window_params = [{transform_indices = #map}, {transform_indices = #map1}, {transform_indices = #map2}]} {
    %mul3A = arith.constant 2 : i32
    %mul3A_0 = arith.muli %arg1, %mul3A : i32
    %add3A = arith.addi %mul3A_0, %arg0 : i32
    "tpu.region"() ({
      %run_scoped3A = tpu.sem_alloc : memref<!tpu.dma_semaphore, #tpu.memory_space<semaphore_mem>>
      tpu.enqueue_dma source(%arg2 : memref<65536xf32, #tpu.memory_space<hbm>>) target(%arg5 : memref<65536xf32, #tpu.memory_space<vmem>>) target_semaphore(%run_scoped3A : memref<!tpu.dma_semaphore, #tpu.memory_space<semaphore_mem>>)
      tpu.wait_dma2 semaphore(%run_scoped3A : memref<!tpu.dma_semaphore, #tpu.memory_space<semaphore_mem>>) src(%arg2 : memref<65536xf32, #tpu.memory_space<hbm>>) dst(%arg5 : memref<65536xf32, #tpu.memory_space<vmem>>)
      tpu.yield
    }) : () -> ()
    %broadcast_in_dim3A = arith.constant 0.000000e+00 : f32
    %broadcast_in_dim3A_1 = vector.broadcast %broadcast_in_dim3A : f32 to vector<16xf32>
    %broadcast_in_dim3A_2 = arith.constant 0 : i32
    %broadcast_in_dim3A_3 = vector.broadcast %broadcast_in_dim3A_2 : i32 to vector<16xi32>
    %iota3A = tpu.iota {dimensions = array<i32: 0>} : vector<16xi32>
    %eq3A = arith.constant 0 : i32
    %eq3A_4 = vector.broadcast %eq3A : i32 to vector<16xi32>
    %eq3A_5 = arith.cmpi eq, %iota3A, %eq3A_4 : vector<16xi32>
    %jit3A = arith.constant 0.000000e+00 : f32
    %jit3A_6 = arith.constant 1.000000e+00 : f32
    %broadcast_in_dim3A_7 = vector.broadcast %jit3A : f32 to vector<16xf32>
    %broadcast_in_dim3A_8 = vector.broadcast %jit3A_6 : f32 to vector<16xf32>
    %select_n3A = arith.select %eq3A_5, %broadcast_in_dim3A_7, %broadcast_in_dim3A_8 : vector<16xi1>, vector<16xf32>
    %eq3A_9 = arith.constant 0 : i32
    %eq3A_10 = vector.broadcast %eq3A_9 : i32 to vector<16xi32>
    %eq3A_11 = arith.cmpi eq, %iota3A, %eq3A_10 : vector<16xi32>
    %broadcast_in_dim3A_12 = arith.constant 1024 : i32
    %broadcast_in_dim3A_13 = vector.broadcast %broadcast_in_dim3A_12 : i32 to vector<16xi32>
    %mul3A_14 = arith.constant 32 : i32
    %mul3A_15 = arith.muli %add3A, %mul3A_14 : i32
    %multiple_of3A = tpu.assume_multiple %mul3A_15, 8 : i32
    "tpu.region"() ({
      %run_scoped3A = tpu.sem_alloc : memref<!tpu.dma_semaphore, #tpu.memory_space<semaphore_mem>>
      %dma_start3A_587 = arith.constant 0 : i32
      %dma_start3A_588 = tpu.memref_slice %arg3[%multiple_of3A, %dma_start3A_587] : memref<1025x1040xi32, #tpu.memory_space<hbm>> -> memref<8x1040xi32, #tpu.memory_space<hbm>>
      %dma_start3A_589 = arith.constant 0 : i32
      %dma_start3A_590 = tpu.memref_slice %arg3[%multiple_of3A, %dma_start3A_589] : memref<1025x1040xi32, #tpu.memory_space<hbm>> -> memref<8x1040xi32, #tpu.memory_space<hbm>>
      tpu.enqueue_dma source(%dma_start3A_590 : memref<8x1040xi32, #tpu.memory_space<hbm>>) target(%arg6 : memref<8x1040xi32, #tpu.memory_space<vmem>>) target_semaphore(%run_scoped3A : memref<!tpu.dma_semaphore, #tpu.memory_space<semaphore_mem>>)
      %dma_wait3A_591 = arith.constant 0 : i32
      %dma_wait3A_592 = tpu.memref_slice %arg3[%multiple_of3A, %dma_wait3A_591] : memref<1025x1040xi32, #tpu.memory_space<hbm>> -> memref<8x1040xi32, #tpu.memory_space<hbm>>
      %dma_wait3A_593 = arith.constant 0 : i32
      %dma_wait3A_594 = tpu.memref_slice %arg3[%multiple_of3A, %dma_wait3A_593] : memref<1025x1040xi32, #tpu.memory_space<hbm>> -> memref<8x1040xi32, #tpu.memory_space<hbm>>
      tpu.wait_dma2 semaphore(%run_scoped3A : memref<!tpu.dma_semaphore, #tpu.memory_space<semaphore_mem>>) src(%dma_wait3A_594 : memref<8x1040xi32, #tpu.memory_space<hbm>>) dst(%arg6 : memref<8x1040xi32, #tpu.memory_space<vmem>>)
      tpu.yield
    }) : () -> ()
    %parallel_loop3A = arith.constant 1 : i32
    %parallel_loop3A_16 = arith.constant 64 : i32
    %parallel_loop3A_17 = arith.constant 1 : i32
    scf.for %parallel_loop3A_587 = %parallel_loop3A to %parallel_loop3A_16 step %parallel_loop3A_17  : i32 {
      %parallel_loop3A_588 = arith.constant 16 : i32
      %parallel_loop3A_589 = arith.muli %parallel_loop3A_587, %parallel_loop3A_588 : i32
      %parallel_loop3A_590 = arith.constant 0 : i32
      %parallel_loop3A_591 = arith.index_cast %parallel_loop3A_590 : i32 to index
      %parallel_loop3A_592 = arith.index_cast %parallel_loop3A_589 : i32 to index
      %parallel_loop3A_593 = tpu.vector_load %arg6[%parallel_loop3A_591, %parallel_loop3A_592] {strides = array<i32>} : memref<8x1040xi32, #tpu.memory_space<vmem>>, vector<16xi32>,
      %parallel_loop3A_594 = arith.constant 0 : i32
      %parallel_loop3A_595 = tpu.memref_slice %arg5[%parallel_loop3A_594] : memref<65536xf32, #tpu.memory_space<vmem>> -> memref<4096xf32, #tpu.memory_space<vmem>>
      %parallel_loop3A_596 = tpu.vector_load_idx %parallel_loop3A_595[%parallel_loop3A_593] : memref<4096xf32, #tpu.memory_space<vmem>>[vector<16xi32>], vector<16xf32>,
      %parallel_loop3A_597 = arith.constant 16 : i32
      %parallel_loop3A_598 = arith.muli %parallel_loop3A_587, %parallel_loop3A_597 : i32
      %parallel_loop3A_599 = arith.constant 0 : i32
      %parallel_loop3A_600 = arith.constant 0 : i32
      %parallel_loop3A_601 = arith.index_cast %parallel_loop3A_599 : i32 to index
      %parallel_loop3A_602 = arith.index_cast %parallel_loop3A_600 : i32 to index
      %parallel_loop3A_603 = arith.index_cast %parallel_loop3A_598 : i32 to index
      %parallel_loop3A_604 = tpu.vector_load %arg7[%parallel_loop3A_601, %parallel_loop3A_602, %parallel_loop3A_603] {strides = array<i32>} : memref<1x16x1025xf32, #tpu.memory_space<vmem>>, vector<16xf32>,
      tpu.vector_store %arg7[%parallel_loop3A_601, %parallel_loop3A_602, %parallel_loop3A_603], %parallel_loop3A_596 {strides = array<i32>} : memref<1x16x1025xf32, #tpu.memory_space<vmem>>, vector<16xf32>,
      %parallel_loop3A_605 = arith.constant 4096 : i32
      %parallel_loop3A_606 = tpu.memref_slice %arg5[%parallel_loop3A_605] : memref<65536xf32, #tpu.memory_space<vmem>> -> memref<4096xf32, #tpu.memory_space<vmem>>
      %parallel_loop3A_607 = tpu.vector_load_idx %parallel_loop3A_606[%parallel_loop3A_593] : memref<4096xf32, #tpu.memory_space<vmem>>[vector<16xi32>], vector<16xf32>,
      %parallel_loop3A_608 = arith.constant 16 : i32
      %parallel_loop3A_609 = arith.muli %parallel_loop3A_587, %parallel_loop3A_608 : i32
      %parallel_loop3A_610 = arith.constant 0 : i32
      %parallel_loop3A_611 = arith.constant 1 : i32
      %parallel_loop3A_612 = arith.index_cast %parallel_loop3A_610 : i32 to index
      %parallel_loop3A_613 = arith.index_cast %parallel_loop3A_611 : i32 to index
      %parallel_loop3A_614 = arith.index_cast %parallel_loop3A_609 : i32 to index
      %parallel_loop3A_615 = tpu.vector_load %arg7[%parallel_loop3A_612, %parallel_loop3A_613, %parallel_loop3A_614] {strides = array<i32>} : memref<1x16x1025xf32, #tpu.memory_space<vmem>>, vector<16xf32>,
      tpu.vector_store %arg7[%parallel_loop3A_612, %parallel_loop3A_613, %parallel_loop3A_614], %parallel_loop3A_607 {strides = array<i32>} : memref<1x16x1025xf32, #tpu.memory_space<vmem>>, vector<16xf32>,
      %parallel_loop3A_616 = arith.constant 8192 : i32
      %parallel_loop3A_617 = tpu.memref_slice %arg5[%parallel_loop3A_616] : memref<65536xf32, #tpu.memory_space<vmem>> -> memref<4096xf32, #tpu.memory_space<vmem>>
      %parallel_loop3A_618 = tpu.vector_load_idx %parallel_loop3A_617[%parallel_loop3A_593] : memref<4096xf32, #tpu.memory_space<vmem>>[vector<16xi32>], vector<16xf32>,
      %parallel_loop3A_619 = arith.constant 16 : i32
      %parallel_loop3A_620 = arith.muli %parallel_loop3A_587, %parallel_loop3A_619 : i32
      %parallel_loop3A_621 = arith.constant 0 : i32
      %parallel_loop3A_622 = arith.constant 2 : i32
      %parallel_loop3A_623 = arith.index_cast %parallel_loop3A_621 : i32 to index
      %parallel_loop3A_624 = arith.index_cast %parallel_loop3A_622 : i32 to index
      %parallel_loop3A_625 = arith.index_cast %parallel_loop3A_620 : i32 to index
      %parallel_loop3A_626 = tpu.vector_load %arg7[%parallel_loop3A_623, %parallel_loop3A_624, %parallel_loop3A_625] {strides = array<i32>} : memref<1x16x1025xf32, #tpu.memory_space<vmem>>, vector<16xf32>,
      tpu.vector_store %arg7[%parallel_loop3A_623, %parallel_loop3A_624, %parallel_loop3A_625], %parallel_loop3A_618 {strides = array<i32>} : memref<1x16x1025xf32, #tpu.memory_space<vmem>>, vector<16xf32>,
      %parallel_loop3A_627 = arith.constant 12288 : i32
      %parallel_loop3A_628 = tpu.memref_slice %arg5[%parallel_loop3A_627] : memref<65536xf32, #tpu.memory_space<vmem>> -> memref<4096xf32, #tpu.memory_space<vmem>>
      %parallel_loop3A_629 = tpu.vector_load_idx %parallel_loop3A_628[%parallel_loop3A_593] : memref<4096xf32, #tpu.memory_space<vmem>>[vector<16xi32>], vector<16xf32>,
      %parallel_loop3A_630 = arith.constant 16 : i32
      %parallel_loop3A_631 = arith.muli %parallel_loop3A_587, %parallel_loop3A_630 : i32
      %parallel_loop3A_632 = arith.constant 0 : i32
      %parallel_loop3A_633 = arith.constant 3 : i32
      %parallel_loop3A_634 = arith.index_cast %parallel_loop3A_632 : i32 to index
      %parallel_loop3A_635 = arith.index_cast %parallel_loop3A_633 : i32 to index
      %parallel_loop3A_636 = arith.index_cast %parallel_loop3A_631 : i32 to index
      %parallel_loop3A_637 = tpu.vector_load %arg7[%parallel_loop3A_634, %parallel_loop3A_635, %parallel_loop3A_636] {strides = array<i32>} : memref<1x16x1025xf32, #tpu.memory_space<vmem>>, vector<16xf32>,
      tpu.vector_store %arg7[%parallel_loop3A_634, %parallel_loop3A_635, %parallel_loop3A_636], %parallel_loop3A_629 {strides = array<i32>} : memref<1x16x1025xf32, #tpu.memory_space<vmem>>, vector<16xf32>,
      %parallel_loop3A_638 = arith.constant 16384 : i32
      %parallel_loop3A_639 = tpu.memref_slice %arg5[%parallel_loop3A_638] : memref<65536xf32, #tpu.memory_space<vmem>> -> memref<4096xf32, #tpu.memory_space<vmem>>
      %parallel_loop3A_640 = tpu.vector_load_idx %parallel_loop3A_639[%parallel_loop3A_593] : memref<4096xf32, #tpu.memory_space<vmem>>[vector<16xi32>], vector<16xf32>,
      %parallel_loop3A_641 = arith.constant 16 : i32
      %parallel_loop3A_642 = arith.muli %parallel_loop3A_587, %parallel_loop3A_641 : i32
      %parallel_loop3A_643 = arith.constant 0 : i32
      %parallel_loop3A_644 = arith.constant 4 : i32
      %parallel_loop3A_645 = arith.index_cast %parallel_loop3A_643 : i32 to index
      %parallel_loop3A_646 = arith.index_cast %parallel_loop3A_644 : i32 to index
      %parallel_loop3A_647 = arith.index_cast %parallel_loop3A_642 : i32 to index
      %parallel_loop3A_648 = tpu.vector_load %arg7[%parallel_loop3A_645, %parallel_loop3A_646, %parallel_loop3A_647] {strides = array<i32>} : memref<1x16x1025xf32, #tpu.memory_space<vmem>>, vector<16xf32>,
      tpu.vector_store %arg7[%parallel_loop3A_645, %parallel_loop3A_646, %parallel_loop3A_647], %parallel_loop3A_640 {strides = array<i32>} : memref<1x16x1025xf32, #tpu.memory_space<vmem>>, vector<16xf32>,
      %parallel_loop3A_649 = arith.constant 20480 : i32
      %parallel_loop3A_650 = tpu.memref_slice %arg5[%parallel_loop3A_649] : memref<65536xf32, #tpu.memory_space<vmem>> -> memref<4096xf32, #tpu.memory_space<vmem>>
      %parallel_loop3A_651 = tpu.vector_load_idx %parallel_loop3A_650[%parallel_loop3A_593] : memref<4096xf32, #tpu.memory_space<vmem>>[vector<16xi32>], vector<16xf32>,
      %parallel_loop3A_652 = arith.constant 16 : i32
      %parallel_loop3A_653 = arith.muli %parallel_loop3A_587, %parallel_loop3A_652 : i32
      %parallel_loop3A_654 = arith.constant 0 : i32
      %parallel_loop3A_655 = arith.constant 5 : i32
      %parallel_loop3A_656 = arith.index_cast %parallel_loop3A_654 : i32 to index
      %parallel_loop3A_657 = arith.index_cast %parallel_loop3A_655 : i32 to index
      %parallel_loop3A_658 = arith.index_cast %parallel_loop3A_653 : i32 to index
      %parallel_loop3A_659 = tpu.vector_load %arg7[%parallel_loop3A_656, %parallel_loop3A_657, %parallel_loop3A_658] {strides = array<i32>} : memref<1x16x1025xf32, #tpu.memory_space<vmem>>, vector<16xf32>,
      tpu.vector_store %arg7[%parallel_loop3A_656, %parallel_loop3A_657, %parallel_loop3A_658], %parallel_loop3A_651 {strides = array<i32>} : memref<1x16x1025xf32, #tpu.memory_space<vmem>>, vector<16xf32>,
      %parallel_loop3A_660 = arith.constant 24576 : i32
      %parallel_loop3A_661 = tpu.memref_slice %arg5[%parallel_loop3A_660] : memref<65536xf32, #tpu.memory_space<vmem>> -> memref<4096xf32, #tpu.memory_space<vmem>>
      %parallel_loop3A_662 = tpu.vector_load_idx %parallel_loop3A_661[%parallel_loop3A_593] : memref<4096xf32, #tpu.memory_space<vmem>>[vector<16xi32>], vector<16xf32>,
      %parallel_loop3A_663 = arith.constant 16 : i32
      %parallel_loop3A_664 = arith.muli %parallel_loop3A_587, %parallel_loop3A_663 : i32
      %parallel_loop3A_665 = arith.constant 0 : i32
      %parallel_loop3A_666 = arith.constant 6 : i32
      %parallel_loop3A_667 = arith.index_cast %parallel_loop3A_665 : i32 to index
      %parallel_loop3A_668 = arith.index_cast %parallel_loop3A_666 : i32 to index
      %parallel_loop3A_669 = arith.index_cast %parallel_loop3A_664 : i32 to index
      %parallel_loop3A_670 = tpu.vector_load %arg7[%parallel_loop3A_667, %parallel_loop3A_668, %parallel_loop3A_669] {strides = array<i32>} : memref<1x16x1025xf32, #tpu.memory_space<vmem>>, vector<16xf32>,
      tpu.vector_store %arg7[%parallel_loop3A_667, %parallel_loop3A_668, %parallel_loop3A_669], %parallel_loop3A_662 {strides = array<i32>} : memref<1x16x1025xf32, #tpu.memory_space<vmem>>, vector<16xf32>,
      %parallel_loop3A_671 = arith.constant 28672 : i32
      %parallel_loop3A_672 = tpu.memref_slice %arg5[%parallel_loop3A_671] : memref<65536xf32, #tpu.memory_space<vmem>> -> memref<4096xf32, #tpu.memory_space<vmem>>
      %parallel_loop3A_673 = tpu.vector_load_idx %parallel_loop3A_672[%parallel_loop3A_593] : memref<4096xf32, #tpu.memory_space<vmem>>[vector<16xi32>], vector<16xf32>,
      %parallel_loop3A_674 = arith.constant 16 : i32
      %parallel_loop3A_675 = arith.muli %parallel_loop3A_587, %parallel_loop3A_674 : i32
      %parallel_loop3A_676 = arith.constant 0 : i32
      %parallel_loop3A_677 = arith.constant 7 : i32
      %parallel_loop3A_678 = arith.index_cast %parallel_loop3A_676 : i32 to index
      %parallel_loop3A_679 = arith.index_cast %parallel_loop3A_677 : i32 to index
      %parallel_loop3A_680 = arith.index_cast %parallel_loop3A_675 : i32 to index
      %parallel_loop3A_681 = tpu.vector_load %arg7[%parallel_loop3A_678, %parallel_loop3A_679, %parallel_loop3A_680] {strides = array<i32>} : memref<1x16x1025xf32, #tpu.memory_space<vmem>>, vector<16xf32>,
      tpu.vector_store %arg7[%parallel_loop3A_678, %parallel_loop3A_679, %parallel_loop3A_680], %parallel_loop3A_673 {strides = array<i32>} : memref<1x16x1025xf32, #tpu.memory_space<vmem>>, vector<16xf32>,
      %parallel_loop3A_682 = arith.constant 32768 : i32
      %parallel_loop3A_683 = tpu.memref_slice %arg5[%parallel_loop3A_682] : memref<65536xf32, #tpu.memory_space<vmem>> -> memref<4096xf32, #tpu.memory_space<vmem>>
      %parallel_loop3A_684 = tpu.vector_load_idx %parallel_loop3A_683[%parallel_loop3A_593] : memref<4096xf32, #tpu.memory_space<vmem>>[vector<16xi32>], vector<16xf32>,
      %parallel_loop3A_685 = arith.constant 16 : i32
      %parallel_loop3A_686 = arith.muli %parallel_loop3A_587, %parallel_loop3A_685 : i32
      %parallel_loop3A_687 = arith.constant 0 : i32
      %parallel_loop3A_688 = arith.constant 8 : i32
      %parallel_loop3A_689 = arith.index_cast %parallel_loop3A_687 : i32 to index
      %parallel_loop3A_690 = arith.index_cast %parallel_loop3A_688 : i32 to index
      %parallel_loop3A_691 = arith.index_cast %parallel_loop3A_686 : i32 to index
      %parallel_loop3A_692 = tpu.vector_load %arg7[%parallel_loop3A_689, %parallel_loop3A_690, %parallel_loop3A_691] {strides = array<i32>} : memref<1x16x1025xf32, #tpu.memory_space<vmem>>, vector<16xf32>,
      tpu.vector_store %arg7[%parallel_loop3A_689, %parallel_loop3A_690, %parallel_loop3A_691], %parallel_loop3A_684 {strides = array<i32>} : memref<1x16x1025xf32, #tpu.memory_space<vmem>>, vector<16xf32>,
      %parallel_loop3A_693 = arith.constant 36864 : i32
      %parallel_loop3A_694 = tpu.memref_slice %arg5[%parallel_loop3A_693] : memref<65536xf32, #tpu.memory_space<vmem>> -> memref<4096xf32, #tpu.memory_space<vmem>>
      %parallel_loop3A_695 = tpu.vector_load_idx %parallel_loop3A_694[%parallel_loop3A_593] : memref<4096xf32, #tpu.memory_space<vmem>>[vector<16xi32>], vector<16xf32>,
      %parallel_loop3A_696 = arith.constant 16 : i32
      %parallel_loop3A_697 = arith.muli %parallel_loop3A_587, %parallel_loop3A_696 : i32
      %parallel_loop3A_698 = arith.constant 0 : i32
      %parallel_loop3A_699 = arith.constant 9 : i32
      %parallel_loop3A_700 = arith.index_cast %parallel_loop3A_698 : i32 to index
      %parallel_loop3A_701 = arith.index_cast %parallel_loop3A_699 : i32 to index
      %parallel_loop3A_702 = arith.index_cast %parallel_loop3A_697 : i32 to index
      %parallel_loop3A_703 = tpu.vector_load %arg7[%parallel_loop3A_700, %parallel_loop3A_701, %parallel_loop3A_702] {strides = array<i32>} : memref<1x16x1025xf32, #tpu.memory_space<vmem>>, vector<16xf32>,
      tpu.vector_store %arg7[%parallel_loop3A_700, %parallel_loop3A_701, %parallel_loop3A_702], %parallel_loop3A_695 {strides = array<i32>} : memref<1x16x1025xf32, #tpu.memory_space<vmem>>, vector<16xf32>,
      %parallel_loop3A_704 = arith.constant 40960 : i32
      %parallel_loop3A_705 = tpu.memref_slice %arg5[%parallel_loop3A_704] : memref<65536xf32, #tpu.memory_space<vmem>> -> memref<4096xf32, #tpu.memory_space<vmem>>
      %parallel_loop3A_706 = tpu.vector_load_idx %parallel_loop3A_705[%parallel_loop3A_593] : memref<4096xf32, #tpu.memory_space<vmem>>[vector<16xi32>], vector<16xf32>,
      %parallel_loop3A_707 = arith.constant 16 : i32
      %parallel_loop3A_708 = arith.muli %parallel_loop3A_587, %parallel_loop3A_707 : i32
      %parallel_loop3A_709 = arith.constant 0 : i32
      %parallel_loop3A_710 = arith.constant 10 : i32
      %parallel_loop3A_711 = arith.index_cast %parallel_loop3A_709 : i32 to index
      %parallel_loop3A_712 = arith.index_cast %parallel_loop3A_710 : i32 to index
      %parallel_loop3A_713 = arith.index_cast %parallel_loop3A_708 : i32 to index
      %parallel_loop3A_714 = tpu.vector_load %arg7[%parallel_loop3A_711, %parallel_loop3A_712, %parallel_loop3A_713] {strides = array<i32>} : memref<1x16x1025xf32, #tpu.memory_space<vmem>>, vector<16xf32>,
      tpu.vector_store %arg7[%parallel_loop3A_711, %parallel_loop3A_712, %parallel_loop3A_713], %parallel_loop3A_706 {strides = array<i32>} : memref<1x16x1025xf32, #tpu.memory_space<vmem>>, vector<16xf32>,
      %parallel_loop3A_715 = arith.constant 45056 : i32
      %parallel_loop3A_716 = tpu.memref_slice %arg5[%parallel_loop3A_715] : memref<65536xf32, #tpu.memory_space<vmem>> -> memref<4096xf32, #tpu.memory_space<vmem>>
      %parallel_loop3A_717 = tpu.vector_load_idx %parallel_loop3A_716[%parallel_loop3A_593] : memref<4096xf32, #tpu.memory_space<vmem>>[vector<16xi32>], vector<16xf32>,
      %parallel_loop3A_718 = arith.constant 16 : i32
      %parallel_loop3A_719 = arith.muli %parallel_loop3A_587, %parallel_loop3A_718 : i32
      %parallel_loop3A_720 = arith.constant 0 : i32
      %parallel_loop3A_721 = arith.constant 11 : i32
      %parallel_loop3A_722 = arith.index_cast %parallel_loop3A_720 : i32 to index
      %parallel_loop3A_723 = arith.index_cast %parallel_loop3A_721 : i32 to index
      %parallel_loop3A_724 = arith.index_cast %parallel_loop3A_719 : i32 to index
      %parallel_loop3A_725 = tpu.vector_load %arg7[%parallel_loop3A_722, %parallel_loop3A_723, %parallel_loop3A_724] {strides = array<i32>} : memref<1x16x1025xf32, #tpu.memory_space<vmem>>, vector<16xf32>,
      tpu.vector_store %arg7[%parallel_loop3A_722, %parallel_loop3A_723, %parallel_loop3A_724], %parallel_loop3A_717 {strides = array<i32>} : memref<1x16x1025xf32, #tpu.memory_space<vmem>>, vector<16xf32>,
      %parallel_loop3A_726 = arith.constant 49152 : i32
      %parallel_loop3A_727 = tpu.memref_slice %arg5[%parallel_loop3A_726] : memref<65536xf32, #tpu.memory_space<vmem>> -> memref<4096xf32, #tpu.memory_space<vmem>>
      %parallel_loop3A_728 = tpu.vector_load_idx %parallel_loop3A_727[%parallel_loop3A_593] : memref<4096xf32, #tpu.memory_space<vmem>>[vector<16xi32>], vector<16xf32>,
      %parallel_loop3A_729 = arith.constant 16 : i32
      %parallel_loop3A_730 = arith.muli %parallel_loop3A_587, %parallel_loop3A_729 : i32
      %parallel_loop3A_731 = arith.constant 0 : i32
      %parallel_loop3A_732 = arith.constant 12 : i32
      %parallel_loop3A_733 = arith.index_cast %parallel_loop3A_731 : i32 to index
      %parallel_loop3A_734 = arith.index_cast %parallel_loop3A_732 : i32 to index
      %parallel_loop3A_735 = arith.index_cast %parallel_loop3A_730 : i32 to index
      %parallel_loop3A_736 = tpu.vector_load %arg7[%parallel_loop3A_733, %parallel_loop3A_734, %parallel_loop3A_735] {strides = array<i32>} : memref<1x16x1025xf32, #tpu.memory_space<vmem>>, vector<16xf32>,
      tpu.vector_store %arg7[%parallel_loop3A_733, %parallel_loop3A_734, %parallel_loop3A_735], %parallel_loop3A_728 {strides = array<i32>} : memref<1x16x1025xf32, #tpu.memory_space<vmem>>, vector<16xf32>,
      %parallel_loop3A_737 = arith.constant 53248 : i32
      %parallel_loop3A_738 = tpu.memref_slice %arg5[%parallel_loop3A_737] : memref<65536xf32, #tpu.memory_space<vmem>> -> memref<4096xf32, #tpu.memory_space<vmem>>
      %parallel_loop3A_739 = tpu.vector_load_idx %parallel_loop3A_738[%parallel_loop3A_593] : memref<4096xf32, #tpu.memory_space<vmem>>[vector<16xi32>], vector<16xf32>,
      %parallel_loop3A_740 = arith.constant 16 : i32
      %parallel_loop3A_741 = arith.muli %parallel_loop3A_587, %parallel_loop3A_740 : i32
      %parallel_loop3A_742 = arith.constant 0 : i32
      %parallel_loop3A_743 = arith.constant 13 : i32
      %parallel_loop3A_744 = arith.index_cast %parallel_loop3A_742 : i32 to index
      %parallel_loop3A_745 = arith.index_cast %parallel_loop3A_743 : i32 to index
      %parallel_loop3A_746 = arith.index_cast %parallel_loop3A_741 : i32 to index
      %parallel_loop3A_747 = tpu.vector_load %arg7[%parallel_loop3A_744, %parallel_loop3A_745, %parallel_loop3A_746] {strides = array<i32>} : memref<1x16x1025xf32, #tpu.memory_space<vmem>>, vector<16xf32>,
      tpu.vector_store %arg7[%parallel_loop3A_744, %parallel_loop3A_745, %parallel_loop3A_746], %parallel_loop3A_739 {strides = array<i32>} : memref<1x16x1025xf32, #tpu.memory_space<vmem>>, vector<16xf32>,
      %parallel_loop3A_748 = arith.constant 57344 : i32
      %parallel_loop3A_749 = tpu.memref_slice %arg5[%parallel_loop3A_748] : memref<65536xf32, #tpu.memory_space<vmem>> -> memref<4096xf32, #tpu.memory_space<vmem>>
      %parallel_loop3A_750 = tpu.vector_load_idx %parallel_loop3A_749[%parallel_loop3A_593] : memref<4096xf32, #tpu.memory_space<vmem>>[vector<16xi32>], vector<16xf32>,
      %parallel_loop3A_751 = arith.constant 16 : i32
      %parallel_loop3A_752 = arith.muli %parallel_loop3A_587, %parallel_loop3A_751 : i32
      %parallel_loop3A_753 = arith.constant 0 : i32
      %parallel_loop3A_754 = arith.constant 14 : i32
      %parallel_loop3A_755 = arith.index_cast %parallel_loop3A_753 : i32 to index
      %parallel_loop3A_756 = arith.index_cast %parallel_loop3A_754 : i32 to index
      %parallel_loop3A_757 = arith.index_cast %parallel_loop3A_752 : i32 to index
      %parallel_loop3A_758 = tpu.vector_load %arg7[%parallel_loop3A_755, %parallel_loop3A_756, %parallel_loop3A_757] {strides = array<i32>} : memref<1x16x1025xf32, #tpu.memory_space<vmem>>, vector<16xf32>,
      tpu.vector_store %arg7[%parallel_loop3A_755, %parallel_loop3A_756, %parallel_loop3A_757], %parallel_loop3A_750 {strides = array<i32>} : memref<1x16x1025xf32, #tpu.memory_space<vmem>>, vector<16xf32>,
      %parallel_loop3A_759 = arith.constant 61440 : i32
      %parallel_loop3A_760 = tpu.memref_slice %arg5[%parallel_loop3A_759] : memref<65536xf32, #tpu.memory_space<vmem>> -> memref<4096xf32, #tpu.memory_space<vmem>>
      %parallel_loop3A_761 = tpu.vector_load_idx %parallel_loop3A_760[%parallel_loop3A_593] : memref<4096xf32, #tpu.memory_space<vmem>>[vector<16xi32>], vector<16xf32>,
      %parallel_loop3A_762 = arith.constant 16 : i32
      %parallel_loop3A_763 = arith.muli %parallel_loop3A_587, %parallel_loop3A_762 : i32
      %parallel_loop3A_764 = arith.constant 0 : i32
      %parallel_loop3A_765 = arith.constant 15 : i32
      %parallel_loop3A_766 = arith.index_cast %parallel_loop3A_764 : i32 to index
      %parallel_loop3A_767 = arith.index_cast %parallel_loop3A_765 : i32 to index
      %parallel_loop3A_768 = arith.index_cast %parallel_loop3A_763 : i32 to index
      %parallel_loop3A_769 = tpu.vector_load %arg7[%parallel_loop3A_766, %parallel_loop3A_767, %parallel_loop3A_768] {strides = array<i32>} : memref<1x16x1025xf32, #tpu.memory_space<vmem>>, vector<16xf32>,
      tpu.vector_store %arg7[%parallel_loop3A_766, %parallel_loop3A_767, %parallel_loop3A_768], %parallel_loop3A_761 {strides = array<i32>} : memref<1x16x1025xf32, #tpu.memory_space<vmem>>, vector<16xf32>,
    } {sc.loop_unroll_factor = 4 : i64, sc.parallel_access}
    %get3A = arith.constant 0 : i32
    %get3A_18 = arith.index_cast %get3A : i32 to index
    %get3A_19 = arith.constant 0 : index
    %get3A_20 = tpu.vector_load %arg6[%get3A_18, %get3A_19] {strides = array<i32>} : memref<8x1040xi32, #tpu.memory_space<vmem>>, vector<16xi32>,
    %get3A_21 = arith.constant 0 : i32
    %get3A_22 = arith.index_cast %get3A_21 : i32 to index
    %get3A_23 = arith.constant 1024 : index
    %get3A_24 = tpu.vector_load %arg6[%get3A_22, %get3A_23] {strides = array<i32>} : memref<8x1040xi32, #tpu.memory_space<vmem>>, vector<16xi32>,
    %gather3A = arith.constant 0 : i32
    %gather3A_25 = tpu.memref_slice %arg5[%gather3A] : memref<65536xf32, #tpu.memory_space<vmem>> -> memref<4096xf32, #tpu.memory_space<vmem>>
    %gather3A_26 = tpu.vector_load_idx %gather3A_25[%get3A_20] : memref<4096xf32, #tpu.memory_space<vmem>>[vector<16xi32>], vector<16xf32>,
    %mul3A_27 = arith.mulf %gather3A_26, %select_n3A : vector<16xf32>
    %swap3A = arith.constant 0 : i32
    %swap3A_28 = arith.constant 0 : i32
    %swap3A_29 = arith.index_cast %swap3A : i32 to index
    %swap3A_30 = arith.index_cast %swap3A_28 : i32 to index
    %swap3A_31 = arith.constant 0 : index
    %swap3A_32 = tpu.vector_load %arg7[%swap3A_29, %swap3A_30, %swap3A_31] {strides = array<i32>} : memref<1x16x1025xf32, #tpu.memory_space<vmem>>, vector<16xf32>,
    tpu.vector_store %arg7[%swap3A_29, %swap3A_30, %swap3A_31], %mul3A_27 {strides = array<i32>} : memref<1x16x1025xf32, #tpu.memory_space<vmem>>, vector<16xf32>,
    %gather3A_33 = arith.constant 0 : i32
    %gather3A_34 = tpu.memref_slice %arg5[%gather3A_33] : memref<65536xf32, #tpu.memory_space<vmem>> -> memref<4096xf32, #tpu.memory_space<vmem>>
    %gather3A_35 = tpu.vector_load_idx %gather3A_34[%get3A_24] : memref<4096xf32, #tpu.memory_space<vmem>>[vector<16xi32>], vector<16xf32>,
    %add3A_36 = arith.constant 0 : i32
    %add3A_37 = vector.broadcast %add3A_36 : i32 to vector<16xi32>
    %add3A_38 = arith.addi %broadcast_in_dim3A_3, %add3A_37 : vector<16xi32>
    tpu.vector_store_idx %arg7[%broadcast_in_dim3A_3, %add3A_38, %broadcast_in_dim3A_13], %gather3A_35 masked %eq3A_11 : memref<1x16x1025xf32, #tpu.memory_space<vmem>>[vector<16xi32>, vector<16xi32>, vector<16xi32>], vector<16xf32>, vector<16xi1>
    %gather3A_39 = arith.constant 4096 : i32
    %gather3A_40 = tpu.memref_slice %arg5[%gather3A_39] : memref<65536xf32, #tpu.memory_space<vmem>> -> memref<4096xf32, #tpu.memory_space<vmem>>
    %gather3A_41 = tpu.vector_load_idx %gather3A_40[%get3A_20] : memref<4096xf32, #tpu.memory_space<vmem>>[vector<16xi32>], vector<16xf32>,
    %mul3A_42 = arith.mulf %gather3A_41, %select_n3A : vector<16xf32>
    %swap3A_43 = arith.constant 0 : i32
    %swap3A_44 = arith.constant 1 : i32
    %swap3A_45 = arith.index_cast %swap3A_43 : i32 to index
    %swap3A_46 = arith.index_cast %swap3A_44 : i32 to index
    %swap3A_47 = arith.constant 0 : index
    %swap3A_48 = tpu.vector_load %arg7[%swap3A_45, %swap3A_46, %swap3A_47] {strides = array<i32>} : memref<1x16x1025xf32, #tpu.memory_space<vmem>>, vector<16xf32>,
    tpu.vector_store %arg7[%swap3A_45, %swap3A_46, %swap3A_47], %mul3A_42 {strides = array<i32>} : memref<1x16x1025xf32, #tpu.memory_space<vmem>>, vector<16xf32>,
    %gather3A_49 = arith.constant 4096 : i32
    %gather3A_50 = tpu.memref_slice %arg5[%gather3A_49] : memref<65536xf32, #tpu.memory_space<vmem>> -> memref<4096xf32, #tpu.memory_space<vmem>>
    %gather3A_51 = tpu.vector_load_idx %gather3A_50[%get3A_24] : memref<4096xf32, #tpu.memory_space<vmem>>[vector<16xi32>], vector<16xf32>,
    %add3A_52 = arith.constant 1 : i32
    %add3A_53 = vector.broadcast %add3A_52 : i32 to vector<16xi32>
    %add3A_54 = arith.addi %broadcast_in_dim3A_3, %add3A_53 : vector<16xi32>
    tpu.vector_store_idx %arg7[%broadcast_in_dim3A_3, %add3A_54, %broadcast_in_dim3A_13], %gather3A_51 masked %eq3A_11 : memref<1x16x1025xf32, #tpu.memory_space<vmem>>[vector<16xi32>, vector<16xi32>, vector<16xi32>], vector<16xf32>, vector<16xi1>
    %gather3A_55 = arith.constant 8192 : i32
    %gather3A_56 = tpu.memref_slice %arg5[%gather3A_55] : memref<65536xf32, #tpu.memory_space<vmem>> -> memref<4096xf32, #tpu.memory_space<vmem>>
    %gather3A_57 = tpu.vector_load_idx %gather3A_56[%get3A_20] : memref<4096xf32, #tpu.memory_space<vmem>>[vector<16xi32>], vector<16xf32>,
    %mul3A_58 = arith.mulf %gather3A_57, %select_n3A : vector<16xf32>
    %swap3A_59 = arith.constant 0 : i32
    %swap3A_60 = arith.constant 2 : i32
    %swap3A_61 = arith.index_cast %swap3A_59 : i32 to index
    %swap3A_62 = arith.index_cast %swap3A_60 : i32 to index
    %swap3A_63 = arith.constant 0 : index
    %swap3A_64 = tpu.vector_load %arg7[%swap3A_61, %swap3A_62, %swap3A_63] {strides = array<i32>} : memref<1x16x1025xf32, #tpu.memory_space<vmem>>, vector<16xf32>,
    tpu.vector_store %arg7[%swap3A_61, %swap3A_62, %swap3A_63], %mul3A_58 {strides = array<i32>} : memref<1x16x1025xf32, #tpu.memory_space<vmem>>, vector<16xf32>,
    %gather3A_65 = arith.constant 8192 : i32
    %gather3A_66 = tpu.memref_slice %arg5[%gather3A_65] : memref<65536xf32, #tpu.memory_space<vmem>> -> memref<4096xf32, #tpu.memory_space<vmem>>
    %gather3A_67 = tpu.vector_load_idx %gather3A_66[%get3A_24] : memref<4096xf32, #tpu.memory_space<vmem>>[vector<16xi32>], vector<16xf32>,
    %add3A_68 = arith.constant 2 : i32
    %add3A_69 = vector.broadcast %add3A_68 : i32 to vector<16xi32>
    %add3A_70 = arith.addi %broadcast_in_dim3A_3, %add3A_69 : vector<16xi32>
    tpu.vector_store_idx %arg7[%broadcast_in_dim3A_3, %add3A_70, %broadcast_in_dim3A_13], %gather3A_67 masked %eq3A_11 : memref<1x16x1025xf32, #tpu.memory_space<vmem>>[vector<16xi32>, vector<16xi32>, vector<16xi32>], vector<16xf32>, vector<16xi1>
    %gather3A_71 = arith.constant 12288 : i32
    %gather3A_72 = tpu.memref_slice %arg5[%gather3A_71] : memref<65536xf32, #tpu.memory_space<vmem>> -> memref<4096xf32, #tpu.memory_space<vmem>>
    %gather3A_73 = tpu.vector_load_idx %gather3A_72[%get3A_20] : memref<4096xf32, #tpu.memory_space<vmem>>[vector<16xi32>], vector<16xf32>,
    %mul3A_74 = arith.mulf %gather3A_73, %select_n3A : vector<16xf32>
    %swap3A_75 = arith.constant 0 : i32
    %swap3A_76 = arith.constant 3 : i32
    %swap3A_77 = arith.index_cast %swap3A_75 : i32 to index
    %swap3A_78 = arith.index_cast %swap3A_76 : i32 to index
    %swap3A_79 = arith.constant 0 : index
    %swap3A_80 = tpu.vector_load %arg7[%swap3A_77, %swap3A_78, %swap3A_79] {strides = array<i32>} : memref<1x16x1025xf32, #tpu.memory_space<vmem>>, vector<16xf32>,
    tpu.vector_store %arg7[%swap3A_77, %swap3A_78, %swap3A_79], %mul3A_74 {strides = array<i32>} : memref<1x16x1025xf32, #tpu.memory_space<vmem>>, vector<16xf32>,
    %gather3A_81 = arith.constant 12288 : i32
    %gather3A_82 = tpu.memref_slice %arg5[%gather3A_81] : memref<65536xf32, #tpu.memory_space<vmem>> -> memref<4096xf32, #tpu.memory_space<vmem>>
    %gather3A_83 = tpu.vector_load_idx %gather3A_82[%get3A_24] : memref<4096xf32, #tpu.memory_space<vmem>>[vector<16xi32>], vector<16xf32>,
    %add3A_84 = arith.constant 3 : i32
    %add3A_85 = vector.broadcast %add3A_84 : i32 to vector<16xi32>
    %add3A_86 = arith.addi %broadcast_in_dim3A_3, %add3A_85 : vector<16xi32>
    tpu.vector_store_idx %arg7[%broadcast_in_dim3A_3, %add3A_86, %broadcast_in_dim3A_13], %gather3A_83 masked %eq3A_11 : memref<1x16x1025xf32, #tpu.memory_space<vmem>>[vector<16xi32>, vector<16xi32>, vector<16xi32>], vector<16xf32>, vector<16xi1>
    %gather3A_87 = arith.constant 16384 : i32
    %gather3A_88 = tpu.memref_slice %arg5[%gather3A_87] : memref<65536xf32, #tpu.memory_space<vmem>> -> memref<4096xf32, #tpu.memory_space<vmem>>
    %gather3A_89 = tpu.vector_load_idx %gather3A_88[%get3A_20] : memref<4096xf32, #tpu.memory_space<vmem>>[vector<16xi32>], vector<16xf32>,
    %mul3A_90 = arith.mulf %gather3A_89, %select_n3A : vector<16xf32>
    %swap3A_91 = arith.constant 0 : i32
    %swap3A_92 = arith.constant 4 : i32
    %swap3A_93 = arith.index_cast %swap3A_91 : i32 to index
    %swap3A_94 = arith.index_cast %swap3A_92 : i32 to index
    %swap3A_95 = arith.constant 0 : index
    %swap3A_96 = tpu.vector_load %arg7[%swap3A_93, %swap3A_94, %swap3A_95] {strides = array<i32>} : memref<1x16x1025xf32, #tpu.memory_space<vmem>>, vector<16xf32>,
    tpu.vector_store %arg7[%swap3A_93, %swap3A_94, %swap3A_95], %mul3A_90 {strides = array<i32>} : memref<1x16x1025xf32, #tpu.memory_space<vmem>>, vector<16xf32>,
    %gather3A_97 = arith.constant 16384 : i32
    %gather3A_98 = tpu.memref_slice %arg5[%gather3A_97] : memref<65536xf32, #tpu.memory_space<vmem>> -> memref<4096xf32, #tpu.memory_space<vmem>>
    %gather3A_99 = tpu.vector_load_idx %gather3A_98[%get3A_24] : memref<4096xf32, #tpu.memory_space<vmem>>[vector<16xi32>], vector<16xf32>,
    %add3A_100 = arith.constant 4 : i32
    %add3A_101 = vector.broadcast %add3A_100 : i32 to vector<16xi32>
    %add3A_102 = arith.addi %broadcast_in_dim3A_3, %add3A_101 : vector<16xi32>
    tpu.vector_store_idx %arg7[%broadcast_in_dim3A_3, %add3A_102, %broadcast_in_dim3A_13], %gather3A_99 masked %eq3A_11 : memref<1x16x1025xf32, #tpu.memory_space<vmem>>[vector<16xi32>, vector<16xi32>, vector<16xi32>], vector<16xf32>, vector<16xi1>
    %gather3A_103 = arith.constant 20480 : i32
    %gather3A_104 = tpu.memref_slice %arg5[%gather3A_103] : memref<65536xf32, #tpu.memory_space<vmem>> -> memref<4096xf32, #tpu.memory_space<vmem>>
    %gather3A_105 = tpu.vector_load_idx %gather3A_104[%get3A_20] : memref<4096xf32, #tpu.memory_space<vmem>>[vector<16xi32>], vector<16xf32>,
    %mul3A_106 = arith.mulf %gather3A_105, %select_n3A : vector<16xf32>
    %swap3A_107 = arith.constant 0 : i32
    %swap3A_108 = arith.constant 5 : i32
    %swap3A_109 = arith.index_cast %swap3A_107 : i32 to index
    %swap3A_110 = arith.index_cast %swap3A_108 : i32 to index
    %swap3A_111 = arith.constant 0 : index
    %swap3A_112 = tpu.vector_load %arg7[%swap3A_109, %swap3A_110, %swap3A_111] {strides = array<i32>} : memref<1x16x1025xf32, #tpu.memory_space<vmem>>, vector<16xf32>,
    tpu.vector_store %arg7[%swap3A_109, %swap3A_110, %swap3A_111], %mul3A_106 {strides = array<i32>} : memref<1x16x1025xf32, #tpu.memory_space<vmem>>, vector<16xf32>,
    %gather3A_113 = arith.constant 20480 : i32
    %gather3A_114 = tpu.memref_slice %arg5[%gather3A_113] : memref<65536xf32, #tpu.memory_space<vmem>> -> memref<4096xf32, #tpu.memory_space<vmem>>
    %gather3A_115 = tpu.vector_load_idx %gather3A_114[%get3A_24] : memref<4096xf32, #tpu.memory_space<vmem>>[vector<16xi32>], vector<16xf32>,
    %add3A_116 = arith.constant 5 : i32
    %add3A_117 = vector.broadcast %add3A_116 : i32 to vector<16xi32>
    %add3A_118 = arith.addi %broadcast_in_dim3A_3, %add3A_117 : vector<16xi32>
    tpu.vector_store_idx %arg7[%broadcast_in_dim3A_3, %add3A_118, %broadcast_in_dim3A_13], %gather3A_115 masked %eq3A_11 : memref<1x16x1025xf32, #tpu.memory_space<vmem>>[vector<16xi32>, vector<16xi32>, vector<16xi32>], vector<16xf32>, vector<16xi1>
    %gather3A_119 = arith.constant 24576 : i32
    %gather3A_120 = tpu.memref_slice %arg5[%gather3A_119] : memref<65536xf32, #tpu.memory_space<vmem>> -> memref<4096xf32, #tpu.memory_space<vmem>>
    %gather3A_121 = tpu.vector_load_idx %gather3A_120[%get3A_20] : memref<4096xf32, #tpu.memory_space<vmem>>[vector<16xi32>], vector<16xf32>,
    %mul3A_122 = arith.mulf %gather3A_121, %select_n3A : vector<16xf32>
    %swap3A_123 = arith.constant 0 : i32
    %swap3A_124 = arith.constant 6 : i32
    %swap3A_125 = arith.index_cast %swap3A_123 : i32 to index
    %swap3A_126 = arith.index_cast %swap3A_124 : i32 to index
    %swap3A_127 = arith.constant 0 : index
    %swap3A_128 = tpu.vector_load %arg7[%swap3A_125, %swap3A_126, %swap3A_127] {strides = array<i32>} : memref<1x16x1025xf32, #tpu.memory_space<vmem>>, vector<16xf32>,
    tpu.vector_store %arg7[%swap3A_125, %swap3A_126, %swap3A_127], %mul3A_122 {strides = array<i32>} : memref<1x16x1025xf32, #tpu.memory_space<vmem>>, vector<16xf32>,
    %gather3A_129 = arith.constant 24576 : i32
    %gather3A_130 = tpu.memref_slice %arg5[%gather3A_129] : memref<65536xf32, #tpu.memory_space<vmem>> -> memref<4096xf32, #tpu.memory_space<vmem>>
    %gather3A_131 = tpu.vector_load_idx %gather3A_130[%get3A_24] : memref<4096xf32, #tpu.memory_space<vmem>>[vector<16xi32>], vector<16xf32>,
    %add3A_132 = arith.constant 6 : i32
    %add3A_133 = vector.broadcast %add3A_132 : i32 to vector<16xi32>
    %add3A_134 = arith.addi %broadcast_in_dim3A_3, %add3A_133 : vector<16xi32>
    tpu.vector_store_idx %arg7[%broadcast_in_dim3A_3, %add3A_134, %broadcast_in_dim3A_13], %gather3A_131 masked %eq3A_11 : memref<1x16x1025xf32, #tpu.memory_space<vmem>>[vector<16xi32>, vector<16xi32>, vector<16xi32>], vector<16xf32>, vector<16xi1>
    %gather3A_135 = arith.constant 28672 : i32
    %gather3A_136 = tpu.memref_slice %arg5[%gather3A_135] : memref<65536xf32, #tpu.memory_space<vmem>> -> memref<4096xf32, #tpu.memory_space<vmem>>
    %gather3A_137 = tpu.vector_load_idx %gather3A_136[%get3A_20] : memref<4096xf32, #tpu.memory_space<vmem>>[vector<16xi32>], vector<16xf32>,
    %mul3A_138 = arith.mulf %gather3A_137, %select_n3A : vector<16xf32>
    %swap3A_139 = arith.constant 0 : i32
    %swap3A_140 = arith.constant 7 : i32
    %swap3A_141 = arith.index_cast %swap3A_139 : i32 to index
    %swap3A_142 = arith.index_cast %swap3A_140 : i32 to index
    %swap3A_143 = arith.constant 0 : index
    %swap3A_144 = tpu.vector_load %arg7[%swap3A_141, %swap3A_142, %swap3A_143] {strides = array<i32>} : memref<1x16x1025xf32, #tpu.memory_space<vmem>>, vector<16xf32>,
    tpu.vector_store %arg7[%swap3A_141, %swap3A_142, %swap3A_143], %mul3A_138 {strides = array<i32>} : memref<1x16x1025xf32, #tpu.memory_space<vmem>>, vector<16xf32>,
    %gather3A_145 = arith.constant 28672 : i32
    %gather3A_146 = tpu.memref_slice %arg5[%gather3A_145] : memref<65536xf32, #tpu.memory_space<vmem>> -> memref<4096xf32, #tpu.memory_space<vmem>>
    %gather3A_147 = tpu.vector_load_idx %gather3A_146[%get3A_24] : memref<4096xf32, #tpu.memory_space<vmem>>[vector<16xi32>], vector<16xf32>,
    %add3A_148 = arith.constant 7 : i32
    %add3A_149 = vector.broadcast %add3A_148 : i32 to vector<16xi32>
    %add3A_150 = arith.addi %broadcast_in_dim3A_3, %add3A_149 : vector<16xi32>
    tpu.vector_store_idx %arg7[%broadcast_in_dim3A_3, %add3A_150, %broadcast_in_dim3A_13], %gather3A_147 masked %eq3A_11 : memref<1x16x1025xf32, #tpu.memory_space<vmem>>[vector<16xi32>, vector<16xi32>, vector<16xi32>], vector<16xf32>, vector<16xi1>
    %gather3A_151 = arith.constant 32768 : i32
    %gather3A_152 = tpu.memref_slice %arg5[%gather3A_151] : memref<65536xf32, #tpu.memory_space<vmem>> -> memref<4096xf32, #tpu.memory_space<vmem>>
    %gather3A_153 = tpu.vector_load_idx %gather3A_152[%get3A_20] : memref<4096xf32, #tpu.memory_space<vmem>>[vector<16xi32>], vector<16xf32>,
    %mul3A_154 = arith.mulf %gather3A_153, %select_n3A : vector<16xf32>
    %swap3A_155 = arith.constant 0 : i32
    %swap3A_156 = arith.constant 8 : i32
    %swap3A_157 = arith.index_cast %swap3A_155 : i32 to index
    %swap3A_158 = arith.index_cast %swap3A_156 : i32 to index
    %swap3A_159 = arith.constant 0 : index
    %swap3A_160 = tpu.vector_load %arg7[%swap3A_157, %swap3A_158, %swap3A_159] {strides = array<i32>} : memref<1x16x1025xf32, #tpu.memory_space<vmem>>, vector<16xf32>,
    tpu.vector_store %arg7[%swap3A_157, %swap3A_158, %swap3A_159], %mul3A_154 {strides = array<i32>} : memref<1x16x1025xf32, #tpu.memory_space<vmem>>, vector<16xf32>,
    %gather3A_161 = arith.constant 32768 : i32
    %gather3A_162 = tpu.memref_slice %arg5[%gather3A_161] : memref<65536xf32, #tpu.memory_space<vmem>> -> memref<4096xf32, #tpu.memory_space<vmem>>
    %gather3A_163 = tpu.vector_load_idx %gather3A_162[%get3A_24] : memref<4096xf32, #tpu.memory_space<vmem>>[vector<16xi32>], vector<16xf32>,
    %add3A_164 = arith.constant 8 : i32
    %add3A_165 = vector.broadcast %add3A_164 : i32 to vector<16xi32>
    %add3A_166 = arith.addi %broadcast_in_dim3A_3, %add3A_165 : vector<16xi32>
    tpu.vector_store_idx %arg7[%broadcast_in_dim3A_3, %add3A_166, %broadcast_in_dim3A_13], %gather3A_163 masked %eq3A_11 : memref<1x16x1025xf32, #tpu.memory_space<vmem>>[vector<16xi32>, vector<16xi32>, vector<16xi32>], vector<16xf32>, vector<16xi1>
    %gather3A_167 = arith.constant 36864 : i32
    %gather3A_168 = tpu.memref_slice %arg5[%gather3A_167] : memref<65536xf32, #tpu.memory_space<vmem>> -> memref<4096xf32, #tpu.memory_space<vmem>>
    %gather3A_169 = tpu.vector_load_idx %gather3A_168[%get3A_20] : memref<4096xf32, #tpu.memory_space<vmem>>[vector<16xi32>], vector<16xf32>,
    %mul3A_170 = arith.mulf %gather3A_169, %select_n3A : vector<16xf32>
    %swap3A_171 = arith.constant 0 : i32
    %swap3A_172 = arith.constant 9 : i32
    %swap3A_173 = arith.index_cast %swap3A_171 : i32 to index
    %swap3A_174 = arith.index_cast %swap3A_172 : i32 to index
    %swap3A_175 = arith.constant 0 : index
    %swap3A_176 = tpu.vector_load %arg7[%swap3A_173, %swap3A_174, %swap3A_175] {strides = array<i32>} : memref<1x16x1025xf32, #tpu.memory_space<vmem>>, vector<16xf32>,
    tpu.vector_store %arg7[%swap3A_173, %swap3A_174, %swap3A_175], %mul3A_170 {strides = array<i32>} : memref<1x16x1025xf32, #tpu.memory_space<vmem>>, vector<16xf32>,
    %gather3A_177 = arith.constant 36864 : i32
    %gather3A_178 = tpu.memref_slice %arg5[%gather3A_177] : memref<65536xf32, #tpu.memory_space<vmem>> -> memref<4096xf32, #tpu.memory_space<vmem>>
    %gather3A_179 = tpu.vector_load_idx %gather3A_178[%get3A_24] : memref<4096xf32, #tpu.memory_space<vmem>>[vector<16xi32>], vector<16xf32>,
    %add3A_180 = arith.constant 9 : i32
    %add3A_181 = vector.broadcast %add3A_180 : i32 to vector<16xi32>
    %add3A_182 = arith.addi %broadcast_in_dim3A_3, %add3A_181 : vector<16xi32>
    tpu.vector_store_idx %arg7[%broadcast_in_dim3A_3, %add3A_182, %broadcast_in_dim3A_13], %gather3A_179 masked %eq3A_11 : memref<1x16x1025xf32, #tpu.memory_space<vmem>>[vector<16xi32>, vector<16xi32>, vector<16xi32>], vector<16xf32>, vector<16xi1>
    %gather3A_183 = arith.constant 40960 : i32
    %gather3A_184 = tpu.memref_slice %arg5[%gather3A_183] : memref<65536xf32, #tpu.memory_space<vmem>> -> memref<4096xf32, #tpu.memory_space<vmem>>
    %gather3A_185 = tpu.vector_load_idx %gather3A_184[%get3A_20] : memref<4096xf32, #tpu.memory_space<vmem>>[vector<16xi32>], vector<16xf32>,
    %mul3A_186 = arith.mulf %gather3A_185, %select_n3A : vector<16xf32>
    %swap3A_187 = arith.constant 0 : i32
    %swap3A_188 = arith.constant 10 : i32
    %swap3A_189 = arith.index_cast %swap3A_187 : i32 to index
    %swap3A_190 = arith.index_cast %swap3A_188 : i32 to index
    %swap3A_191 = arith.constant 0 : index
    %swap3A_192 = tpu.vector_load %arg7[%swap3A_189, %swap3A_190, %swap3A_191] {strides = array<i32>} : memref<1x16x1025xf32, #tpu.memory_space<vmem>>, vector<16xf32>,
    tpu.vector_store %arg7[%swap3A_189, %swap3A_190, %swap3A_191], %mul3A_186 {strides = array<i32>} : memref<1x16x1025xf32, #tpu.memory_space<vmem>>, vector<16xf32>,
    %gather3A_193 = arith.constant 40960 : i32
    %gather3A_194 = tpu.memref_slice %arg5[%gather3A_193] : memref<65536xf32, #tpu.memory_space<vmem>> -> memref<4096xf32, #tpu.memory_space<vmem>>
    %gather3A_195 = tpu.vector_load_idx %gather3A_194[%get3A_24] : memref<4096xf32, #tpu.memory_space<vmem>>[vector<16xi32>], vector<16xf32>,
    %add3A_196 = arith.constant 10 : i32
    %add3A_197 = vector.broadcast %add3A_196 : i32 to vector<16xi32>
    %add3A_198 = arith.addi %broadcast_in_dim3A_3, %add3A_197 : vector<16xi32>
    tpu.vector_store_idx %arg7[%broadcast_in_dim3A_3, %add3A_198, %broadcast_in_dim3A_13], %gather3A_195 masked %eq3A_11 : memref<1x16x1025xf32, #tpu.memory_space<vmem>>[vector<16xi32>, vector<16xi32>, vector<16xi32>], vector<16xf32>, vector<16xi1>
    %gather3A_199 = arith.constant 45056 : i32
    %gather3A_200 = tpu.memref_slice %arg5[%gather3A_199] : memref<65536xf32, #tpu.memory_space<vmem>> -> memref<4096xf32, #tpu.memory_space<vmem>>
    %gather3A_201 = tpu.vector_load_idx %gather3A_200[%get3A_20] : memref<4096xf32, #tpu.memory_space<vmem>>[vector<16xi32>], vector<16xf32>,
    %mul3A_202 = arith.mulf %gather3A_201, %select_n3A : vector<16xf32>
    %swap3A_203 = arith.constant 0 : i32
    %swap3A_204 = arith.constant 11 : i32
    %swap3A_205 = arith.index_cast %swap3A_203 : i32 to index
    %swap3A_206 = arith.index_cast %swap3A_204 : i32 to index
    %swap3A_207 = arith.constant 0 : index
    %swap3A_208 = tpu.vector_load %arg7[%swap3A_205, %swap3A_206, %swap3A_207] {strides = array<i32>} : memref<1x16x1025xf32, #tpu.memory_space<vmem>>, vector<16xf32>,
    tpu.vector_store %arg7[%swap3A_205, %swap3A_206, %swap3A_207], %mul3A_202 {strides = array<i32>} : memref<1x16x1025xf32, #tpu.memory_space<vmem>>, vector<16xf32>,
    %gather3A_209 = arith.constant 45056 : i32
    %gather3A_210 = tpu.memref_slice %arg5[%gather3A_209] : memref<65536xf32, #tpu.memory_space<vmem>> -> memref<4096xf32, #tpu.memory_space<vmem>>
    %gather3A_211 = tpu.vector_load_idx %gather3A_210[%get3A_24] : memref<4096xf32, #tpu.memory_space<vmem>>[vector<16xi32>], vector<16xf32>,
    %add3A_212 = arith.constant 11 : i32
    %add3A_213 = vector.broadcast %add3A_212 : i32 to vector<16xi32>
    %add3A_214 = arith.addi %broadcast_in_dim3A_3, %add3A_213 : vector<16xi32>
    tpu.vector_store_idx %arg7[%broadcast_in_dim3A_3, %add3A_214, %broadcast_in_dim3A_13], %gather3A_211 masked %eq3A_11 : memref<1x16x1025xf32, #tpu.memory_space<vmem>>[vector<16xi32>, vector<16xi32>, vector<16xi32>], vector<16xf32>, vector<16xi1>
    %gather3A_215 = arith.constant 49152 : i32
    %gather3A_216 = tpu.memref_slice %arg5[%gather3A_215] : memref<65536xf32, #tpu.memory_space<vmem>> -> memref<4096xf32, #tpu.memory_space<vmem>>
    %gather3A_217 = tpu.vector_load_idx %gather3A_216[%get3A_20] : memref<4096xf32, #tpu.memory_space<vmem>>[vector<16xi32>], vector<16xf32>,
    %mul3A_218 = arith.mulf %gather3A_217, %select_n3A : vector<16xf32>
    %swap3A_219 = arith.constant 0 : i32
    %swap3A_220 = arith.constant 12 : i32
    %swap3A_221 = arith.index_cast %swap3A_219 : i32 to index
    %swap3A_222 = arith.index_cast %swap3A_220 : i32 to index
    %swap3A_223 = arith.constant 0 : index
    %swap3A_224 = tpu.vector_load %arg7[%swap3A_221, %swap3A_222, %swap3A_223] {strides = array<i32>} : memref<1x16x1025xf32, #tpu.memory_space<vmem>>, vector<16xf32>,
    tpu.vector_store %arg7[%swap3A_221, %swap3A_222, %swap3A_223], %mul3A_218 {strides = array<i32>} : memref<1x16x1025xf32, #tpu.memory_space<vmem>>, vector<16xf32>,
    %gather3A_225 = arith.constant 49152 : i32
    %gather3A_226 = tpu.memref_slice %arg5[%gather3A_225] : memref<65536xf32, #tpu.memory_space<vmem>> -> memref<4096xf32, #tpu.memory_space<vmem>>
    %gather3A_227 = tpu.vector_load_idx %gather3A_226[%get3A_24] : memref<4096xf32, #tpu.memory_space<vmem>>[vector<16xi32>], vector<16xf32>,
    %add3A_228 = arith.constant 12 : i32
    %add3A_229 = vector.broadcast %add3A_228 : i32 to vector<16xi32>
    %add3A_230 = arith.addi %broadcast_in_dim3A_3, %add3A_229 : vector<16xi32>
    tpu.vector_store_idx %arg7[%broadcast_in_dim3A_3, %add3A_230, %broadcast_in_dim3A_13], %gather3A_227 masked %eq3A_11 : memref<1x16x1025xf32, #tpu.memory_space<vmem>>[vector<16xi32>, vector<16xi32>, vector<16xi32>], vector<16xf32>, vector<16xi1>
    %gather3A_231 = arith.constant 53248 : i32
    %gather3A_232 = tpu.memref_slice %arg5[%gather3A_231] : memref<65536xf32, #tpu.memory_space<vmem>> -> memref<4096xf32, #tpu.memory_space<vmem>>
    %gather3A_233 = tpu.vector_load_idx %gather3A_232[%get3A_20] : memref<4096xf32, #tpu.memory_space<vmem>>[vector<16xi32>], vector<16xf32>,
    %mul3A_234 = arith.mulf %gather3A_233, %select_n3A : vector<16xf32>
    %swap3A_235 = arith.constant 0 : i32
    %swap3A_236 = arith.constant 13 : i32
    %swap3A_237 = arith.index_cast %swap3A_235 : i32 to index
    %swap3A_238 = arith.index_cast %swap3A_236 : i32 to index
    %swap3A_239 = arith.constant 0 : index
    %swap3A_240 = tpu.vector_load %arg7[%swap3A_237, %swap3A_238, %swap3A_239] {strides = array<i32>} : memref<1x16x1025xf32, #tpu.memory_space<vmem>>, vector<16xf32>,
    tpu.vector_store %arg7[%swap3A_237, %swap3A_238, %swap3A_239], %mul3A_234 {strides = array<i32>} : memref<1x16x1025xf32, #tpu.memory_space<vmem>>, vector<16xf32>,
    %gather3A_241 = arith.constant 53248 : i32
    %gather3A_242 = tpu.memref_slice %arg5[%gather3A_241] : memref<65536xf32, #tpu.memory_space<vmem>> -> memref<4096xf32, #tpu.memory_space<vmem>>
    %gather3A_243 = tpu.vector_load_idx %gather3A_242[%get3A_24] : memref<4096xf32, #tpu.memory_space<vmem>>[vector<16xi32>], vector<16xf32>,
    %add3A_244 = arith.constant 13 : i32
    %add3A_245 = vector.broadcast %add3A_244 : i32 to vector<16xi32>
    %add3A_246 = arith.addi %broadcast_in_dim3A_3, %add3A_245 : vector<16xi32>
    tpu.vector_store_idx %arg7[%broadcast_in_dim3A_3, %add3A_246, %broadcast_in_dim3A_13], %gather3A_243 masked %eq3A_11 : memref<1x16x1025xf32, #tpu.memory_space<vmem>>[vector<16xi32>, vector<16xi32>, vector<16xi32>], vector<16xf32>, vector<16xi1>
    %gather3A_247 = arith.constant 57344 : i32
    %gather3A_248 = tpu.memref_slice %arg5[%gather3A_247] : memref<65536xf32, #tpu.memory_space<vmem>> -> memref<4096xf32, #tpu.memory_space<vmem>>
    %gather3A_249 = tpu.vector_load_idx %gather3A_248[%get3A_20] : memref<4096xf32, #tpu.memory_space<vmem>>[vector<16xi32>], vector<16xf32>,
    %mul3A_250 = arith.mulf %gather3A_249, %select_n3A : vector<16xf32>
    %swap3A_251 = arith.constant 0 : i32
    %swap3A_252 = arith.constant 14 : i32
    %swap3A_253 = arith.index_cast %swap3A_251 : i32 to index
    %swap3A_254 = arith.index_cast %swap3A_252 : i32 to index
    %swap3A_255 = arith.constant 0 : index
    %swap3A_256 = tpu.vector_load %arg7[%swap3A_253, %swap3A_254, %swap3A_255] {strides = array<i32>} : memref<1x16x1025xf32, #tpu.memory_space<vmem>>, vector<16xf32>,
    tpu.vector_store %arg7[%swap3A_253, %swap3A_254, %swap3A_255], %mul3A_250 {strides = array<i32>} : memref<1x16x1025xf32, #tpu.memory_space<vmem>>, vector<16xf32>,
    %gather3A_257 = arith.constant 57344 : i32
    %gather3A_258 = tpu.memref_slice %arg5[%gather3A_257] : memref<65536xf32, #tpu.memory_space<vmem>> -> memref<4096xf32, #tpu.memory_space<vmem>>
    %gather3A_259 = tpu.vector_load_idx %gather3A_258[%get3A_24] : memref<4096xf32, #tpu.memory_space<vmem>>[vector<16xi32>], vector<16xf32>,
    %add3A_260 = arith.constant 14 : i32
    %add3A_261 = vector.broadcast %add3A_260 : i32 to vector<16xi32>
    %add3A_262 = arith.addi %broadcast_in_dim3A_3, %add3A_261 : vector<16xi32>
    tpu.vector_store_idx %arg7[%broadcast_in_dim3A_3, %add3A_262, %broadcast_in_dim3A_13], %gather3A_259 masked %eq3A_11 : memref<1x16x1025xf32, #tpu.memory_space<vmem>>[vector<16xi32>, vector<16xi32>, vector<16xi32>], vector<16xf32>, vector<16xi1>
    %gather3A_263 = arith.constant 61440 : i32
    %gather3A_264 = tpu.memref_slice %arg5[%gather3A_263] : memref<65536xf32, #tpu.memory_space<vmem>> -> memref<4096xf32, #tpu.memory_space<vmem>>
    %gather3A_265 = tpu.vector_load_idx %gather3A_264[%get3A_20] : memref<4096xf32, #tpu.memory_space<vmem>>[vector<16xi32>], vector<16xf32>,
    %mul3A_266 = arith.mulf %gather3A_265, %select_n3A : vector<16xf32>
    %swap3A_267 = arith.constant 0 : i32
    %swap3A_268 = arith.constant 15 : i32
    %swap3A_269 = arith.index_cast %swap3A_267 : i32 to index
    %swap3A_270 = arith.index_cast %swap3A_268 : i32 to index
    %swap3A_271 = arith.constant 0 : index
    %swap3A_272 = tpu.vector_load %arg7[%swap3A_269, %swap3A_270, %swap3A_271] {strides = array<i32>} : memref<1x16x1025xf32, #tpu.memory_space<vmem>>, vector<16xf32>,
    tpu.vector_store %arg7[%swap3A_269, %swap3A_270, %swap3A_271], %mul3A_266 {strides = array<i32>} : memref<1x16x1025xf32, #tpu.memory_space<vmem>>, vector<16xf32>,
    %gather3A_273 = arith.constant 61440 : i32
    %gather3A_274 = tpu.memref_slice %arg5[%gather3A_273] : memref<65536xf32, #tpu.memory_space<vmem>> -> memref<4096xf32, #tpu.memory_space<vmem>>
    %gather3A_275 = tpu.vector_load_idx %gather3A_274[%get3A_24] : memref<4096xf32, #tpu.memory_space<vmem>>[vector<16xi32>], vector<16xf32>,
    %add3A_276 = arith.constant 15 : i32
    %add3A_277 = vector.broadcast %add3A_276 : i32 to vector<16xi32>
    %add3A_278 = arith.addi %broadcast_in_dim3A_3, %add3A_277 : vector<16xi32>
    tpu.vector_store_idx %arg7[%broadcast_in_dim3A_3, %add3A_278, %broadcast_in_dim3A_13], %gather3A_275 masked %eq3A_11 : memref<1x16x1025xf32, #tpu.memory_space<vmem>>[vector<16xi32>, vector<16xi32>, vector<16xi32>], vector<16xf32>, vector<16xi1>
    %eq3A_279 = arith.constant 0 : i32
    %eq3A_280 = arith.cmpi eq, %add3A, %eq3A_279 : i32
    %convert_element_type3A = arith.extui %eq3A_280 : i1 to i32
    %cond3A = arith.constant 0 : i32
    %cond3A_281 = arith.cmpi ne, %convert_element_type3A, %cond3A : i32
    scf.if %cond3A_281 {
      %scan3A_587 = arith.constant 0 : i32
      %scan3A_588 = arith.constant 0 : i32
      %scan3A_589 = arith.constant 16 : i32
      %scan3A_590 = arith.addi %scan3A_588, %scan3A_589 : i32
      %scan3A_591 = arith.constant 1 : i32
      scf.for %scan3A_593 = %scan3A_588 to %scan3A_590 step %scan3A_591  : i32 {
        %scan3A_594 = arith.constant 0 : i32
        %scan3A_595 = arith.constant 0 : i32
        %scan3A_596 = arith.constant 64 : i32
        %scan3A_597 = arith.addi %scan3A_595, %scan3A_596 : i32
        %scan3A_598 = arith.constant 1 : i32
        scf.for %scan3A_602 = %scan3A_595 to %scan3A_597 step %scan3A_598  : i32 {
          %mul3A_603 = arith.constant 16 : i32
          %mul3A_604 = arith.muli %scan3A_602, %mul3A_603 : i32
          %swap3A_605 = arith.constant 0 : i32
          %swap3A_606 = arith.index_cast %swap3A_605 : i32 to index
          %swap3A_607 = arith.index_cast %scan3A_593 : i32 to index
          %swap3A_608 = arith.index_cast %mul3A_604 : i32 to index
          %swap3A_609 = tpu.vector_load %arg7[%swap3A_606, %swap3A_607, %swap3A_608] {strides = array<i32>} : memref<1x16x1025xf32, #tpu.memory_space<vmem>>, vector<16xf32>,
          tpu.vector_store %arg7[%swap3A_606, %swap3A_607, %swap3A_608], %broadcast_in_dim3A_1 {strides = array<i32>} : memref<1x16x1025xf32, #tpu.memory_space<vmem>>, vector<16xf32>,
        }
        %scan3A_599 = arith.constant 64 : i32
        %add3A_600 = vector.broadcast %scan3A_593 : i32 to vector<16xi32>
        %add3A_601 = arith.addi %broadcast_in_dim3A_3, %add3A_600 : vector<16xi32>
        tpu.vector_store_idx %arg7[%broadcast_in_dim3A_3, %add3A_601, %broadcast_in_dim3A_13], %broadcast_in_dim3A_1 masked %eq3A_11 : memref<1x16x1025xf32, #tpu.memory_space<vmem>>[vector<16xi32>, vector<16xi32>, vector<16xi32>], vector<16xf32>, vector<16xi1>
      }
      %scan3A_592 = arith.constant 16 : i32
    } else {
    }
    %dma_start3A = arith.constant 0 : i32
    %dma_start3A_282 = arith.constant 0 : i32
    %dma_start3A_283 = tpu.memref_slice %arg4[%mul3A_15, %dma_start3A, %dma_start3A_282] : memref<1025x16x1025xf32, #tpu.memory_space<hbm>> -> memref<1x16x1025xf32, #tpu.memory_space<hbm>>
    %dma_start3A_284 = arith.constant 0 : i32
    %dma_start3A_285 = arith.constant 0 : i32
    %dma_start3A_286 = tpu.memref_slice %arg4[%mul3A_15, %dma_start3A_284, %dma_start3A_285] : memref<1025x16x1025xf32, #tpu.memory_space<hbm>> -> memref<1x16x1025xf32, #tpu.memory_space<hbm>>
    tpu.enqueue_dma source(%arg7 : memref<1x16x1025xf32, #tpu.memory_space<vmem>>) target(%dma_start3A_286 : memref<1x16x1025xf32, #tpu.memory_space<hbm>>) target_semaphore(%arg9 : memref<!tpu.dma_semaphore, #tpu.memory_space<semaphore_mem>>)
    %parallel_loop3A_287 = arith.constant 1 : i32
    %parallel_loop3A_288 = arith.constant 64 : i32
    %parallel_loop3A_289 = arith.constant 1 : i32
    scf.for %parallel_loop3A_587 = %parallel_loop3A_287 to %parallel_loop3A_288 step %parallel_loop3A_289  : i32 {
      %parallel_loop3A_588 = arith.constant 16 : i32
      %parallel_loop3A_589 = arith.muli %parallel_loop3A_587, %parallel_loop3A_588 : i32
      %parallel_loop3A_590 = arith.constant 1 : i32
      %parallel_loop3A_591 = arith.index_cast %parallel_loop3A_590 : i32 to index
      %parallel_loop3A_592 = arith.index_cast %parallel_loop3A_589 : i32 to index
      %parallel_loop3A_593 = tpu.vector_load %arg6[%parallel_loop3A_591, %parallel_loop3A_592] {strides = array<i32>} : memref<8x1040xi32, #tpu.memory_space<vmem>>, vector<16xi32>,
      %parallel_loop3A_594 = arith.constant 0 : i32
      %parallel_loop3A_595 = tpu.memref_slice %arg5[%parallel_loop3A_594] : memref<65536xf32, #tpu.memory_space<vmem>> -> memref<4096xf32, #tpu.memory_space<vmem>>
      %parallel_loop3A_596 = tpu.vector_load_idx %parallel_loop3A_595[%parallel_loop3A_593] : memref<4096xf32, #tpu.memory_space<vmem>>[vector<16xi32>], vector<16xf32>,
      %parallel_loop3A_597 = arith.constant 16 : i32
      %parallel_loop3A_598 = arith.muli %parallel_loop3A_587, %parallel_loop3A_597 : i32
      %parallel_loop3A_599 = arith.constant 0 : i32
      %parallel_loop3A_600 = arith.constant 0 : i32
      %parallel_loop3A_601 = arith.index_cast %parallel_loop3A_599 : i32 to index
      %parallel_loop3A_602 = arith.index_cast %parallel_loop3A_600 : i32 to index
      %parallel_loop3A_603 = arith.index_cast %parallel_loop3A_598 : i32 to index
      %parallel_loop3A_604 = tpu.vector_load %arg8[%parallel_loop3A_601, %parallel_loop3A_602, %parallel_loop3A_603] {strides = array<i32>} : memref<1x16x1025xf32, #tpu.memory_space<vmem>>, vector<16xf32>,
      tpu.vector_store %arg8[%parallel_loop3A_601, %parallel_loop3A_602, %parallel_loop3A_603], %parallel_loop3A_596 {strides = array<i32>} : memref<1x16x1025xf32, #tpu.memory_space<vmem>>, vector<16xf32>,
      %parallel_loop3A_605 = arith.constant 4096 : i32
      %parallel_loop3A_606 = tpu.memref_slice %arg5[%parallel_loop3A_605] : memref<65536xf32, #tpu.memory_space<vmem>> -> memref<4096xf32, #tpu.memory_space<vmem>>
      %parallel_loop3A_607 = tpu.vector_load_idx %parallel_loop3A_606[%parallel_loop3A_593] : memref<4096xf32, #tpu.memory_space<vmem>>[vector<16xi32>], vector<16xf32>,
      %parallel_loop3A_608 = arith.constant 16 : i32
      %parallel_loop3A_609 = arith.muli %parallel_loop3A_587, %parallel_loop3A_608 : i32
      %parallel_loop3A_610 = arith.constant 0 : i32
      %parallel_loop3A_611 = arith.constant 1 : i32
      %parallel_loop3A_612 = arith.index_cast %parallel_loop3A_610 : i32 to index
      %parallel_loop3A_613 = arith.index_cast %parallel_loop3A_611 : i32 to index
      %parallel_loop3A_614 = arith.index_cast %parallel_loop3A_609 : i32 to index
      %parallel_loop3A_615 = tpu.vector_load %arg8[%parallel_loop3A_612, %parallel_loop3A_613, %parallel_loop3A_614] {strides = array<i32>} : memref<1x16x1025xf32, #tpu.memory_space<vmem>>, vector<16xf32>,
      tpu.vector_store %arg8[%parallel_loop3A_612, %parallel_loop3A_613, %parallel_loop3A_614], %parallel_loop3A_607 {strides = array<i32>} : memref<1x16x1025xf32, #tpu.memory_space<vmem>>, vector<16xf32>,
      %parallel_loop3A_616 = arith.constant 8192 : i32
      %parallel_loop3A_617 = tpu.memref_slice %arg5[%parallel_loop3A_616] : memref<65536xf32, #tpu.memory_space<vmem>> -> memref<4096xf32, #tpu.memory_space<vmem>>
      %parallel_loop3A_618 = tpu.vector_load_idx %parallel_loop3A_617[%parallel_loop3A_593] : memref<4096xf32, #tpu.memory_space<vmem>>[vector<16xi32>], vector<16xf32>,
      %parallel_loop3A_619 = arith.constant 16 : i32
      %parallel_loop3A_620 = arith.muli %parallel_loop3A_587, %parallel_loop3A_619 : i32
      %parallel_loop3A_621 = arith.constant 0 : i32
      %parallel_loop3A_622 = arith.constant 2 : i32
      %parallel_loop3A_623 = arith.index_cast %parallel_loop3A_621 : i32 to index
      %parallel_loop3A_624 = arith.index_cast %parallel_loop3A_622 : i32 to index
      %parallel_loop3A_625 = arith.index_cast %parallel_loop3A_620 : i32 to index
      %parallel_loop3A_626 = tpu.vector_load %arg8[%parallel_loop3A_623, %parallel_loop3A_624, %parallel_loop3A_625] {strides = array<i32>} : memref<1x16x1025xf32, #tpu.memory_space<vmem>>, vector<16xf32>,
      tpu.vector_store %arg8[%parallel_loop3A_623, %parallel_loop3A_624, %parallel_loop3A_625], %parallel_loop3A_618 {strides = array<i32>} : memref<1x16x1025xf32, #tpu.memory_space<vmem>>, vector<16xf32>,
      %parallel_loop3A_627 = arith.constant 12288 : i32
      %parallel_loop3A_628 = tpu.memref_slice %arg5[%parallel_loop3A_627] : memref<65536xf32, #tpu.memory_space<vmem>> -> memref<4096xf32, #tpu.memory_space<vmem>>
      %parallel_loop3A_629 = tpu.vector_load_idx %parallel_loop3A_628[%parallel_loop3A_593] : memref<4096xf32, #tpu.memory_space<vmem>>[vector<16xi32>], vector<16xf32>,
      %parallel_loop3A_630 = arith.constant 16 : i32
      %parallel_loop3A_631 = arith.muli %parallel_loop3A_587, %parallel_loop3A_630 : i32
      %parallel_loop3A_632 = arith.constant 0 : i32
      %parallel_loop3A_633 = arith.constant 3 : i32
      %parallel_loop3A_634 = arith.index_cast %parallel_loop3A_632 : i32 to index
      %parallel_loop3A_635 = arith.index_cast %parallel_loop3A_633 : i32 to index
      %parallel_loop3A_636 = arith.index_cast %parallel_loop3A_631 : i32 to index
      %parallel_loop3A_637 = tpu.vector_load %arg8[%parallel_loop3A_634, %parallel_loop3A_635, %parallel_loop3A_636] {strides = array<i32>} : memref<1x16x1025xf32, #tpu.memory_space<vmem>>, vector<16xf32>,
      tpu.vector_store %arg8[%parallel_loop3A_634, %parallel_loop3A_635, %parallel_loop3A_636], %parallel_loop3A_629 {strides = array<i32>} : memref<1x16x1025xf32, #tpu.memory_space<vmem>>, vector<16xf32>,
      %parallel_loop3A_638 = arith.constant 16384 : i32
      %parallel_loop3A_639 = tpu.memref_slice %arg5[%parallel_loop3A_638] : memref<65536xf32, #tpu.memory_space<vmem>> -> memref<4096xf32, #tpu.memory_space<vmem>>
      %parallel_loop3A_640 = tpu.vector_load_idx %parallel_loop3A_639[%parallel_loop3A_593] : memref<4096xf32, #tpu.memory_space<vmem>>[vector<16xi32>], vector<16xf32>,
      %parallel_loop3A_641 = arith.constant 16 : i32
      %parallel_loop3A_642 = arith.muli %parallel_loop3A_587, %parallel_loop3A_641 : i32
      %parallel_loop3A_643 = arith.constant 0 : i32
      %parallel_loop3A_644 = arith.constant 4 : i32
      %parallel_loop3A_645 = arith.index_cast %parallel_loop3A_643 : i32 to index
      %parallel_loop3A_646 = arith.index_cast %parallel_loop3A_644 : i32 to index
      %parallel_loop3A_647 = arith.index_cast %parallel_loop3A_642 : i32 to index
      %parallel_loop3A_648 = tpu.vector_load %arg8[%parallel_loop3A_645, %parallel_loop3A_646, %parallel_loop3A_647] {strides = array<i32>} : memref<1x16x1025xf32, #tpu.memory_space<vmem>>, vector<16xf32>,
      tpu.vector_store %arg8[%parallel_loop3A_645, %parallel_loop3A_646, %parallel_loop3A_647], %parallel_loop3A_640 {strides = array<i32>} : memref<1x16x1025xf32, #tpu.memory_space<vmem>>, vector<16xf32>,
      %parallel_loop3A_649 = arith.constant 20480 : i32
      %parallel_loop3A_650 = tpu.memref_slice %arg5[%parallel_loop3A_649] : memref<65536xf32, #tpu.memory_space<vmem>> -> memref<4096xf32, #tpu.memory_space<vmem>>
      %parallel_loop3A_651 = tpu.vector_load_idx %parallel_loop3A_650[%parallel_loop3A_593] : memref<4096xf32, #tpu.memory_space<vmem>>[vector<16xi32>], vector<16xf32>,
      %parallel_loop3A_652 = arith.constant 16 : i32
      %parallel_loop3A_653 = arith.muli %parallel_loop3A_587, %parallel_loop3A_652 : i32
      %parallel_loop3A_654 = arith.constant 0 : i32
      %parallel_loop3A_655 = arith.constant 5 : i32
      %parallel_loop3A_656 = arith.index_cast %parallel_loop3A_654 : i32 to index
      %parallel_loop3A_657 = arith.index_cast %parallel_loop3A_655 : i32 to index
      %parallel_loop3A_658 = arith.index_cast %parallel_loop3A_653 : i32 to index
      %parallel_loop3A_659 = tpu.vector_load %arg8[%parallel_loop3A_656, %parallel_loop3A_657, %parallel_loop3A_658] {strides = array<i32>} : memref<1x16x1025xf32, #tpu.memory_space<vmem>>, vector<16xf32>,
      tpu.vector_store %arg8[%parallel_loop3A_656, %parallel_loop3A_657, %parallel_loop3A_658], %parallel_loop3A_651 {strides = array<i32>} : memref<1x16x1025xf32, #tpu.memory_space<vmem>>, vector<16xf32>,
      %parallel_loop3A_660 = arith.constant 24576 : i32
      %parallel_loop3A_661 = tpu.memref_slice %arg5[%parallel_loop3A_660] : memref<65536xf32, #tpu.memory_space<vmem>> -> memref<4096xf32, #tpu.memory_space<vmem>>
      %parallel_loop3A_662 = tpu.vector_load_idx %parallel_loop3A_661[%parallel_loop3A_593] : memref<4096xf32, #tpu.memory_space<vmem>>[vector<16xi32>], vector<16xf32>,
      %parallel_loop3A_663 = arith.constant 16 : i32
      %parallel_loop3A_664 = arith.muli %parallel_loop3A_587, %parallel_loop3A_663 : i32
      %parallel_loop3A_665 = arith.constant 0 : i32
      %parallel_loop3A_666 = arith.constant 6 : i32
      %parallel_loop3A_667 = arith.index_cast %parallel_loop3A_665 : i32 to index
      %parallel_loop3A_668 = arith.index_cast %parallel_loop3A_666 : i32 to index
      %parallel_loop3A_669 = arith.index_cast %parallel_loop3A_664 : i32 to index
      %parallel_loop3A_670 = tpu.vector_load %arg8[%parallel_loop3A_667, %parallel_loop3A_668, %parallel_loop3A_669] {strides = array<i32>} : memref<1x16x1025xf32, #tpu.memory_space<vmem>>, vector<16xf32>,
      tpu.vector_store %arg8[%parallel_loop3A_667, %parallel_loop3A_668, %parallel_loop3A_669], %parallel_loop3A_662 {strides = array<i32>} : memref<1x16x1025xf32, #tpu.memory_space<vmem>>, vector<16xf32>,
      %parallel_loop3A_671 = arith.constant 28672 : i32
      %parallel_loop3A_672 = tpu.memref_slice %arg5[%parallel_loop3A_671] : memref<65536xf32, #tpu.memory_space<vmem>> -> memref<4096xf32, #tpu.memory_space<vmem>>
      %parallel_loop3A_673 = tpu.vector_load_idx %parallel_loop3A_672[%parallel_loop3A_593] : memref<4096xf32, #tpu.memory_space<vmem>>[vector<16xi32>], vector<16xf32>,
      %parallel_loop3A_674 = arith.constant 16 : i32
      %parallel_loop3A_675 = arith.muli %parallel_loop3A_587, %parallel_loop3A_674 : i32
      %parallel_loop3A_676 = arith.constant 0 : i32
      %parallel_loop3A_677 = arith.constant 7 : i32
      %parallel_loop3A_678 = arith.index_cast %parallel_loop3A_676 : i32 to index
      %parallel_loop3A_679 = arith.index_cast %parallel_loop3A_677 : i32 to index
      %parallel_loop3A_680 = arith.index_cast %parallel_loop3A_675 : i32 to index
      %parallel_loop3A_681 = tpu.vector_load %arg8[%parallel_loop3A_678, %parallel_loop3A_679, %parallel_loop3A_680] {strides = array<i32>} : memref<1x16x1025xf32, #tpu.memory_space<vmem>>, vector<16xf32>,
      tpu.vector_store %arg8[%parallel_loop3A_678, %parallel_loop3A_679, %parallel_loop3A_680], %parallel_loop3A_673 {strides = array<i32>} : memref<1x16x1025xf32, #tpu.memory_space<vmem>>, vector<16xf32>,
      %parallel_loop3A_682 = arith.constant 32768 : i32
      %parallel_loop3A_683 = tpu.memref_slice %arg5[%parallel_loop3A_682] : memref<65536xf32, #tpu.memory_space<vmem>> -> memref<4096xf32, #tpu.memory_space<vmem>>
      %parallel_loop3A_684 = tpu.vector_load_idx %parallel_loop3A_683[%parallel_loop3A_593] : memref<4096xf32, #tpu.memory_space<vmem>>[vector<16xi32>], vector<16xf32>,
      %parallel_loop3A_685 = arith.constant 16 : i32
      %parallel_loop3A_686 = arith.muli %parallel_loop3A_587, %parallel_loop3A_685 : i32
      %parallel_loop3A_687 = arith.constant 0 : i32
      %parallel_loop3A_688 = arith.constant 8 : i32
      %parallel_loop3A_689 = arith.index_cast %parallel_loop3A_687 : i32 to index
      %parallel_loop3A_690 = arith.index_cast %parallel_loop3A_688 : i32 to index
      %parallel_loop3A_691 = arith.index_cast %parallel_loop3A_686 : i32 to index
      %parallel_loop3A_692 = tpu.vector_load %arg8[%parallel_loop3A_689, %parallel_loop3A_690, %parallel_loop3A_691] {strides = array<i32>} : memref<1x16x1025xf32, #tpu.memory_space<vmem>>, vector<16xf32>,
      tpu.vector_store %arg8[%parallel_loop3A_689, %parallel_loop3A_690, %parallel_loop3A_691], %parallel_loop3A_684 {strides = array<i32>} : memref<1x16x1025xf32, #tpu.memory_space<vmem>>, vector<16xf32>,
      %parallel_loop3A_693 = arith.constant 36864 : i32
      %parallel_loop3A_694 = tpu.memref_slice %arg5[%parallel_loop3A_693] : memref<65536xf32, #tpu.memory_space<vmem>> -> memref<4096xf32, #tpu.memory_space<vmem>>
      %parallel_loop3A_695 = tpu.vector_load_idx %parallel_loop3A_694[%parallel_loop3A_593] : memref<4096xf32, #tpu.memory_space<vmem>>[vector<16xi32>], vector<16xf32>,
      %parallel_loop3A_696 = arith.constant 16 : i32
      %parallel_loop3A_697 = arith.muli %parallel_loop3A_587, %parallel_loop3A_696 : i32
      %parallel_loop3A_698 = arith.constant 0 : i32
      %parallel_loop3A_699 = arith.constant 9 : i32
      %parallel_loop3A_700 = arith.index_cast %parallel_loop3A_698 : i32 to index
      %parallel_loop3A_701 = arith.index_cast %parallel_loop3A_699 : i32 to index
      %parallel_loop3A_702 = arith.index_cast %parallel_loop3A_697 : i32 to index
      %parallel_loop3A_703 = tpu.vector_load %arg8[%parallel_loop3A_700, %parallel_loop3A_701, %parallel_loop3A_702] {strides = array<i32>} : memref<1x16x1025xf32, #tpu.memory_space<vmem>>, vector<16xf32>,
      tpu.vector_store %arg8[%parallel_loop3A_700, %parallel_loop3A_701, %parallel_loop3A_702], %parallel_loop3A_695 {strides = array<i32>} : memref<1x16x1025xf32, #tpu.memory_space<vmem>>, vector<16xf32>,
      %parallel_loop3A_704 = arith.constant 40960 : i32
      %parallel_loop3A_705 = tpu.memref_slice %arg5[%parallel_loop3A_704] : memref<65536xf32, #tpu.memory_space<vmem>> -> memref<4096xf32, #tpu.memory_space<vmem>>
      %parallel_loop3A_706 = tpu.vector_load_idx %parallel_loop3A_705[%parallel_loop3A_593] : memref<4096xf32, #tpu.memory_space<vmem>>[vector<16xi32>], vector<16xf32>,
      %parallel_loop3A_707 = arith.constant 16 : i32
      %parallel_loop3A_708 = arith.muli %parallel_loop3A_587, %parallel_loop3A_707 : i32
      %parallel_loop3A_709 = arith.constant 0 : i32
      %parallel_loop3A_710 = arith.constant 10 : i32
      %parallel_loop3A_711 = arith.index_cast %parallel_loop3A_709 : i32 to index
      %parallel_loop3A_712 = arith.index_cast %parallel_loop3A_710 : i32 to index
      %parallel_loop3A_713 = arith.index_cast %parallel_loop3A_708 : i32 to index
      %parallel_loop3A_714 = tpu.vector_load %arg8[%parallel_loop3A_711, %parallel_loop3A_712, %parallel_loop3A_713] {strides = array<i32>} : memref<1x16x1025xf32, #tpu.memory_space<vmem>>, vector<16xf32>,
      tpu.vector_store %arg8[%parallel_loop3A_711, %parallel_loop3A_712, %parallel_loop3A_713], %parallel_loop3A_706 {strides = array<i32>} : memref<1x16x1025xf32, #tpu.memory_space<vmem>>, vector<16xf32>,
      %parallel_loop3A_715 = arith.constant 45056 : i32
      %parallel_loop3A_716 = tpu.memref_slice %arg5[%parallel_loop3A_715] : memref<65536xf32, #tpu.memory_space<vmem>> -> memref<4096xf32, #tpu.memory_space<vmem>>
      %parallel_loop3A_717 = tpu.vector_load_idx %parallel_loop3A_716[%parallel_loop3A_593] : memref<4096xf32, #tpu.memory_space<vmem>>[vector<16xi32>], vector<16xf32>,
      %parallel_loop3A_718 = arith.constant 16 : i32
      %parallel_loop3A_719 = arith.muli %parallel_loop3A_587, %parallel_loop3A_718 : i32
      %parallel_loop3A_720 = arith.constant 0 : i32
      %parallel_loop3A_721 = arith.constant 11 : i32
      %parallel_loop3A_722 = arith.index_cast %parallel_loop3A_720 : i32 to index
      %parallel_loop3A_723 = arith.index_cast %parallel_loop3A_721 : i32 to index
      %parallel_loop3A_724 = arith.index_cast %parallel_loop3A_719 : i32 to index
      %parallel_loop3A_725 = tpu.vector_load %arg8[%parallel_loop3A_722, %parallel_loop3A_723, %parallel_loop3A_724] {strides = array<i32>} : memref<1x16x1025xf32, #tpu.memory_space<vmem>>, vector<16xf32>,
      tpu.vector_store %arg8[%parallel_loop3A_722, %parallel_loop3A_723, %parallel_loop3A_724], %parallel_loop3A_717 {strides = array<i32>} : memref<1x16x1025xf32, #tpu.memory_space<vmem>>, vector<16xf32>,
      %parallel_loop3A_726 = arith.constant 49152 : i32
      %parallel_loop3A_727 = tpu.memref_slice %arg5[%parallel_loop3A_726] : memref<65536xf32, #tpu.memory_space<vmem>> -> memref<4096xf32, #tpu.memory_space<vmem>>
      %parallel_loop3A_728 = tpu.vector_load_idx %parallel_loop3A_727[%parallel_loop3A_593] : memref<4096xf32, #tpu.memory_space<vmem>>[vector<16xi32>], vector<16xf32>,
      %parallel_loop3A_729 = arith.constant 16 : i32
      %parallel_loop3A_730 = arith.muli %parallel_loop3A_587, %parallel_loop3A_729 : i32
      %parallel_loop3A_731 = arith.constant 0 : i32
      %parallel_loop3A_732 = arith.constant 12 : i32
      %parallel_loop3A_733 = arith.index_cast %parallel_loop3A_731 : i32 to index
      %parallel_loop3A_734 = arith.index_cast %parallel_loop3A_732 : i32 to index
      %parallel_loop3A_735 = arith.index_cast %parallel_loop3A_730 : i32 to index
      %parallel_loop3A_736 = tpu.vector_load %arg8[%parallel_loop3A_733, %parallel_loop3A_734, %parallel_loop3A_735] {strides = array<i32>} : memref<1x16x1025xf32, #tpu.memory_space<vmem>>, vector<16xf32>,
      tpu.vector_store %arg8[%parallel_loop3A_733, %parallel_loop3A_734, %parallel_loop3A_735], %parallel_loop3A_728 {strides = array<i32>} : memref<1x16x1025xf32, #tpu.memory_space<vmem>>, vector<16xf32>,
      %parallel_loop3A_737 = arith.constant 53248 : i32
      %parallel_loop3A_738 = tpu.memref_slice %arg5[%parallel_loop3A_737] : memref<65536xf32, #tpu.memory_space<vmem>> -> memref<4096xf32, #tpu.memory_space<vmem>>
      %parallel_loop3A_739 = tpu.vector_load_idx %parallel_loop3A_738[%parallel_loop3A_593] : memref<4096xf32, #tpu.memory_space<vmem>>[vector<16xi32>], vector<16xf32>,
      %parallel_loop3A_740 = arith.constant 16 : i32
      %parallel_loop3A_741 = arith.muli %parallel_loop3A_587, %parallel_loop3A_740 : i32
      %parallel_loop3A_742 = arith.constant 0 : i32
      %parallel_loop3A_743 = arith.constant 13 : i32
      %parallel_loop3A_744 = arith.index_cast %parallel_loop3A_742 : i32 to index
      %parallel_loop3A_745 = arith.index_cast %parallel_loop3A_743 : i32 to index
      %parallel_loop3A_746 = arith.index_cast %parallel_loop3A_741 : i32 to index
      %parallel_loop3A_747 = tpu.vector_load %arg8[%parallel_loop3A_744, %parallel_loop3A_745, %parallel_loop3A_746] {strides = array<i32>} : memref<1x16x1025xf32, #tpu.memory_space<vmem>>, vector<16xf32>,
      tpu.vector_store %arg8[%parallel_loop3A_744, %parallel_loop3A_745, %parallel_loop3A_746], %parallel_loop3A_739 {strides = array<i32>} : memref<1x16x1025xf32, #tpu.memory_space<vmem>>, vector<16xf32>,
      %parallel_loop3A_748 = arith.constant 57344 : i32
      %parallel_loop3A_749 = tpu.memref_slice %arg5[%parallel_loop3A_748] : memref<65536xf32, #tpu.memory_space<vmem>> -> memref<4096xf32, #tpu.memory_space<vmem>>
      %parallel_loop3A_750 = tpu.vector_load_idx %parallel_loop3A_749[%parallel_loop3A_593] : memref<4096xf32, #tpu.memory_space<vmem>>[vector<16xi32>], vector<16xf32>,
      %parallel_loop3A_751 = arith.constant 16 : i32
      %parallel_loop3A_752 = arith.muli %parallel_loop3A_587, %parallel_loop3A_751 : i32
      %parallel_loop3A_753 = arith.constant 0 : i32
      %parallel_loop3A_754 = arith.constant 14 : i32
      %parallel_loop3A_755 = arith.index_cast %parallel_loop3A_753 : i32 to index
      %parallel_loop3A_756 = arith.index_cast %parallel_loop3A_754 : i32 to index
      %parallel_loop3A_757 = arith.index_cast %parallel_loop3A_752 : i32 to index
      %parallel_loop3A_758 = tpu.vector_load %arg8[%parallel_loop3A_755, %parallel_loop3A_756, %parallel_loop3A_757] {strides = array<i32>} : memref<1x16x1025xf32, #tpu.memory_space<vmem>>, vector<16xf32>,
      tpu.vector_store %arg8[%parallel_loop3A_755, %parallel_loop3A_756, %parallel_loop3A_757], %parallel_loop3A_750 {strides = array<i32>} : memref<1x16x1025xf32, #tpu.memory_space<vmem>>, vector<16xf32>,
      %parallel_loop3A_759 = arith.constant 61440 : i32
      %parallel_loop3A_760 = tpu.memref_slice %arg5[%parallel_loop3A_759] : memref<65536xf32, #tpu.memory_space<vmem>> -> memref<4096xf32, #tpu.memory_space<vmem>>
      %parallel_loop3A_761 = tpu.vector_load_idx %parallel_loop3A_760[%parallel_loop3A_593] : memref<4096xf32, #tpu.memory_space<vmem>>[vector<16xi32>], vector<16xf32>,
      %parallel_loop3A_762 = arith.constant 16 : i32
      %parallel_loop3A_763 = arith.muli %parallel_loop3A_587, %parallel_loop3A_762 : i32
      %parallel_loop3A_764 = arith.constant 0 : i32
      %parallel_loop3A_765 = arith.constant 15 : i32
      %parallel_loop3A_766 = arith.index_cast %parallel_loop3A_764 : i32 to index
      %parallel_loop3A_767 = arith.index_cast %parallel_loop3A_765 : i32 to index
      %parallel_loop3A_768 = arith.index_cast %parallel_loop3A_763 : i32 to index
      %parallel_loop3A_769 = tpu.vector_load %arg8[%parallel_loop3A_766, %parallel_loop3A_767, %parallel_loop3A_768] {strides = array<i32>} : memref<1x16x1025xf32, #tpu.memory_space<vmem>>, vector<16xf32>,
      tpu.vector_store %arg8[%parallel_loop3A_766, %parallel_loop3A_767, %parallel_loop3A_768], %parallel_loop3A_761 {strides = array<i32>} : memref<1x16x1025xf32, #tpu.memory_space<vmem>>, vector<16xf32>,
    } {sc.loop_unroll_factor = 4 : i64, sc.parallel_access}
    %get3A_290 = arith.constant 1 : i32
    %get3A_291 = arith.index_cast %get3A_290 : i32 to index
    %get3A_292 = arith.constant 0 : index
    %get3A_293 = tpu.vector_load %arg6[%get3A_291, %get3A_292] {strides = array<i32>} : memref<8x1040xi32, #tpu.memory_space<vmem>>, vector<16xi32>,
    %get3A_294 = arith.constant 1 : i32
    %get3A_295 = arith.index_cast %get3A_294 : i32 to index
    %get3A_296 = arith.constant 1024 : index
    %get3A_297 = tpu.vector_load %arg6[%get3A_295, %get3A_296] {strides = array<i32>} : memref<8x1040xi32, #tpu.memory_space<vmem>>, vector<16xi32>,
    %gather3A_298 = arith.constant 0 : i32
    %gather3A_299 = tpu.memref_slice %arg5[%gather3A_298] : memref<65536xf32, #tpu.memory_space<vmem>> -> memref<4096xf32, #tpu.memory_space<vmem>>
    %gather3A_300 = tpu.vector_load_idx %gather3A_299[%get3A_293] : memref<4096xf32, #tpu.memory_space<vmem>>[vector<16xi32>], vector<16xf32>,
    %mul3A_301 = arith.mulf %gather3A_300, %select_n3A : vector<16xf32>
    %swap3A_302 = arith.constant 0 : i32
    %swap3A_303 = arith.constant 0 : i32
    %swap3A_304 = arith.index_cast %swap3A_302 : i32 to index
    %swap3A_305 = arith.index_cast %swap3A_303 : i32 to index
    %swap3A_306 = arith.constant 0 : index
    %swap3A_307 = tpu.vector_load %arg8[%swap3A_304, %swap3A_305, %swap3A_306] {strides = array<i32>} : memref<1x16x1025xf32, #tpu.memory_space<vmem>>, vector<16xf32>,
    tpu.vector_store %arg8[%swap3A_304, %swap3A_305, %swap3A_306], %mul3A_301 {strides = array<i32>} : memref<1x16x1025xf32, #tpu.memory_space<vmem>>, vector<16xf32>,
    %gather3A_308 = arith.constant 0 : i32
    %gather3A_309 = tpu.memref_slice %arg5[%gather3A_308] : memref<65536xf32, #tpu.memory_space<vmem>> -> memref<4096xf32, #tpu.memory_space<vmem>>
    %gather3A_310 = tpu.vector_load_idx %gather3A_309[%get3A_297] : memref<4096xf32, #tpu.memory_space<vmem>>[vector<16xi32>], vector<16xf32>,
    %add3A_311 = arith.constant 0 : i32
    %add3A_312 = vector.broadcast %add3A_311 : i32 to vector<16xi32>
    %add3A_313 = arith.addi %broadcast_in_dim3A_3, %add3A_312 : vector<16xi32>
    tpu.vector_store_idx %arg8[%broadcast_in_dim3A_3, %add3A_313, %broadcast_in_dim3A_13], %gather3A_310 masked %eq3A_11 : memref<1x16x1025xf32, #tpu.memory_space<vmem>>[vector<16xi32>, vector<16xi32>, vector<16xi32>], vector<16xf32>, vector<16xi1>
    %gather3A_314 = arith.constant 4096 : i32
    %gather3A_315 = tpu.memref_slice %arg5[%gather3A_314] : memref<65536xf32, #tpu.memory_space<vmem>> -> memref<4096xf32, #tpu.memory_space<vmem>>
    %gather3A_316 = tpu.vector_load_idx %gather3A_315[%get3A_293] : memref<4096xf32, #tpu.memory_space<vmem>>[vector<16xi32>], vector<16xf32>,
    %mul3A_317 = arith.mulf %gather3A_316, %select_n3A : vector<16xf32>
    %swap3A_318 = arith.constant 0 : i32
    %swap3A_319 = arith.constant 1 : i32
    %swap3A_320 = arith.index_cast %swap3A_318 : i32 to index
    %swap3A_321 = arith.index_cast %swap3A_319 : i32 to index
    %swap3A_322 = arith.constant 0 : index
    %swap3A_323 = tpu.vector_load %arg8[%swap3A_320, %swap3A_321, %swap3A_322] {strides = array<i32>} : memref<1x16x1025xf32, #tpu.memory_space<vmem>>, vector<16xf32>,
    tpu.vector_store %arg8[%swap3A_320, %swap3A_321, %swap3A_322], %mul3A_317 {strides = array<i32>} : memref<1x16x1025xf32, #tpu.memory_space<vmem>>, vector<16xf32>,
    %gather3A_324 = arith.constant 4096 : i32
    %gather3A_325 = tpu.memref_slice %arg5[%gather3A_324] : memref<65536xf32, #tpu.memory_space<vmem>> -> memref<4096xf32, #tpu.memory_space<vmem>>
    %gather3A_326 = tpu.vector_load_idx %gather3A_325[%get3A_297] : memref<4096xf32, #tpu.memory_space<vmem>>[vector<16xi32>], vector<16xf32>,
    %add3A_327 = arith.constant 1 : i32
    %add3A_328 = vector.broadcast %add3A_327 : i32 to vector<16xi32>
    %add3A_329 = arith.addi %broadcast_in_dim3A_3, %add3A_328 : vector<16xi32>
    tpu.vector_store_idx %arg8[%broadcast_in_dim3A_3, %add3A_329, %broadcast_in_dim3A_13], %gather3A_326 masked %eq3A_11 : memref<1x16x1025xf32, #tpu.memory_space<vmem>>[vector<16xi32>, vector<16xi32>, vector<16xi32>], vector<16xf32>, vector<16xi1>
    %gather3A_330 = arith.constant 8192 : i32
    %gather3A_331 = tpu.memref_slice %arg5[%gather3A_330] : memref<65536xf32, #tpu.memory_space<vmem>> -> memref<4096xf32, #tpu.memory_space<vmem>>
    %gather3A_332 = tpu.vector_load_idx %gather3A_331[%get3A_293] : memref<4096xf32, #tpu.memory_space<vmem>>[vector<16xi32>], vector<16xf32>,
    %mul3A_333 = arith.mulf %gather3A_332, %select_n3A : vector<16xf32>
    %swap3A_334 = arith.constant 0 : i32
    %swap3A_335 = arith.constant 2 : i32
    %swap3A_336 = arith.index_cast %swap3A_334 : i32 to index
    %swap3A_337 = arith.index_cast %swap3A_335 : i32 to index
    %swap3A_338 = arith.constant 0 : index
    %swap3A_339 = tpu.vector_load %arg8[%swap3A_336, %swap3A_337, %swap3A_338] {strides = array<i32>} : memref<1x16x1025xf32, #tpu.memory_space<vmem>>, vector<16xf32>,
    tpu.vector_store %arg8[%swap3A_336, %swap3A_337, %swap3A_338], %mul3A_333 {strides = array<i32>} : memref<1x16x1025xf32, #tpu.memory_space<vmem>>, vector<16xf32>,
    %gather3A_340 = arith.constant 8192 : i32
    %gather3A_341 = tpu.memref_slice %arg5[%gather3A_340] : memref<65536xf32, #tpu.memory_space<vmem>> -> memref<4096xf32, #tpu.memory_space<vmem>>
    %gather3A_342 = tpu.vector_load_idx %gather3A_341[%get3A_297] : memref<4096xf32, #tpu.memory_space<vmem>>[vector<16xi32>], vector<16xf32>,
    %add3A_343 = arith.constant 2 : i32
    %add3A_344 = vector.broadcast %add3A_343 : i32 to vector<16xi32>
    %add3A_345 = arith.addi %broadcast_in_dim3A_3, %add3A_344 : vector<16xi32>
    tpu.vector_store_idx %arg8[%broadcast_in_dim3A_3, %add3A_345, %broadcast_in_dim3A_13], %gather3A_342 masked %eq3A_11 : memref<1x16x1025xf32, #tpu.memory_space<vmem>>[vector<16xi32>, vector<16xi32>, vector<16xi32>], vector<16xf32>, vector<16xi1>
    %gather3A_346 = arith.constant 12288 : i32
    %gather3A_347 = tpu.memref_slice %arg5[%gather3A_346] : memref<65536xf32, #tpu.memory_space<vmem>> -> memref<4096xf32, #tpu.memory_space<vmem>>
    %gather3A_348 = tpu.vector_load_idx %gather3A_347[%get3A_293] : memref<4096xf32, #tpu.memory_space<vmem>>[vector<16xi32>], vector<16xf32>,
    %mul3A_349 = arith.mulf %gather3A_348, %select_n3A : vector<16xf32>
    %swap3A_350 = arith.constant 0 : i32
    %swap3A_351 = arith.constant 3 : i32
    %swap3A_352 = arith.index_cast %swap3A_350 : i32 to index
    %swap3A_353 = arith.index_cast %swap3A_351 : i32 to index
    %swap3A_354 = arith.constant 0 : index
    %swap3A_355 = tpu.vector_load %arg8[%swap3A_352, %swap3A_353, %swap3A_354] {strides = array<i32>} : memref<1x16x1025xf32, #tpu.memory_space<vmem>>, vector<16xf32>,
    tpu.vector_store %arg8[%swap3A_352, %swap3A_353, %swap3A_354], %mul3A_349 {strides = array<i32>} : memref<1x16x1025xf32, #tpu.memory_space<vmem>>, vector<16xf32>,
    %gather3A_356 = arith.constant 12288 : i32
    %gather3A_357 = tpu.memref_slice %arg5[%gather3A_356] : memref<65536xf32, #tpu.memory_space<vmem>> -> memref<4096xf32, #tpu.memory_space<vmem>>
    %gather3A_358 = tpu.vector_load_idx %gather3A_357[%get3A_297] : memref<4096xf32, #tpu.memory_space<vmem>>[vector<16xi32>], vector<16xf32>,
    %add3A_359 = arith.constant 3 : i32
    %add3A_360 = vector.broadcast %add3A_359 : i32 to vector<16xi32>
    %add3A_361 = arith.addi %broadcast_in_dim3A_3, %add3A_360 : vector<16xi32>
    tpu.vector_store_idx %arg8[%broadcast_in_dim3A_3, %add3A_361, %broadcast_in_dim3A_13], %gather3A_358 masked %eq3A_11 : memref<1x16x1025xf32, #tpu.memory_space<vmem>>[vector<16xi32>, vector<16xi32>, vector<16xi32>], vector<16xf32>, vector<16xi1>
    %gather3A_362 = arith.constant 16384 : i32
    %gather3A_363 = tpu.memref_slice %arg5[%gather3A_362] : memref<65536xf32, #tpu.memory_space<vmem>> -> memref<4096xf32, #tpu.memory_space<vmem>>
    %gather3A_364 = tpu.vector_load_idx %gather3A_363[%get3A_293] : memref<4096xf32, #tpu.memory_space<vmem>>[vector<16xi32>], vector<16xf32>,
    %mul3A_365 = arith.mulf %gather3A_364, %select_n3A : vector<16xf32>
    %swap3A_366 = arith.constant 0 : i32
    %swap3A_367 = arith.constant 4 : i32
    %swap3A_368 = arith.index_cast %swap3A_366 : i32 to index
    %swap3A_369 = arith.index_cast %swap3A_367 : i32 to index
    %swap3A_370 = arith.constant 0 : index
    %swap3A_371 = tpu.vector_load %arg8[%swap3A_368, %swap3A_369, %swap3A_370] {strides = array<i32>} : memref<1x16x1025xf32, #tpu.memory_space<vmem>>, vector<16xf32>,
    tpu.vector_store %arg8[%swap3A_368, %swap3A_369, %swap3A_370], %mul3A_365 {strides = array<i32>} : memref<1x16x1025xf32, #tpu.memory_space<vmem>>, vector<16xf32>,
    %gather3A_372 = arith.constant 16384 : i32
    %gather3A_373 = tpu.memref_slice %arg5[%gather3A_372] : memref<65536xf32, #tpu.memory_space<vmem>> -> memref<4096xf32, #tpu.memory_space<vmem>>
    %gather3A_374 = tpu.vector_load_idx %gather3A_373[%get3A_297] : memref<4096xf32, #tpu.memory_space<vmem>>[vector<16xi32>], vector<16xf32>,
    %add3A_375 = arith.constant 4 : i32
    %add3A_376 = vector.broadcast %add3A_375 : i32 to vector<16xi32>
    %add3A_377 = arith.addi %broadcast_in_dim3A_3, %add3A_376 : vector<16xi32>
    tpu.vector_store_idx %arg8[%broadcast_in_dim3A_3, %add3A_377, %broadcast_in_dim3A_13], %gather3A_374 masked %eq3A_11 : memref<1x16x1025xf32, #tpu.memory_space<vmem>>[vector<16xi32>, vector<16xi32>, vector<16xi32>], vector<16xf32>, vector<16xi1>
    %gather3A_378 = arith.constant 20480 : i32
    %gather3A_379 = tpu.memref_slice %arg5[%gather3A_378] : memref<65536xf32, #tpu.memory_space<vmem>> -> memref<4096xf32, #tpu.memory_space<vmem>>
    %gather3A_380 = tpu.vector_load_idx %gather3A_379[%get3A_293] : memref<4096xf32, #tpu.memory_space<vmem>>[vector<16xi32>], vector<16xf32>,
    %mul3A_381 = arith.mulf %gather3A_380, %select_n3A : vector<16xf32>
    %swap3A_382 = arith.constant 0 : i32
    %swap3A_383 = arith.constant 5 : i32
    %swap3A_384 = arith.index_cast %swap3A_382 : i32 to index
    %swap3A_385 = arith.index_cast %swap3A_383 : i32 to index
    %swap3A_386 = arith.constant 0 : index
    %swap3A_387 = tpu.vector_load %arg8[%swap3A_384, %swap3A_385, %swap3A_386] {strides = array<i32>} : memref<1x16x1025xf32, #tpu.memory_space<vmem>>, vector<16xf32>,
    tpu.vector_store %arg8[%swap3A_384, %swap3A_385, %swap3A_386], %mul3A_381 {strides = array<i32>} : memref<1x16x1025xf32, #tpu.memory_space<vmem>>, vector<16xf32>,
    %gather3A_388 = arith.constant 20480 : i32
    %gather3A_389 = tpu.memref_slice %arg5[%gather3A_388] : memref<65536xf32, #tpu.memory_space<vmem>> -> memref<4096xf32, #tpu.memory_space<vmem>>
    %gather3A_390 = tpu.vector_load_idx %gather3A_389[%get3A_297] : memref<4096xf32, #tpu.memory_space<vmem>>[vector<16xi32>], vector<16xf32>,
    %add3A_391 = arith.constant 5 : i32
    %add3A_392 = vector.broadcast %add3A_391 : i32 to vector<16xi32>
    %add3A_393 = arith.addi %broadcast_in_dim3A_3, %add3A_392 : vector<16xi32>
    tpu.vector_store_idx %arg8[%broadcast_in_dim3A_3, %add3A_393, %broadcast_in_dim3A_13], %gather3A_390 masked %eq3A_11 : memref<1x16x1025xf32, #tpu.memory_space<vmem>>[vector<16xi32>, vector<16xi32>, vector<16xi32>], vector<16xf32>, vector<16xi1>
    %gather3A_394 = arith.constant 24576 : i32
    %gather3A_395 = tpu.memref_slice %arg5[%gather3A_394] : memref<65536xf32, #tpu.memory_space<vmem>> -> memref<4096xf32, #tpu.memory_space<vmem>>
    %gather3A_396 = tpu.vector_load_idx %gather3A_395[%get3A_293] : memref<4096xf32, #tpu.memory_space<vmem>>[vector<16xi32>], vector<16xf32>,
    %mul3A_397 = arith.mulf %gather3A_396, %select_n3A : vector<16xf32>
    %swap3A_398 = arith.constant 0 : i32
    %swap3A_399 = arith.constant 6 : i32
    %swap3A_400 = arith.index_cast %swap3A_398 : i32 to index
    %swap3A_401 = arith.index_cast %swap3A_399 : i32 to index
    %swap3A_402 = arith.constant 0 : index
    %swap3A_403 = tpu.vector_load %arg8[%swap3A_400, %swap3A_401, %swap3A_402] {strides = array<i32>} : memref<1x16x1025xf32, #tpu.memory_space<vmem>>, vector<16xf32>,
    tpu.vector_store %arg8[%swap3A_400, %swap3A_401, %swap3A_402], %mul3A_397 {strides = array<i32>} : memref<1x16x1025xf32, #tpu.memory_space<vmem>>, vector<16xf32>,
    %gather3A_404 = arith.constant 24576 : i32
    %gather3A_405 = tpu.memref_slice %arg5[%gather3A_404] : memref<65536xf32, #tpu.memory_space<vmem>> -> memref<4096xf32, #tpu.memory_space<vmem>>
    %gather3A_406 = tpu.vector_load_idx %gather3A_405[%get3A_297] : memref<4096xf32, #tpu.memory_space<vmem>>[vector<16xi32>], vector<16xf32>,
    %add3A_407 = arith.constant 6 : i32
    %add3A_408 = vector.broadcast %add3A_407 : i32 to vector<16xi32>
    %add3A_409 = arith.addi %broadcast_in_dim3A_3, %add3A_408 : vector<16xi32>
    tpu.vector_store_idx %arg8[%broadcast_in_dim3A_3, %add3A_409, %broadcast_in_dim3A_13], %gather3A_406 masked %eq3A_11 : memref<1x16x1025xf32, #tpu.memory_space<vmem>>[vector<16xi32>, vector<16xi32>, vector<16xi32>], vector<16xf32>, vector<16xi1>
    %gather3A_410 = arith.constant 28672 : i32
    %gather3A_411 = tpu.memref_slice %arg5[%gather3A_410] : memref<65536xf32, #tpu.memory_space<vmem>> -> memref<4096xf32, #tpu.memory_space<vmem>>
    %gather3A_412 = tpu.vector_load_idx %gather3A_411[%get3A_293] : memref<4096xf32, #tpu.memory_space<vmem>>[vector<16xi32>], vector<16xf32>,
    %mul3A_413 = arith.mulf %gather3A_412, %select_n3A : vector<16xf32>
    %swap3A_414 = arith.constant 0 : i32
    %swap3A_415 = arith.constant 7 : i32
    %swap3A_416 = arith.index_cast %swap3A_414 : i32 to index
    %swap3A_417 = arith.index_cast %swap3A_415 : i32 to index
    %swap3A_418 = arith.constant 0 : index
    %swap3A_419 = tpu.vector_load %arg8[%swap3A_416, %swap3A_417, %swap3A_418] {strides = array<i32>} : memref<1x16x1025xf32, #tpu.memory_space<vmem>>, vector<16xf32>,
    tpu.vector_store %arg8[%swap3A_416, %swap3A_417, %swap3A_418], %mul3A_413 {strides = array<i32>} : memref<1x16x1025xf32, #tpu.memory_space<vmem>>, vector<16xf32>,
    %gather3A_420 = arith.constant 28672 : i32
    %gather3A_421 = tpu.memref_slice %arg5[%gather3A_420] : memref<65536xf32, #tpu.memory_space<vmem>> -> memref<4096xf32, #tpu.memory_space<vmem>>
    %gather3A_422 = tpu.vector_load_idx %gather3A_421[%get3A_297] : memref<4096xf32, #tpu.memory_space<vmem>>[vector<16xi32>], vector<16xf32>,
    %add3A_423 = arith.constant 7 : i32
    %add3A_424 = vector.broadcast %add3A_423 : i32 to vector<16xi32>
    %add3A_425 = arith.addi %broadcast_in_dim3A_3, %add3A_424 : vector<16xi32>
    tpu.vector_store_idx %arg8[%broadcast_in_dim3A_3, %add3A_425, %broadcast_in_dim3A_13], %gather3A_422 masked %eq3A_11 : memref<1x16x1025xf32, #tpu.memory_space<vmem>>[vector<16xi32>, vector<16xi32>, vector<16xi32>], vector<16xf32>, vector<16xi1>
    %gather3A_426 = arith.constant 32768 : i32
    %gather3A_427 = tpu.memref_slice %arg5[%gather3A_426] : memref<65536xf32, #tpu.memory_space<vmem>> -> memref<4096xf32, #tpu.memory_space<vmem>>
    %gather3A_428 = tpu.vector_load_idx %gather3A_427[%get3A_293] : memref<4096xf32, #tpu.memory_space<vmem>>[vector<16xi32>], vector<16xf32>,
    %mul3A_429 = arith.mulf %gather3A_428, %select_n3A : vector<16xf32>
    %swap3A_430 = arith.constant 0 : i32
    %swap3A_431 = arith.constant 8 : i32
    %swap3A_432 = arith.index_cast %swap3A_430 : i32 to index
    %swap3A_433 = arith.index_cast %swap3A_431 : i32 to index
    %swap3A_434 = arith.constant 0 : index
    %swap3A_435 = tpu.vector_load %arg8[%swap3A_432, %swap3A_433, %swap3A_434] {strides = array<i32>} : memref<1x16x1025xf32, #tpu.memory_space<vmem>>, vector<16xf32>,
    tpu.vector_store %arg8[%swap3A_432, %swap3A_433, %swap3A_434], %mul3A_429 {strides = array<i32>} : memref<1x16x1025xf32, #tpu.memory_space<vmem>>, vector<16xf32>,
    %gather3A_436 = arith.constant 32768 : i32
    %gather3A_437 = tpu.memref_slice %arg5[%gather3A_436] : memref<65536xf32, #tpu.memory_space<vmem>> -> memref<4096xf32, #tpu.memory_space<vmem>>
    %gather3A_438 = tpu.vector_load_idx %gather3A_437[%get3A_297] : memref<4096xf32, #tpu.memory_space<vmem>>[vector<16xi32>], vector<16xf32>,
    %add3A_439 = arith.constant 8 : i32
    %add3A_440 = vector.broadcast %add3A_439 : i32 to vector<16xi32>
    %add3A_441 = arith.addi %broadcast_in_dim3A_3, %add3A_440 : vector<16xi32>
    tpu.vector_store_idx %arg8[%broadcast_in_dim3A_3, %add3A_441, %broadcast_in_dim3A_13], %gather3A_438 masked %eq3A_11 : memref<1x16x1025xf32, #tpu.memory_space<vmem>>[vector<16xi32>, vector<16xi32>, vector<16xi32>], vector<16xf32>, vector<16xi1>
    %gather3A_442 = arith.constant 36864 : i32
    %gather3A_443 = tpu.memref_slice %arg5[%gather3A_442] : memref<65536xf32, #tpu.memory_space<vmem>> -> memref<4096xf32, #tpu.memory_space<vmem>>
    %gather3A_444 = tpu.vector_load_idx %gather3A_443[%get3A_293] : memref<4096xf32, #tpu.memory_space<vmem>>[vector<16xi32>], vector<16xf32>,
    %mul3A_445 = arith.mulf %gather3A_444, %select_n3A : vector<16xf32>
    %swap3A_446 = arith.constant 0 : i32
    %swap3A_447 = arith.constant 9 : i32
    %swap3A_448 = arith.index_cast %swap3A_446 : i32 to index
    %swap3A_449 = arith.index_cast %swap3A_447 : i32 to index
    %swap3A_450 = arith.constant 0 : index
    %swap3A_451 = tpu.vector_load %arg8[%swap3A_448, %swap3A_449, %swap3A_450] {strides = array<i32>} : memref<1x16x1025xf32, #tpu.memory_space<vmem>>, vector<16xf32>,
    tpu.vector_store %arg8[%swap3A_448, %swap3A_449, %swap3A_450], %mul3A_445 {strides = array<i32>} : memref<1x16x1025xf32, #tpu.memory_space<vmem>>, vector<16xf32>,
    %gather3A_452 = arith.constant 36864 : i32
    %gather3A_453 = tpu.memref_slice %arg5[%gather3A_452] : memref<65536xf32, #tpu.memory_space<vmem>> -> memref<4096xf32, #tpu.memory_space<vmem>>
    %gather3A_454 = tpu.vector_load_idx %gather3A_453[%get3A_297] : memref<4096xf32, #tpu.memory_space<vmem>>[vector<16xi32>], vector<16xf32>,
    %add3A_455 = arith.constant 9 : i32
    %add3A_456 = vector.broadcast %add3A_455 : i32 to vector<16xi32>
    %add3A_457 = arith.addi %broadcast_in_dim3A_3, %add3A_456 : vector<16xi32>
    tpu.vector_store_idx %arg8[%broadcast_in_dim3A_3, %add3A_457, %broadcast_in_dim3A_13], %gather3A_454 masked %eq3A_11 : memref<1x16x1025xf32, #tpu.memory_space<vmem>>[vector<16xi32>, vector<16xi32>, vector<16xi32>], vector<16xf32>, vector<16xi1>
    %gather3A_458 = arith.constant 40960 : i32
    %gather3A_459 = tpu.memref_slice %arg5[%gather3A_458] : memref<65536xf32, #tpu.memory_space<vmem>> -> memref<4096xf32, #tpu.memory_space<vmem>>
    %gather3A_460 = tpu.vector_load_idx %gather3A_459[%get3A_293] : memref<4096xf32, #tpu.memory_space<vmem>>[vector<16xi32>], vector<16xf32>,
    %mul3A_461 = arith.mulf %gather3A_460, %select_n3A : vector<16xf32>
    %swap3A_462 = arith.constant 0 : i32
    %swap3A_463 = arith.constant 10 : i32
    %swap3A_464 = arith.index_cast %swap3A_462 : i32 to index
    %swap3A_465 = arith.index_cast %swap3A_463 : i32 to index
    %swap3A_466 = arith.constant 0 : index
    %swap3A_467 = tpu.vector_load %arg8[%swap3A_464, %swap3A_465, %swap3A_466] {strides = array<i32>} : memref<1x16x1025xf32, #tpu.memory_space<vmem>>, vector<16xf32>,
    tpu.vector_store %arg8[%swap3A_464, %swap3A_465, %swap3A_466], %mul3A_461 {strides = array<i32>} : memref<1x16x1025xf32, #tpu.memory_space<vmem>>, vector<16xf32>,
    %gather3A_468 = arith.constant 40960 : i32
    %gather3A_469 = tpu.memref_slice %arg5[%gather3A_468] : memref<65536xf32, #tpu.memory_space<vmem>> -> memref<4096xf32, #tpu.memory_space<vmem>>
    %gather3A_470 = tpu.vector_load_idx %gather3A_469[%get3A_297] : memref<4096xf32, #tpu.memory_space<vmem>>[vector<16xi32>], vector<16xf32>,
    %add3A_471 = arith.constant 10 : i32
    %add3A_472 = vector.broadcast %add3A_471 : i32 to vector<16xi32>
    %add3A_473 = arith.addi %broadcast_in_dim3A_3, %add3A_472 : vector<16xi32>
    tpu.vector_store_idx %arg8[%broadcast_in_dim3A_3, %add3A_473, %broadcast_in_dim3A_13], %gather3A_470 masked %eq3A_11 : memref<1x16x1025xf32, #tpu.memory_space<vmem>>[vector<16xi32>, vector<16xi32>, vector<16xi32>], vector<16xf32>, vector<16xi1>
    %gather3A_474 = arith.constant 45056 : i32
    %gather3A_475 = tpu.memref_slice %arg5[%gather3A_474] : memref<65536xf32, #tpu.memory_space<vmem>> -> memref<4096xf32, #tpu.memory_space<vmem>>
    %gather3A_476 = tpu.vector_load_idx %gather3A_475[%get3A_293] : memref<4096xf32, #tpu.memory_space<vmem>>[vector<16xi32>], vector<16xf32>,
    %mul3A_477 = arith.mulf %gather3A_476, %select_n3A : vector<16xf32>
    %swap3A_478 = arith.constant 0 : i32
    %swap3A_479 = arith.constant 11 : i32
    %swap3A_480 = arith.index_cast %swap3A_478 : i32 to index
    %swap3A_481 = arith.index_cast %swap3A_479 : i32 to index
    %swap3A_482 = arith.constant 0 : index
    %swap3A_483 = tpu.vector_load %arg8[%swap3A_480, %swap3A_481, %swap3A_482] {strides = array<i32>} : memref<1x16x1025xf32, #tpu.memory_space<vmem>>, vector<16xf32>,
    tpu.vector_store %arg8[%swap3A_480, %swap3A_481, %swap3A_482], %mul3A_477 {strides = array<i32>} : memref<1x16x1025xf32, #tpu.memory_space<vmem>>, vector<16xf32>,
    %gather3A_484 = arith.constant 45056 : i32
    %gather3A_485 = tpu.memref_slice %arg5[%gather3A_484] : memref<65536xf32, #tpu.memory_space<vmem>> -> memref<4096xf32, #tpu.memory_space<vmem>>
    %gather3A_486 = tpu.vector_load_idx %gather3A_485[%get3A_297] : memref<4096xf32, #tpu.memory_space<vmem>>[vector<16xi32>], vector<16xf32>,
    %add3A_487 = arith.constant 11 : i32
    %add3A_488 = vector.broadcast %add3A_487 : i32 to vector<16xi32>
    %add3A_489 = arith.addi %broadcast_in_dim3A_3, %add3A_488 : vector<16xi32>
    tpu.vector_store_idx %arg8[%broadcast_in_dim3A_3, %add3A_489, %broadcast_in_dim3A_13], %gather3A_486 masked %eq3A_11 : memref<1x16x1025xf32, #tpu.memory_space<vmem>>[vector<16xi32>, vector<16xi32>, vector<16xi32>], vector<16xf32>, vector<16xi1>
    %gather3A_490 = arith.constant 49152 : i32
    %gather3A_491 = tpu.memref_slice %arg5[%gather3A_490] : memref<65536xf32, #tpu.memory_space<vmem>> -> memref<4096xf32, #tpu.memory_space<vmem>>
    %gather3A_492 = tpu.vector_load_idx %gather3A_491[%get3A_293] : memref<4096xf32, #tpu.memory_space<vmem>>[vector<16xi32>], vector<16xf32>,
    %mul3A_493 = arith.mulf %gather3A_492, %select_n3A : vector<16xf32>
    %swap3A_494 = arith.constant 0 : i32
    %swap3A_495 = arith.constant 12 : i32
    %swap3A_496 = arith.index_cast %swap3A_494 : i32 to index
    %swap3A_497 = arith.index_cast %swap3A_495 : i32 to index
    %swap3A_498 = arith.constant 0 : index
    %swap3A_499 = tpu.vector_load %arg8[%swap3A_496, %swap3A_497, %swap3A_498] {strides = array<i32>} : memref<1x16x1025xf32, #tpu.memory_space<vmem>>, vector<16xf32>,
    tpu.vector_store %arg8[%swap3A_496, %swap3A_497, %swap3A_498], %mul3A_493 {strides = array<i32>} : memref<1x16x1025xf32, #tpu.memory_space<vmem>>, vector<16xf32>,
    %gather3A_500 = arith.constant 49152 : i32
    %gather3A_501 = tpu.memref_slice %arg5[%gather3A_500] : memref<65536xf32, #tpu.memory_space<vmem>> -> memref<4096xf32, #tpu.memory_space<vmem>>
    %gather3A_502 = tpu.vector_load_idx %gather3A_501[%get3A_297] : memref<4096xf32, #tpu.memory_space<vmem>>[vector<16xi32>], vector<16xf32>,
    %add3A_503 = arith.constant 12 : i32
    %add3A_504 = vector.broadcast %add3A_503 : i32 to vector<16xi32>
    %add3A_505 = arith.addi %broadcast_in_dim3A_3, %add3A_504 : vector<16xi32>
    tpu.vector_store_idx %arg8[%broadcast_in_dim3A_3, %add3A_505, %broadcast_in_dim3A_13], %gather3A_502 masked %eq3A_11 : memref<1x16x1025xf32, #tpu.memory_space<vmem>>[vector<16xi32>, vector<16xi32>, vector<16xi32>], vector<16xf32>, vector<16xi1>
    %gather3A_506 = arith.constant 53248 : i32
    %gather3A_507 = tpu.memref_slice %arg5[%gather3A_506] : memref<65536xf32, #tpu.memory_space<vmem>> -> memref<4096xf32, #tpu.memory_space<vmem>>
    %gather3A_508 = tpu.vector_load_idx %gather3A_507[%get3A_293] : memref<4096xf32, #tpu.memory_space<vmem>>[vector<16xi32>], vector<16xf32>,
    %mul3A_509 = arith.mulf %gather3A_508, %select_n3A : vector<16xf32>
    %swap3A_510 = arith.constant 0 : i32
    %swap3A_511 = arith.constant 13 : i32
    %swap3A_512 = arith.index_cast %swap3A_510 : i32 to index
    %swap3A_513 = arith.index_cast %swap3A_511 : i32 to index
    %swap3A_514 = arith.constant 0 : index
    %swap3A_515 = tpu.vector_load %arg8[%swap3A_512, %swap3A_513, %swap3A_514] {strides = array<i32>} : memref<1x16x1025xf32, #tpu.memory_space<vmem>>, vector<16xf32>,
    tpu.vector_store %arg8[%swap3A_512, %swap3A_513, %swap3A_514], %mul3A_509 {strides = array<i32>} : memref<1x16x1025xf32, #tpu.memory_space<vmem>>, vector<16xf32>,
    %gather3A_516 = arith.constant 53248 : i32
    %gather3A_517 = tpu.memref_slice %arg5[%gather3A_516] : memref<65536xf32, #tpu.memory_space<vmem>> -> memref<4096xf32, #tpu.memory_space<vmem>>
    %gather3A_518 = tpu.vector_load_idx %gather3A_517[%get3A_297] : memref<4096xf32, #tpu.memory_space<vmem>>[vector<16xi32>], vector<16xf32>,
    %add3A_519 = arith.constant 13 : i32
    %add3A_520 = vector.broadcast %add3A_519 : i32 to vector<16xi32>
    %add3A_521 = arith.addi %broadcast_in_dim3A_3, %add3A_520 : vector<16xi32>
    tpu.vector_store_idx %arg8[%broadcast_in_dim3A_3, %add3A_521, %broadcast_in_dim3A_13], %gather3A_518 masked %eq3A_11 : memref<1x16x1025xf32, #tpu.memory_space<vmem>>[vector<16xi32>, vector<16xi32>, vector<16xi32>], vector<16xf32>, vector<16xi1>
    %gather3A_522 = arith.constant 57344 : i32
    %gather3A_523 = tpu.memref_slice %arg5[%gather3A_522] : memref<65536xf32, #tpu.memory_space<vmem>> -> memref<4096xf32, #tpu.memory_space<vmem>>
    %gather3A_524 = tpu.vector_load_idx %gather3A_523[%get3A_293] : memref<4096xf32, #tpu.memory_space<vmem>>[vector<16xi32>], vector<16xf32>,
    %mul3A_525 = arith.mulf %gather3A_524, %select_n3A : vector<16xf32>
    %swap3A_526 = arith.constant 0 : i32
    %swap3A_527 = arith.constant 14 : i32
    %swap3A_528 = arith.index_cast %swap3A_526 : i32 to index
    %swap3A_529 = arith.index_cast %swap3A_527 : i32 to index
    %swap3A_530 = arith.constant 0 : index
    %swap3A_531 = tpu.vector_load %arg8[%swap3A_528, %swap3A_529, %swap3A_530] {strides = array<i32>} : memref<1x16x1025xf32, #tpu.memory_space<vmem>>, vector<16xf32>,
    tpu.vector_store %arg8[%swap3A_528, %swap3A_529, %swap3A_530], %mul3A_525 {strides = array<i32>} : memref<1x16x1025xf32, #tpu.memory_space<vmem>>, vector<16xf32>,
    %gather3A_532 = arith.constant 57344 : i32
    %gather3A_533 = tpu.memref_slice %arg5[%gather3A_532] : memref<65536xf32, #tpu.memory_space<vmem>> -> memref<4096xf32, #tpu.memory_space<vmem>>
    %gather3A_534 = tpu.vector_load_idx %gather3A_533[%get3A_297] : memref<4096xf32, #tpu.memory_space<vmem>>[vector<16xi32>], vector<16xf32>,
    %add3A_535 = arith.constant 14 : i32
    %add3A_536 = vector.broadcast %add3A_535 : i32 to vector<16xi32>
    %add3A_537 = arith.addi %broadcast_in_dim3A_3, %add3A_536 : vector<16xi32>
    tpu.vector_store_idx %arg8[%broadcast_in_dim3A_3, %add3A_537, %broadcast_in_dim3A_13], %gather3A_534 masked %eq3A_11 : memref<1x16x1025xf32, #tpu.memory_space<vmem>>[vector<16xi32>, vector<16xi32>, vector<16xi32>], vector<16xf32>, vector<16xi1>
    %gather3A_538 = arith.constant 61440 : i32
    %gather3A_539 = tpu.memref_slice %arg5[%gather3A_538] : memref<65536xf32, #tpu.memory_space<vmem>> -> memref<4096xf32, #tpu.memory_space<vmem>>
    %gather3A_540 = tpu.vector_load_idx %gather3A_539[%get3A_293] : memref<4096xf32, #tpu.memory_space<vmem>>[vector<16xi32>], vector<16xf32>,
    %mul3A_541 = arith.mulf %gather3A_540, %select_n3A : vector<16xf32>
    %swap3A_542 = arith.constant 0 : i32
    %swap3A_543 = arith.constant 15 : i32
    %swap3A_544 = arith.index_cast %swap3A_542 : i32 to index
    %swap3A_545 = arith.index_cast %swap3A_543 : i32 to index
    %swap3A_546 = arith.constant 0 : index
    %swap3A_547 = tpu.vector_load %arg8[%swap3A_544, %swap3A_545, %swap3A_546] {strides = array<i32>} : memref<1x16x1025xf32, #tpu.memory_space<vmem>>, vector<16xf32>,
    tpu.vector_store %arg8[%swap3A_544, %swap3A_545, %swap3A_546], %mul3A_541 {strides = array<i32>} : memref<1x16x1025xf32, #tpu.memory_space<vmem>>, vector<16xf32>,
    %gather3A_548 = arith.constant 61440 : i32
    %gather3A_549 = tpu.memref_slice %arg5[%gather3A_548] : memref<65536xf32, #tpu.memory_space<vmem>> -> memref<4096xf32, #tpu.memory_space<vmem>>
    %gather3A_550 = tpu.vector_load_idx %gather3A_549[%get3A_297] : memref<4096xf32, #tpu.memory_space<vmem>>[vector<16xi32>], vector<16xf32>,
    %add3A_551 = arith.constant 15 : i32
    %add3A_552 = vector.broadcast %add3A_551 : i32 to vector<16xi32>
    %add3A_553 = arith.addi %broadcast_in_dim3A_3, %add3A_552 : vector<16xi32>
    tpu.vector_store_idx %arg8[%broadcast_in_dim3A_3, %add3A_553, %broadcast_in_dim3A_13], %gather3A_550 masked %eq3A_11 : memref<1x16x1025xf32, #tpu.memory_space<vmem>>[vector<16xi32>, vector<16xi32>, vector<16xi32>], vector<16xf32>, vector<16xi1>
    %add3A_554 = arith.constant 1 : i32
    %add3A_555 = arith.addi %mul3A_15, %add3A_554 : i32
    %dma_start3A_556 = arith.constant 0 : i32
    %dma_start3A_557 = arith.constant 0 : i32
    %dma_start3A_558 = tpu.memref_slice %arg4[%add3A_555, %dma_start3A_556, %dma_start3A_557] : memref<1025x16x1025xf32, #tpu.memory_space<hbm>> -> memref<1x16x1025xf32, #tpu.memory_space<hbm>>
    %dma_start3A_559 = arith.constant 0 : i32
    %dma_start3A_560 = arith.constant 0 : i32
    %dma_start3A_561 = tpu.memref_slice %arg4[%add3A_555, %dma_start3A_559, %dma_start3A_560] : memref<1025x16x1025xf32, #tpu.memory_space<hbm>> -> memref<1x16x1025xf32, #tpu.memory_space<hbm>>
    tpu.enqueue_dma source(%arg8 : memref<1x16x1025xf32, #tpu.memory_space<vmem>>) target(%dma_start3A_561 : memref<1x16x1025xf32, #tpu.memory_space<hbm>>) target_semaphore(%arg10 : memref<!tpu.dma_semaphore, #tpu.memory_space<semaphore_mem>>)
    %scan3A = arith.constant 0 : i32
    %scan3A_562 = arith.constant 1 : i32
    %scan3A_563 = arith.constant 15 : i32
    %scan3A_564 = arith.addi %scan3A_562, %scan3A_563 : i32
    %scan3A_565 = arith.constant 1 : i32
    scf.for %scan3A_587 = %scan3A_562 to %scan3A_564 step %scan3A_565  : i32 {
      %mul3A_588 = arith.constant 2 : i32
      %mul3A_589 = arith.muli %mul3A_588, %scan3A_587 : i32
      %add3A_590 = arith.addi %mul3A_15, %mul3A_589 : i32
      %mul3A_591 = arith.constant 2 : i32
      %mul3A_592 = arith.muli %mul3A_591, %scan3A_587 : i32
      %jit3A_593 = arith.constant 8 : i32
      %eq3A_594 = arith.constant 0 : i32
      %eq3A_595 = arith.cmpi eq, %jit3A_593, %eq3A_594 : i32
      %jit3A_596 = arith.constant 1 : i32
      %select_n3A_597 = arith.select %eq3A_595, %jit3A_596, %jit3A_593 : i32
      %rem3A = arith.remsi %mul3A_592, %select_n3A_597 : i32
      %ne3A = arith.constant 0 : i32
      %ne3A_598 = arith.cmpi ne, %rem3A, %ne3A : i32
      %lt3A = arith.constant 0 : i32
      %lt3A_599 = arith.cmpi slt, %rem3A, %lt3A : i32
      %lt3A_600 = arith.constant 0 : i32
      %lt3A_601 = arith.cmpi slt, %select_n3A_597, %lt3A_600 : i32
      %ne3A_602 = arith.xori %lt3A_599, %lt3A_601 : i1
      %and3A = arith.andi %ne3A_602, %ne3A_598 : i1
      %add3A_603 = arith.addi %rem3A, %select_n3A_597 : i32
      %select_n3A_604 = arith.select %and3A, %add3A_603, %rem3A : i32
      %eq3A_605 = arith.constant 0 : i32
      %eq3A_606 = arith.cmpi eq, %select_n3A_604, %eq3A_605 : i32
      %convert_element_type3A_607 = arith.extui %eq3A_606 : i1 to i32
      %cond3A_608 = arith.constant 0 : i32
      %cond3A_609 = arith.cmpi ne, %convert_element_type3A_607, %cond3A_608 : i32
      scf.if %cond3A_609 {
        %multiple_of3A_1172 = tpu.assume_multiple %add3A_590, 8 : i32
        "tpu.region"() ({
          %run_scoped3A = tpu.sem_alloc : memref<!tpu.dma_semaphore, #tpu.memory_space<semaphore_mem>>
          %dma_start3A_1173 = arith.constant 0 : i32
          %dma_start3A_1174 = tpu.memref_slice %arg3[%multiple_of3A_1172, %dma_start3A_1173] : memref<1025x1040xi32, #tpu.memory_space<hbm>> -> memref<8x1040xi32, #tpu.memory_space<hbm>>
          %dma_start3A_1175 = arith.constant 0 : i32
          %dma_start3A_1176 = tpu.memref_slice %arg3[%multiple_of3A_1172, %dma_start3A_1175] : memref<1025x1040xi32, #tpu.memory_space<hbm>> -> memref<8x1040xi32, #tpu.memory_space<hbm>>
          tpu.enqueue_dma source(%dma_start3A_1176 : memref<8x1040xi32, #tpu.memory_space<hbm>>) target(%arg6 : memref<8x1040xi32, #tpu.memory_space<vmem>>) target_semaphore(%run_scoped3A : memref<!tpu.dma_semaphore, #tpu.memory_space<semaphore_mem>>)
          %dma_wait3A_1177 = arith.constant 0 : i32
          %dma_wait3A_1178 = tpu.memref_slice %arg3[%multiple_of3A_1172, %dma_wait3A_1177] : memref<1025x1040xi32, #tpu.memory_space<hbm>> -> memref<8x1040xi32, #tpu.memory_space<hbm>>
          %dma_wait3A_1179 = arith.constant 0 : i32
          %dma_wait3A_1180 = tpu.memref_slice %arg3[%multiple_of3A_1172, %dma_wait3A_1179] : memref<1025x1040xi32, #tpu.memory_space<hbm>> -> memref<8x1040xi32, #tpu.memory_space<hbm>>
          tpu.wait_dma2 semaphore(%run_scoped3A : memref<!tpu.dma_semaphore, #tpu.memory_space<semaphore_mem>>) src(%dma_wait3A_1180 : memref<8x1040xi32, #tpu.memory_space<hbm>>) dst(%arg6 : memref<8x1040xi32, #tpu.memory_space<vmem>>)
          tpu.yield
        }) : () -> ()
      } else {
      }
      %dma_wait3A_610 = arith.constant 0 : i32
      %dma_wait3A_611 = arith.constant 0 : i32
      %dma_wait3A_612 = arith.constant 0 : i32
      %dma_wait3A_613 = tpu.memref_slice %arg4[%dma_wait3A_610, %dma_wait3A_611, %dma_wait3A_612] : memref<1025x16x1025xf32, #tpu.memory_space<hbm>> -> memref<1x16x1025xf32, #tpu.memory_space<hbm>>
      %dma_wait3A_614 = arith.constant 0 : i32
      %dma_wait3A_615 = arith.constant 0 : i32
      %dma_wait3A_616 = arith.constant 0 : i32
      %dma_wait3A_617 = tpu.memref_slice %arg4[%dma_wait3A_614, %dma_wait3A_615, %dma_wait3A_616] : memref<1025x16x1025xf32, #tpu.memory_space<hbm>> -> memref<1x16x1025xf32, #tpu.memory_space<hbm>>
      tpu.wait_dma2 semaphore(%arg9 : memref<!tpu.dma_semaphore, #tpu.memory_space<semaphore_mem>>) src(%arg7 : memref<1x16x1025xf32, #tpu.memory_space<vmem>>) dst(%dma_wait3A_617 : memref<1x16x1025xf32, #tpu.memory_space<hbm>>)
      %parallel_loop3A_618 = arith.constant 1 : i32
      %parallel_loop3A_619 = arith.constant 64 : i32
      %parallel_loop3A_620 = arith.constant 1 : i32
      scf.for %parallel_loop3A_1172 = %parallel_loop3A_618 to %parallel_loop3A_619 step %parallel_loop3A_620  : i32 {
        %parallel_loop3A_1173 = arith.constant 16 : i32
        %parallel_loop3A_1174 = arith.muli %parallel_loop3A_1172, %parallel_loop3A_1173 : i32
        %parallel_loop3A_1175 = arith.index_cast %select_n3A_604 : i32 to index
        %parallel_loop3A_1176 = arith.index_cast %parallel_loop3A_1174 : i32 to index
        %parallel_loop3A_1177 = tpu.vector_load %arg6[%parallel_loop3A_1175, %parallel_loop3A_1176] {strides = array<i32>} : memref<8x1040xi32, #tpu.memory_space<vmem>>, vector<16xi32>,
        %parallel_loop3A_1178 = arith.constant 0 : i32
        %parallel_loop3A_1179 = tpu.memref_slice %arg5[%parallel_loop3A_1178] : memref<65536xf32, #tpu.memory_space<vmem>> -> memref<4096xf32, #tpu.memory_space<vmem>>
        %parallel_loop3A_1180 = tpu.vector_load_idx %parallel_loop3A_1179[%parallel_loop3A_1177] : memref<4096xf32, #tpu.memory_space<vmem>>[vector<16xi32>], vector<16xf32>,
        %parallel_loop3A_1181 = arith.constant 16 : i32
        %parallel_loop3A_1182 = arith.muli %parallel_loop3A_1172, %parallel_loop3A_1181 : i32
        %parallel_loop3A_1183 = arith.constant 0 : i32
        %parallel_loop3A_1184 = arith.constant 0 : i32
        %parallel_loop3A_1185 = arith.index_cast %parallel_loop3A_1183 : i32 to index
        %parallel_loop3A_1186 = arith.index_cast %parallel_loop3A_1184 : i32 to index
        %parallel_loop3A_1187 = arith.index_cast %parallel_loop3A_1182 : i32 to index
        %parallel_loop3A_1188 = tpu.vector_load %arg7[%parallel_loop3A_1185, %parallel_loop3A_1186, %parallel_loop3A_1187] {strides = array<i32>} : memref<1x16x1025xf32, #tpu.memory_space<vmem>>, vector<16xf32>,
        tpu.vector_store %arg7[%parallel_loop3A_1185, %parallel_loop3A_1186, %parallel_loop3A_1187], %parallel_loop3A_1180 {strides = array<i32>} : memref<1x16x1025xf32, #tpu.memory_space<vmem>>, vector<16xf32>,
        %parallel_loop3A_1189 = arith.constant 4096 : i32
        %parallel_loop3A_1190 = tpu.memref_slice %arg5[%parallel_loop3A_1189] : memref<65536xf32, #tpu.memory_space<vmem>> -> memref<4096xf32, #tpu.memory_space<vmem>>
        %parallel_loop3A_1191 = tpu.vector_load_idx %parallel_loop3A_1190[%parallel_loop3A_1177] : memref<4096xf32, #tpu.memory_space<vmem>>[vector<16xi32>], vector<16xf32>,
        %parallel_loop3A_1192 = arith.constant 16 : i32
        %parallel_loop3A_1193 = arith.muli %parallel_loop3A_1172, %parallel_loop3A_1192 : i32
        %parallel_loop3A_1194 = arith.constant 0 : i32
        %parallel_loop3A_1195 = arith.constant 1 : i32
        %parallel_loop3A_1196 = arith.index_cast %parallel_loop3A_1194 : i32 to index
        %parallel_loop3A_1197 = arith.index_cast %parallel_loop3A_1195 : i32 to index
        %parallel_loop3A_1198 = arith.index_cast %parallel_loop3A_1193 : i32 to index
        %parallel_loop3A_1199 = tpu.vector_load %arg7[%parallel_loop3A_1196, %parallel_loop3A_1197, %parallel_loop3A_1198] {strides = array<i32>} : memref<1x16x1025xf32, #tpu.memory_space<vmem>>, vector<16xf32>,
        tpu.vector_store %arg7[%parallel_loop3A_1196, %parallel_loop3A_1197, %parallel_loop3A_1198], %parallel_loop3A_1191 {strides = array<i32>} : memref<1x16x1025xf32, #tpu.memory_space<vmem>>, vector<16xf32>,
        %parallel_loop3A_1200 = arith.constant 8192 : i32
        %parallel_loop3A_1201 = tpu.memref_slice %arg5[%parallel_loop3A_1200] : memref<65536xf32, #tpu.memory_space<vmem>> -> memref<4096xf32, #tpu.memory_space<vmem>>
        %parallel_loop3A_1202 = tpu.vector_load_idx %parallel_loop3A_1201[%parallel_loop3A_1177] : memref<4096xf32, #tpu.memory_space<vmem>>[vector<16xi32>], vector<16xf32>,
        %parallel_loop3A_1203 = arith.constant 16 : i32
        %parallel_loop3A_1204 = arith.muli %parallel_loop3A_1172, %parallel_loop3A_1203 : i32
        %parallel_loop3A_1205 = arith.constant 0 : i32
        %parallel_loop3A_1206 = arith.constant 2 : i32
        %parallel_loop3A_1207 = arith.index_cast %parallel_loop3A_1205 : i32 to index
        %parallel_loop3A_1208 = arith.index_cast %parallel_loop3A_1206 : i32 to index
        %parallel_loop3A_1209 = arith.index_cast %parallel_loop3A_1204 : i32 to index
        %parallel_loop3A_1210 = tpu.vector_load %arg7[%parallel_loop3A_1207, %parallel_loop3A_1208, %parallel_loop3A_1209] {strides = array<i32>} : memref<1x16x1025xf32, #tpu.memory_space<vmem>>, vector<16xf32>,
        tpu.vector_store %arg7[%parallel_loop3A_1207, %parallel_loop3A_1208, %parallel_loop3A_1209], %parallel_loop3A_1202 {strides = array<i32>} : memref<1x16x1025xf32, #tpu.memory_space<vmem>>, vector<16xf32>,
        %parallel_loop3A_1211 = arith.constant 12288 : i32
        %parallel_loop3A_1212 = tpu.memref_slice %arg5[%parallel_loop3A_1211] : memref<65536xf32, #tpu.memory_space<vmem>> -> memref<4096xf32, #tpu.memory_space<vmem>>
        %parallel_loop3A_1213 = tpu.vector_load_idx %parallel_loop3A_1212[%parallel_loop3A_1177] : memref<4096xf32, #tpu.memory_space<vmem>>[vector<16xi32>], vector<16xf32>,
        %parallel_loop3A_1214 = arith.constant 16 : i32
        %parallel_loop3A_1215 = arith.muli %parallel_loop3A_1172, %parallel_loop3A_1214 : i32
        %parallel_loop3A_1216 = arith.constant 0 : i32
        %parallel_loop3A_1217 = arith.constant 3 : i32
        %parallel_loop3A_1218 = arith.index_cast %parallel_loop3A_1216 : i32 to index
        %parallel_loop3A_1219 = arith.index_cast %parallel_loop3A_1217 : i32 to index
        %parallel_loop3A_1220 = arith.index_cast %parallel_loop3A_1215 : i32 to index
        %parallel_loop3A_1221 = tpu.vector_load %arg7[%parallel_loop3A_1218, %parallel_loop3A_1219, %parallel_loop3A_1220] {strides = array<i32>} : memref<1x16x1025xf32, #tpu.memory_space<vmem>>, vector<16xf32>,
        tpu.vector_store %arg7[%parallel_loop3A_1218, %parallel_loop3A_1219, %parallel_loop3A_1220], %parallel_loop3A_1213 {strides = array<i32>} : memref<1x16x1025xf32, #tpu.memory_space<vmem>>, vector<16xf32>,
        %parallel_loop3A_1222 = arith.constant 16384 : i32
        %parallel_loop3A_1223 = tpu.memref_slice %arg5[%parallel_loop3A_1222] : memref<65536xf32, #tpu.memory_space<vmem>> -> memref<4096xf32, #tpu.memory_space<vmem>>
        %parallel_loop3A_1224 = tpu.vector_load_idx %parallel_loop3A_1223[%parallel_loop3A_1177] : memref<4096xf32, #tpu.memory_space<vmem>>[vector<16xi32>], vector<16xf32>,
        %parallel_loop3A_1225 = arith.constant 16 : i32
        %parallel_loop3A_1226 = arith.muli %parallel_loop3A_1172, %parallel_loop3A_1225 : i32
        %parallel_loop3A_1227 = arith.constant 0 : i32
        %parallel_loop3A_1228 = arith.constant 4 : i32
        %parallel_loop3A_1229 = arith.index_cast %parallel_loop3A_1227 : i32 to index
        %parallel_loop3A_1230 = arith.index_cast %parallel_loop3A_1228 : i32 to index
        %parallel_loop3A_1231 = arith.index_cast %parallel_loop3A_1226 : i32 to index
        %parallel_loop3A_1232 = tpu.vector_load %arg7[%parallel_loop3A_1229, %parallel_loop3A_1230, %parallel_loop3A_1231] {strides = array<i32>} : memref<1x16x1025xf32, #tpu.memory_space<vmem>>, vector<16xf32>,
        tpu.vector_store %arg7[%parallel_loop3A_1229, %parallel_loop3A_1230, %parallel_loop3A_1231], %parallel_loop3A_1224 {strides = array<i32>} : memref<1x16x1025xf32, #tpu.memory_space<vmem>>, vector<16xf32>,
        %parallel_loop3A_1233 = arith.constant 20480 : i32
        %parallel_loop3A_1234 = tpu.memref_slice %arg5[%parallel_loop3A_1233] : memref<65536xf32, #tpu.memory_space<vmem>> -> memref<4096xf32, #tpu.memory_space<vmem>>
        %parallel_loop3A_1235 = tpu.vector_load_idx %parallel_loop3A_1234[%parallel_loop3A_1177] : memref<4096xf32, #tpu.memory_space<vmem>>[vector<16xi32>], vector<16xf32>,
        %parallel_loop3A_1236 = arith.constant 16 : i32
        %parallel_loop3A_1237 = arith.muli %parallel_loop3A_1172, %parallel_loop3A_1236 : i32
        %parallel_loop3A_1238 = arith.constant 0 : i32
        %parallel_loop3A_1239 = arith.constant 5 : i32
        %parallel_loop3A_1240 = arith.index_cast %parallel_loop3A_1238 : i32 to index
        %parallel_loop3A_1241 = arith.index_cast %parallel_loop3A_1239 : i32 to index
        %parallel_loop3A_1242 = arith.index_cast %parallel_loop3A_1237 : i32 to index
        %parallel_loop3A_1243 = tpu.vector_load %arg7[%parallel_loop3A_1240, %parallel_loop3A_1241, %parallel_loop3A_1242] {strides = array<i32>} : memref<1x16x1025xf32, #tpu.memory_space<vmem>>, vector<16xf32>,
        tpu.vector_store %arg7[%parallel_loop3A_1240, %parallel_loop3A_1241, %parallel_loop3A_1242], %parallel_loop3A_1235 {strides = array<i32>} : memref<1x16x1025xf32, #tpu.memory_space<vmem>>, vector<16xf32>,
        %parallel_loop3A_1244 = arith.constant 24576 : i32
        %parallel_loop3A_1245 = tpu.memref_slice %arg5[%parallel_loop3A_1244] : memref<65536xf32, #tpu.memory_space<vmem>> -> memref<4096xf32, #tpu.memory_space<vmem>>
        %parallel_loop3A_1246 = tpu.vector_load_idx %parallel_loop3A_1245[%parallel_loop3A_1177] : memref<4096xf32, #tpu.memory_space<vmem>>[vector<16xi32>], vector<16xf32>,
        %parallel_loop3A_1247 = arith.constant 16 : i32
        %parallel_loop3A_1248 = arith.muli %parallel_loop3A_1172, %parallel_loop3A_1247 : i32
        %parallel_loop3A_1249 = arith.constant 0 : i32
        %parallel_loop3A_1250 = arith.constant 6 : i32
        %parallel_loop3A_1251 = arith.index_cast %parallel_loop3A_1249 : i32 to index
        %parallel_loop3A_1252 = arith.index_cast %parallel_loop3A_1250 : i32 to index
        %parallel_loop3A_1253 = arith.index_cast %parallel_loop3A_1248 : i32 to index
        %parallel_loop3A_1254 = tpu.vector_load %arg7[%parallel_loop3A_1251, %parallel_loop3A_1252, %parallel_loop3A_1253] {strides = array<i32>} : memref<1x16x1025xf32, #tpu.memory_space<vmem>>, vector<16xf32>,
        tpu.vector_store %arg7[%parallel_loop3A_1251, %parallel_loop3A_1252, %parallel_loop3A_1253], %parallel_loop3A_1246 {strides = array<i32>} : memref<1x16x1025xf32, #tpu.memory_space<vmem>>, vector<16xf32>,
        %parallel_loop3A_1255 = arith.constant 28672 : i32
        %parallel_loop3A_1256 = tpu.memref_slice %arg5[%parallel_loop3A_1255] : memref<65536xf32, #tpu.memory_space<vmem>> -> memref<4096xf32, #tpu.memory_space<vmem>>
        %parallel_loop3A_1257 = tpu.vector_load_idx %parallel_loop3A_1256[%parallel_loop3A_1177] : memref<4096xf32, #tpu.memory_space<vmem>>[vector<16xi32>], vector<16xf32>,
        %parallel_loop3A_1258 = arith.constant 16 : i32
        %parallel_loop3A_1259 = arith.muli %parallel_loop3A_1172, %parallel_loop3A_1258 : i32
        %parallel_loop3A_1260 = arith.constant 0 : i32
        %parallel_loop3A_1261 = arith.constant 7 : i32
        %parallel_loop3A_1262 = arith.index_cast %parallel_loop3A_1260 : i32 to index
        %parallel_loop3A_1263 = arith.index_cast %parallel_loop3A_1261 : i32 to index
        %parallel_loop3A_1264 = arith.index_cast %parallel_loop3A_1259 : i32 to index
        %parallel_loop3A_1265 = tpu.vector_load %arg7[%parallel_loop3A_1262, %parallel_loop3A_1263, %parallel_loop3A_1264] {strides = array<i32>} : memref<1x16x1025xf32, #tpu.memory_space<vmem>>, vector<16xf32>,
        tpu.vector_store %arg7[%parallel_loop3A_1262, %parallel_loop3A_1263, %parallel_loop3A_1264], %parallel_loop3A_1257 {strides = array<i32>} : memref<1x16x1025xf32, #tpu.memory_space<vmem>>, vector<16xf32>,
        %parallel_loop3A_1266 = arith.constant 32768 : i32
        %parallel_loop3A_1267 = tpu.memref_slice %arg5[%parallel_loop3A_1266] : memref<65536xf32, #tpu.memory_space<vmem>> -> memref<4096xf32, #tpu.memory_space<vmem>>
        %parallel_loop3A_1268 = tpu.vector_load_idx %parallel_loop3A_1267[%parallel_loop3A_1177] : memref<4096xf32, #tpu.memory_space<vmem>>[vector<16xi32>], vector<16xf32>,
        %parallel_loop3A_1269 = arith.constant 16 : i32
        %parallel_loop3A_1270 = arith.muli %parallel_loop3A_1172, %parallel_loop3A_1269 : i32
        %parallel_loop3A_1271 = arith.constant 0 : i32
        %parallel_loop3A_1272 = arith.constant 8 : i32
        %parallel_loop3A_1273 = arith.index_cast %parallel_loop3A_1271 : i32 to index
        %parallel_loop3A_1274 = arith.index_cast %parallel_loop3A_1272 : i32 to index
        %parallel_loop3A_1275 = arith.index_cast %parallel_loop3A_1270 : i32 to index
        %parallel_loop3A_1276 = tpu.vector_load %arg7[%parallel_loop3A_1273, %parallel_loop3A_1274, %parallel_loop3A_1275] {strides = array<i32>} : memref<1x16x1025xf32, #tpu.memory_space<vmem>>, vector<16xf32>,
        tpu.vector_store %arg7[%parallel_loop3A_1273, %parallel_loop3A_1274, %parallel_loop3A_1275], %parallel_loop3A_1268 {strides = array<i32>} : memref<1x16x1025xf32, #tpu.memory_space<vmem>>, vector<16xf32>,
        %parallel_loop3A_1277 = arith.constant 36864 : i32
        %parallel_loop3A_1278 = tpu.memref_slice %arg5[%parallel_loop3A_1277] : memref<65536xf32, #tpu.memory_space<vmem>> -> memref<4096xf32, #tpu.memory_space<vmem>>
        %parallel_loop3A_1279 = tpu.vector_load_idx %parallel_loop3A_1278[%parallel_loop3A_1177] : memref<4096xf32, #tpu.memory_space<vmem>>[vector<16xi32>], vector<16xf32>,
        %parallel_loop3A_1280 = arith.constant 16 : i32
        %parallel_loop3A_1281 = arith.muli %parallel_loop3A_1172, %parallel_loop3A_1280 : i32
        %parallel_loop3A_1282 = arith.constant 0 : i32
        %parallel_loop3A_1283 = arith.constant 9 : i32
        %parallel_loop3A_1284 = arith.index_cast %parallel_loop3A_1282 : i32 to index
        %parallel_loop3A_1285 = arith.index_cast %parallel_loop3A_1283 : i32 to index
        %parallel_loop3A_1286 = arith.index_cast %parallel_loop3A_1281 : i32 to index
        %parallel_loop3A_1287 = tpu.vector_load %arg7[%parallel_loop3A_1284, %parallel_loop3A_1285, %parallel_loop3A_1286] {strides = array<i32>} : memref<1x16x1025xf32, #tpu.memory_space<vmem>>, vector<16xf32>,
        tpu.vector_store %arg7[%parallel_loop3A_1284, %parallel_loop3A_1285, %parallel_loop3A_1286], %parallel_loop3A_1279 {strides = array<i32>} : memref<1x16x1025xf32, #tpu.memory_space<vmem>>, vector<16xf32>,
        %parallel_loop3A_1288 = arith.constant 40960 : i32
        %parallel_loop3A_1289 = tpu.memref_slice %arg5[%parallel_loop3A_1288] : memref<65536xf32, #tpu.memory_space<vmem>> -> memref<4096xf32, #tpu.memory_space<vmem>>
        %parallel_loop3A_1290 = tpu.vector_load_idx %parallel_loop3A_1289[%parallel_loop3A_1177] : memref<4096xf32, #tpu.memory_space<vmem>>[vector<16xi32>], vector<16xf32>,
        %parallel_loop3A_1291 = arith.constant 16 : i32
        %parallel_loop3A_1292 = arith.muli %parallel_loop3A_1172, %parallel_loop3A_1291 : i32
        %parallel_loop3A_1293 = arith.constant 0 : i32
        %parallel_loop3A_1294 = arith.constant 10 : i32
        %parallel_loop3A_1295 = arith.index_cast %parallel_loop3A_1293 : i32 to index
        %parallel_loop3A_1296 = arith.index_cast %parallel_loop3A_1294 : i32 to index
        %parallel_loop3A_1297 = arith.index_cast %parallel_loop3A_1292 : i32 to index
        %parallel_loop3A_1298 = tpu.vector_load %arg7[%parallel_loop3A_1295, %parallel_loop3A_1296, %parallel_loop3A_1297] {strides = array<i32>} : memref<1x16x1025xf32, #tpu.memory_space<vmem>>, vector<16xf32>,
        tpu.vector_store %arg7[%parallel_loop3A_1295, %parallel_loop3A_1296, %parallel_loop3A_1297], %parallel_loop3A_1290 {strides = array<i32>} : memref<1x16x1025xf32, #tpu.memory_space<vmem>>, vector<16xf32>,
        %parallel_loop3A_1299 = arith.constant 45056 : i32
        %parallel_loop3A_1300 = tpu.memref_slice %arg5[%parallel_loop3A_1299] : memref<65536xf32, #tpu.memory_space<vmem>> -> memref<4096xf32, #tpu.memory_space<vmem>>
        %parallel_loop3A_1301 = tpu.vector_load_idx %parallel_loop3A_1300[%parallel_loop3A_1177] : memref<4096xf32, #tpu.memory_space<vmem>>[vector<16xi32>], vector<16xf32>,
        %parallel_loop3A_1302 = arith.constant 16 : i32
        %parallel_loop3A_1303 = arith.muli %parallel_loop3A_1172, %parallel_loop3A_1302 : i32
        %parallel_loop3A_1304 = arith.constant 0 : i32
        %parallel_loop3A_1305 = arith.constant 11 : i32
        %parallel_loop3A_1306 = arith.index_cast %parallel_loop3A_1304 : i32 to index
        %parallel_loop3A_1307 = arith.index_cast %parallel_loop3A_1305 : i32 to index
        %parallel_loop3A_1308 = arith.index_cast %parallel_loop3A_1303 : i32 to index
        %parallel_loop3A_1309 = tpu.vector_load %arg7[%parallel_loop3A_1306, %parallel_loop3A_1307, %parallel_loop3A_1308] {strides = array<i32>} : memref<1x16x1025xf32, #tpu.memory_space<vmem>>, vector<16xf32>,
        tpu.vector_store %arg7[%parallel_loop3A_1306, %parallel_loop3A_1307, %parallel_loop3A_1308], %parallel_loop3A_1301 {strides = array<i32>} : memref<1x16x1025xf32, #tpu.memory_space<vmem>>, vector<16xf32>,
        %parallel_loop3A_1310 = arith.constant 49152 : i32
        %parallel_loop3A_1311 = tpu.memref_slice %arg5[%parallel_loop3A_1310] : memref<65536xf32, #tpu.memory_space<vmem>> -> memref<4096xf32, #tpu.memory_space<vmem>>
        %parallel_loop3A_1312 = tpu.vector_load_idx %parallel_loop3A_1311[%parallel_loop3A_1177] : memref<4096xf32, #tpu.memory_space<vmem>>[vector<16xi32>], vector<16xf32>,
        %parallel_loop3A_1313 = arith.constant 16 : i32
        %parallel_loop3A_1314 = arith.muli %parallel_loop3A_1172, %parallel_loop3A_1313 : i32
        %parallel_loop3A_1315 = arith.constant 0 : i32
        %parallel_loop3A_1316 = arith.constant 12 : i32
        %parallel_loop3A_1317 = arith.index_cast %parallel_loop3A_1315 : i32 to index
        %parallel_loop3A_1318 = arith.index_cast %parallel_loop3A_1316 : i32 to index
        %parallel_loop3A_1319 = arith.index_cast %parallel_loop3A_1314 : i32 to index
        %parallel_loop3A_1320 = tpu.vector_load %arg7[%parallel_loop3A_1317, %parallel_loop3A_1318, %parallel_loop3A_1319] {strides = array<i32>} : memref<1x16x1025xf32, #tpu.memory_space<vmem>>, vector<16xf32>,
        tpu.vector_store %arg7[%parallel_loop3A_1317, %parallel_loop3A_1318, %parallel_loop3A_1319], %parallel_loop3A_1312 {strides = array<i32>} : memref<1x16x1025xf32, #tpu.memory_space<vmem>>, vector<16xf32>,
        %parallel_loop3A_1321 = arith.constant 53248 : i32
        %parallel_loop3A_1322 = tpu.memref_slice %arg5[%parallel_loop3A_1321] : memref<65536xf32, #tpu.memory_space<vmem>> -> memref<4096xf32, #tpu.memory_space<vmem>>
        %parallel_loop3A_1323 = tpu.vector_load_idx %parallel_loop3A_1322[%parallel_loop3A_1177] : memref<4096xf32, #tpu.memory_space<vmem>>[vector<16xi32>], vector<16xf32>,
        %parallel_loop3A_1324 = arith.constant 16 : i32
        %parallel_loop3A_1325 = arith.muli %parallel_loop3A_1172, %parallel_loop3A_1324 : i32
        %parallel_loop3A_1326 = arith.constant 0 : i32
        %parallel_loop3A_1327 = arith.constant 13 : i32
        %parallel_loop3A_1328 = arith.index_cast %parallel_loop3A_1326 : i32 to index
        %parallel_loop3A_1329 = arith.index_cast %parallel_loop3A_1327 : i32 to index
        %parallel_loop3A_1330 = arith.index_cast %parallel_loop3A_1325 : i32 to index
        %parallel_loop3A_1331 = tpu.vector_load %arg7[%parallel_loop3A_1328, %parallel_loop3A_1329, %parallel_loop3A_1330] {strides = array<i32>} : memref<1x16x1025xf32, #tpu.memory_space<vmem>>, vector<16xf32>,
        tpu.vector_store %arg7[%parallel_loop3A_1328, %parallel_loop3A_1329, %parallel_loop3A_1330], %parallel_loop3A_1323 {strides = array<i32>} : memref<1x16x1025xf32, #tpu.memory_space<vmem>>, vector<16xf32>,
        %parallel_loop3A_1332 = arith.constant 57344 : i32
        %parallel_loop3A_1333 = tpu.memref_slice %arg5[%parallel_loop3A_1332] : memref<65536xf32, #tpu.memory_space<vmem>> -> memref<4096xf32, #tpu.memory_space<vmem>>
        %parallel_loop3A_1334 = tpu.vector_load_idx %parallel_loop3A_1333[%parallel_loop3A_1177] : memref<4096xf32, #tpu.memory_space<vmem>>[vector<16xi32>], vector<16xf32>,
        %parallel_loop3A_1335 = arith.constant 16 : i32
        %parallel_loop3A_1336 = arith.muli %parallel_loop3A_1172, %parallel_loop3A_1335 : i32
        %parallel_loop3A_1337 = arith.constant 0 : i32
        %parallel_loop3A_1338 = arith.constant 14 : i32
        %parallel_loop3A_1339 = arith.index_cast %parallel_loop3A_1337 : i32 to index
        %parallel_loop3A_1340 = arith.index_cast %parallel_loop3A_1338 : i32 to index
        %parallel_loop3A_1341 = arith.index_cast %parallel_loop3A_1336 : i32 to index
        %parallel_loop3A_1342 = tpu.vector_load %arg7[%parallel_loop3A_1339, %parallel_loop3A_1340, %parallel_loop3A_1341] {strides = array<i32>} : memref<1x16x1025xf32, #tpu.memory_space<vmem>>, vector<16xf32>,
        tpu.vector_store %arg7[%parallel_loop3A_1339, %parallel_loop3A_1340, %parallel_loop3A_1341], %parallel_loop3A_1334 {strides = array<i32>} : memref<1x16x1025xf32, #tpu.memory_space<vmem>>, vector<16xf32>,
        %parallel_loop3A_1343 = arith.constant 61440 : i32
        %parallel_loop3A_1344 = tpu.memref_slice %arg5[%parallel_loop3A_1343] : memref<65536xf32, #tpu.memory_space<vmem>> -> memref<4096xf32, #tpu.memory_space<vmem>>
        %parallel_loop3A_1345 = tpu.vector_load_idx %parallel_loop3A_1344[%parallel_loop3A_1177] : memref<4096xf32, #tpu.memory_space<vmem>>[vector<16xi32>], vector<16xf32>,
        %parallel_loop3A_1346 = arith.constant 16 : i32
        %parallel_loop3A_1347 = arith.muli %parallel_loop3A_1172, %parallel_loop3A_1346 : i32
        %parallel_loop3A_1348 = arith.constant 0 : i32
        %parallel_loop3A_1349 = arith.constant 15 : i32
        %parallel_loop3A_1350 = arith.index_cast %parallel_loop3A_1348 : i32 to index
        %parallel_loop3A_1351 = arith.index_cast %parallel_loop3A_1349 : i32 to index
        %parallel_loop3A_1352 = arith.index_cast %parallel_loop3A_1347 : i32 to index
        %parallel_loop3A_1353 = tpu.vector_load %arg7[%parallel_loop3A_1350, %parallel_loop3A_1351, %parallel_loop3A_1352] {strides = array<i32>} : memref<1x16x1025xf32, #tpu.memory_space<vmem>>, vector<16xf32>,
        tpu.vector_store %arg7[%parallel_loop3A_1350, %parallel_loop3A_1351, %parallel_loop3A_1352], %parallel_loop3A_1345 {strides = array<i32>} : memref<1x16x1025xf32, #tpu.memory_space<vmem>>, vector<16xf32>,
      } {sc.loop_unroll_factor = 4 : i64, sc.parallel_access}
      %get3A_621 = arith.index_cast %select_n3A_604 : i32 to index
      %get3A_622 = arith.constant 0 : index
      %get3A_623 = tpu.vector_load %arg6[%get3A_621, %get3A_622] {strides = array<i32>} : memref<8x1040xi32, #tpu.memory_space<vmem>>, vector<16xi32>,
      %get3A_624 = arith.index_cast %select_n3A_604 : i32 to index
      %get3A_625 = arith.constant 1024 : index
      %get3A_626 = tpu.vector_load %arg6[%get3A_624, %get3A_625] {strides = array<i32>} : memref<8x1040xi32, #tpu.memory_space<vmem>>, vector<16xi32>,
      %gather3A_627 = arith.constant 0 : i32
      %gather3A_628 = tpu.memref_slice %arg5[%gather3A_627] : memref<65536xf32, #tpu.memory_space<vmem>> -> memref<4096xf32, #tpu.memory_space<vmem>>
      %gather3A_629 = tpu.vector_load_idx %gather3A_628[%get3A_623] : memref<4096xf32, #tpu.memory_space<vmem>>[vector<16xi32>], vector<16xf32>,
      %mul3A_630 = arith.mulf %gather3A_629, %select_n3A : vector<16xf32>
      %swap3A_631 = arith.constant 0 : i32
      %swap3A_632 = arith.constant 0 : i32
      %swap3A_633 = arith.index_cast %swap3A_631 : i32 to index
      %swap3A_634 = arith.index_cast %swap3A_632 : i32 to index
      %swap3A_635 = arith.constant 0 : index
      %swap3A_636 = tpu.vector_load %arg7[%swap3A_633, %swap3A_634, %swap3A_635] {strides = array<i32>} : memref<1x16x1025xf32, #tpu.memory_space<vmem>>, vector<16xf32>,
      tpu.vector_store %arg7[%swap3A_633, %swap3A_634, %swap3A_635], %mul3A_630 {strides = array<i32>} : memref<1x16x1025xf32, #tpu.memory_space<vmem>>, vector<16xf32>,
      %gather3A_637 = arith.constant 0 : i32
      %gather3A_638 = tpu.memref_slice %arg5[%gather3A_637] : memref<65536xf32, #tpu.memory_space<vmem>> -> memref<4096xf32, #tpu.memory_space<vmem>>
      %gather3A_639 = tpu.vector_load_idx %gather3A_638[%get3A_626] : memref<4096xf32, #tpu.memory_space<vmem>>[vector<16xi32>], vector<16xf32>,
      %add3A_640 = arith.constant 0 : i32
      %add3A_641 = vector.broadcast %add3A_640 : i32 to vector<16xi32>
      %add3A_642 = arith.addi %broadcast_in_dim3A_3, %add3A_641 : vector<16xi32>
      tpu.vector_store_idx %arg7[%broadcast_in_dim3A_3, %add3A_642, %broadcast_in_dim3A_13], %gather3A_639 masked %eq3A_11 : memref<1x16x1025xf32, #tpu.memory_space<vmem>>[vector<16xi32>, vector<16xi32>, vector<16xi32>], vector<16xf32>, vector<16xi1>
      %gather3A_643 = arith.constant 4096 : i32
      %gather3A_644 = tpu.memref_slice %arg5[%gather3A_643] : memref<65536xf32, #tpu.memory_space<vmem>> -> memref<4096xf32, #tpu.memory_space<vmem>>
      %gather3A_645 = tpu.vector_load_idx %gather3A_644[%get3A_623] : memref<4096xf32, #tpu.memory_space<vmem>>[vector<16xi32>], vector<16xf32>,
      %mul3A_646 = arith.mulf %gather3A_645, %select_n3A : vector<16xf32>
      %swap3A_647 = arith.constant 0 : i32
      %swap3A_648 = arith.constant 1 : i32
      %swap3A_649 = arith.index_cast %swap3A_647 : i32 to index
      %swap3A_650 = arith.index_cast %swap3A_648 : i32 to index
      %swap3A_651 = arith.constant 0 : index
      %swap3A_652 = tpu.vector_load %arg7[%swap3A_649, %swap3A_650, %swap3A_651] {strides = array<i32>} : memref<1x16x1025xf32, #tpu.memory_space<vmem>>, vector<16xf32>,
      tpu.vector_store %arg7[%swap3A_649, %swap3A_650, %swap3A_651], %mul3A_646 {strides = array<i32>} : memref<1x16x1025xf32, #tpu.memory_space<vmem>>, vector<16xf32>,
      %gather3A_653 = arith.constant 4096 : i32
      %gather3A_654 = tpu.memref_slice %arg5[%gather3A_653] : memref<65536xf32, #tpu.memory_space<vmem>> -> memref<4096xf32, #tpu.memory_space<vmem>>
      %gather3A_655 = tpu.vector_load_idx %gather3A_654[%get3A_626] : memref<4096xf32, #tpu.memory_space<vmem>>[vector<16xi32>], vector<16xf32>,
      %add3A_656 = arith.constant 1 : i32
      %add3A_657 = vector.broadcast %add3A_656 : i32 to vector<16xi32>
      %add3A_658 = arith.addi %broadcast_in_dim3A_3, %add3A_657 : vector<16xi32>
      tpu.vector_store_idx %arg7[%broadcast_in_dim3A_3, %add3A_658, %broadcast_in_dim3A_13], %gather3A_655 masked %eq3A_11 : memref<1x16x1025xf32, #tpu.memory_space<vmem>>[vector<16xi32>, vector<16xi32>, vector<16xi32>], vector<16xf32>, vector<16xi1>
      %gather3A_659 = arith.constant 8192 : i32
      %gather3A_660 = tpu.memref_slice %arg5[%gather3A_659] : memref<65536xf32, #tpu.memory_space<vmem>> -> memref<4096xf32, #tpu.memory_space<vmem>>
      %gather3A_661 = tpu.vector_load_idx %gather3A_660[%get3A_623] : memref<4096xf32, #tpu.memory_space<vmem>>[vector<16xi32>], vector<16xf32>,
      %mul3A_662 = arith.mulf %gather3A_661, %select_n3A : vector<16xf32>
      %swap3A_663 = arith.constant 0 : i32
      %swap3A_664 = arith.constant 2 : i32
      %swap3A_665 = arith.index_cast %swap3A_663 : i32 to index
      %swap3A_666 = arith.index_cast %swap3A_664 : i32 to index
      %swap3A_667 = arith.constant 0 : index
      %swap3A_668 = tpu.vector_load %arg7[%swap3A_665, %swap3A_666, %swap3A_667] {strides = array<i32>} : memref<1x16x1025xf32, #tpu.memory_space<vmem>>, vector<16xf32>,
      tpu.vector_store %arg7[%swap3A_665, %swap3A_666, %swap3A_667], %mul3A_662 {strides = array<i32>} : memref<1x16x1025xf32, #tpu.memory_space<vmem>>, vector<16xf32>,
      %gather3A_669 = arith.constant 8192 : i32
      %gather3A_670 = tpu.memref_slice %arg5[%gather3A_669] : memref<65536xf32, #tpu.memory_space<vmem>> -> memref<4096xf32, #tpu.memory_space<vmem>>
      %gather3A_671 = tpu.vector_load_idx %gather3A_670[%get3A_626] : memref<4096xf32, #tpu.memory_space<vmem>>[vector<16xi32>], vector<16xf32>,
      %add3A_672 = arith.constant 2 : i32
      %add3A_673 = vector.broadcast %add3A_672 : i32 to vector<16xi32>
      %add3A_674 = arith.addi %broadcast_in_dim3A_3, %add3A_673 : vector<16xi32>
      tpu.vector_store_idx %arg7[%broadcast_in_dim3A_3, %add3A_674, %broadcast_in_dim3A_13], %gather3A_671 masked %eq3A_11 : memref<1x16x1025xf32, #tpu.memory_space<vmem>>[vector<16xi32>, vector<16xi32>, vector<16xi32>], vector<16xf32>, vector<16xi1>
      %gather3A_675 = arith.constant 12288 : i32
      %gather3A_676 = tpu.memref_slice %arg5[%gather3A_675] : memref<65536xf32, #tpu.memory_space<vmem>> -> memref<4096xf32, #tpu.memory_space<vmem>>
      %gather3A_677 = tpu.vector_load_idx %gather3A_676[%get3A_623] : memref<4096xf32, #tpu.memory_space<vmem>>[vector<16xi32>], vector<16xf32>,
      %mul3A_678 = arith.mulf %gather3A_677, %select_n3A : vector<16xf32>
      %swap3A_679 = arith.constant 0 : i32
      %swap3A_680 = arith.constant 3 : i32
      %swap3A_681 = arith.index_cast %swap3A_679 : i32 to index
      %swap3A_682 = arith.index_cast %swap3A_680 : i32 to index
      %swap3A_683 = arith.constant 0 : index
      %swap3A_684 = tpu.vector_load %arg7[%swap3A_681, %swap3A_682, %swap3A_683] {strides = array<i32>} : memref<1x16x1025xf32, #tpu.memory_space<vmem>>, vector<16xf32>,
      tpu.vector_store %arg7[%swap3A_681, %swap3A_682, %swap3A_683], %mul3A_678 {strides = array<i32>} : memref<1x16x1025xf32, #tpu.memory_space<vmem>>, vector<16xf32>,
      %gather3A_685 = arith.constant 12288 : i32
      %gather3A_686 = tpu.memref_slice %arg5[%gather3A_685] : memref<65536xf32, #tpu.memory_space<vmem>> -> memref<4096xf32, #tpu.memory_space<vmem>>
      %gather3A_687 = tpu.vector_load_idx %gather3A_686[%get3A_626] : memref<4096xf32, #tpu.memory_space<vmem>>[vector<16xi32>], vector<16xf32>,
      %add3A_688 = arith.constant 3 : i32
      %add3A_689 = vector.broadcast %add3A_688 : i32 to vector<16xi32>
      %add3A_690 = arith.addi %broadcast_in_dim3A_3, %add3A_689 : vector<16xi32>
      tpu.vector_store_idx %arg7[%broadcast_in_dim3A_3, %add3A_690, %broadcast_in_dim3A_13], %gather3A_687 masked %eq3A_11 : memref<1x16x1025xf32, #tpu.memory_space<vmem>>[vector<16xi32>, vector<16xi32>, vector<16xi32>], vector<16xf32>, vector<16xi1>
      %gather3A_691 = arith.constant 16384 : i32
      %gather3A_692 = tpu.memref_slice %arg5[%gather3A_691] : memref<65536xf32, #tpu.memory_space<vmem>> -> memref<4096xf32, #tpu.memory_space<vmem>>
      %gather3A_693 = tpu.vector_load_idx %gather3A_692[%get3A_623] : memref<4096xf32, #tpu.memory_space<vmem>>[vector<16xi32>], vector<16xf32>,
      %mul3A_694 = arith.mulf %gather3A_693, %select_n3A : vector<16xf32>
      %swap3A_695 = arith.constant 0 : i32
      %swap3A_696 = arith.constant 4 : i32
      %swap3A_697 = arith.index_cast %swap3A_695 : i32 to index
      %swap3A_698 = arith.index_cast %swap3A_696 : i32 to index
      %swap3A_699 = arith.constant 0 : index
      %swap3A_700 = tpu.vector_load %arg7[%swap3A_697, %swap3A_698, %swap3A_699] {strides = array<i32>} : memref<1x16x1025xf32, #tpu.memory_space<vmem>>, vector<16xf32>,
      tpu.vector_store %arg7[%swap3A_697, %swap3A_698, %swap3A_699], %mul3A_694 {strides = array<i32>} : memref<1x16x1025xf32, #tpu.memory_space<vmem>>, vector<16xf32>,
      %gather3A_701 = arith.constant 16384 : i32
      %gather3A_702 = tpu.memref_slice %arg5[%gather3A_701] : memref<65536xf32, #tpu.memory_space<vmem>> -> memref<4096xf32, #tpu.memory_space<vmem>>
      %gather3A_703 = tpu.vector_load_idx %gather3A_702[%get3A_626] : memref<4096xf32, #tpu.memory_space<vmem>>[vector<16xi32>], vector<16xf32>,
      %add3A_704 = arith.constant 4 : i32
      %add3A_705 = vector.broadcast %add3A_704 : i32 to vector<16xi32>
      %add3A_706 = arith.addi %broadcast_in_dim3A_3, %add3A_705 : vector<16xi32>
      tpu.vector_store_idx %arg7[%broadcast_in_dim3A_3, %add3A_706, %broadcast_in_dim3A_13], %gather3A_703 masked %eq3A_11 : memref<1x16x1025xf32, #tpu.memory_space<vmem>>[vector<16xi32>, vector<16xi32>, vector<16xi32>], vector<16xf32>, vector<16xi1>
      %gather3A_707 = arith.constant 20480 : i32
      %gather3A_708 = tpu.memref_slice %arg5[%gather3A_707] : memref<65536xf32, #tpu.memory_space<vmem>> -> memref<4096xf32, #tpu.memory_space<vmem>>
      %gather3A_709 = tpu.vector_load_idx %gather3A_708[%get3A_623] : memref<4096xf32, #tpu.memory_space<vmem>>[vector<16xi32>], vector<16xf32>,
      %mul3A_710 = arith.mulf %gather3A_709, %select_n3A : vector<16xf32>
      %swap3A_711 = arith.constant 0 : i32
      %swap3A_712 = arith.constant 5 : i32
      %swap3A_713 = arith.index_cast %swap3A_711 : i32 to index
      %swap3A_714 = arith.index_cast %swap3A_712 : i32 to index
      %swap3A_715 = arith.constant 0 : index
      %swap3A_716 = tpu.vector_load %arg7[%swap3A_713, %swap3A_714, %swap3A_715] {strides = array<i32>} : memref<1x16x1025xf32, #tpu.memory_space<vmem>>, vector<16xf32>,
      tpu.vector_store %arg7[%swap3A_713, %swap3A_714, %swap3A_715], %mul3A_710 {strides = array<i32>} : memref<1x16x1025xf32, #tpu.memory_space<vmem>>, vector<16xf32>,
      %gather3A_717 = arith.constant 20480 : i32
      %gather3A_718 = tpu.memref_slice %arg5[%gather3A_717] : memref<65536xf32, #tpu.memory_space<vmem>> -> memref<4096xf32, #tpu.memory_space<vmem>>
      %gather3A_719 = tpu.vector_load_idx %gather3A_718[%get3A_626] : memref<4096xf32, #tpu.memory_space<vmem>>[vector<16xi32>], vector<16xf32>,
      %add3A_720 = arith.constant 5 : i32
      %add3A_721 = vector.broadcast %add3A_720 : i32 to vector<16xi32>
      %add3A_722 = arith.addi %broadcast_in_dim3A_3, %add3A_721 : vector<16xi32>
      tpu.vector_store_idx %arg7[%broadcast_in_dim3A_3, %add3A_722, %broadcast_in_dim3A_13], %gather3A_719 masked %eq3A_11 : memref<1x16x1025xf32, #tpu.memory_space<vmem>>[vector<16xi32>, vector<16xi32>, vector<16xi32>], vector<16xf32>, vector<16xi1>
      %gather3A_723 = arith.constant 24576 : i32
      %gather3A_724 = tpu.memref_slice %arg5[%gather3A_723] : memref<65536xf32, #tpu.memory_space<vmem>> -> memref<4096xf32, #tpu.memory_space<vmem>>
      %gather3A_725 = tpu.vector_load_idx %gather3A_724[%get3A_623] : memref<4096xf32, #tpu.memory_space<vmem>>[vector<16xi32>], vector<16xf32>,
      %mul3A_726 = arith.mulf %gather3A_725, %select_n3A : vector<16xf32>
      %swap3A_727 = arith.constant 0 : i32
      %swap3A_728 = arith.constant 6 : i32
      %swap3A_729 = arith.index_cast %swap3A_727 : i32 to index
      %swap3A_730 = arith.index_cast %swap3A_728 : i32 to index
      %swap3A_731 = arith.constant 0 : index
      %swap3A_732 = tpu.vector_load %arg7[%swap3A_729, %swap3A_730, %swap3A_731] {strides = array<i32>} : memref<1x16x1025xf32, #tpu.memory_space<vmem>>, vector<16xf32>,
      tpu.vector_store %arg7[%swap3A_729, %swap3A_730, %swap3A_731], %mul3A_726 {strides = array<i32>} : memref<1x16x1025xf32, #tpu.memory_space<vmem>>, vector<16xf32>,
      %gather3A_733 = arith.constant 24576 : i32
      %gather3A_734 = tpu.memref_slice %arg5[%gather3A_733] : memref<65536xf32, #tpu.memory_space<vmem>> -> memref<4096xf32, #tpu.memory_space<vmem>>
      %gather3A_735 = tpu.vector_load_idx %gather3A_734[%get3A_626] : memref<4096xf32, #tpu.memory_space<vmem>>[vector<16xi32>], vector<16xf32>,
      %add3A_736 = arith.constant 6 : i32
      %add3A_737 = vector.broadcast %add3A_736 : i32 to vector<16xi32>
      %add3A_738 = arith.addi %broadcast_in_dim3A_3, %add3A_737 : vector<16xi32>
      tpu.vector_store_idx %arg7[%broadcast_in_dim3A_3, %add3A_738, %broadcast_in_dim3A_13], %gather3A_735 masked %eq3A_11 : memref<1x16x1025xf32, #tpu.memory_space<vmem>>[vector<16xi32>, vector<16xi32>, vector<16xi32>], vector<16xf32>, vector<16xi1>
      %gather3A_739 = arith.constant 28672 : i32
      %gather3A_740 = tpu.memref_slice %arg5[%gather3A_739] : memref<65536xf32, #tpu.memory_space<vmem>> -> memref<4096xf32, #tpu.memory_space<vmem>>
      %gather3A_741 = tpu.vector_load_idx %gather3A_740[%get3A_623] : memref<4096xf32, #tpu.memory_space<vmem>>[vector<16xi32>], vector<16xf32>,
      %mul3A_742 = arith.mulf %gather3A_741, %select_n3A : vector<16xf32>
      %swap3A_743 = arith.constant 0 : i32
      %swap3A_744 = arith.constant 7 : i32
      %swap3A_745 = arith.index_cast %swap3A_743 : i32 to index
      %swap3A_746 = arith.index_cast %swap3A_744 : i32 to index
      %swap3A_747 = arith.constant 0 : index
      %swap3A_748 = tpu.vector_load %arg7[%swap3A_745, %swap3A_746, %swap3A_747] {strides = array<i32>} : memref<1x16x1025xf32, #tpu.memory_space<vmem>>, vector<16xf32>,
      tpu.vector_store %arg7[%swap3A_745, %swap3A_746, %swap3A_747], %mul3A_742 {strides = array<i32>} : memref<1x16x1025xf32, #tpu.memory_space<vmem>>, vector<16xf32>,
      %gather3A_749 = arith.constant 28672 : i32
      %gather3A_750 = tpu.memref_slice %arg5[%gather3A_749] : memref<65536xf32, #tpu.memory_space<vmem>> -> memref<4096xf32, #tpu.memory_space<vmem>>
      %gather3A_751 = tpu.vector_load_idx %gather3A_750[%get3A_626] : memref<4096xf32, #tpu.memory_space<vmem>>[vector<16xi32>], vector<16xf32>,
      %add3A_752 = arith.constant 7 : i32
      %add3A_753 = vector.broadcast %add3A_752 : i32 to vector<16xi32>
      %add3A_754 = arith.addi %broadcast_in_dim3A_3, %add3A_753 : vector<16xi32>
      tpu.vector_store_idx %arg7[%broadcast_in_dim3A_3, %add3A_754, %broadcast_in_dim3A_13], %gather3A_751 masked %eq3A_11 : memref<1x16x1025xf32, #tpu.memory_space<vmem>>[vector<16xi32>, vector<16xi32>, vector<16xi32>], vector<16xf32>, vector<16xi1>
      %gather3A_755 = arith.constant 32768 : i32
      %gather3A_756 = tpu.memref_slice %arg5[%gather3A_755] : memref<65536xf32, #tpu.memory_space<vmem>> -> memref<4096xf32, #tpu.memory_space<vmem>>
      %gather3A_757 = tpu.vector_load_idx %gather3A_756[%get3A_623] : memref<4096xf32, #tpu.memory_space<vmem>>[vector<16xi32>], vector<16xf32>,
      %mul3A_758 = arith.mulf %gather3A_757, %select_n3A : vector<16xf32>
      %swap3A_759 = arith.constant 0 : i32
      %swap3A_760 = arith.constant 8 : i32
      %swap3A_761 = arith.index_cast %swap3A_759 : i32 to index
      %swap3A_762 = arith.index_cast %swap3A_760 : i32 to index
      %swap3A_763 = arith.constant 0 : index
      %swap3A_764 = tpu.vector_load %arg7[%swap3A_761, %swap3A_762, %swap3A_763] {strides = array<i32>} : memref<1x16x1025xf32, #tpu.memory_space<vmem>>, vector<16xf32>,
      tpu.vector_store %arg7[%swap3A_761, %swap3A_762, %swap3A_763], %mul3A_758 {strides = array<i32>} : memref<1x16x1025xf32, #tpu.memory_space<vmem>>, vector<16xf32>,
      %gather3A_765 = arith.constant 32768 : i32
      %gather3A_766 = tpu.memref_slice %arg5[%gather3A_765] : memref<65536xf32, #tpu.memory_space<vmem>> -> memref<4096xf32, #tpu.memory_space<vmem>>
      %gather3A_767 = tpu.vector_load_idx %gather3A_766[%get3A_626] : memref<4096xf32, #tpu.memory_space<vmem>>[vector<16xi32>], vector<16xf32>,
      %add3A_768 = arith.constant 8 : i32
      %add3A_769 = vector.broadcast %add3A_768 : i32 to vector<16xi32>
      %add3A_770 = arith.addi %broadcast_in_dim3A_3, %add3A_769 : vector<16xi32>
      tpu.vector_store_idx %arg7[%broadcast_in_dim3A_3, %add3A_770, %broadcast_in_dim3A_13], %gather3A_767 masked %eq3A_11 : memref<1x16x1025xf32, #tpu.memory_space<vmem>>[vector<16xi32>, vector<16xi32>, vector<16xi32>], vector<16xf32>, vector<16xi1>
      %gather3A_771 = arith.constant 36864 : i32
      %gather3A_772 = tpu.memref_slice %arg5[%gather3A_771] : memref<65536xf32, #tpu.memory_space<vmem>> -> memref<4096xf32, #tpu.memory_space<vmem>>
      %gather3A_773 = tpu.vector_load_idx %gather3A_772[%get3A_623] : memref<4096xf32, #tpu.memory_space<vmem>>[vector<16xi32>], vector<16xf32>,
      %mul3A_774 = arith.mulf %gather3A_773, %select_n3A : vector<16xf32>
      %swap3A_775 = arith.constant 0 : i32
      %swap3A_776 = arith.constant 9 : i32
      %swap3A_777 = arith.index_cast %swap3A_775 : i32 to index
      %swap3A_778 = arith.index_cast %swap3A_776 : i32 to index
      %swap3A_779 = arith.constant 0 : index
      %swap3A_780 = tpu.vector_load %arg7[%swap3A_777, %swap3A_778, %swap3A_779] {strides = array<i32>} : memref<1x16x1025xf32, #tpu.memory_space<vmem>>, vector<16xf32>,
      tpu.vector_store %arg7[%swap3A_777, %swap3A_778, %swap3A_779], %mul3A_774 {strides = array<i32>} : memref<1x16x1025xf32, #tpu.memory_space<vmem>>, vector<16xf32>,
      %gather3A_781 = arith.constant 36864 : i32
      %gather3A_782 = tpu.memref_slice %arg5[%gather3A_781] : memref<65536xf32, #tpu.memory_space<vmem>> -> memref<4096xf32, #tpu.memory_space<vmem>>
      %gather3A_783 = tpu.vector_load_idx %gather3A_782[%get3A_626] : memref<4096xf32, #tpu.memory_space<vmem>>[vector<16xi32>], vector<16xf32>,
      %add3A_784 = arith.constant 9 : i32
      %add3A_785 = vector.broadcast %add3A_784 : i32 to vector<16xi32>
      %add3A_786 = arith.addi %broadcast_in_dim3A_3, %add3A_785 : vector<16xi32>
      tpu.vector_store_idx %arg7[%broadcast_in_dim3A_3, %add3A_786, %broadcast_in_dim3A_13], %gather3A_783 masked %eq3A_11 : memref<1x16x1025xf32, #tpu.memory_space<vmem>>[vector<16xi32>, vector<16xi32>, vector<16xi32>], vector<16xf32>, vector<16xi1>
      %gather3A_787 = arith.constant 40960 : i32
      %gather3A_788 = tpu.memref_slice %arg5[%gather3A_787] : memref<65536xf32, #tpu.memory_space<vmem>> -> memref<4096xf32, #tpu.memory_space<vmem>>
      %gather3A_789 = tpu.vector_load_idx %gather3A_788[%get3A_623] : memref<4096xf32, #tpu.memory_space<vmem>>[vector<16xi32>], vector<16xf32>,
      %mul3A_790 = arith.mulf %gather3A_789, %select_n3A : vector<16xf32>
      %swap3A_791 = arith.constant 0 : i32
      %swap3A_792 = arith.constant 10 : i32
      %swap3A_793 = arith.index_cast %swap3A_791 : i32 to index
      %swap3A_794 = arith.index_cast %swap3A_792 : i32 to index
      %swap3A_795 = arith.constant 0 : index
      %swap3A_796 = tpu.vector_load %arg7[%swap3A_793, %swap3A_794, %swap3A_795] {strides = array<i32>} : memref<1x16x1025xf32, #tpu.memory_space<vmem>>, vector<16xf32>,
      tpu.vector_store %arg7[%swap3A_793, %swap3A_794, %swap3A_795], %mul3A_790 {strides = array<i32>} : memref<1x16x1025xf32, #tpu.memory_space<vmem>>, vector<16xf32>,
      %gather3A_797 = arith.constant 40960 : i32
      %gather3A_798 = tpu.memref_slice %arg5[%gather3A_797] : memref<65536xf32, #tpu.memory_space<vmem>> -> memref<4096xf32, #tpu.memory_space<vmem>>
      %gather3A_799 = tpu.vector_load_idx %gather3A_798[%get3A_626] : memref<4096xf32, #tpu.memory_space<vmem>>[vector<16xi32>], vector<16xf32>,
      %add3A_800 = arith.constant 10 : i32
      %add3A_801 = vector.broadcast %add3A_800 : i32 to vector<16xi32>
      %add3A_802 = arith.addi %broadcast_in_dim3A_3, %add3A_801 : vector<16xi32>
      tpu.vector_store_idx %arg7[%broadcast_in_dim3A_3, %add3A_802, %broadcast_in_dim3A_13], %gather3A_799 masked %eq3A_11 : memref<1x16x1025xf32, #tpu.memory_space<vmem>>[vector<16xi32>, vector<16xi32>, vector<16xi32>], vector<16xf32>, vector<16xi1>
      %gather3A_803 = arith.constant 45056 : i32
      %gather3A_804 = tpu.memref_slice %arg5[%gather3A_803] : memref<65536xf32, #tpu.memory_space<vmem>> -> memref<4096xf32, #tpu.memory_space<vmem>>
      %gather3A_805 = tpu.vector_load_idx %gather3A_804[%get3A_623] : memref<4096xf32, #tpu.memory_space<vmem>>[vector<16xi32>], vector<16xf32>,
      %mul3A_806 = arith.mulf %gather3A_805, %select_n3A : vector<16xf32>
      %swap3A_807 = arith.constant 0 : i32
      %swap3A_808 = arith.constant 11 : i32
      %swap3A_809 = arith.index_cast %swap3A_807 : i32 to index
      %swap3A_810 = arith.index_cast %swap3A_808 : i32 to index
      %swap3A_811 = arith.constant 0 : index
      %swap3A_812 = tpu.vector_load %arg7[%swap3A_809, %swap3A_810, %swap3A_811] {strides = array<i32>} : memref<1x16x1025xf32, #tpu.memory_space<vmem>>, vector<16xf32>,
      tpu.vector_store %arg7[%swap3A_809, %swap3A_810, %swap3A_811], %mul3A_806 {strides = array<i32>} : memref<1x16x1025xf32, #tpu.memory_space<vmem>>, vector<16xf32>,
      %gather3A_813 = arith.constant 45056 : i32
      %gather3A_814 = tpu.memref_slice %arg5[%gather3A_813] : memref<65536xf32, #tpu.memory_space<vmem>> -> memref<4096xf32, #tpu.memory_space<vmem>>
      %gather3A_815 = tpu.vector_load_idx %gather3A_814[%get3A_626] : memref<4096xf32, #tpu.memory_space<vmem>>[vector<16xi32>], vector<16xf32>,
      %add3A_816 = arith.constant 11 : i32
      %add3A_817 = vector.broadcast %add3A_816 : i32 to vector<16xi32>
      %add3A_818 = arith.addi %broadcast_in_dim3A_3, %add3A_817 : vector<16xi32>
      tpu.vector_store_idx %arg7[%broadcast_in_dim3A_3, %add3A_818, %broadcast_in_dim3A_13], %gather3A_815 masked %eq3A_11 : memref<1x16x1025xf32, #tpu.memory_space<vmem>>[vector<16xi32>, vector<16xi32>, vector<16xi32>], vector<16xf32>, vector<16xi1>
      %gather3A_819 = arith.constant 49152 : i32
      %gather3A_820 = tpu.memref_slice %arg5[%gather3A_819] : memref<65536xf32, #tpu.memory_space<vmem>> -> memref<4096xf32, #tpu.memory_space<vmem>>
      %gather3A_821 = tpu.vector_load_idx %gather3A_820[%get3A_623] : memref<4096xf32, #tpu.memory_space<vmem>>[vector<16xi32>], vector<16xf32>,
      %mul3A_822 = arith.mulf %gather3A_821, %select_n3A : vector<16xf32>
      %swap3A_823 = arith.constant 0 : i32
      %swap3A_824 = arith.constant 12 : i32
      %swap3A_825 = arith.index_cast %swap3A_823 : i32 to index
      %swap3A_826 = arith.index_cast %swap3A_824 : i32 to index
      %swap3A_827 = arith.constant 0 : index
      %swap3A_828 = tpu.vector_load %arg7[%swap3A_825, %swap3A_826, %swap3A_827] {strides = array<i32>} : memref<1x16x1025xf32, #tpu.memory_space<vmem>>, vector<16xf32>,
      tpu.vector_store %arg7[%swap3A_825, %swap3A_826, %swap3A_827], %mul3A_822 {strides = array<i32>} : memref<1x16x1025xf32, #tpu.memory_space<vmem>>, vector<16xf32>,
      %gather3A_829 = arith.constant 49152 : i32
      %gather3A_830 = tpu.memref_slice %arg5[%gather3A_829] : memref<65536xf32, #tpu.memory_space<vmem>> -> memref<4096xf32, #tpu.memory_space<vmem>>
      %gather3A_831 = tpu.vector_load_idx %gather3A_830[%get3A_626] : memref<4096xf32, #tpu.memory_space<vmem>>[vector<16xi32>], vector<16xf32>,
      %add3A_832 = arith.constant 12 : i32
      %add3A_833 = vector.broadcast %add3A_832 : i32 to vector<16xi32>
      %add3A_834 = arith.addi %broadcast_in_dim3A_3, %add3A_833 : vector<16xi32>
      tpu.vector_store_idx %arg7[%broadcast_in_dim3A_3, %add3A_834, %broadcast_in_dim3A_13], %gather3A_831 masked %eq3A_11 : memref<1x16x1025xf32, #tpu.memory_space<vmem>>[vector<16xi32>, vector<16xi32>, vector<16xi32>], vector<16xf32>, vector<16xi1>
      %gather3A_835 = arith.constant 53248 : i32
      %gather3A_836 = tpu.memref_slice %arg5[%gather3A_835] : memref<65536xf32, #tpu.memory_space<vmem>> -> memref<4096xf32, #tpu.memory_space<vmem>>
      %gather3A_837 = tpu.vector_load_idx %gather3A_836[%get3A_623] : memref<4096xf32, #tpu.memory_space<vmem>>[vector<16xi32>], vector<16xf32>,
      %mul3A_838 = arith.mulf %gather3A_837, %select_n3A : vector<16xf32>
      %swap3A_839 = arith.constant 0 : i32
      %swap3A_840 = arith.constant 13 : i32
      %swap3A_841 = arith.index_cast %swap3A_839 : i32 to index
      %swap3A_842 = arith.index_cast %swap3A_840 : i32 to index
      %swap3A_843 = arith.constant 0 : index
      %swap3A_844 = tpu.vector_load %arg7[%swap3A_841, %swap3A_842, %swap3A_843] {strides = array<i32>} : memref<1x16x1025xf32, #tpu.memory_space<vmem>>, vector<16xf32>,
      tpu.vector_store %arg7[%swap3A_841, %swap3A_842, %swap3A_843], %mul3A_838 {strides = array<i32>} : memref<1x16x1025xf32, #tpu.memory_space<vmem>>, vector<16xf32>,
      %gather3A_845 = arith.constant 53248 : i32
      %gather3A_846 = tpu.memref_slice %arg5[%gather3A_845] : memref<65536xf32, #tpu.memory_space<vmem>> -> memref<4096xf32, #tpu.memory_space<vmem>>
      %gather3A_847 = tpu.vector_load_idx %gather3A_846[%get3A_626] : memref<4096xf32, #tpu.memory_space<vmem>>[vector<16xi32>], vector<16xf32>,
      %add3A_848 = arith.constant 13 : i32
      %add3A_849 = vector.broadcast %add3A_848 : i32 to vector<16xi32>
      %add3A_850 = arith.addi %broadcast_in_dim3A_3, %add3A_849 : vector<16xi32>
      tpu.vector_store_idx %arg7[%broadcast_in_dim3A_3, %add3A_850, %broadcast_in_dim3A_13], %gather3A_847 masked %eq3A_11 : memref<1x16x1025xf32, #tpu.memory_space<vmem>>[vector<16xi32>, vector<16xi32>, vector<16xi32>], vector<16xf32>, vector<16xi1>
      %gather3A_851 = arith.constant 57344 : i32
      %gather3A_852 = tpu.memref_slice %arg5[%gather3A_851] : memref<65536xf32, #tpu.memory_space<vmem>> -> memref<4096xf32, #tpu.memory_space<vmem>>
      %gather3A_853 = tpu.vector_load_idx %gather3A_852[%get3A_623] : memref<4096xf32, #tpu.memory_space<vmem>>[vector<16xi32>], vector<16xf32>,
      %mul3A_854 = arith.mulf %gather3A_853, %select_n3A : vector<16xf32>
      %swap3A_855 = arith.constant 0 : i32
      %swap3A_856 = arith.constant 14 : i32
      %swap3A_857 = arith.index_cast %swap3A_855 : i32 to index
      %swap3A_858 = arith.index_cast %swap3A_856 : i32 to index
      %swap3A_859 = arith.constant 0 : index
      %swap3A_860 = tpu.vector_load %arg7[%swap3A_857, %swap3A_858, %swap3A_859] {strides = array<i32>} : memref<1x16x1025xf32, #tpu.memory_space<vmem>>, vector<16xf32>,
      tpu.vector_store %arg7[%swap3A_857, %swap3A_858, %swap3A_859], %mul3A_854 {strides = array<i32>} : memref<1x16x1025xf32, #tpu.memory_space<vmem>>, vector<16xf32>,
      %gather3A_861 = arith.constant 57344 : i32
      %gather3A_862 = tpu.memref_slice %arg5[%gather3A_861] : memref<65536xf32, #tpu.memory_space<vmem>> -> memref<4096xf32, #tpu.memory_space<vmem>>
      %gather3A_863 = tpu.vector_load_idx %gather3A_862[%get3A_626] : memref<4096xf32, #tpu.memory_space<vmem>>[vector<16xi32>], vector<16xf32>,
      %add3A_864 = arith.constant 14 : i32
      %add3A_865 = vector.broadcast %add3A_864 : i32 to vector<16xi32>
      %add3A_866 = arith.addi %broadcast_in_dim3A_3, %add3A_865 : vector<16xi32>
      tpu.vector_store_idx %arg7[%broadcast_in_dim3A_3, %add3A_866, %broadcast_in_dim3A_13], %gather3A_863 masked %eq3A_11 : memref<1x16x1025xf32, #tpu.memory_space<vmem>>[vector<16xi32>, vector<16xi32>, vector<16xi32>], vector<16xf32>, vector<16xi1>
      %gather3A_867 = arith.constant 61440 : i32
      %gather3A_868 = tpu.memref_slice %arg5[%gather3A_867] : memref<65536xf32, #tpu.memory_space<vmem>> -> memref<4096xf32, #tpu.memory_space<vmem>>
      %gather3A_869 = tpu.vector_load_idx %gather3A_868[%get3A_623] : memref<4096xf32, #tpu.memory_space<vmem>>[vector<16xi32>], vector<16xf32>,
      %mul3A_870 = arith.mulf %gather3A_869, %select_n3A : vector<16xf32>
      %swap3A_871 = arith.constant 0 : i32
      %swap3A_872 = arith.constant 15 : i32
      %swap3A_873 = arith.index_cast %swap3A_871 : i32 to index
      %swap3A_874 = arith.index_cast %swap3A_872 : i32 to index
      %swap3A_875 = arith.constant 0 : index
      %swap3A_876 = tpu.vector_load %arg7[%swap3A_873, %swap3A_874, %swap3A_875] {strides = array<i32>} : memref<1x16x1025xf32, #tpu.memory_space<vmem>>, vector<16xf32>,
      tpu.vector_store %arg7[%swap3A_873, %swap3A_874, %swap3A_875], %mul3A_870 {strides = array<i32>} : memref<1x16x1025xf32, #tpu.memory_space<vmem>>, vector<16xf32>,
      %gather3A_877 = arith.constant 61440 : i32
      %gather3A_878 = tpu.memref_slice %arg5[%gather3A_877] : memref<65536xf32, #tpu.memory_space<vmem>> -> memref<4096xf32, #tpu.memory_space<vmem>>
      %gather3A_879 = tpu.vector_load_idx %gather3A_878[%get3A_626] : memref<4096xf32, #tpu.memory_space<vmem>>[vector<16xi32>], vector<16xf32>,
      %add3A_880 = arith.constant 15 : i32
      %add3A_881 = vector.broadcast %add3A_880 : i32 to vector<16xi32>
      %add3A_882 = arith.addi %broadcast_in_dim3A_3, %add3A_881 : vector<16xi32>
      tpu.vector_store_idx %arg7[%broadcast_in_dim3A_3, %add3A_882, %broadcast_in_dim3A_13], %gather3A_879 masked %eq3A_11 : memref<1x16x1025xf32, #tpu.memory_space<vmem>>[vector<16xi32>, vector<16xi32>, vector<16xi32>], vector<16xf32>, vector<16xi1>
      %dma_start3A_883 = arith.constant 0 : i32
      %dma_start3A_884 = arith.constant 0 : i32
      %dma_start3A_885 = tpu.memref_slice %arg4[%add3A_590, %dma_start3A_883, %dma_start3A_884] : memref<1025x16x1025xf32, #tpu.memory_space<hbm>> -> memref<1x16x1025xf32, #tpu.memory_space<hbm>>
      %dma_start3A_886 = arith.constant 0 : i32
      %dma_start3A_887 = arith.constant 0 : i32
      %dma_start3A_888 = tpu.memref_slice %arg4[%add3A_590, %dma_start3A_886, %dma_start3A_887] : memref<1025x16x1025xf32, #tpu.memory_space<hbm>> -> memref<1x16x1025xf32, #tpu.memory_space<hbm>>
      tpu.enqueue_dma source(%arg7 : memref<1x16x1025xf32, #tpu.memory_space<vmem>>) target(%dma_start3A_888 : memref<1x16x1025xf32, #tpu.memory_space<hbm>>) target_semaphore(%arg9 : memref<!tpu.dma_semaphore, #tpu.memory_space<semaphore_mem>>)
      %dma_wait3A_889 = arith.constant 0 : i32
      %dma_wait3A_890 = arith.constant 0 : i32
      %dma_wait3A_891 = arith.constant 0 : i32
      %dma_wait3A_892 = tpu.memref_slice %arg4[%dma_wait3A_889, %dma_wait3A_890, %dma_wait3A_891] : memref<1025x16x1025xf32, #tpu.memory_space<hbm>> -> memref<1x16x1025xf32, #tpu.memory_space<hbm>>
      %dma_wait3A_893 = arith.constant 0 : i32
      %dma_wait3A_894 = arith.constant 0 : i32
      %dma_wait3A_895 = arith.constant 0 : i32
      %dma_wait3A_896 = tpu.memref_slice %arg4[%dma_wait3A_893, %dma_wait3A_894, %dma_wait3A_895] : memref<1025x16x1025xf32, #tpu.memory_space<hbm>> -> memref<1x16x1025xf32, #tpu.memory_space<hbm>>
      tpu.wait_dma2 semaphore(%arg10 : memref<!tpu.dma_semaphore, #tpu.memory_space<semaphore_mem>>) src(%arg8 : memref<1x16x1025xf32, #tpu.memory_space<vmem>>) dst(%dma_wait3A_896 : memref<1x16x1025xf32, #tpu.memory_space<hbm>>)
      %add3A_897 = arith.constant 1 : i32
      %add3A_898 = arith.addi %select_n3A_604, %add3A_897 : i32
      %parallel_loop3A_899 = arith.constant 1 : i32
      %parallel_loop3A_900 = arith.constant 64 : i32
      %parallel_loop3A_901 = arith.constant 1 : i32
      scf.for %parallel_loop3A_1172 = %parallel_loop3A_899 to %parallel_loop3A_900 step %parallel_loop3A_901  : i32 {
        %parallel_loop3A_1173 = arith.constant 16 : i32
        %parallel_loop3A_1174 = arith.muli %parallel_loop3A_1172, %parallel_loop3A_1173 : i32
        %parallel_loop3A_1175 = arith.index_cast %add3A_898 : i32 to index
        %parallel_loop3A_1176 = arith.index_cast %parallel_loop3A_1174 : i32 to index
        %parallel_loop3A_1177 = tpu.vector_load %arg6[%parallel_loop3A_1175, %parallel_loop3A_1176] {strides = array<i32>} : memref<8x1040xi32, #tpu.memory_space<vmem>>, vector<16xi32>,
        %parallel_loop3A_1178 = arith.constant 0 : i32
        %parallel_loop3A_1179 = tpu.memref_slice %arg5[%parallel_loop3A_1178] : memref<65536xf32, #tpu.memory_space<vmem>> -> memref<4096xf32, #tpu.memory_space<vmem>>
        %parallel_loop3A_1180 = tpu.vector_load_idx %parallel_loop3A_1179[%parallel_loop3A_1177] : memref<4096xf32, #tpu.memory_space<vmem>>[vector<16xi32>], vector<16xf32>,
        %parallel_loop3A_1181 = arith.constant 16 : i32
        %parallel_loop3A_1182 = arith.muli %parallel_loop3A_1172, %parallel_loop3A_1181 : i32
        %parallel_loop3A_1183 = arith.constant 0 : i32
        %parallel_loop3A_1184 = arith.constant 0 : i32
        %parallel_loop3A_1185 = arith.index_cast %parallel_loop3A_1183 : i32 to index
        %parallel_loop3A_1186 = arith.index_cast %parallel_loop3A_1184 : i32 to index
        %parallel_loop3A_1187 = arith.index_cast %parallel_loop3A_1182 : i32 to index
        %parallel_loop3A_1188 = tpu.vector_load %arg8[%parallel_loop3A_1185, %parallel_loop3A_1186, %parallel_loop3A_1187] {strides = array<i32>} : memref<1x16x1025xf32, #tpu.memory_space<vmem>>, vector<16xf32>,
        tpu.vector_store %arg8[%parallel_loop3A_1185, %parallel_loop3A_1186, %parallel_loop3A_1187], %parallel_loop3A_1180 {strides = array<i32>} : memref<1x16x1025xf32, #tpu.memory_space<vmem>>, vector<16xf32>,
        %parallel_loop3A_1189 = arith.constant 4096 : i32
        %parallel_loop3A_1190 = tpu.memref_slice %arg5[%parallel_loop3A_1189] : memref<65536xf32, #tpu.memory_space<vmem>> -> memref<4096xf32, #tpu.memory_space<vmem>>
        %parallel_loop3A_1191 = tpu.vector_load_idx %parallel_loop3A_1190[%parallel_loop3A_1177] : memref<4096xf32, #tpu.memory_space<vmem>>[vector<16xi32>], vector<16xf32>,
        %parallel_loop3A_1192 = arith.constant 16 : i32
        %parallel_loop3A_1193 = arith.muli %parallel_loop3A_1172, %parallel_loop3A_1192 : i32
        %parallel_loop3A_1194 = arith.constant 0 : i32
        %parallel_loop3A_1195 = arith.constant 1 : i32
        %parallel_loop3A_1196 = arith.index_cast %parallel_loop3A_1194 : i32 to index
        %parallel_loop3A_1197 = arith.index_cast %parallel_loop3A_1195 : i32 to index
        %parallel_loop3A_1198 = arith.index_cast %parallel_loop3A_1193 : i32 to index
        %parallel_loop3A_1199 = tpu.vector_load %arg8[%parallel_loop3A_1196, %parallel_loop3A_1197, %parallel_loop3A_1198] {strides = array<i32>} : memref<1x16x1025xf32, #tpu.memory_space<vmem>>, vector<16xf32>,
        tpu.vector_store %arg8[%parallel_loop3A_1196, %parallel_loop3A_1197, %parallel_loop3A_1198], %parallel_loop3A_1191 {strides = array<i32>} : memref<1x16x1025xf32, #tpu.memory_space<vmem>>, vector<16xf32>,
        %parallel_loop3A_1200 = arith.constant 8192 : i32
        %parallel_loop3A_1201 = tpu.memref_slice %arg5[%parallel_loop3A_1200] : memref<65536xf32, #tpu.memory_space<vmem>> -> memref<4096xf32, #tpu.memory_space<vmem>>
        %parallel_loop3A_1202 = tpu.vector_load_idx %parallel_loop3A_1201[%parallel_loop3A_1177] : memref<4096xf32, #tpu.memory_space<vmem>>[vector<16xi32>], vector<16xf32>,
        %parallel_loop3A_1203 = arith.constant 16 : i32
        %parallel_loop3A_1204 = arith.muli %parallel_loop3A_1172, %parallel_loop3A_1203 : i32
        %parallel_loop3A_1205 = arith.constant 0 : i32
        %parallel_loop3A_1206 = arith.constant 2 : i32
        %parallel_loop3A_1207 = arith.index_cast %parallel_loop3A_1205 : i32 to index
        %parallel_loop3A_1208 = arith.index_cast %parallel_loop3A_1206 : i32 to index
        %parallel_loop3A_1209 = arith.index_cast %parallel_loop3A_1204 : i32 to index
        %parallel_loop3A_1210 = tpu.vector_load %arg8[%parallel_loop3A_1207, %parallel_loop3A_1208, %parallel_loop3A_1209] {strides = array<i32>} : memref<1x16x1025xf32, #tpu.memory_space<vmem>>, vector<16xf32>,
        tpu.vector_store %arg8[%parallel_loop3A_1207, %parallel_loop3A_1208, %parallel_loop3A_1209], %parallel_loop3A_1202 {strides = array<i32>} : memref<1x16x1025xf32, #tpu.memory_space<vmem>>, vector<16xf32>,
        %parallel_loop3A_1211 = arith.constant 12288 : i32
        %parallel_loop3A_1212 = tpu.memref_slice %arg5[%parallel_loop3A_1211] : memref<65536xf32, #tpu.memory_space<vmem>> -> memref<4096xf32, #tpu.memory_space<vmem>>
        %parallel_loop3A_1213 = tpu.vector_load_idx %parallel_loop3A_1212[%parallel_loop3A_1177] : memref<4096xf32, #tpu.memory_space<vmem>>[vector<16xi32>], vector<16xf32>,
        %parallel_loop3A_1214 = arith.constant 16 : i32
        %parallel_loop3A_1215 = arith.muli %parallel_loop3A_1172, %parallel_loop3A_1214 : i32
        %parallel_loop3A_1216 = arith.constant 0 : i32
        %parallel_loop3A_1217 = arith.constant 3 : i32
        %parallel_loop3A_1218 = arith.index_cast %parallel_loop3A_1216 : i32 to index
        %parallel_loop3A_1219 = arith.index_cast %parallel_loop3A_1217 : i32 to index
        %parallel_loop3A_1220 = arith.index_cast %parallel_loop3A_1215 : i32 to index
        %parallel_loop3A_1221 = tpu.vector_load %arg8[%parallel_loop3A_1218, %parallel_loop3A_1219, %parallel_loop3A_1220] {strides = array<i32>} : memref<1x16x1025xf32, #tpu.memory_space<vmem>>, vector<16xf32>,
        tpu.vector_store %arg8[%parallel_loop3A_1218, %parallel_loop3A_1219, %parallel_loop3A_1220], %parallel_loop3A_1213 {strides = array<i32>} : memref<1x16x1025xf32, #tpu.memory_space<vmem>>, vector<16xf32>,
        %parallel_loop3A_1222 = arith.constant 16384 : i32
        %parallel_loop3A_1223 = tpu.memref_slice %arg5[%parallel_loop3A_1222] : memref<65536xf32, #tpu.memory_space<vmem>> -> memref<4096xf32, #tpu.memory_space<vmem>>
        %parallel_loop3A_1224 = tpu.vector_load_idx %parallel_loop3A_1223[%parallel_loop3A_1177] : memref<4096xf32, #tpu.memory_space<vmem>>[vector<16xi32>], vector<16xf32>,
        %parallel_loop3A_1225 = arith.constant 16 : i32
        %parallel_loop3A_1226 = arith.muli %parallel_loop3A_1172, %parallel_loop3A_1225 : i32
        %parallel_loop3A_1227 = arith.constant 0 : i32
        %parallel_loop3A_1228 = arith.constant 4 : i32
        %parallel_loop3A_1229 = arith.index_cast %parallel_loop3A_1227 : i32 to index
        %parallel_loop3A_1230 = arith.index_cast %parallel_loop3A_1228 : i32 to index
        %parallel_loop3A_1231 = arith.index_cast %parallel_loop3A_1226 : i32 to index
        %parallel_loop3A_1232 = tpu.vector_load %arg8[%parallel_loop3A_1229, %parallel_loop3A_1230, %parallel_loop3A_1231] {strides = array<i32>} : memref<1x16x1025xf32, #tpu.memory_space<vmem>>, vector<16xf32>,
        tpu.vector_store %arg8[%parallel_loop3A_1229, %parallel_loop3A_1230, %parallel_loop3A_1231], %parallel_loop3A_1224 {strides = array<i32>} : memref<1x16x1025xf32, #tpu.memory_space<vmem>>, vector<16xf32>,
        %parallel_loop3A_1233 = arith.constant 20480 : i32
        %parallel_loop3A_1234 = tpu.memref_slice %arg5[%parallel_loop3A_1233] : memref<65536xf32, #tpu.memory_space<vmem>> -> memref<4096xf32, #tpu.memory_space<vmem>>
        %parallel_loop3A_1235 = tpu.vector_load_idx %parallel_loop3A_1234[%parallel_loop3A_1177] : memref<4096xf32, #tpu.memory_space<vmem>>[vector<16xi32>], vector<16xf32>,
        %parallel_loop3A_1236 = arith.constant 16 : i32
        %parallel_loop3A_1237 = arith.muli %parallel_loop3A_1172, %parallel_loop3A_1236 : i32
        %parallel_loop3A_1238 = arith.constant 0 : i32
        %parallel_loop3A_1239 = arith.constant 5 : i32
        %parallel_loop3A_1240 = arith.index_cast %parallel_loop3A_1238 : i32 to index
        %parallel_loop3A_1241 = arith.index_cast %parallel_loop3A_1239 : i32 to index
        %parallel_loop3A_1242 = arith.index_cast %parallel_loop3A_1237 : i32 to index
        %parallel_loop3A_1243 = tpu.vector_load %arg8[%parallel_loop3A_1240, %parallel_loop3A_1241, %parallel_loop3A_1242] {strides = array<i32>} : memref<1x16x1025xf32, #tpu.memory_space<vmem>>, vector<16xf32>,
        tpu.vector_store %arg8[%parallel_loop3A_1240, %parallel_loop3A_1241, %parallel_loop3A_1242], %parallel_loop3A_1235 {strides = array<i32>} : memref<1x16x1025xf32, #tpu.memory_space<vmem>>, vector<16xf32>,
        %parallel_loop3A_1244 = arith.constant 24576 : i32
        %parallel_loop3A_1245 = tpu.memref_slice %arg5[%parallel_loop3A_1244] : memref<65536xf32, #tpu.memory_space<vmem>> -> memref<4096xf32, #tpu.memory_space<vmem>>
        %parallel_loop3A_1246 = tpu.vector_load_idx %parallel_loop3A_1245[%parallel_loop3A_1177] : memref<4096xf32, #tpu.memory_space<vmem>>[vector<16xi32>], vector<16xf32>,
        %parallel_loop3A_1247 = arith.constant 16 : i32
        %parallel_loop3A_1248 = arith.muli %parallel_loop3A_1172, %parallel_loop3A_1247 : i32
        %parallel_loop3A_1249 = arith.constant 0 : i32
        %parallel_loop3A_1250 = arith.constant 6 : i32
        %parallel_loop3A_1251 = arith.index_cast %parallel_loop3A_1249 : i32 to index
        %parallel_loop3A_1252 = arith.index_cast %parallel_loop3A_1250 : i32 to index
        %parallel_loop3A_1253 = arith.index_cast %parallel_loop3A_1248 : i32 to index
        %parallel_loop3A_1254 = tpu.vector_load %arg8[%parallel_loop3A_1251, %parallel_loop3A_1252, %parallel_loop3A_1253] {strides = array<i32>} : memref<1x16x1025xf32, #tpu.memory_space<vmem>>, vector<16xf32>,
        tpu.vector_store %arg8[%parallel_loop3A_1251, %parallel_loop3A_1252, %parallel_loop3A_1253], %parallel_loop3A_1246 {strides = array<i32>} : memref<1x16x1025xf32, #tpu.memory_space<vmem>>, vector<16xf32>,
        %parallel_loop3A_1255 = arith.constant 28672 : i32
        %parallel_loop3A_1256 = tpu.memref_slice %arg5[%parallel_loop3A_1255] : memref<65536xf32, #tpu.memory_space<vmem>> -> memref<4096xf32, #tpu.memory_space<vmem>>
        %parallel_loop3A_1257 = tpu.vector_load_idx %parallel_loop3A_1256[%parallel_loop3A_1177] : memref<4096xf32, #tpu.memory_space<vmem>>[vector<16xi32>], vector<16xf32>,
        %parallel_loop3A_1258 = arith.constant 16 : i32
        %parallel_loop3A_1259 = arith.muli %parallel_loop3A_1172, %parallel_loop3A_1258 : i32
        %parallel_loop3A_1260 = arith.constant 0 : i32
        %parallel_loop3A_1261 = arith.constant 7 : i32
        %parallel_loop3A_1262 = arith.index_cast %parallel_loop3A_1260 : i32 to index
        %parallel_loop3A_1263 = arith.index_cast %parallel_loop3A_1261 : i32 to index
        %parallel_loop3A_1264 = arith.index_cast %parallel_loop3A_1259 : i32 to index
        %parallel_loop3A_1265 = tpu.vector_load %arg8[%parallel_loop3A_1262, %parallel_loop3A_1263, %parallel_loop3A_1264] {strides = array<i32>} : memref<1x16x1025xf32, #tpu.memory_space<vmem>>, vector<16xf32>,
        tpu.vector_store %arg8[%parallel_loop3A_1262, %parallel_loop3A_1263, %parallel_loop3A_1264], %parallel_loop3A_1257 {strides = array<i32>} : memref<1x16x1025xf32, #tpu.memory_space<vmem>>, vector<16xf32>,
        %parallel_loop3A_1266 = arith.constant 32768 : i32
        %parallel_loop3A_1267 = tpu.memref_slice %arg5[%parallel_loop3A_1266] : memref<65536xf32, #tpu.memory_space<vmem>> -> memref<4096xf32, #tpu.memory_space<vmem>>
        %parallel_loop3A_1268 = tpu.vector_load_idx %parallel_loop3A_1267[%parallel_loop3A_1177] : memref<4096xf32, #tpu.memory_space<vmem>>[vector<16xi32>], vector<16xf32>,
        %parallel_loop3A_1269 = arith.constant 16 : i32
        %parallel_loop3A_1270 = arith.muli %parallel_loop3A_1172, %parallel_loop3A_1269 : i32
        %parallel_loop3A_1271 = arith.constant 0 : i32
        %parallel_loop3A_1272 = arith.constant 8 : i32
        %parallel_loop3A_1273 = arith.index_cast %parallel_loop3A_1271 : i32 to index
        %parallel_loop3A_1274 = arith.index_cast %parallel_loop3A_1272 : i32 to index
        %parallel_loop3A_1275 = arith.index_cast %parallel_loop3A_1270 : i32 to index
        %parallel_loop3A_1276 = tpu.vector_load %arg8[%parallel_loop3A_1273, %parallel_loop3A_1274, %parallel_loop3A_1275] {strides = array<i32>} : memref<1x16x1025xf32, #tpu.memory_space<vmem>>, vector<16xf32>,
        tpu.vector_store %arg8[%parallel_loop3A_1273, %parallel_loop3A_1274, %parallel_loop3A_1275], %parallel_loop3A_1268 {strides = array<i32>} : memref<1x16x1025xf32, #tpu.memory_space<vmem>>, vector<16xf32>,
        %parallel_loop3A_1277 = arith.constant 36864 : i32
        %parallel_loop3A_1278 = tpu.memref_slice %arg5[%parallel_loop3A_1277] : memref<65536xf32, #tpu.memory_space<vmem>> -> memref<4096xf32, #tpu.memory_space<vmem>>
        %parallel_loop3A_1279 = tpu.vector_load_idx %parallel_loop3A_1278[%parallel_loop3A_1177] : memref<4096xf32, #tpu.memory_space<vmem>>[vector<16xi32>], vector<16xf32>,
        %parallel_loop3A_1280 = arith.constant 16 : i32
        %parallel_loop3A_1281 = arith.muli %parallel_loop3A_1172, %parallel_loop3A_1280 : i32
        %parallel_loop3A_1282 = arith.constant 0 : i32
        %parallel_loop3A_1283 = arith.constant 9 : i32
        %parallel_loop3A_1284 = arith.index_cast %parallel_loop3A_1282 : i32 to index
        %parallel_loop3A_1285 = arith.index_cast %parallel_loop3A_1283 : i32 to index
        %parallel_loop3A_1286 = arith.index_cast %parallel_loop3A_1281 : i32 to index
        %parallel_loop3A_1287 = tpu.vector_load %arg8[%parallel_loop3A_1284, %parallel_loop3A_1285, %parallel_loop3A_1286] {strides = array<i32>} : memref<1x16x1025xf32, #tpu.memory_space<vmem>>, vector<16xf32>,
        tpu.vector_store %arg8[%parallel_loop3A_1284, %parallel_loop3A_1285, %parallel_loop3A_1286], %parallel_loop3A_1279 {strides = array<i32>} : memref<1x16x1025xf32, #tpu.memory_space<vmem>>, vector<16xf32>,
        %parallel_loop3A_1288 = arith.constant 40960 : i32
        %parallel_loop3A_1289 = tpu.memref_slice %arg5[%parallel_loop3A_1288] : memref<65536xf32, #tpu.memory_space<vmem>> -> memref<4096xf32, #tpu.memory_space<vmem>>
        %parallel_loop3A_1290 = tpu.vector_load_idx %parallel_loop3A_1289[%parallel_loop3A_1177] : memref<4096xf32, #tpu.memory_space<vmem>>[vector<16xi32>], vector<16xf32>,
        %parallel_loop3A_1291 = arith.constant 16 : i32
        %parallel_loop3A_1292 = arith.muli %parallel_loop3A_1172, %parallel_loop3A_1291 : i32
        %parallel_loop3A_1293 = arith.constant 0 : i32
        %parallel_loop3A_1294 = arith.constant 10 : i32
        %parallel_loop3A_1295 = arith.index_cast %parallel_loop3A_1293 : i32 to index
        %parallel_loop3A_1296 = arith.index_cast %parallel_loop3A_1294 : i32 to index
        %parallel_loop3A_1297 = arith.index_cast %parallel_loop3A_1292 : i32 to index
        %parallel_loop3A_1298 = tpu.vector_load %arg8[%parallel_loop3A_1295, %parallel_loop3A_1296, %parallel_loop3A_1297] {strides = array<i32>} : memref<1x16x1025xf32, #tpu.memory_space<vmem>>, vector<16xf32>,
        tpu.vector_store %arg8[%parallel_loop3A_1295, %parallel_loop3A_1296, %parallel_loop3A_1297], %parallel_loop3A_1290 {strides = array<i32>} : memref<1x16x1025xf32, #tpu.memory_space<vmem>>, vector<16xf32>,
        %parallel_loop3A_1299 = arith.constant 45056 : i32
        %parallel_loop3A_1300 = tpu.memref_slice %arg5[%parallel_loop3A_1299] : memref<65536xf32, #tpu.memory_space<vmem>> -> memref<4096xf32, #tpu.memory_space<vmem>>
        %parallel_loop3A_1301 = tpu.vector_load_idx %parallel_loop3A_1300[%parallel_loop3A_1177] : memref<4096xf32, #tpu.memory_space<vmem>>[vector<16xi32>], vector<16xf32>,
        %parallel_loop3A_1302 = arith.constant 16 : i32
        %parallel_loop3A_1303 = arith.muli %parallel_loop3A_1172, %parallel_loop3A_1302 : i32
        %parallel_loop3A_1304 = arith.constant 0 : i32
        %parallel_loop3A_1305 = arith.constant 11 : i32
        %parallel_loop3A_1306 = arith.index_cast %parallel_loop3A_1304 : i32 to index
        %parallel_loop3A_1307 = arith.index_cast %parallel_loop3A_1305 : i32 to index
        %parallel_loop3A_1308 = arith.index_cast %parallel_loop3A_1303 : i32 to index
        %parallel_loop3A_1309 = tpu.vector_load %arg8[%parallel_loop3A_1306, %parallel_loop3A_1307, %parallel_loop3A_1308] {strides = array<i32>} : memref<1x16x1025xf32, #tpu.memory_space<vmem>>, vector<16xf32>,
        tpu.vector_store %arg8[%parallel_loop3A_1306, %parallel_loop3A_1307, %parallel_loop3A_1308], %parallel_loop3A_1301 {strides = array<i32>} : memref<1x16x1025xf32, #tpu.memory_space<vmem>>, vector<16xf32>,
        %parallel_loop3A_1310 = arith.constant 49152 : i32
        %parallel_loop3A_1311 = tpu.memref_slice %arg5[%parallel_loop3A_1310] : memref<65536xf32, #tpu.memory_space<vmem>> -> memref<4096xf32, #tpu.memory_space<vmem>>
        %parallel_loop3A_1312 = tpu.vector_load_idx %parallel_loop3A_1311[%parallel_loop3A_1177] : memref<4096xf32, #tpu.memory_space<vmem>>[vector<16xi32>], vector<16xf32>,
        %parallel_loop3A_1313 = arith.constant 16 : i32
        %parallel_loop3A_1314 = arith.muli %parallel_loop3A_1172, %parallel_loop3A_1313 : i32
        %parallel_loop3A_1315 = arith.constant 0 : i32
        %parallel_loop3A_1316 = arith.constant 12 : i32
        %parallel_loop3A_1317 = arith.index_cast %parallel_loop3A_1315 : i32 to index
        %parallel_loop3A_1318 = arith.index_cast %parallel_loop3A_1316 : i32 to index
        %parallel_loop3A_1319 = arith.index_cast %parallel_loop3A_1314 : i32 to index
        %parallel_loop3A_1320 = tpu.vector_load %arg8[%parallel_loop3A_1317, %parallel_loop3A_1318, %parallel_loop3A_1319] {strides = array<i32>} : memref<1x16x1025xf32, #tpu.memory_space<vmem>>, vector<16xf32>,
        tpu.vector_store %arg8[%parallel_loop3A_1317, %parallel_loop3A_1318, %parallel_loop3A_1319], %parallel_loop3A_1312 {strides = array<i32>} : memref<1x16x1025xf32, #tpu.memory_space<vmem>>, vector<16xf32>,
        %parallel_loop3A_1321 = arith.constant 53248 : i32
        %parallel_loop3A_1322 = tpu.memref_slice %arg5[%parallel_loop3A_1321] : memref<65536xf32, #tpu.memory_space<vmem>> -> memref<4096xf32, #tpu.memory_space<vmem>>
        %parallel_loop3A_1323 = tpu.vector_load_idx %parallel_loop3A_1322[%parallel_loop3A_1177] : memref<4096xf32, #tpu.memory_space<vmem>>[vector<16xi32>], vector<16xf32>,
        %parallel_loop3A_1324 = arith.constant 16 : i32
        %parallel_loop3A_1325 = arith.muli %parallel_loop3A_1172, %parallel_loop3A_1324 : i32
        %parallel_loop3A_1326 = arith.constant 0 : i32
        %parallel_loop3A_1327 = arith.constant 13 : i32
        %parallel_loop3A_1328 = arith.index_cast %parallel_loop3A_1326 : i32 to index
        %parallel_loop3A_1329 = arith.index_cast %parallel_loop3A_1327 : i32 to index
        %parallel_loop3A_1330 = arith.index_cast %parallel_loop3A_1325 : i32 to index
        %parallel_loop3A_1331 = tpu.vector_load %arg8[%parallel_loop3A_1328, %parallel_loop3A_1329, %parallel_loop3A_1330] {strides = array<i32>} : memref<1x16x1025xf32, #tpu.memory_space<vmem>>, vector<16xf32>,
        tpu.vector_store %arg8[%parallel_loop3A_1328, %parallel_loop3A_1329, %parallel_loop3A_1330], %parallel_loop3A_1323 {strides = array<i32>} : memref<1x16x1025xf32, #tpu.memory_space<vmem>>, vector<16xf32>,
        %parallel_loop3A_1332 = arith.constant 57344 : i32
        %parallel_loop3A_1333 = tpu.memref_slice %arg5[%parallel_loop3A_1332] : memref<65536xf32, #tpu.memory_space<vmem>> -> memref<4096xf32, #tpu.memory_space<vmem>>
        %parallel_loop3A_1334 = tpu.vector_load_idx %parallel_loop3A_1333[%parallel_loop3A_1177] : memref<4096xf32, #tpu.memory_space<vmem>>[vector<16xi32>], vector<16xf32>,
        %parallel_loop3A_1335 = arith.constant 16 : i32
        %parallel_loop3A_1336 = arith.muli %parallel_loop3A_1172, %parallel_loop3A_1335 : i32
        %parallel_loop3A_1337 = arith.constant 0 : i32
        %parallel_loop3A_1338 = arith.constant 14 : i32
        %parallel_loop3A_1339 = arith.index_cast %parallel_loop3A_1337 : i32 to index
        %parallel_loop3A_1340 = arith.index_cast %parallel_loop3A_1338 : i32 to index
        %parallel_loop3A_1341 = arith.index_cast %parallel_loop3A_1336 : i32 to index
        %parallel_loop3A_1342 = tpu.vector_load %arg8[%parallel_loop3A_1339, %parallel_loop3A_1340, %parallel_loop3A_1341] {strides = array<i32>} : memref<1x16x1025xf32, #tpu.memory_space<vmem>>, vector<16xf32>,
        tpu.vector_store %arg8[%parallel_loop3A_1339, %parallel_loop3A_1340, %parallel_loop3A_1341], %parallel_loop3A_1334 {strides = array<i32>} : memref<1x16x1025xf32, #tpu.memory_space<vmem>>, vector<16xf32>,
        %parallel_loop3A_1343 = arith.constant 61440 : i32
        %parallel_loop3A_1344 = tpu.memref_slice %arg5[%parallel_loop3A_1343] : memref<65536xf32, #tpu.memory_space<vmem>> -> memref<4096xf32, #tpu.memory_space<vmem>>
        %parallel_loop3A_1345 = tpu.vector_load_idx %parallel_loop3A_1344[%parallel_loop3A_1177] : memref<4096xf32, #tpu.memory_space<vmem>>[vector<16xi32>], vector<16xf32>,
        %parallel_loop3A_1346 = arith.constant 16 : i32
        %parallel_loop3A_1347 = arith.muli %parallel_loop3A_1172, %parallel_loop3A_1346 : i32
        %parallel_loop3A_1348 = arith.constant 0 : i32
        %parallel_loop3A_1349 = arith.constant 15 : i32
        %parallel_loop3A_1350 = arith.index_cast %parallel_loop3A_1348 : i32 to index
        %parallel_loop3A_1351 = arith.index_cast %parallel_loop3A_1349 : i32 to index
        %parallel_loop3A_1352 = arith.index_cast %parallel_loop3A_1347 : i32 to index
        %parallel_loop3A_1353 = tpu.vector_load %arg8[%parallel_loop3A_1350, %parallel_loop3A_1351, %parallel_loop3A_1352] {strides = array<i32>} : memref<1x16x1025xf32, #tpu.memory_space<vmem>>, vector<16xf32>,
        tpu.vector_store %arg8[%parallel_loop3A_1350, %parallel_loop3A_1351, %parallel_loop3A_1352], %parallel_loop3A_1345 {strides = array<i32>} : memref<1x16x1025xf32, #tpu.memory_space<vmem>>, vector<16xf32>,
      } {sc.loop_unroll_factor = 4 : i64, sc.parallel_access}
      %get3A_902 = arith.index_cast %add3A_898 : i32 to index
      %get3A_903 = arith.constant 0 : index
      %get3A_904 = tpu.vector_load %arg6[%get3A_902, %get3A_903] {strides = array<i32>} : memref<8x1040xi32, #tpu.memory_space<vmem>>, vector<16xi32>,
      %get3A_905 = arith.index_cast %add3A_898 : i32 to index
      %get3A_906 = arith.constant 1024 : index
      %get3A_907 = tpu.vector_load %arg6[%get3A_905, %get3A_906] {strides = array<i32>} : memref<8x1040xi32, #tpu.memory_space<vmem>>, vector<16xi32>,
      %gather3A_908 = arith.constant 0 : i32
      %gather3A_909 = tpu.memref_slice %arg5[%gather3A_908] : memref<65536xf32, #tpu.memory_space<vmem>> -> memref<4096xf32, #tpu.memory_space<vmem>>
      %gather3A_910 = tpu.vector_load_idx %gather3A_909[%get3A_904] : memref<4096xf32, #tpu.memory_space<vmem>>[vector<16xi32>], vector<16xf32>,
      %mul3A_911 = arith.mulf %gather3A_910, %select_n3A : vector<16xf32>
      %swap3A_912 = arith.constant 0 : i32
      %swap3A_913 = arith.constant 0 : i32
      %swap3A_914 = arith.index_cast %swap3A_912 : i32 to index
      %swap3A_915 = arith.index_cast %swap3A_913 : i32 to index
      %swap3A_916 = arith.constant 0 : index
      %swap3A_917 = tpu.vector_load %arg8[%swap3A_914, %swap3A_915, %swap3A_916] {strides = array<i32>} : memref<1x16x1025xf32, #tpu.memory_space<vmem>>, vector<16xf32>,
      tpu.vector_store %arg8[%swap3A_914, %swap3A_915, %swap3A_916], %mul3A_911 {strides = array<i32>} : memref<1x16x1025xf32, #tpu.memory_space<vmem>>, vector<16xf32>,
      %gather3A_918 = arith.constant 0 : i32
      %gather3A_919 = tpu.memref_slice %arg5[%gather3A_918] : memref<65536xf32, #tpu.memory_space<vmem>> -> memref<4096xf32, #tpu.memory_space<vmem>>
      %gather3A_920 = tpu.vector_load_idx %gather3A_919[%get3A_907] : memref<4096xf32, #tpu.memory_space<vmem>>[vector<16xi32>], vector<16xf32>,
      %add3A_921 = arith.constant 0 : i32
      %add3A_922 = vector.broadcast %add3A_921 : i32 to vector<16xi32>
      %add3A_923 = arith.addi %broadcast_in_dim3A_3, %add3A_922 : vector<16xi32>
      tpu.vector_store_idx %arg8[%broadcast_in_dim3A_3, %add3A_923, %broadcast_in_dim3A_13], %gather3A_920 masked %eq3A_11 : memref<1x16x1025xf32, #tpu.memory_space<vmem>>[vector<16xi32>, vector<16xi32>, vector<16xi32>], vector<16xf32>, vector<16xi1>
      %gather3A_924 = arith.constant 4096 : i32
      %gather3A_925 = tpu.memref_slice %arg5[%gather3A_924] : memref<65536xf32, #tpu.memory_space<vmem>> -> memref<4096xf32, #tpu.memory_space<vmem>>
      %gather3A_926 = tpu.vector_load_idx %gather3A_925[%get3A_904] : memref<4096xf32, #tpu.memory_space<vmem>>[vector<16xi32>], vector<16xf32>,
      %mul3A_927 = arith.mulf %gather3A_926, %select_n3A : vector<16xf32>
      %swap3A_928 = arith.constant 0 : i32
      %swap3A_929 = arith.constant 1 : i32
      %swap3A_930 = arith.index_cast %swap3A_928 : i32 to index
      %swap3A_931 = arith.index_cast %swap3A_929 : i32 to index
      %swap3A_932 = arith.constant 0 : index
      %swap3A_933 = tpu.vector_load %arg8[%swap3A_930, %swap3A_931, %swap3A_932] {strides = array<i32>} : memref<1x16x1025xf32, #tpu.memory_space<vmem>>, vector<16xf32>,
      tpu.vector_store %arg8[%swap3A_930, %swap3A_931, %swap3A_932], %mul3A_927 {strides = array<i32>} : memref<1x16x1025xf32, #tpu.memory_space<vmem>>, vector<16xf32>,
      %gather3A_934 = arith.constant 4096 : i32
      %gather3A_935 = tpu.memref_slice %arg5[%gather3A_934] : memref<65536xf32, #tpu.memory_space<vmem>> -> memref<4096xf32, #tpu.memory_space<vmem>>
      %gather3A_936 = tpu.vector_load_idx %gather3A_935[%get3A_907] : memref<4096xf32, #tpu.memory_space<vmem>>[vector<16xi32>], vector<16xf32>,
      %add3A_937 = arith.constant 1 : i32
      %add3A_938 = vector.broadcast %add3A_937 : i32 to vector<16xi32>
      %add3A_939 = arith.addi %broadcast_in_dim3A_3, %add3A_938 : vector<16xi32>
      tpu.vector_store_idx %arg8[%broadcast_in_dim3A_3, %add3A_939, %broadcast_in_dim3A_13], %gather3A_936 masked %eq3A_11 : memref<1x16x1025xf32, #tpu.memory_space<vmem>>[vector<16xi32>, vector<16xi32>, vector<16xi32>], vector<16xf32>, vector<16xi1>
      %gather3A_940 = arith.constant 8192 : i32
      %gather3A_941 = tpu.memref_slice %arg5[%gather3A_940] : memref<65536xf32, #tpu.memory_space<vmem>> -> memref<4096xf32, #tpu.memory_space<vmem>>
      %gather3A_942 = tpu.vector_load_idx %gather3A_941[%get3A_904] : memref<4096xf32, #tpu.memory_space<vmem>>[vector<16xi32>], vector<16xf32>,
      %mul3A_943 = arith.mulf %gather3A_942, %select_n3A : vector<16xf32>
      %swap3A_944 = arith.constant 0 : i32
      %swap3A_945 = arith.constant 2 : i32
      %swap3A_946 = arith.index_cast %swap3A_944 : i32 to index
      %swap3A_947 = arith.index_cast %swap3A_945 : i32 to index
      %swap3A_948 = arith.constant 0 : index
      %swap3A_949 = tpu.vector_load %arg8[%swap3A_946, %swap3A_947, %swap3A_948] {strides = array<i32>} : memref<1x16x1025xf32, #tpu.memory_space<vmem>>, vector<16xf32>,
      tpu.vector_store %arg8[%swap3A_946, %swap3A_947, %swap3A_948], %mul3A_943 {strides = array<i32>} : memref<1x16x1025xf32, #tpu.memory_space<vmem>>, vector<16xf32>,
      %gather3A_950 = arith.constant 8192 : i32
      %gather3A_951 = tpu.memref_slice %arg5[%gather3A_950] : memref<65536xf32, #tpu.memory_space<vmem>> -> memref<4096xf32, #tpu.memory_space<vmem>>
      %gather3A_952 = tpu.vector_load_idx %gather3A_951[%get3A_907] : memref<4096xf32, #tpu.memory_space<vmem>>[vector<16xi32>], vector<16xf32>,
      %add3A_953 = arith.constant 2 : i32
      %add3A_954 = vector.broadcast %add3A_953 : i32 to vector<16xi32>
      %add3A_955 = arith.addi %broadcast_in_dim3A_3, %add3A_954 : vector<16xi32>
      tpu.vector_store_idx %arg8[%broadcast_in_dim3A_3, %add3A_955, %broadcast_in_dim3A_13], %gather3A_952 masked %eq3A_11 : memref<1x16x1025xf32, #tpu.memory_space<vmem>>[vector<16xi32>, vector<16xi32>, vector<16xi32>], vector<16xf32>, vector<16xi1>
      %gather3A_956 = arith.constant 12288 : i32
      %gather3A_957 = tpu.memref_slice %arg5[%gather3A_956] : memref<65536xf32, #tpu.memory_space<vmem>> -> memref<4096xf32, #tpu.memory_space<vmem>>
      %gather3A_958 = tpu.vector_load_idx %gather3A_957[%get3A_904] : memref<4096xf32, #tpu.memory_space<vmem>>[vector<16xi32>], vector<16xf32>,
      %mul3A_959 = arith.mulf %gather3A_958, %select_n3A : vector<16xf32>
      %swap3A_960 = arith.constant 0 : i32
      %swap3A_961 = arith.constant 3 : i32
      %swap3A_962 = arith.index_cast %swap3A_960 : i32 to index
      %swap3A_963 = arith.index_cast %swap3A_961 : i32 to index
      %swap3A_964 = arith.constant 0 : index
      %swap3A_965 = tpu.vector_load %arg8[%swap3A_962, %swap3A_963, %swap3A_964] {strides = array<i32>} : memref<1x16x1025xf32, #tpu.memory_space<vmem>>, vector<16xf32>,
      tpu.vector_store %arg8[%swap3A_962, %swap3A_963, %swap3A_964], %mul3A_959 {strides = array<i32>} : memref<1x16x1025xf32, #tpu.memory_space<vmem>>, vector<16xf32>,
      %gather3A_966 = arith.constant 12288 : i32
      %gather3A_967 = tpu.memref_slice %arg5[%gather3A_966] : memref<65536xf32, #tpu.memory_space<vmem>> -> memref<4096xf32, #tpu.memory_space<vmem>>
      %gather3A_968 = tpu.vector_load_idx %gather3A_967[%get3A_907] : memref<4096xf32, #tpu.memory_space<vmem>>[vector<16xi32>], vector<16xf32>,
      %add3A_969 = arith.constant 3 : i32
      %add3A_970 = vector.broadcast %add3A_969 : i32 to vector<16xi32>
      %add3A_971 = arith.addi %broadcast_in_dim3A_3, %add3A_970 : vector<16xi32>
      tpu.vector_store_idx %arg8[%broadcast_in_dim3A_3, %add3A_971, %broadcast_in_dim3A_13], %gather3A_968 masked %eq3A_11 : memref<1x16x1025xf32, #tpu.memory_space<vmem>>[vector<16xi32>, vector<16xi32>, vector<16xi32>], vector<16xf32>, vector<16xi1>
      %gather3A_972 = arith.constant 16384 : i32
      %gather3A_973 = tpu.memref_slice %arg5[%gather3A_972] : memref<65536xf32, #tpu.memory_space<vmem>> -> memref<4096xf32, #tpu.memory_space<vmem>>
      %gather3A_974 = tpu.vector_load_idx %gather3A_973[%get3A_904] : memref<4096xf32, #tpu.memory_space<vmem>>[vector<16xi32>], vector<16xf32>,
      %mul3A_975 = arith.mulf %gather3A_974, %select_n3A : vector<16xf32>
      %swap3A_976 = arith.constant 0 : i32
      %swap3A_977 = arith.constant 4 : i32
      %swap3A_978 = arith.index_cast %swap3A_976 : i32 to index
      %swap3A_979 = arith.index_cast %swap3A_977 : i32 to index
      %swap3A_980 = arith.constant 0 : index
      %swap3A_981 = tpu.vector_load %arg8[%swap3A_978, %swap3A_979, %swap3A_980] {strides = array<i32>} : memref<1x16x1025xf32, #tpu.memory_space<vmem>>, vector<16xf32>,
      tpu.vector_store %arg8[%swap3A_978, %swap3A_979, %swap3A_980], %mul3A_975 {strides = array<i32>} : memref<1x16x1025xf32, #tpu.memory_space<vmem>>, vector<16xf32>,
      %gather3A_982 = arith.constant 16384 : i32
      %gather3A_983 = tpu.memref_slice %arg5[%gather3A_982] : memref<65536xf32, #tpu.memory_space<vmem>> -> memref<4096xf32, #tpu.memory_space<vmem>>
      %gather3A_984 = tpu.vector_load_idx %gather3A_983[%get3A_907] : memref<4096xf32, #tpu.memory_space<vmem>>[vector<16xi32>], vector<16xf32>,
      %add3A_985 = arith.constant 4 : i32
      %add3A_986 = vector.broadcast %add3A_985 : i32 to vector<16xi32>
      %add3A_987 = arith.addi %broadcast_in_dim3A_3, %add3A_986 : vector<16xi32>
      tpu.vector_store_idx %arg8[%broadcast_in_dim3A_3, %add3A_987, %broadcast_in_dim3A_13], %gather3A_984 masked %eq3A_11 : memref<1x16x1025xf32, #tpu.memory_space<vmem>>[vector<16xi32>, vector<16xi32>, vector<16xi32>], vector<16xf32>, vector<16xi1>
      %gather3A_988 = arith.constant 20480 : i32
      %gather3A_989 = tpu.memref_slice %arg5[%gather3A_988] : memref<65536xf32, #tpu.memory_space<vmem>> -> memref<4096xf32, #tpu.memory_space<vmem>>
      %gather3A_990 = tpu.vector_load_idx %gather3A_989[%get3A_904] : memref<4096xf32, #tpu.memory_space<vmem>>[vector<16xi32>], vector<16xf32>,
      %mul3A_991 = arith.mulf %gather3A_990, %select_n3A : vector<16xf32>
      %swap3A_992 = arith.constant 0 : i32
      %swap3A_993 = arith.constant 5 : i32
      %swap3A_994 = arith.index_cast %swap3A_992 : i32 to index
      %swap3A_995 = arith.index_cast %swap3A_993 : i32 to index
      %swap3A_996 = arith.constant 0 : index
      %swap3A_997 = tpu.vector_load %arg8[%swap3A_994, %swap3A_995, %swap3A_996] {strides = array<i32>} : memref<1x16x1025xf32, #tpu.memory_space<vmem>>, vector<16xf32>,
      tpu.vector_store %arg8[%swap3A_994, %swap3A_995, %swap3A_996], %mul3A_991 {strides = array<i32>} : memref<1x16x1025xf32, #tpu.memory_space<vmem>>, vector<16xf32>,
      %gather3A_998 = arith.constant 20480 : i32
      %gather3A_999 = tpu.memref_slice %arg5[%gather3A_998] : memref<65536xf32, #tpu.memory_space<vmem>> -> memref<4096xf32, #tpu.memory_space<vmem>>
      %gather3A_1000 = tpu.vector_load_idx %gather3A_999[%get3A_907] : memref<4096xf32, #tpu.memory_space<vmem>>[vector<16xi32>], vector<16xf32>,
      %add3A_1001 = arith.constant 5 : i32
      %add3A_1002 = vector.broadcast %add3A_1001 : i32 to vector<16xi32>
      %add3A_1003 = arith.addi %broadcast_in_dim3A_3, %add3A_1002 : vector<16xi32>
      tpu.vector_store_idx %arg8[%broadcast_in_dim3A_3, %add3A_1003, %broadcast_in_dim3A_13], %gather3A_1000 masked %eq3A_11 : memref<1x16x1025xf32, #tpu.memory_space<vmem>>[vector<16xi32>, vector<16xi32>, vector<16xi32>], vector<16xf32>, vector<16xi1>
      %gather3A_1004 = arith.constant 24576 : i32
      %gather3A_1005 = tpu.memref_slice %arg5[%gather3A_1004] : memref<65536xf32, #tpu.memory_space<vmem>> -> memref<4096xf32, #tpu.memory_space<vmem>>
      %gather3A_1006 = tpu.vector_load_idx %gather3A_1005[%get3A_904] : memref<4096xf32, #tpu.memory_space<vmem>>[vector<16xi32>], vector<16xf32>,
      %mul3A_1007 = arith.mulf %gather3A_1006, %select_n3A : vector<16xf32>
      %swap3A_1008 = arith.constant 0 : i32
      %swap3A_1009 = arith.constant 6 : i32
      %swap3A_1010 = arith.index_cast %swap3A_1008 : i32 to index
      %swap3A_1011 = arith.index_cast %swap3A_1009 : i32 to index
      %swap3A_1012 = arith.constant 0 : index
      %swap3A_1013 = tpu.vector_load %arg8[%swap3A_1010, %swap3A_1011, %swap3A_1012] {strides = array<i32>} : memref<1x16x1025xf32, #tpu.memory_space<vmem>>, vector<16xf32>,
      tpu.vector_store %arg8[%swap3A_1010, %swap3A_1011, %swap3A_1012], %mul3A_1007 {strides = array<i32>} : memref<1x16x1025xf32, #tpu.memory_space<vmem>>, vector<16xf32>,
      %gather3A_1014 = arith.constant 24576 : i32
      %gather3A_1015 = tpu.memref_slice %arg5[%gather3A_1014] : memref<65536xf32, #tpu.memory_space<vmem>> -> memref<4096xf32, #tpu.memory_space<vmem>>
      %gather3A_1016 = tpu.vector_load_idx %gather3A_1015[%get3A_907] : memref<4096xf32, #tpu.memory_space<vmem>>[vector<16xi32>], vector<16xf32>,
      %add3A_1017 = arith.constant 6 : i32
      %add3A_1018 = vector.broadcast %add3A_1017 : i32 to vector<16xi32>
      %add3A_1019 = arith.addi %broadcast_in_dim3A_3, %add3A_1018 : vector<16xi32>
      tpu.vector_store_idx %arg8[%broadcast_in_dim3A_3, %add3A_1019, %broadcast_in_dim3A_13], %gather3A_1016 masked %eq3A_11 : memref<1x16x1025xf32, #tpu.memory_space<vmem>>[vector<16xi32>, vector<16xi32>, vector<16xi32>], vector<16xf32>, vector<16xi1>
      %gather3A_1020 = arith.constant 28672 : i32
      %gather3A_1021 = tpu.memref_slice %arg5[%gather3A_1020] : memref<65536xf32, #tpu.memory_space<vmem>> -> memref<4096xf32, #tpu.memory_space<vmem>>
      %gather3A_1022 = tpu.vector_load_idx %gather3A_1021[%get3A_904] : memref<4096xf32, #tpu.memory_space<vmem>>[vector<16xi32>], vector<16xf32>,
      %mul3A_1023 = arith.mulf %gather3A_1022, %select_n3A : vector<16xf32>
      %swap3A_1024 = arith.constant 0 : i32
      %swap3A_1025 = arith.constant 7 : i32
      %swap3A_1026 = arith.index_cast %swap3A_1024 : i32 to index
      %swap3A_1027 = arith.index_cast %swap3A_1025 : i32 to index
      %swap3A_1028 = arith.constant 0 : index
      %swap3A_1029 = tpu.vector_load %arg8[%swap3A_1026, %swap3A_1027, %swap3A_1028] {strides = array<i32>} : memref<1x16x1025xf32, #tpu.memory_space<vmem>>, vector<16xf32>,
      tpu.vector_store %arg8[%swap3A_1026, %swap3A_1027, %swap3A_1028], %mul3A_1023 {strides = array<i32>} : memref<1x16x1025xf32, #tpu.memory_space<vmem>>, vector<16xf32>,
      %gather3A_1030 = arith.constant 28672 : i32
      %gather3A_1031 = tpu.memref_slice %arg5[%gather3A_1030] : memref<65536xf32, #tpu.memory_space<vmem>> -> memref<4096xf32, #tpu.memory_space<vmem>>
      %gather3A_1032 = tpu.vector_load_idx %gather3A_1031[%get3A_907] : memref<4096xf32, #tpu.memory_space<vmem>>[vector<16xi32>], vector<16xf32>,
      %add3A_1033 = arith.constant 7 : i32
      %add3A_1034 = vector.broadcast %add3A_1033 : i32 to vector<16xi32>
      %add3A_1035 = arith.addi %broadcast_in_dim3A_3, %add3A_1034 : vector<16xi32>
      tpu.vector_store_idx %arg8[%broadcast_in_dim3A_3, %add3A_1035, %broadcast_in_dim3A_13], %gather3A_1032 masked %eq3A_11 : memref<1x16x1025xf32, #tpu.memory_space<vmem>>[vector<16xi32>, vector<16xi32>, vector<16xi32>], vector<16xf32>, vector<16xi1>
      %gather3A_1036 = arith.constant 32768 : i32
      %gather3A_1037 = tpu.memref_slice %arg5[%gather3A_1036] : memref<65536xf32, #tpu.memory_space<vmem>> -> memref<4096xf32, #tpu.memory_space<vmem>>
      %gather3A_1038 = tpu.vector_load_idx %gather3A_1037[%get3A_904] : memref<4096xf32, #tpu.memory_space<vmem>>[vector<16xi32>], vector<16xf32>,
      %mul3A_1039 = arith.mulf %gather3A_1038, %select_n3A : vector<16xf32>
      %swap3A_1040 = arith.constant 0 : i32
      %swap3A_1041 = arith.constant 8 : i32
      %swap3A_1042 = arith.index_cast %swap3A_1040 : i32 to index
      %swap3A_1043 = arith.index_cast %swap3A_1041 : i32 to index
      %swap3A_1044 = arith.constant 0 : index
      %swap3A_1045 = tpu.vector_load %arg8[%swap3A_1042, %swap3A_1043, %swap3A_1044] {strides = array<i32>} : memref<1x16x1025xf32, #tpu.memory_space<vmem>>, vector<16xf32>,
      tpu.vector_store %arg8[%swap3A_1042, %swap3A_1043, %swap3A_1044], %mul3A_1039 {strides = array<i32>} : memref<1x16x1025xf32, #tpu.memory_space<vmem>>, vector<16xf32>,
      %gather3A_1046 = arith.constant 32768 : i32
      %gather3A_1047 = tpu.memref_slice %arg5[%gather3A_1046] : memref<65536xf32, #tpu.memory_space<vmem>> -> memref<4096xf32, #tpu.memory_space<vmem>>
      %gather3A_1048 = tpu.vector_load_idx %gather3A_1047[%get3A_907] : memref<4096xf32, #tpu.memory_space<vmem>>[vector<16xi32>], vector<16xf32>,
      %add3A_1049 = arith.constant 8 : i32
      %add3A_1050 = vector.broadcast %add3A_1049 : i32 to vector<16xi32>
      %add3A_1051 = arith.addi %broadcast_in_dim3A_3, %add3A_1050 : vector<16xi32>
      tpu.vector_store_idx %arg8[%broadcast_in_dim3A_3, %add3A_1051, %broadcast_in_dim3A_13], %gather3A_1048 masked %eq3A_11 : memref<1x16x1025xf32, #tpu.memory_space<vmem>>[vector<16xi32>, vector<16xi32>, vector<16xi32>], vector<16xf32>, vector<16xi1>
      %gather3A_1052 = arith.constant 36864 : i32
      %gather3A_1053 = tpu.memref_slice %arg5[%gather3A_1052] : memref<65536xf32, #tpu.memory_space<vmem>> -> memref<4096xf32, #tpu.memory_space<vmem>>
      %gather3A_1054 = tpu.vector_load_idx %gather3A_1053[%get3A_904] : memref<4096xf32, #tpu.memory_space<vmem>>[vector<16xi32>], vector<16xf32>,
      %mul3A_1055 = arith.mulf %gather3A_1054, %select_n3A : vector<16xf32>
      %swap3A_1056 = arith.constant 0 : i32
      %swap3A_1057 = arith.constant 9 : i32
      %swap3A_1058 = arith.index_cast %swap3A_1056 : i32 to index
      %swap3A_1059 = arith.index_cast %swap3A_1057 : i32 to index
      %swap3A_1060 = arith.constant 0 : index
      %swap3A_1061 = tpu.vector_load %arg8[%swap3A_1058, %swap3A_1059, %swap3A_1060] {strides = array<i32>} : memref<1x16x1025xf32, #tpu.memory_space<vmem>>, vector<16xf32>,
      tpu.vector_store %arg8[%swap3A_1058, %swap3A_1059, %swap3A_1060], %mul3A_1055 {strides = array<i32>} : memref<1x16x1025xf32, #tpu.memory_space<vmem>>, vector<16xf32>,
      %gather3A_1062 = arith.constant 36864 : i32
      %gather3A_1063 = tpu.memref_slice %arg5[%gather3A_1062] : memref<65536xf32, #tpu.memory_space<vmem>> -> memref<4096xf32, #tpu.memory_space<vmem>>
      %gather3A_1064 = tpu.vector_load_idx %gather3A_1063[%get3A_907] : memref<4096xf32, #tpu.memory_space<vmem>>[vector<16xi32>], vector<16xf32>,
      %add3A_1065 = arith.constant 9 : i32
      %add3A_1066 = vector.broadcast %add3A_1065 : i32 to vector<16xi32>
      %add3A_1067 = arith.addi %broadcast_in_dim3A_3, %add3A_1066 : vector<16xi32>
      tpu.vector_store_idx %arg8[%broadcast_in_dim3A_3, %add3A_1067, %broadcast_in_dim3A_13], %gather3A_1064 masked %eq3A_11 : memref<1x16x1025xf32, #tpu.memory_space<vmem>>[vector<16xi32>, vector<16xi32>, vector<16xi32>], vector<16xf32>, vector<16xi1>
      %gather3A_1068 = arith.constant 40960 : i32
      %gather3A_1069 = tpu.memref_slice %arg5[%gather3A_1068] : memref<65536xf32, #tpu.memory_space<vmem>> -> memref<4096xf32, #tpu.memory_space<vmem>>
      %gather3A_1070 = tpu.vector_load_idx %gather3A_1069[%get3A_904] : memref<4096xf32, #tpu.memory_space<vmem>>[vector<16xi32>], vector<16xf32>,
      %mul3A_1071 = arith.mulf %gather3A_1070, %select_n3A : vector<16xf32>
      %swap3A_1072 = arith.constant 0 : i32
      %swap3A_1073 = arith.constant 10 : i32
      %swap3A_1074 = arith.index_cast %swap3A_1072 : i32 to index
      %swap3A_1075 = arith.index_cast %swap3A_1073 : i32 to index
      %swap3A_1076 = arith.constant 0 : index
      %swap3A_1077 = tpu.vector_load %arg8[%swap3A_1074, %swap3A_1075, %swap3A_1076] {strides = array<i32>} : memref<1x16x1025xf32, #tpu.memory_space<vmem>>, vector<16xf32>,
      tpu.vector_store %arg8[%swap3A_1074, %swap3A_1075, %swap3A_1076], %mul3A_1071 {strides = array<i32>} : memref<1x16x1025xf32, #tpu.memory_space<vmem>>, vector<16xf32>,
      %gather3A_1078 = arith.constant 40960 : i32
      %gather3A_1079 = tpu.memref_slice %arg5[%gather3A_1078] : memref<65536xf32, #tpu.memory_space<vmem>> -> memref<4096xf32, #tpu.memory_space<vmem>>
      %gather3A_1080 = tpu.vector_load_idx %gather3A_1079[%get3A_907] : memref<4096xf32, #tpu.memory_space<vmem>>[vector<16xi32>], vector<16xf32>,
      %add3A_1081 = arith.constant 10 : i32
      %add3A_1082 = vector.broadcast %add3A_1081 : i32 to vector<16xi32>
      %add3A_1083 = arith.addi %broadcast_in_dim3A_3, %add3A_1082 : vector<16xi32>
      tpu.vector_store_idx %arg8[%broadcast_in_dim3A_3, %add3A_1083, %broadcast_in_dim3A_13], %gather3A_1080 masked %eq3A_11 : memref<1x16x1025xf32, #tpu.memory_space<vmem>>[vector<16xi32>, vector<16xi32>, vector<16xi32>], vector<16xf32>, vector<16xi1>
      %gather3A_1084 = arith.constant 45056 : i32
      %gather3A_1085 = tpu.memref_slice %arg5[%gather3A_1084] : memref<65536xf32, #tpu.memory_space<vmem>> -> memref<4096xf32, #tpu.memory_space<vmem>>
      %gather3A_1086 = tpu.vector_load_idx %gather3A_1085[%get3A_904] : memref<4096xf32, #tpu.memory_space<vmem>>[vector<16xi32>], vector<16xf32>,
      %mul3A_1087 = arith.mulf %gather3A_1086, %select_n3A : vector<16xf32>
      %swap3A_1088 = arith.constant 0 : i32
      %swap3A_1089 = arith.constant 11 : i32
      %swap3A_1090 = arith.index_cast %swap3A_1088 : i32 to index
      %swap3A_1091 = arith.index_cast %swap3A_1089 : i32 to index
      %swap3A_1092 = arith.constant 0 : index
      %swap3A_1093 = tpu.vector_load %arg8[%swap3A_1090, %swap3A_1091, %swap3A_1092] {strides = array<i32>} : memref<1x16x1025xf32, #tpu.memory_space<vmem>>, vector<16xf32>,
      tpu.vector_store %arg8[%swap3A_1090, %swap3A_1091, %swap3A_1092], %mul3A_1087 {strides = array<i32>} : memref<1x16x1025xf32, #tpu.memory_space<vmem>>, vector<16xf32>,
      %gather3A_1094 = arith.constant 45056 : i32
      %gather3A_1095 = tpu.memref_slice %arg5[%gather3A_1094] : memref<65536xf32, #tpu.memory_space<vmem>> -> memref<4096xf32, #tpu.memory_space<vmem>>
      %gather3A_1096 = tpu.vector_load_idx %gather3A_1095[%get3A_907] : memref<4096xf32, #tpu.memory_space<vmem>>[vector<16xi32>], vector<16xf32>,
      %add3A_1097 = arith.constant 11 : i32
      %add3A_1098 = vector.broadcast %add3A_1097 : i32 to vector<16xi32>
      %add3A_1099 = arith.addi %broadcast_in_dim3A_3, %add3A_1098 : vector<16xi32>
      tpu.vector_store_idx %arg8[%broadcast_in_dim3A_3, %add3A_1099, %broadcast_in_dim3A_13], %gather3A_1096 masked %eq3A_11 : memref<1x16x1025xf32, #tpu.memory_space<vmem>>[vector<16xi32>, vector<16xi32>, vector<16xi32>], vector<16xf32>, vector<16xi1>
      %gather3A_1100 = arith.constant 49152 : i32
      %gather3A_1101 = tpu.memref_slice %arg5[%gather3A_1100] : memref<65536xf32, #tpu.memory_space<vmem>> -> memref<4096xf32, #tpu.memory_space<vmem>>
      %gather3A_1102 = tpu.vector_load_idx %gather3A_1101[%get3A_904] : memref<4096xf32, #tpu.memory_space<vmem>>[vector<16xi32>], vector<16xf32>,
      %mul3A_1103 = arith.mulf %gather3A_1102, %select_n3A : vector<16xf32>
      %swap3A_1104 = arith.constant 0 : i32
      %swap3A_1105 = arith.constant 12 : i32
      %swap3A_1106 = arith.index_cast %swap3A_1104 : i32 to index
      %swap3A_1107 = arith.index_cast %swap3A_1105 : i32 to index
      %swap3A_1108 = arith.constant 0 : index
      %swap3A_1109 = tpu.vector_load %arg8[%swap3A_1106, %swap3A_1107, %swap3A_1108] {strides = array<i32>} : memref<1x16x1025xf32, #tpu.memory_space<vmem>>, vector<16xf32>,
      tpu.vector_store %arg8[%swap3A_1106, %swap3A_1107, %swap3A_1108], %mul3A_1103 {strides = array<i32>} : memref<1x16x1025xf32, #tpu.memory_space<vmem>>, vector<16xf32>,
      %gather3A_1110 = arith.constant 49152 : i32
      %gather3A_1111 = tpu.memref_slice %arg5[%gather3A_1110] : memref<65536xf32, #tpu.memory_space<vmem>> -> memref<4096xf32, #tpu.memory_space<vmem>>
      %gather3A_1112 = tpu.vector_load_idx %gather3A_1111[%get3A_907] : memref<4096xf32, #tpu.memory_space<vmem>>[vector<16xi32>], vector<16xf32>,
      %add3A_1113 = arith.constant 12 : i32
      %add3A_1114 = vector.broadcast %add3A_1113 : i32 to vector<16xi32>
      %add3A_1115 = arith.addi %broadcast_in_dim3A_3, %add3A_1114 : vector<16xi32>
      tpu.vector_store_idx %arg8[%broadcast_in_dim3A_3, %add3A_1115, %broadcast_in_dim3A_13], %gather3A_1112 masked %eq3A_11 : memref<1x16x1025xf32, #tpu.memory_space<vmem>>[vector<16xi32>, vector<16xi32>, vector<16xi32>], vector<16xf32>, vector<16xi1>
      %gather3A_1116 = arith.constant 53248 : i32
      %gather3A_1117 = tpu.memref_slice %arg5[%gather3A_1116] : memref<65536xf32, #tpu.memory_space<vmem>> -> memref<4096xf32, #tpu.memory_space<vmem>>
      %gather3A_1118 = tpu.vector_load_idx %gather3A_1117[%get3A_904] : memref<4096xf32, #tpu.memory_space<vmem>>[vector<16xi32>], vector<16xf32>,
      %mul3A_1119 = arith.mulf %gather3A_1118, %select_n3A : vector<16xf32>
      %swap3A_1120 = arith.constant 0 : i32
      %swap3A_1121 = arith.constant 13 : i32
      %swap3A_1122 = arith.index_cast %swap3A_1120 : i32 to index
      %swap3A_1123 = arith.index_cast %swap3A_1121 : i32 to index
      %swap3A_1124 = arith.constant 0 : index
      %swap3A_1125 = tpu.vector_load %arg8[%swap3A_1122, %swap3A_1123, %swap3A_1124] {strides = array<i32>} : memref<1x16x1025xf32, #tpu.memory_space<vmem>>, vector<16xf32>,
      tpu.vector_store %arg8[%swap3A_1122, %swap3A_1123, %swap3A_1124], %mul3A_1119 {strides = array<i32>} : memref<1x16x1025xf32, #tpu.memory_space<vmem>>, vector<16xf32>,
      %gather3A_1126 = arith.constant 53248 : i32
      %gather3A_1127 = tpu.memref_slice %arg5[%gather3A_1126] : memref<65536xf32, #tpu.memory_space<vmem>> -> memref<4096xf32, #tpu.memory_space<vmem>>
      %gather3A_1128 = tpu.vector_load_idx %gather3A_1127[%get3A_907] : memref<4096xf32, #tpu.memory_space<vmem>>[vector<16xi32>], vector<16xf32>,
      %add3A_1129 = arith.constant 13 : i32
      %add3A_1130 = vector.broadcast %add3A_1129 : i32 to vector<16xi32>
      %add3A_1131 = arith.addi %broadcast_in_dim3A_3, %add3A_1130 : vector<16xi32>
      tpu.vector_store_idx %arg8[%broadcast_in_dim3A_3, %add3A_1131, %broadcast_in_dim3A_13], %gather3A_1128 masked %eq3A_11 : memref<1x16x1025xf32, #tpu.memory_space<vmem>>[vector<16xi32>, vector<16xi32>, vector<16xi32>], vector<16xf32>, vector<16xi1>
      %gather3A_1132 = arith.constant 57344 : i32
      %gather3A_1133 = tpu.memref_slice %arg5[%gather3A_1132] : memref<65536xf32, #tpu.memory_space<vmem>> -> memref<4096xf32, #tpu.memory_space<vmem>>
      %gather3A_1134 = tpu.vector_load_idx %gather3A_1133[%get3A_904] : memref<4096xf32, #tpu.memory_space<vmem>>[vector<16xi32>], vector<16xf32>,
      %mul3A_1135 = arith.mulf %gather3A_1134, %select_n3A : vector<16xf32>
      %swap3A_1136 = arith.constant 0 : i32
      %swap3A_1137 = arith.constant 14 : i32
      %swap3A_1138 = arith.index_cast %swap3A_1136 : i32 to index
      %swap3A_1139 = arith.index_cast %swap3A_1137 : i32 to index
      %swap3A_1140 = arith.constant 0 : index
      %swap3A_1141 = tpu.vector_load %arg8[%swap3A_1138, %swap3A_1139, %swap3A_1140] {strides = array<i32>} : memref<1x16x1025xf32, #tpu.memory_space<vmem>>, vector<16xf32>,
      tpu.vector_store %arg8[%swap3A_1138, %swap3A_1139, %swap3A_1140], %mul3A_1135 {strides = array<i32>} : memref<1x16x1025xf32, #tpu.memory_space<vmem>>, vector<16xf32>,
      %gather3A_1142 = arith.constant 57344 : i32
      %gather3A_1143 = tpu.memref_slice %arg5[%gather3A_1142] : memref<65536xf32, #tpu.memory_space<vmem>> -> memref<4096xf32, #tpu.memory_space<vmem>>
      %gather3A_1144 = tpu.vector_load_idx %gather3A_1143[%get3A_907] : memref<4096xf32, #tpu.memory_space<vmem>>[vector<16xi32>], vector<16xf32>,
      %add3A_1145 = arith.constant 14 : i32
      %add3A_1146 = vector.broadcast %add3A_1145 : i32 to vector<16xi32>
      %add3A_1147 = arith.addi %broadcast_in_dim3A_3, %add3A_1146 : vector<16xi32>
      tpu.vector_store_idx %arg8[%broadcast_in_dim3A_3, %add3A_1147, %broadcast_in_dim3A_13], %gather3A_1144 masked %eq3A_11 : memref<1x16x1025xf32, #tpu.memory_space<vmem>>[vector<16xi32>, vector<16xi32>, vector<16xi32>], vector<16xf32>, vector<16xi1>
      %gather3A_1148 = arith.constant 61440 : i32
      %gather3A_1149 = tpu.memref_slice %arg5[%gather3A_1148] : memref<65536xf32, #tpu.memory_space<vmem>> -> memref<4096xf32, #tpu.memory_space<vmem>>
      %gather3A_1150 = tpu.vector_load_idx %gather3A_1149[%get3A_904] : memref<4096xf32, #tpu.memory_space<vmem>>[vector<16xi32>], vector<16xf32>,
      %mul3A_1151 = arith.mulf %gather3A_1150, %select_n3A : vector<16xf32>
      %swap3A_1152 = arith.constant 0 : i32
      %swap3A_1153 = arith.constant 15 : i32
      %swap3A_1154 = arith.index_cast %swap3A_1152 : i32 to index
      %swap3A_1155 = arith.index_cast %swap3A_1153 : i32 to index
      %swap3A_1156 = arith.constant 0 : index
      %swap3A_1157 = tpu.vector_load %arg8[%swap3A_1154, %swap3A_1155, %swap3A_1156] {strides = array<i32>} : memref<1x16x1025xf32, #tpu.memory_space<vmem>>, vector<16xf32>,
      tpu.vector_store %arg8[%swap3A_1154, %swap3A_1155, %swap3A_1156], %mul3A_1151 {strides = array<i32>} : memref<1x16x1025xf32, #tpu.memory_space<vmem>>, vector<16xf32>,
      %gather3A_1158 = arith.constant 61440 : i32
      %gather3A_1159 = tpu.memref_slice %arg5[%gather3A_1158] : memref<65536xf32, #tpu.memory_space<vmem>> -> memref<4096xf32, #tpu.memory_space<vmem>>
      %gather3A_1160 = tpu.vector_load_idx %gather3A_1159[%get3A_907] : memref<4096xf32, #tpu.memory_space<vmem>>[vector<16xi32>], vector<16xf32>,
      %add3A_1161 = arith.constant 15 : i32
      %add3A_1162 = vector.broadcast %add3A_1161 : i32 to vector<16xi32>
      %add3A_1163 = arith.addi %broadcast_in_dim3A_3, %add3A_1162 : vector<16xi32>
      tpu.vector_store_idx %arg8[%broadcast_in_dim3A_3, %add3A_1163, %broadcast_in_dim3A_13], %gather3A_1160 masked %eq3A_11 : memref<1x16x1025xf32, #tpu.memory_space<vmem>>[vector<16xi32>, vector<16xi32>, vector<16xi32>], vector<16xf32>, vector<16xi1>
      %add3A_1164 = arith.constant 1 : i32
      %add3A_1165 = arith.addi %add3A_590, %add3A_1164 : i32
      %dma_start3A_1166 = arith.constant 0 : i32
      %dma_start3A_1167 = arith.constant 0 : i32
      %dma_start3A_1168 = tpu.memref_slice %arg4[%add3A_1165, %dma_start3A_1166, %dma_start3A_1167] : memref<1025x16x1025xf32, #tpu.memory_space<hbm>> -> memref<1x16x1025xf32, #tpu.memory_space<hbm>>
      %dma_start3A_1169 = arith.constant 0 : i32
      %dma_start3A_1170 = arith.constant 0 : i32
      %dma_start3A_1171 = tpu.memref_slice %arg4[%add3A_1165, %dma_start3A_1169, %dma_start3A_1170] : memref<1025x16x1025xf32, #tpu.memory_space<hbm>> -> memref<1x16x1025xf32, #tpu.memory_space<hbm>>
      tpu.enqueue_dma source(%arg8 : memref<1x16x1025xf32, #tpu.memory_space<vmem>>) target(%dma_start3A_1171 : memref<1x16x1025xf32, #tpu.memory_space<hbm>>) target_semaphore(%arg10 : memref<!tpu.dma_semaphore, #tpu.memory_space<semaphore_mem>>)
    }
    %scan3A_566 = arith.constant 15 : i32
    %dma_wait3A = arith.constant 0 : i32
    %dma_wait3A_567 = arith.constant 0 : i32
    %dma_wait3A_568 = arith.constant 0 : i32
    %dma_wait3A_569 = tpu.memref_slice %arg4[%dma_wait3A, %dma_wait3A_567, %dma_wait3A_568] : memref<1025x16x1025xf32, #tpu.memory_space<hbm>> -> memref<1x16x1025xf32, #tpu.memory_space<hbm>>
    %dma_wait3A_570 = arith.constant 0 : i32
    %dma_wait3A_571 = arith.constant 0 : i32
    %dma_wait3A_572 = arith.constant 0 : i32
    %dma_wait3A_573 = tpu.memref_slice %arg4[%dma_wait3A_570, %dma_wait3A_571, %dma_wait3A_572] : memref<1025x16x1025xf32, #tpu.memory_space<hbm>> -> memref<1x16x1025xf32, #tpu.memory_space<hbm>>
    tpu.wait_dma2 semaphore(%arg9 : memref<!tpu.dma_semaphore, #tpu.memory_space<semaphore_mem>>) src(%arg7 : memref<1x16x1025xf32, #tpu.memory_space<vmem>>) dst(%dma_wait3A_573 : memref<1x16x1025xf32, #tpu.memory_space<hbm>>)
    %dma_wait3A_574 = arith.constant 0 : i32
    %dma_wait3A_575 = arith.constant 0 : i32
    %dma_wait3A_576 = arith.constant 0 : i32
    %dma_wait3A_577 = tpu.memref_slice %arg4[%dma_wait3A_574, %dma_wait3A_575, %dma_wait3A_576] : memref<1025x16x1025xf32, #tpu.memory_space<hbm>> -> memref<1x16x1025xf32, #tpu.memory_space<hbm>>
    %dma_wait3A_578 = arith.constant 0 : i32
    %dma_wait3A_579 = arith.constant 0 : i32
    %dma_wait3A_580 = arith.constant 0 : i32
    %dma_wait3A_581 = tpu.memref_slice %arg4[%dma_wait3A_578, %dma_wait3A_579, %dma_wait3A_580] : memref<1025x16x1025xf32, #tpu.memory_space<hbm>> -> memref<1x16x1025xf32, #tpu.memory_space<hbm>>
    tpu.wait_dma2 semaphore(%arg10 : memref<!tpu.dma_semaphore, #tpu.memory_space<semaphore_mem>>) src(%arg8 : memref<1x16x1025xf32, #tpu.memory_space<vmem>>) dst(%dma_wait3A_581 : memref<1x16x1025xf32, #tpu.memory_space<hbm>>)
    %eq3A_582 = arith.constant 31 : i32
    %eq3A_583 = arith.cmpi eq, %add3A, %eq3A_582 : i32
    %convert_element_type3A_584 = arith.extui %eq3A_583 : i1 to i32
    %cond3A_585 = arith.constant 0 : i32
    %cond3A_586 = arith.cmpi ne, %convert_element_type3A_584, %cond3A_585 : i32
    scf.if %cond3A_586 {
      "tpu.region"() ({
        %run_scoped3A = tpu.sem_alloc : memref<!tpu.dma_semaphore, #tpu.memory_space<semaphore_mem>>
        %dma_start3A_854 = arith.constant 0 : i32
        %dma_start3A_855 = arith.constant 0 : i32
        %dma_start3A_856 = tpu.memref_slice %arg6[%dma_start3A_854, %dma_start3A_855] : memref<8x1040xi32, #tpu.memory_space<vmem>> -> memref<1x1040xi32, #tpu.memory_space<vmem>>
        %dma_start3A_857 = arith.constant 1024 : i32
        %dma_start3A_858 = arith.constant 0 : i32
        %dma_start3A_859 = tpu.memref_slice %arg3[%dma_start3A_857, %dma_start3A_858] : memref<1025x1040xi32, #tpu.memory_space<hbm>> -> memref<1x1040xi32, #tpu.memory_space<hbm>>
        %dma_start3A_860 = arith.constant 0 : i32
        %dma_start3A_861 = arith.constant 0 : i32
        %dma_start3A_862 = tpu.memref_slice %arg6[%dma_start3A_860, %dma_start3A_861] : memref<8x1040xi32, #tpu.memory_space<vmem>> -> memref<1x1040xi32, #tpu.memory_space<vmem>>
        %dma_start3A_863 = arith.constant 1024 : i32
        %dma_start3A_864 = arith.constant 0 : i32
        %dma_start3A_865 = tpu.memref_slice %arg3[%dma_start3A_863, %dma_start3A_864] : memref<1025x1040xi32, #tpu.memory_space<hbm>> -> memref<1x1040xi32, #tpu.memory_space<hbm>>
        tpu.enqueue_dma source(%dma_start3A_865 : memref<1x1040xi32, #tpu.memory_space<hbm>>) target(%dma_start3A_862 : memref<1x1040xi32, #tpu.memory_space<vmem>>) target_semaphore(%run_scoped3A : memref<!tpu.dma_semaphore, #tpu.memory_space<semaphore_mem>>)
        %dma_wait3A_866 = arith.constant 0 : i32
        %dma_wait3A_867 = arith.constant 0 : i32
        %dma_wait3A_868 = tpu.memref_slice %arg6[%dma_wait3A_866, %dma_wait3A_867] : memref<8x1040xi32, #tpu.memory_space<vmem>> -> memref<1x1040xi32, #tpu.memory_space<vmem>>
        %dma_wait3A_869 = arith.constant 1024 : i32
        %dma_wait3A_870 = arith.constant 0 : i32
        %dma_wait3A_871 = tpu.memref_slice %arg3[%dma_wait3A_869, %dma_wait3A_870] : memref<1025x1040xi32, #tpu.memory_space<hbm>> -> memref<1x1040xi32, #tpu.memory_space<hbm>>
        %dma_wait3A_872 = arith.constant 0 : i32
        %dma_wait3A_873 = arith.constant 0 : i32
        %dma_wait3A_874 = tpu.memref_slice %arg6[%dma_wait3A_872, %dma_wait3A_873] : memref<8x1040xi32, #tpu.memory_space<vmem>> -> memref<1x1040xi32, #tpu.memory_space<vmem>>
        %dma_wait3A_875 = arith.constant 1024 : i32
        %dma_wait3A_876 = arith.constant 0 : i32
        %dma_wait3A_877 = tpu.memref_slice %arg3[%dma_wait3A_875, %dma_wait3A_876] : memref<1025x1040xi32, #tpu.memory_space<hbm>> -> memref<1x1040xi32, #tpu.memory_space<hbm>>
        tpu.wait_dma2 semaphore(%run_scoped3A : memref<!tpu.dma_semaphore, #tpu.memory_space<semaphore_mem>>) src(%dma_wait3A_877 : memref<1x1040xi32, #tpu.memory_space<hbm>>) dst(%dma_wait3A_874 : memref<1x1040xi32, #tpu.memory_space<vmem>>)
        tpu.yield
      }) : () -> ()
      %parallel_loop3A_587 = arith.constant 1 : i32
      %parallel_loop3A_588 = arith.constant 64 : i32
      %parallel_loop3A_589 = arith.constant 1 : i32
      scf.for %parallel_loop3A_854 = %parallel_loop3A_587 to %parallel_loop3A_588 step %parallel_loop3A_589  : i32 {
        %parallel_loop3A_855 = arith.constant 16 : i32
        %parallel_loop3A_856 = arith.muli %parallel_loop3A_854, %parallel_loop3A_855 : i32
        %parallel_loop3A_857 = arith.constant 0 : i32
        %parallel_loop3A_858 = arith.index_cast %parallel_loop3A_857 : i32 to index
        %parallel_loop3A_859 = arith.index_cast %parallel_loop3A_856 : i32 to index
        %parallel_loop3A_860 = tpu.vector_load %arg6[%parallel_loop3A_858, %parallel_loop3A_859] {strides = array<i32>} : memref<8x1040xi32, #tpu.memory_space<vmem>>, vector<16xi32>,
        %parallel_loop3A_861 = arith.constant 0 : i32
        %parallel_loop3A_862 = tpu.memref_slice %arg5[%parallel_loop3A_861] : memref<65536xf32, #tpu.memory_space<vmem>> -> memref<4096xf32, #tpu.memory_space<vmem>>
        %parallel_loop3A_863 = tpu.vector_load_idx %parallel_loop3A_862[%parallel_loop3A_860] : memref<4096xf32, #tpu.memory_space<vmem>>[vector<16xi32>], vector<16xf32>,
        %parallel_loop3A_864 = arith.constant 16 : i32
        %parallel_loop3A_865 = arith.muli %parallel_loop3A_854, %parallel_loop3A_864 : i32
        %parallel_loop3A_866 = arith.constant 0 : i32
        %parallel_loop3A_867 = arith.constant 0 : i32
        %parallel_loop3A_868 = arith.index_cast %parallel_loop3A_866 : i32 to index
        %parallel_loop3A_869 = arith.index_cast %parallel_loop3A_867 : i32 to index
        %parallel_loop3A_870 = arith.index_cast %parallel_loop3A_865 : i32 to index
        %parallel_loop3A_871 = tpu.vector_load %arg7[%parallel_loop3A_868, %parallel_loop3A_869, %parallel_loop3A_870] {strides = array<i32>} : memref<1x16x1025xf32, #tpu.memory_space<vmem>>, vector<16xf32>,
        tpu.vector_store %arg7[%parallel_loop3A_868, %parallel_loop3A_869, %parallel_loop3A_870], %parallel_loop3A_863 {strides = array<i32>} : memref<1x16x1025xf32, #tpu.memory_space<vmem>>, vector<16xf32>,
        %parallel_loop3A_872 = arith.constant 4096 : i32
        %parallel_loop3A_873 = tpu.memref_slice %arg5[%parallel_loop3A_872] : memref<65536xf32, #tpu.memory_space<vmem>> -> memref<4096xf32, #tpu.memory_space<vmem>>
        %parallel_loop3A_874 = tpu.vector_load_idx %parallel_loop3A_873[%parallel_loop3A_860] : memref<4096xf32, #tpu.memory_space<vmem>>[vector<16xi32>], vector<16xf32>,
        %parallel_loop3A_875 = arith.constant 16 : i32
        %parallel_loop3A_876 = arith.muli %parallel_loop3A_854, %parallel_loop3A_875 : i32
        %parallel_loop3A_877 = arith.constant 0 : i32
        %parallel_loop3A_878 = arith.constant 1 : i32
        %parallel_loop3A_879 = arith.index_cast %parallel_loop3A_877 : i32 to index
        %parallel_loop3A_880 = arith.index_cast %parallel_loop3A_878 : i32 to index
        %parallel_loop3A_881 = arith.index_cast %parallel_loop3A_876 : i32 to index
        %parallel_loop3A_882 = tpu.vector_load %arg7[%parallel_loop3A_879, %parallel_loop3A_880, %parallel_loop3A_881] {strides = array<i32>} : memref<1x16x1025xf32, #tpu.memory_space<vmem>>, vector<16xf32>,
        tpu.vector_store %arg7[%parallel_loop3A_879, %parallel_loop3A_880, %parallel_loop3A_881], %parallel_loop3A_874 {strides = array<i32>} : memref<1x16x1025xf32, #tpu.memory_space<vmem>>, vector<16xf32>,
        %parallel_loop3A_883 = arith.constant 8192 : i32
        %parallel_loop3A_884 = tpu.memref_slice %arg5[%parallel_loop3A_883] : memref<65536xf32, #tpu.memory_space<vmem>> -> memref<4096xf32, #tpu.memory_space<vmem>>
        %parallel_loop3A_885 = tpu.vector_load_idx %parallel_loop3A_884[%parallel_loop3A_860] : memref<4096xf32, #tpu.memory_space<vmem>>[vector<16xi32>], vector<16xf32>,
        %parallel_loop3A_886 = arith.constant 16 : i32
        %parallel_loop3A_887 = arith.muli %parallel_loop3A_854, %parallel_loop3A_886 : i32
        %parallel_loop3A_888 = arith.constant 0 : i32
        %parallel_loop3A_889 = arith.constant 2 : i32
        %parallel_loop3A_890 = arith.index_cast %parallel_loop3A_888 : i32 to index
        %parallel_loop3A_891 = arith.index_cast %parallel_loop3A_889 : i32 to index
        %parallel_loop3A_892 = arith.index_cast %parallel_loop3A_887 : i32 to index
        %parallel_loop3A_893 = tpu.vector_load %arg7[%parallel_loop3A_890, %parallel_loop3A_891, %parallel_loop3A_892] {strides = array<i32>} : memref<1x16x1025xf32, #tpu.memory_space<vmem>>, vector<16xf32>,
        tpu.vector_store %arg7[%parallel_loop3A_890, %parallel_loop3A_891, %parallel_loop3A_892], %parallel_loop3A_885 {strides = array<i32>} : memref<1x16x1025xf32, #tpu.memory_space<vmem>>, vector<16xf32>,
        %parallel_loop3A_894 = arith.constant 12288 : i32
        %parallel_loop3A_895 = tpu.memref_slice %arg5[%parallel_loop3A_894] : memref<65536xf32, #tpu.memory_space<vmem>> -> memref<4096xf32, #tpu.memory_space<vmem>>
        %parallel_loop3A_896 = tpu.vector_load_idx %parallel_loop3A_895[%parallel_loop3A_860] : memref<4096xf32, #tpu.memory_space<vmem>>[vector<16xi32>], vector<16xf32>,
        %parallel_loop3A_897 = arith.constant 16 : i32
        %parallel_loop3A_898 = arith.muli %parallel_loop3A_854, %parallel_loop3A_897 : i32
        %parallel_loop3A_899 = arith.constant 0 : i32
        %parallel_loop3A_900 = arith.constant 3 : i32
        %parallel_loop3A_901 = arith.index_cast %parallel_loop3A_899 : i32 to index
        %parallel_loop3A_902 = arith.index_cast %parallel_loop3A_900 : i32 to index
        %parallel_loop3A_903 = arith.index_cast %parallel_loop3A_898 : i32 to index
        %parallel_loop3A_904 = tpu.vector_load %arg7[%parallel_loop3A_901, %parallel_loop3A_902, %parallel_loop3A_903] {strides = array<i32>} : memref<1x16x1025xf32, #tpu.memory_space<vmem>>, vector<16xf32>,
        tpu.vector_store %arg7[%parallel_loop3A_901, %parallel_loop3A_902, %parallel_loop3A_903], %parallel_loop3A_896 {strides = array<i32>} : memref<1x16x1025xf32, #tpu.memory_space<vmem>>, vector<16xf32>,
        %parallel_loop3A_905 = arith.constant 16384 : i32
        %parallel_loop3A_906 = tpu.memref_slice %arg5[%parallel_loop3A_905] : memref<65536xf32, #tpu.memory_space<vmem>> -> memref<4096xf32, #tpu.memory_space<vmem>>
        %parallel_loop3A_907 = tpu.vector_load_idx %parallel_loop3A_906[%parallel_loop3A_860] : memref<4096xf32, #tpu.memory_space<vmem>>[vector<16xi32>], vector<16xf32>,
        %parallel_loop3A_908 = arith.constant 16 : i32
        %parallel_loop3A_909 = arith.muli %parallel_loop3A_854, %parallel_loop3A_908 : i32
        %parallel_loop3A_910 = arith.constant 0 : i32
        %parallel_loop3A_911 = arith.constant 4 : i32
        %parallel_loop3A_912 = arith.index_cast %parallel_loop3A_910 : i32 to index
        %parallel_loop3A_913 = arith.index_cast %parallel_loop3A_911 : i32 to index
        %parallel_loop3A_914 = arith.index_cast %parallel_loop3A_909 : i32 to index
        %parallel_loop3A_915 = tpu.vector_load %arg7[%parallel_loop3A_912, %parallel_loop3A_913, %parallel_loop3A_914] {strides = array<i32>} : memref<1x16x1025xf32, #tpu.memory_space<vmem>>, vector<16xf32>,
        tpu.vector_store %arg7[%parallel_loop3A_912, %parallel_loop3A_913, %parallel_loop3A_914], %parallel_loop3A_907 {strides = array<i32>} : memref<1x16x1025xf32, #tpu.memory_space<vmem>>, vector<16xf32>,
        %parallel_loop3A_916 = arith.constant 20480 : i32
        %parallel_loop3A_917 = tpu.memref_slice %arg5[%parallel_loop3A_916] : memref<65536xf32, #tpu.memory_space<vmem>> -> memref<4096xf32, #tpu.memory_space<vmem>>
        %parallel_loop3A_918 = tpu.vector_load_idx %parallel_loop3A_917[%parallel_loop3A_860] : memref<4096xf32, #tpu.memory_space<vmem>>[vector<16xi32>], vector<16xf32>,
        %parallel_loop3A_919 = arith.constant 16 : i32
        %parallel_loop3A_920 = arith.muli %parallel_loop3A_854, %parallel_loop3A_919 : i32
        %parallel_loop3A_921 = arith.constant 0 : i32
        %parallel_loop3A_922 = arith.constant 5 : i32
        %parallel_loop3A_923 = arith.index_cast %parallel_loop3A_921 : i32 to index
        %parallel_loop3A_924 = arith.index_cast %parallel_loop3A_922 : i32 to index
        %parallel_loop3A_925 = arith.index_cast %parallel_loop3A_920 : i32 to index
        %parallel_loop3A_926 = tpu.vector_load %arg7[%parallel_loop3A_923, %parallel_loop3A_924, %parallel_loop3A_925] {strides = array<i32>} : memref<1x16x1025xf32, #tpu.memory_space<vmem>>, vector<16xf32>,
        tpu.vector_store %arg7[%parallel_loop3A_923, %parallel_loop3A_924, %parallel_loop3A_925], %parallel_loop3A_918 {strides = array<i32>} : memref<1x16x1025xf32, #tpu.memory_space<vmem>>, vector<16xf32>,
        %parallel_loop3A_927 = arith.constant 24576 : i32
        %parallel_loop3A_928 = tpu.memref_slice %arg5[%parallel_loop3A_927] : memref<65536xf32, #tpu.memory_space<vmem>> -> memref<4096xf32, #tpu.memory_space<vmem>>
        %parallel_loop3A_929 = tpu.vector_load_idx %parallel_loop3A_928[%parallel_loop3A_860] : memref<4096xf32, #tpu.memory_space<vmem>>[vector<16xi32>], vector<16xf32>,
        %parallel_loop3A_930 = arith.constant 16 : i32
        %parallel_loop3A_931 = arith.muli %parallel_loop3A_854, %parallel_loop3A_930 : i32
        %parallel_loop3A_932 = arith.constant 0 : i32
        %parallel_loop3A_933 = arith.constant 6 : i32
        %parallel_loop3A_934 = arith.index_cast %parallel_loop3A_932 : i32 to index
        %parallel_loop3A_935 = arith.index_cast %parallel_loop3A_933 : i32 to index
        %parallel_loop3A_936 = arith.index_cast %parallel_loop3A_931 : i32 to index
        %parallel_loop3A_937 = tpu.vector_load %arg7[%parallel_loop3A_934, %parallel_loop3A_935, %parallel_loop3A_936] {strides = array<i32>} : memref<1x16x1025xf32, #tpu.memory_space<vmem>>, vector<16xf32>,
        tpu.vector_store %arg7[%parallel_loop3A_934, %parallel_loop3A_935, %parallel_loop3A_936], %parallel_loop3A_929 {strides = array<i32>} : memref<1x16x1025xf32, #tpu.memory_space<vmem>>, vector<16xf32>,
        %parallel_loop3A_938 = arith.constant 28672 : i32
        %parallel_loop3A_939 = tpu.memref_slice %arg5[%parallel_loop3A_938] : memref<65536xf32, #tpu.memory_space<vmem>> -> memref<4096xf32, #tpu.memory_space<vmem>>
        %parallel_loop3A_940 = tpu.vector_load_idx %parallel_loop3A_939[%parallel_loop3A_860] : memref<4096xf32, #tpu.memory_space<vmem>>[vector<16xi32>], vector<16xf32>,
        %parallel_loop3A_941 = arith.constant 16 : i32
        %parallel_loop3A_942 = arith.muli %parallel_loop3A_854, %parallel_loop3A_941 : i32
        %parallel_loop3A_943 = arith.constant 0 : i32
        %parallel_loop3A_944 = arith.constant 7 : i32
        %parallel_loop3A_945 = arith.index_cast %parallel_loop3A_943 : i32 to index
        %parallel_loop3A_946 = arith.index_cast %parallel_loop3A_944 : i32 to index
        %parallel_loop3A_947 = arith.index_cast %parallel_loop3A_942 : i32 to index
        %parallel_loop3A_948 = tpu.vector_load %arg7[%parallel_loop3A_945, %parallel_loop3A_946, %parallel_loop3A_947] {strides = array<i32>} : memref<1x16x1025xf32, #tpu.memory_space<vmem>>, vector<16xf32>,
        tpu.vector_store %arg7[%parallel_loop3A_945, %parallel_loop3A_946, %parallel_loop3A_947], %parallel_loop3A_940 {strides = array<i32>} : memref<1x16x1025xf32, #tpu.memory_space<vmem>>, vector<16xf32>,
        %parallel_loop3A_949 = arith.constant 32768 : i32
        %parallel_loop3A_950 = tpu.memref_slice %arg5[%parallel_loop3A_949] : memref<65536xf32, #tpu.memory_space<vmem>> -> memref<4096xf32, #tpu.memory_space<vmem>>
        %parallel_loop3A_951 = tpu.vector_load_idx %parallel_loop3A_950[%parallel_loop3A_860] : memref<4096xf32, #tpu.memory_space<vmem>>[vector<16xi32>], vector<16xf32>,
        %parallel_loop3A_952 = arith.constant 16 : i32
        %parallel_loop3A_953 = arith.muli %parallel_loop3A_854, %parallel_loop3A_952 : i32
        %parallel_loop3A_954 = arith.constant 0 : i32
        %parallel_loop3A_955 = arith.constant 8 : i32
        %parallel_loop3A_956 = arith.index_cast %parallel_loop3A_954 : i32 to index
        %parallel_loop3A_957 = arith.index_cast %parallel_loop3A_955 : i32 to index
        %parallel_loop3A_958 = arith.index_cast %parallel_loop3A_953 : i32 to index
        %parallel_loop3A_959 = tpu.vector_load %arg7[%parallel_loop3A_956, %parallel_loop3A_957, %parallel_loop3A_958] {strides = array<i32>} : memref<1x16x1025xf32, #tpu.memory_space<vmem>>, vector<16xf32>,
        tpu.vector_store %arg7[%parallel_loop3A_956, %parallel_loop3A_957, %parallel_loop3A_958], %parallel_loop3A_951 {strides = array<i32>} : memref<1x16x1025xf32, #tpu.memory_space<vmem>>, vector<16xf32>,
        %parallel_loop3A_960 = arith.constant 36864 : i32
        %parallel_loop3A_961 = tpu.memref_slice %arg5[%parallel_loop3A_960] : memref<65536xf32, #tpu.memory_space<vmem>> -> memref<4096xf32, #tpu.memory_space<vmem>>
        %parallel_loop3A_962 = tpu.vector_load_idx %parallel_loop3A_961[%parallel_loop3A_860] : memref<4096xf32, #tpu.memory_space<vmem>>[vector<16xi32>], vector<16xf32>,
        %parallel_loop3A_963 = arith.constant 16 : i32
        %parallel_loop3A_964 = arith.muli %parallel_loop3A_854, %parallel_loop3A_963 : i32
        %parallel_loop3A_965 = arith.constant 0 : i32
        %parallel_loop3A_966 = arith.constant 9 : i32
        %parallel_loop3A_967 = arith.index_cast %parallel_loop3A_965 : i32 to index
        %parallel_loop3A_968 = arith.index_cast %parallel_loop3A_966 : i32 to index
        %parallel_loop3A_969 = arith.index_cast %parallel_loop3A_964 : i32 to index
        %parallel_loop3A_970 = tpu.vector_load %arg7[%parallel_loop3A_967, %parallel_loop3A_968, %parallel_loop3A_969] {strides = array<i32>} : memref<1x16x1025xf32, #tpu.memory_space<vmem>>, vector<16xf32>,
        tpu.vector_store %arg7[%parallel_loop3A_967, %parallel_loop3A_968, %parallel_loop3A_969], %parallel_loop3A_962 {strides = array<i32>} : memref<1x16x1025xf32, #tpu.memory_space<vmem>>, vector<16xf32>,
        %parallel_loop3A_971 = arith.constant 40960 : i32
        %parallel_loop3A_972 = tpu.memref_slice %arg5[%parallel_loop3A_971] : memref<65536xf32, #tpu.memory_space<vmem>> -> memref<4096xf32, #tpu.memory_space<vmem>>
        %parallel_loop3A_973 = tpu.vector_load_idx %parallel_loop3A_972[%parallel_loop3A_860] : memref<4096xf32, #tpu.memory_space<vmem>>[vector<16xi32>], vector<16xf32>,
        %parallel_loop3A_974 = arith.constant 16 : i32
        %parallel_loop3A_975 = arith.muli %parallel_loop3A_854, %parallel_loop3A_974 : i32
        %parallel_loop3A_976 = arith.constant 0 : i32
        %parallel_loop3A_977 = arith.constant 10 : i32
        %parallel_loop3A_978 = arith.index_cast %parallel_loop3A_976 : i32 to index
        %parallel_loop3A_979 = arith.index_cast %parallel_loop3A_977 : i32 to index
        %parallel_loop3A_980 = arith.index_cast %parallel_loop3A_975 : i32 to index
        %parallel_loop3A_981 = tpu.vector_load %arg7[%parallel_loop3A_978, %parallel_loop3A_979, %parallel_loop3A_980] {strides = array<i32>} : memref<1x16x1025xf32, #tpu.memory_space<vmem>>, vector<16xf32>,
        tpu.vector_store %arg7[%parallel_loop3A_978, %parallel_loop3A_979, %parallel_loop3A_980], %parallel_loop3A_973 {strides = array<i32>} : memref<1x16x1025xf32, #tpu.memory_space<vmem>>, vector<16xf32>,
        %parallel_loop3A_982 = arith.constant 45056 : i32
        %parallel_loop3A_983 = tpu.memref_slice %arg5[%parallel_loop3A_982] : memref<65536xf32, #tpu.memory_space<vmem>> -> memref<4096xf32, #tpu.memory_space<vmem>>
        %parallel_loop3A_984 = tpu.vector_load_idx %parallel_loop3A_983[%parallel_loop3A_860] : memref<4096xf32, #tpu.memory_space<vmem>>[vector<16xi32>], vector<16xf32>,
        %parallel_loop3A_985 = arith.constant 16 : i32
        %parallel_loop3A_986 = arith.muli %parallel_loop3A_854, %parallel_loop3A_985 : i32
        %parallel_loop3A_987 = arith.constant 0 : i32
        %parallel_loop3A_988 = arith.constant 11 : i32
        %parallel_loop3A_989 = arith.index_cast %parallel_loop3A_987 : i32 to index
        %parallel_loop3A_990 = arith.index_cast %parallel_loop3A_988 : i32 to index
        %parallel_loop3A_991 = arith.index_cast %parallel_loop3A_986 : i32 to index
        %parallel_loop3A_992 = tpu.vector_load %arg7[%parallel_loop3A_989, %parallel_loop3A_990, %parallel_loop3A_991] {strides = array<i32>} : memref<1x16x1025xf32, #tpu.memory_space<vmem>>, vector<16xf32>,
        tpu.vector_store %arg7[%parallel_loop3A_989, %parallel_loop3A_990, %parallel_loop3A_991], %parallel_loop3A_984 {strides = array<i32>} : memref<1x16x1025xf32, #tpu.memory_space<vmem>>, vector<16xf32>,
        %parallel_loop3A_993 = arith.constant 49152 : i32
        %parallel_loop3A_994 = tpu.memref_slice %arg5[%parallel_loop3A_993] : memref<65536xf32, #tpu.memory_space<vmem>> -> memref<4096xf32, #tpu.memory_space<vmem>>
        %parallel_loop3A_995 = tpu.vector_load_idx %parallel_loop3A_994[%parallel_loop3A_860] : memref<4096xf32, #tpu.memory_space<vmem>>[vector<16xi32>], vector<16xf32>,
        %parallel_loop3A_996 = arith.constant 16 : i32
        %parallel_loop3A_997 = arith.muli %parallel_loop3A_854, %parallel_loop3A_996 : i32
        %parallel_loop3A_998 = arith.constant 0 : i32
        %parallel_loop3A_999 = arith.constant 12 : i32
        %parallel_loop3A_1000 = arith.index_cast %parallel_loop3A_998 : i32 to index
        %parallel_loop3A_1001 = arith.index_cast %parallel_loop3A_999 : i32 to index
        %parallel_loop3A_1002 = arith.index_cast %parallel_loop3A_997 : i32 to index
        %parallel_loop3A_1003 = tpu.vector_load %arg7[%parallel_loop3A_1000, %parallel_loop3A_1001, %parallel_loop3A_1002] {strides = array<i32>} : memref<1x16x1025xf32, #tpu.memory_space<vmem>>, vector<16xf32>,
        tpu.vector_store %arg7[%parallel_loop3A_1000, %parallel_loop3A_1001, %parallel_loop3A_1002], %parallel_loop3A_995 {strides = array<i32>} : memref<1x16x1025xf32, #tpu.memory_space<vmem>>, vector<16xf32>,
        %parallel_loop3A_1004 = arith.constant 53248 : i32
        %parallel_loop3A_1005 = tpu.memref_slice %arg5[%parallel_loop3A_1004] : memref<65536xf32, #tpu.memory_space<vmem>> -> memref<4096xf32, #tpu.memory_space<vmem>>
        %parallel_loop3A_1006 = tpu.vector_load_idx %parallel_loop3A_1005[%parallel_loop3A_860] : memref<4096xf32, #tpu.memory_space<vmem>>[vector<16xi32>], vector<16xf32>,
        %parallel_loop3A_1007 = arith.constant 16 : i32
        %parallel_loop3A_1008 = arith.muli %parallel_loop3A_854, %parallel_loop3A_1007 : i32
        %parallel_loop3A_1009 = arith.constant 0 : i32
        %parallel_loop3A_1010 = arith.constant 13 : i32
        %parallel_loop3A_1011 = arith.index_cast %parallel_loop3A_1009 : i32 to index
        %parallel_loop3A_1012 = arith.index_cast %parallel_loop3A_1010 : i32 to index
        %parallel_loop3A_1013 = arith.index_cast %parallel_loop3A_1008 : i32 to index
        %parallel_loop3A_1014 = tpu.vector_load %arg7[%parallel_loop3A_1011, %parallel_loop3A_1012, %parallel_loop3A_1013] {strides = array<i32>} : memref<1x16x1025xf32, #tpu.memory_space<vmem>>, vector<16xf32>,
        tpu.vector_store %arg7[%parallel_loop3A_1011, %parallel_loop3A_1012, %parallel_loop3A_1013], %parallel_loop3A_1006 {strides = array<i32>} : memref<1x16x1025xf32, #tpu.memory_space<vmem>>, vector<16xf32>,
        %parallel_loop3A_1015 = arith.constant 57344 : i32
        %parallel_loop3A_1016 = tpu.memref_slice %arg5[%parallel_loop3A_1015] : memref<65536xf32, #tpu.memory_space<vmem>> -> memref<4096xf32, #tpu.memory_space<vmem>>
        %parallel_loop3A_1017 = tpu.vector_load_idx %parallel_loop3A_1016[%parallel_loop3A_860] : memref<4096xf32, #tpu.memory_space<vmem>>[vector<16xi32>], vector<16xf32>,
        %parallel_loop3A_1018 = arith.constant 16 : i32
        %parallel_loop3A_1019 = arith.muli %parallel_loop3A_854, %parallel_loop3A_1018 : i32
        %parallel_loop3A_1020 = arith.constant 0 : i32
        %parallel_loop3A_1021 = arith.constant 14 : i32
        %parallel_loop3A_1022 = arith.index_cast %parallel_loop3A_1020 : i32 to index
        %parallel_loop3A_1023 = arith.index_cast %parallel_loop3A_1021 : i32 to index
        %parallel_loop3A_1024 = arith.index_cast %parallel_loop3A_1019 : i32 to index
        %parallel_loop3A_1025 = tpu.vector_load %arg7[%parallel_loop3A_1022, %parallel_loop3A_1023, %parallel_loop3A_1024] {strides = array<i32>} : memref<1x16x1025xf32, #tpu.memory_space<vmem>>, vector<16xf32>,
        tpu.vector_store %arg7[%parallel_loop3A_1022, %parallel_loop3A_1023, %parallel_loop3A_1024], %parallel_loop3A_1017 {strides = array<i32>} : memref<1x16x1025xf32, #tpu.memory_space<vmem>>, vector<16xf32>,
        %parallel_loop3A_1026 = arith.constant 61440 : i32
        %parallel_loop3A_1027 = tpu.memref_slice %arg5[%parallel_loop3A_1026] : memref<65536xf32, #tpu.memory_space<vmem>> -> memref<4096xf32, #tpu.memory_space<vmem>>
        %parallel_loop3A_1028 = tpu.vector_load_idx %parallel_loop3A_1027[%parallel_loop3A_860] : memref<4096xf32, #tpu.memory_space<vmem>>[vector<16xi32>], vector<16xf32>,
        %parallel_loop3A_1029 = arith.constant 16 : i32
        %parallel_loop3A_1030 = arith.muli %parallel_loop3A_854, %parallel_loop3A_1029 : i32
        %parallel_loop3A_1031 = arith.constant 0 : i32
        %parallel_loop3A_1032 = arith.constant 15 : i32
        %parallel_loop3A_1033 = arith.index_cast %parallel_loop3A_1031 : i32 to index
        %parallel_loop3A_1034 = arith.index_cast %parallel_loop3A_1032 : i32 to index
        %parallel_loop3A_1035 = arith.index_cast %parallel_loop3A_1030 : i32 to index
        %parallel_loop3A_1036 = tpu.vector_load %arg7[%parallel_loop3A_1033, %parallel_loop3A_1034, %parallel_loop3A_1035] {strides = array<i32>} : memref<1x16x1025xf32, #tpu.memory_space<vmem>>, vector<16xf32>,
        tpu.vector_store %arg7[%parallel_loop3A_1033, %parallel_loop3A_1034, %parallel_loop3A_1035], %parallel_loop3A_1028 {strides = array<i32>} : memref<1x16x1025xf32, #tpu.memory_space<vmem>>, vector<16xf32>,
      } {sc.loop_unroll_factor = 4 : i64, sc.parallel_access}
      %get3A_590 = arith.constant 0 : i32
      %get3A_591 = arith.index_cast %get3A_590 : i32 to index
      %get3A_592 = arith.constant 0 : index
      %get3A_593 = tpu.vector_load %arg6[%get3A_591, %get3A_592] {strides = array<i32>} : memref<8x1040xi32, #tpu.memory_space<vmem>>, vector<16xi32>,
      %get3A_594 = arith.constant 0 : i32
      %get3A_595 = arith.index_cast %get3A_594 : i32 to index
      %get3A_596 = arith.constant 1024 : index
      %get3A_597 = tpu.vector_load %arg6[%get3A_595, %get3A_596] {strides = array<i32>} : memref<8x1040xi32, #tpu.memory_space<vmem>>, vector<16xi32>,
      %gather3A_598 = arith.constant 0 : i32
      %gather3A_599 = tpu.memref_slice %arg5[%gather3A_598] : memref<65536xf32, #tpu.memory_space<vmem>> -> memref<4096xf32, #tpu.memory_space<vmem>>
      %gather3A_600 = tpu.vector_load_idx %gather3A_599[%get3A_593] : memref<4096xf32, #tpu.memory_space<vmem>>[vector<16xi32>], vector<16xf32>,
      %mul3A_601 = arith.mulf %gather3A_600, %select_n3A : vector<16xf32>
      %swap3A_602 = arith.constant 0 : i32
      %swap3A_603 = arith.constant 0 : i32
      %swap3A_604 = arith.index_cast %swap3A_602 : i32 to index
      %swap3A_605 = arith.index_cast %swap3A_603 : i32 to index
      %swap3A_606 = arith.constant 0 : index
      %swap3A_607 = tpu.vector_load %arg7[%swap3A_604, %swap3A_605, %swap3A_606] {strides = array<i32>} : memref<1x16x1025xf32, #tpu.memory_space<vmem>>, vector<16xf32>,
      tpu.vector_store %arg7[%swap3A_604, %swap3A_605, %swap3A_606], %mul3A_601 {strides = array<i32>} : memref<1x16x1025xf32, #tpu.memory_space<vmem>>, vector<16xf32>,
      %gather3A_608 = arith.constant 0 : i32
      %gather3A_609 = tpu.memref_slice %arg5[%gather3A_608] : memref<65536xf32, #tpu.memory_space<vmem>> -> memref<4096xf32, #tpu.memory_space<vmem>>
      %gather3A_610 = tpu.vector_load_idx %gather3A_609[%get3A_597] : memref<4096xf32, #tpu.memory_space<vmem>>[vector<16xi32>], vector<16xf32>,
      %add3A_611 = arith.constant 0 : i32
      %add3A_612 = vector.broadcast %add3A_611 : i32 to vector<16xi32>
      %add3A_613 = arith.addi %broadcast_in_dim3A_3, %add3A_612 : vector<16xi32>
      tpu.vector_store_idx %arg7[%broadcast_in_dim3A_3, %add3A_613, %broadcast_in_dim3A_13], %gather3A_610 masked %eq3A_11 : memref<1x16x1025xf32, #tpu.memory_space<vmem>>[vector<16xi32>, vector<16xi32>, vector<16xi32>], vector<16xf32>, vector<16xi1>
      %gather3A_614 = arith.constant 4096 : i32
      %gather3A_615 = tpu.memref_slice %arg5[%gather3A_614] : memref<65536xf32, #tpu.memory_space<vmem>> -> memref<4096xf32, #tpu.memory_space<vmem>>
      %gather3A_616 = tpu.vector_load_idx %gather3A_615[%get3A_593] : memref<4096xf32, #tpu.memory_space<vmem>>[vector<16xi32>], vector<16xf32>,
      %mul3A_617 = arith.mulf %gather3A_616, %select_n3A : vector<16xf32>
      %swap3A_618 = arith.constant 0 : i32
      %swap3A_619 = arith.constant 1 : i32
      %swap3A_620 = arith.index_cast %swap3A_618 : i32 to index
      %swap3A_621 = arith.index_cast %swap3A_619 : i32 to index
      %swap3A_622 = arith.constant 0 : index
      %swap3A_623 = tpu.vector_load %arg7[%swap3A_620, %swap3A_621, %swap3A_622] {strides = array<i32>} : memref<1x16x1025xf32, #tpu.memory_space<vmem>>, vector<16xf32>,
      tpu.vector_store %arg7[%swap3A_620, %swap3A_621, %swap3A_622], %mul3A_617 {strides = array<i32>} : memref<1x16x1025xf32, #tpu.memory_space<vmem>>, vector<16xf32>,
      %gather3A_624 = arith.constant 4096 : i32
      %gather3A_625 = tpu.memref_slice %arg5[%gather3A_624] : memref<65536xf32, #tpu.memory_space<vmem>> -> memref<4096xf32, #tpu.memory_space<vmem>>
      %gather3A_626 = tpu.vector_load_idx %gather3A_625[%get3A_597] : memref<4096xf32, #tpu.memory_space<vmem>>[vector<16xi32>], vector<16xf32>,
      %add3A_627 = arith.constant 1 : i32
      %add3A_628 = vector.broadcast %add3A_627 : i32 to vector<16xi32>
      %add3A_629 = arith.addi %broadcast_in_dim3A_3, %add3A_628 : vector<16xi32>
      tpu.vector_store_idx %arg7[%broadcast_in_dim3A_3, %add3A_629, %broadcast_in_dim3A_13], %gather3A_626 masked %eq3A_11 : memref<1x16x1025xf32, #tpu.memory_space<vmem>>[vector<16xi32>, vector<16xi32>, vector<16xi32>], vector<16xf32>, vector<16xi1>
      %gather3A_630 = arith.constant 8192 : i32
      %gather3A_631 = tpu.memref_slice %arg5[%gather3A_630] : memref<65536xf32, #tpu.memory_space<vmem>> -> memref<4096xf32, #tpu.memory_space<vmem>>
      %gather3A_632 = tpu.vector_load_idx %gather3A_631[%get3A_593] : memref<4096xf32, #tpu.memory_space<vmem>>[vector<16xi32>], vector<16xf32>,
      %mul3A_633 = arith.mulf %gather3A_632, %select_n3A : vector<16xf32>
      %swap3A_634 = arith.constant 0 : i32
      %swap3A_635 = arith.constant 2 : i32
      %swap3A_636 = arith.index_cast %swap3A_634 : i32 to index
      %swap3A_637 = arith.index_cast %swap3A_635 : i32 to index
      %swap3A_638 = arith.constant 0 : index
      %swap3A_639 = tpu.vector_load %arg7[%swap3A_636, %swap3A_637, %swap3A_638] {strides = array<i32>} : memref<1x16x1025xf32, #tpu.memory_space<vmem>>, vector<16xf32>,
      tpu.vector_store %arg7[%swap3A_636, %swap3A_637, %swap3A_638], %mul3A_633 {strides = array<i32>} : memref<1x16x1025xf32, #tpu.memory_space<vmem>>, vector<16xf32>,
      %gather3A_640 = arith.constant 8192 : i32
      %gather3A_641 = tpu.memref_slice %arg5[%gather3A_640] : memref<65536xf32, #tpu.memory_space<vmem>> -> memref<4096xf32, #tpu.memory_space<vmem>>
      %gather3A_642 = tpu.vector_load_idx %gather3A_641[%get3A_597] : memref<4096xf32, #tpu.memory_space<vmem>>[vector<16xi32>], vector<16xf32>,
      %add3A_643 = arith.constant 2 : i32
      %add3A_644 = vector.broadcast %add3A_643 : i32 to vector<16xi32>
      %add3A_645 = arith.addi %broadcast_in_dim3A_3, %add3A_644 : vector<16xi32>
      tpu.vector_store_idx %arg7[%broadcast_in_dim3A_3, %add3A_645, %broadcast_in_dim3A_13], %gather3A_642 masked %eq3A_11 : memref<1x16x1025xf32, #tpu.memory_space<vmem>>[vector<16xi32>, vector<16xi32>, vector<16xi32>], vector<16xf32>, vector<16xi1>
      %gather3A_646 = arith.constant 12288 : i32
      %gather3A_647 = tpu.memref_slice %arg5[%gather3A_646] : memref<65536xf32, #tpu.memory_space<vmem>> -> memref<4096xf32, #tpu.memory_space<vmem>>
      %gather3A_648 = tpu.vector_load_idx %gather3A_647[%get3A_593] : memref<4096xf32, #tpu.memory_space<vmem>>[vector<16xi32>], vector<16xf32>,
      %mul3A_649 = arith.mulf %gather3A_648, %select_n3A : vector<16xf32>
      %swap3A_650 = arith.constant 0 : i32
      %swap3A_651 = arith.constant 3 : i32
      %swap3A_652 = arith.index_cast %swap3A_650 : i32 to index
      %swap3A_653 = arith.index_cast %swap3A_651 : i32 to index
      %swap3A_654 = arith.constant 0 : index
      %swap3A_655 = tpu.vector_load %arg7[%swap3A_652, %swap3A_653, %swap3A_654] {strides = array<i32>} : memref<1x16x1025xf32, #tpu.memory_space<vmem>>, vector<16xf32>,
      tpu.vector_store %arg7[%swap3A_652, %swap3A_653, %swap3A_654], %mul3A_649 {strides = array<i32>} : memref<1x16x1025xf32, #tpu.memory_space<vmem>>, vector<16xf32>,
      %gather3A_656 = arith.constant 12288 : i32
      %gather3A_657 = tpu.memref_slice %arg5[%gather3A_656] : memref<65536xf32, #tpu.memory_space<vmem>> -> memref<4096xf32, #tpu.memory_space<vmem>>
      %gather3A_658 = tpu.vector_load_idx %gather3A_657[%get3A_597] : memref<4096xf32, #tpu.memory_space<vmem>>[vector<16xi32>], vector<16xf32>,
      %add3A_659 = arith.constant 3 : i32
      %add3A_660 = vector.broadcast %add3A_659 : i32 to vector<16xi32>
      %add3A_661 = arith.addi %broadcast_in_dim3A_3, %add3A_660 : vector<16xi32>
      tpu.vector_store_idx %arg7[%broadcast_in_dim3A_3, %add3A_661, %broadcast_in_dim3A_13], %gather3A_658 masked %eq3A_11 : memref<1x16x1025xf32, #tpu.memory_space<vmem>>[vector<16xi32>, vector<16xi32>, vector<16xi32>], vector<16xf32>, vector<16xi1>
      %gather3A_662 = arith.constant 16384 : i32
      %gather3A_663 = tpu.memref_slice %arg5[%gather3A_662] : memref<65536xf32, #tpu.memory_space<vmem>> -> memref<4096xf32, #tpu.memory_space<vmem>>
      %gather3A_664 = tpu.vector_load_idx %gather3A_663[%get3A_593] : memref<4096xf32, #tpu.memory_space<vmem>>[vector<16xi32>], vector<16xf32>,
      %mul3A_665 = arith.mulf %gather3A_664, %select_n3A : vector<16xf32>
      %swap3A_666 = arith.constant 0 : i32
      %swap3A_667 = arith.constant 4 : i32
      %swap3A_668 = arith.index_cast %swap3A_666 : i32 to index
      %swap3A_669 = arith.index_cast %swap3A_667 : i32 to index
      %swap3A_670 = arith.constant 0 : index
      %swap3A_671 = tpu.vector_load %arg7[%swap3A_668, %swap3A_669, %swap3A_670] {strides = array<i32>} : memref<1x16x1025xf32, #tpu.memory_space<vmem>>, vector<16xf32>,
      tpu.vector_store %arg7[%swap3A_668, %swap3A_669, %swap3A_670], %mul3A_665 {strides = array<i32>} : memref<1x16x1025xf32, #tpu.memory_space<vmem>>, vector<16xf32>,
      %gather3A_672 = arith.constant 16384 : i32
      %gather3A_673 = tpu.memref_slice %arg5[%gather3A_672] : memref<65536xf32, #tpu.memory_space<vmem>> -> memref<4096xf32, #tpu.memory_space<vmem>>
      %gather3A_674 = tpu.vector_load_idx %gather3A_673[%get3A_597] : memref<4096xf32, #tpu.memory_space<vmem>>[vector<16xi32>], vector<16xf32>,
      %add3A_675 = arith.constant 4 : i32
      %add3A_676 = vector.broadcast %add3A_675 : i32 to vector<16xi32>
      %add3A_677 = arith.addi %broadcast_in_dim3A_3, %add3A_676 : vector<16xi32>
      tpu.vector_store_idx %arg7[%broadcast_in_dim3A_3, %add3A_677, %broadcast_in_dim3A_13], %gather3A_674 masked %eq3A_11 : memref<1x16x1025xf32, #tpu.memory_space<vmem>>[vector<16xi32>, vector<16xi32>, vector<16xi32>], vector<16xf32>, vector<16xi1>
      %gather3A_678 = arith.constant 20480 : i32
      %gather3A_679 = tpu.memref_slice %arg5[%gather3A_678] : memref<65536xf32, #tpu.memory_space<vmem>> -> memref<4096xf32, #tpu.memory_space<vmem>>
      %gather3A_680 = tpu.vector_load_idx %gather3A_679[%get3A_593] : memref<4096xf32, #tpu.memory_space<vmem>>[vector<16xi32>], vector<16xf32>,
      %mul3A_681 = arith.mulf %gather3A_680, %select_n3A : vector<16xf32>
      %swap3A_682 = arith.constant 0 : i32
      %swap3A_683 = arith.constant 5 : i32
      %swap3A_684 = arith.index_cast %swap3A_682 : i32 to index
      %swap3A_685 = arith.index_cast %swap3A_683 : i32 to index
      %swap3A_686 = arith.constant 0 : index
      %swap3A_687 = tpu.vector_load %arg7[%swap3A_684, %swap3A_685, %swap3A_686] {strides = array<i32>} : memref<1x16x1025xf32, #tpu.memory_space<vmem>>, vector<16xf32>,
      tpu.vector_store %arg7[%swap3A_684, %swap3A_685, %swap3A_686], %mul3A_681 {strides = array<i32>} : memref<1x16x1025xf32, #tpu.memory_space<vmem>>, vector<16xf32>,
      %gather3A_688 = arith.constant 20480 : i32
      %gather3A_689 = tpu.memref_slice %arg5[%gather3A_688] : memref<65536xf32, #tpu.memory_space<vmem>> -> memref<4096xf32, #tpu.memory_space<vmem>>
      %gather3A_690 = tpu.vector_load_idx %gather3A_689[%get3A_597] : memref<4096xf32, #tpu.memory_space<vmem>>[vector<16xi32>], vector<16xf32>,
      %add3A_691 = arith.constant 5 : i32
      %add3A_692 = vector.broadcast %add3A_691 : i32 to vector<16xi32>
      %add3A_693 = arith.addi %broadcast_in_dim3A_3, %add3A_692 : vector<16xi32>
      tpu.vector_store_idx %arg7[%broadcast_in_dim3A_3, %add3A_693, %broadcast_in_dim3A_13], %gather3A_690 masked %eq3A_11 : memref<1x16x1025xf32, #tpu.memory_space<vmem>>[vector<16xi32>, vector<16xi32>, vector<16xi32>], vector<16xf32>, vector<16xi1>
      %gather3A_694 = arith.constant 24576 : i32
      %gather3A_695 = tpu.memref_slice %arg5[%gather3A_694] : memref<65536xf32, #tpu.memory_space<vmem>> -> memref<4096xf32, #tpu.memory_space<vmem>>
      %gather3A_696 = tpu.vector_load_idx %gather3A_695[%get3A_593] : memref<4096xf32, #tpu.memory_space<vmem>>[vector<16xi32>], vector<16xf32>,
      %mul3A_697 = arith.mulf %gather3A_696, %select_n3A : vector<16xf32>
      %swap3A_698 = arith.constant 0 : i32
      %swap3A_699 = arith.constant 6 : i32
      %swap3A_700 = arith.index_cast %swap3A_698 : i32 to index
      %swap3A_701 = arith.index_cast %swap3A_699 : i32 to index
      %swap3A_702 = arith.constant 0 : index
      %swap3A_703 = tpu.vector_load %arg7[%swap3A_700, %swap3A_701, %swap3A_702] {strides = array<i32>} : memref<1x16x1025xf32, #tpu.memory_space<vmem>>, vector<16xf32>,
      tpu.vector_store %arg7[%swap3A_700, %swap3A_701, %swap3A_702], %mul3A_697 {strides = array<i32>} : memref<1x16x1025xf32, #tpu.memory_space<vmem>>, vector<16xf32>,
      %gather3A_704 = arith.constant 24576 : i32
      %gather3A_705 = tpu.memref_slice %arg5[%gather3A_704] : memref<65536xf32, #tpu.memory_space<vmem>> -> memref<4096xf32, #tpu.memory_space<vmem>>
      %gather3A_706 = tpu.vector_load_idx %gather3A_705[%get3A_597] : memref<4096xf32, #tpu.memory_space<vmem>>[vector<16xi32>], vector<16xf32>,
      %add3A_707 = arith.constant 6 : i32
      %add3A_708 = vector.broadcast %add3A_707 : i32 to vector<16xi32>
      %add3A_709 = arith.addi %broadcast_in_dim3A_3, %add3A_708 : vector<16xi32>
      tpu.vector_store_idx %arg7[%broadcast_in_dim3A_3, %add3A_709, %broadcast_in_dim3A_13], %gather3A_706 masked %eq3A_11 : memref<1x16x1025xf32, #tpu.memory_space<vmem>>[vector<16xi32>, vector<16xi32>, vector<16xi32>], vector<16xf32>, vector<16xi1>
      %gather3A_710 = arith.constant 28672 : i32
      %gather3A_711 = tpu.memref_slice %arg5[%gather3A_710] : memref<65536xf32, #tpu.memory_space<vmem>> -> memref<4096xf32, #tpu.memory_space<vmem>>
      %gather3A_712 = tpu.vector_load_idx %gather3A_711[%get3A_593] : memref<4096xf32, #tpu.memory_space<vmem>>[vector<16xi32>], vector<16xf32>,
      %mul3A_713 = arith.mulf %gather3A_712, %select_n3A : vector<16xf32>
      %swap3A_714 = arith.constant 0 : i32
      %swap3A_715 = arith.constant 7 : i32
      %swap3A_716 = arith.index_cast %swap3A_714 : i32 to index
      %swap3A_717 = arith.index_cast %swap3A_715 : i32 to index
      %swap3A_718 = arith.constant 0 : index
      %swap3A_719 = tpu.vector_load %arg7[%swap3A_716, %swap3A_717, %swap3A_718] {strides = array<i32>} : memref<1x16x1025xf32, #tpu.memory_space<vmem>>, vector<16xf32>,
      tpu.vector_store %arg7[%swap3A_716, %swap3A_717, %swap3A_718], %mul3A_713 {strides = array<i32>} : memref<1x16x1025xf32, #tpu.memory_space<vmem>>, vector<16xf32>,
      %gather3A_720 = arith.constant 28672 : i32
      %gather3A_721 = tpu.memref_slice %arg5[%gather3A_720] : memref<65536xf32, #tpu.memory_space<vmem>> -> memref<4096xf32, #tpu.memory_space<vmem>>
      %gather3A_722 = tpu.vector_load_idx %gather3A_721[%get3A_597] : memref<4096xf32, #tpu.memory_space<vmem>>[vector<16xi32>], vector<16xf32>,
      %add3A_723 = arith.constant 7 : i32
      %add3A_724 = vector.broadcast %add3A_723 : i32 to vector<16xi32>
      %add3A_725 = arith.addi %broadcast_in_dim3A_3, %add3A_724 : vector<16xi32>
      tpu.vector_store_idx %arg7[%broadcast_in_dim3A_3, %add3A_725, %broadcast_in_dim3A_13], %gather3A_722 masked %eq3A_11 : memref<1x16x1025xf32, #tpu.memory_space<vmem>>[vector<16xi32>, vector<16xi32>, vector<16xi32>], vector<16xf32>, vector<16xi1>
      %gather3A_726 = arith.constant 32768 : i32
      %gather3A_727 = tpu.memref_slice %arg5[%gather3A_726] : memref<65536xf32, #tpu.memory_space<vmem>> -> memref<4096xf32, #tpu.memory_space<vmem>>
      %gather3A_728 = tpu.vector_load_idx %gather3A_727[%get3A_593] : memref<4096xf32, #tpu.memory_space<vmem>>[vector<16xi32>], vector<16xf32>,
      %mul3A_729 = arith.mulf %gather3A_728, %select_n3A : vector<16xf32>
      %swap3A_730 = arith.constant 0 : i32
      %swap3A_731 = arith.constant 8 : i32
      %swap3A_732 = arith.index_cast %swap3A_730 : i32 to index
      %swap3A_733 = arith.index_cast %swap3A_731 : i32 to index
      %swap3A_734 = arith.constant 0 : index
      %swap3A_735 = tpu.vector_load %arg7[%swap3A_732, %swap3A_733, %swap3A_734] {strides = array<i32>} : memref<1x16x1025xf32, #tpu.memory_space<vmem>>, vector<16xf32>,
      tpu.vector_store %arg7[%swap3A_732, %swap3A_733, %swap3A_734], %mul3A_729 {strides = array<i32>} : memref<1x16x1025xf32, #tpu.memory_space<vmem>>, vector<16xf32>,
      %gather3A_736 = arith.constant 32768 : i32
      %gather3A_737 = tpu.memref_slice %arg5[%gather3A_736] : memref<65536xf32, #tpu.memory_space<vmem>> -> memref<4096xf32, #tpu.memory_space<vmem>>
      %gather3A_738 = tpu.vector_load_idx %gather3A_737[%get3A_597] : memref<4096xf32, #tpu.memory_space<vmem>>[vector<16xi32>], vector<16xf32>,
      %add3A_739 = arith.constant 8 : i32
      %add3A_740 = vector.broadcast %add3A_739 : i32 to vector<16xi32>
      %add3A_741 = arith.addi %broadcast_in_dim3A_3, %add3A_740 : vector<16xi32>
      tpu.vector_store_idx %arg7[%broadcast_in_dim3A_3, %add3A_741, %broadcast_in_dim3A_13], %gather3A_738 masked %eq3A_11 : memref<1x16x1025xf32, #tpu.memory_space<vmem>>[vector<16xi32>, vector<16xi32>, vector<16xi32>], vector<16xf32>, vector<16xi1>
      %gather3A_742 = arith.constant 36864 : i32
      %gather3A_743 = tpu.memref_slice %arg5[%gather3A_742] : memref<65536xf32, #tpu.memory_space<vmem>> -> memref<4096xf32, #tpu.memory_space<vmem>>
      %gather3A_744 = tpu.vector_load_idx %gather3A_743[%get3A_593] : memref<4096xf32, #tpu.memory_space<vmem>>[vector<16xi32>], vector<16xf32>,
      %mul3A_745 = arith.mulf %gather3A_744, %select_n3A : vector<16xf32>
      %swap3A_746 = arith.constant 0 : i32
      %swap3A_747 = arith.constant 9 : i32
      %swap3A_748 = arith.index_cast %swap3A_746 : i32 to index
      %swap3A_749 = arith.index_cast %swap3A_747 : i32 to index
      %swap3A_750 = arith.constant 0 : index
      %swap3A_751 = tpu.vector_load %arg7[%swap3A_748, %swap3A_749, %swap3A_750] {strides = array<i32>} : memref<1x16x1025xf32, #tpu.memory_space<vmem>>, vector<16xf32>,
      tpu.vector_store %arg7[%swap3A_748, %swap3A_749, %swap3A_750], %mul3A_745 {strides = array<i32>} : memref<1x16x1025xf32, #tpu.memory_space<vmem>>, vector<16xf32>,
      %gather3A_752 = arith.constant 36864 : i32
      %gather3A_753 = tpu.memref_slice %arg5[%gather3A_752] : memref<65536xf32, #tpu.memory_space<vmem>> -> memref<4096xf32, #tpu.memory_space<vmem>>
      %gather3A_754 = tpu.vector_load_idx %gather3A_753[%get3A_597] : memref<4096xf32, #tpu.memory_space<vmem>>[vector<16xi32>], vector<16xf32>,
      %add3A_755 = arith.constant 9 : i32
      %add3A_756 = vector.broadcast %add3A_755 : i32 to vector<16xi32>
      %add3A_757 = arith.addi %broadcast_in_dim3A_3, %add3A_756 : vector<16xi32>
      tpu.vector_store_idx %arg7[%broadcast_in_dim3A_3, %add3A_757, %broadcast_in_dim3A_13], %gather3A_754 masked %eq3A_11 : memref<1x16x1025xf32, #tpu.memory_space<vmem>>[vector<16xi32>, vector<16xi32>, vector<16xi32>], vector<16xf32>, vector<16xi1>
      %gather3A_758 = arith.constant 40960 : i32
      %gather3A_759 = tpu.memref_slice %arg5[%gather3A_758] : memref<65536xf32, #tpu.memory_space<vmem>> -> memref<4096xf32, #tpu.memory_space<vmem>>
      %gather3A_760 = tpu.vector_load_idx %gather3A_759[%get3A_593] : memref<4096xf32, #tpu.memory_space<vmem>>[vector<16xi32>], vector<16xf32>,
      %mul3A_761 = arith.mulf %gather3A_760, %select_n3A : vector<16xf32>
      %swap3A_762 = arith.constant 0 : i32
      %swap3A_763 = arith.constant 10 : i32
      %swap3A_764 = arith.index_cast %swap3A_762 : i32 to index
      %swap3A_765 = arith.index_cast %swap3A_763 : i32 to index
      %swap3A_766 = arith.constant 0 : index
      %swap3A_767 = tpu.vector_load %arg7[%swap3A_764, %swap3A_765, %swap3A_766] {strides = array<i32>} : memref<1x16x1025xf32, #tpu.memory_space<vmem>>, vector<16xf32>,
      tpu.vector_store %arg7[%swap3A_764, %swap3A_765, %swap3A_766], %mul3A_761 {strides = array<i32>} : memref<1x16x1025xf32, #tpu.memory_space<vmem>>, vector<16xf32>,
      %gather3A_768 = arith.constant 40960 : i32
      %gather3A_769 = tpu.memref_slice %arg5[%gather3A_768] : memref<65536xf32, #tpu.memory_space<vmem>> -> memref<4096xf32, #tpu.memory_space<vmem>>
      %gather3A_770 = tpu.vector_load_idx %gather3A_769[%get3A_597] : memref<4096xf32, #tpu.memory_space<vmem>>[vector<16xi32>], vector<16xf32>,
      %add3A_771 = arith.constant 10 : i32
      %add3A_772 = vector.broadcast %add3A_771 : i32 to vector<16xi32>
      %add3A_773 = arith.addi %broadcast_in_dim3A_3, %add3A_772 : vector<16xi32>
      tpu.vector_store_idx %arg7[%broadcast_in_dim3A_3, %add3A_773, %broadcast_in_dim3A_13], %gather3A_770 masked %eq3A_11 : memref<1x16x1025xf32, #tpu.memory_space<vmem>>[vector<16xi32>, vector<16xi32>, vector<16xi32>], vector<16xf32>, vector<16xi1>
      %gather3A_774 = arith.constant 45056 : i32
      %gather3A_775 = tpu.memref_slice %arg5[%gather3A_774] : memref<65536xf32, #tpu.memory_space<vmem>> -> memref<4096xf32, #tpu.memory_space<vmem>>
      %gather3A_776 = tpu.vector_load_idx %gather3A_775[%get3A_593] : memref<4096xf32, #tpu.memory_space<vmem>>[vector<16xi32>], vector<16xf32>,
      %mul3A_777 = arith.mulf %gather3A_776, %select_n3A : vector<16xf32>
      %swap3A_778 = arith.constant 0 : i32
      %swap3A_779 = arith.constant 11 : i32
      %swap3A_780 = arith.index_cast %swap3A_778 : i32 to index
      %swap3A_781 = arith.index_cast %swap3A_779 : i32 to index
      %swap3A_782 = arith.constant 0 : index
      %swap3A_783 = tpu.vector_load %arg7[%swap3A_780, %swap3A_781, %swap3A_782] {strides = array<i32>} : memref<1x16x1025xf32, #tpu.memory_space<vmem>>, vector<16xf32>,
      tpu.vector_store %arg7[%swap3A_780, %swap3A_781, %swap3A_782], %mul3A_777 {strides = array<i32>} : memref<1x16x1025xf32, #tpu.memory_space<vmem>>, vector<16xf32>,
      %gather3A_784 = arith.constant 45056 : i32
      %gather3A_785 = tpu.memref_slice %arg5[%gather3A_784] : memref<65536xf32, #tpu.memory_space<vmem>> -> memref<4096xf32, #tpu.memory_space<vmem>>
      %gather3A_786 = tpu.vector_load_idx %gather3A_785[%get3A_597] : memref<4096xf32, #tpu.memory_space<vmem>>[vector<16xi32>], vector<16xf32>,
      %add3A_787 = arith.constant 11 : i32
      %add3A_788 = vector.broadcast %add3A_787 : i32 to vector<16xi32>
      %add3A_789 = arith.addi %broadcast_in_dim3A_3, %add3A_788 : vector<16xi32>
      tpu.vector_store_idx %arg7[%broadcast_in_dim3A_3, %add3A_789, %broadcast_in_dim3A_13], %gather3A_786 masked %eq3A_11 : memref<1x16x1025xf32, #tpu.memory_space<vmem>>[vector<16xi32>, vector<16xi32>, vector<16xi32>], vector<16xf32>, vector<16xi1>
      %gather3A_790 = arith.constant 49152 : i32
      %gather3A_791 = tpu.memref_slice %arg5[%gather3A_790] : memref<65536xf32, #tpu.memory_space<vmem>> -> memref<4096xf32, #tpu.memory_space<vmem>>
      %gather3A_792 = tpu.vector_load_idx %gather3A_791[%get3A_593] : memref<4096xf32, #tpu.memory_space<vmem>>[vector<16xi32>], vector<16xf32>,
      %mul3A_793 = arith.mulf %gather3A_792, %select_n3A : vector<16xf32>
      %swap3A_794 = arith.constant 0 : i32
      %swap3A_795 = arith.constant 12 : i32
      %swap3A_796 = arith.index_cast %swap3A_794 : i32 to index
      %swap3A_797 = arith.index_cast %swap3A_795 : i32 to index
      %swap3A_798 = arith.constant 0 : index
      %swap3A_799 = tpu.vector_load %arg7[%swap3A_796, %swap3A_797, %swap3A_798] {strides = array<i32>} : memref<1x16x1025xf32, #tpu.memory_space<vmem>>, vector<16xf32>,
      tpu.vector_store %arg7[%swap3A_796, %swap3A_797, %swap3A_798], %mul3A_793 {strides = array<i32>} : memref<1x16x1025xf32, #tpu.memory_space<vmem>>, vector<16xf32>,
      %gather3A_800 = arith.constant 49152 : i32
      %gather3A_801 = tpu.memref_slice %arg5[%gather3A_800] : memref<65536xf32, #tpu.memory_space<vmem>> -> memref<4096xf32, #tpu.memory_space<vmem>>
      %gather3A_802 = tpu.vector_load_idx %gather3A_801[%get3A_597] : memref<4096xf32, #tpu.memory_space<vmem>>[vector<16xi32>], vector<16xf32>,
      %add3A_803 = arith.constant 12 : i32
      %add3A_804 = vector.broadcast %add3A_803 : i32 to vector<16xi32>
      %add3A_805 = arith.addi %broadcast_in_dim3A_3, %add3A_804 : vector<16xi32>
      tpu.vector_store_idx %arg7[%broadcast_in_dim3A_3, %add3A_805, %broadcast_in_dim3A_13], %gather3A_802 masked %eq3A_11 : memref<1x16x1025xf32, #tpu.memory_space<vmem>>[vector<16xi32>, vector<16xi32>, vector<16xi32>], vector<16xf32>, vector<16xi1>
      %gather3A_806 = arith.constant 53248 : i32
      %gather3A_807 = tpu.memref_slice %arg5[%gather3A_806] : memref<65536xf32, #tpu.memory_space<vmem>> -> memref<4096xf32, #tpu.memory_space<vmem>>
      %gather3A_808 = tpu.vector_load_idx %gather3A_807[%get3A_593] : memref<4096xf32, #tpu.memory_space<vmem>>[vector<16xi32>], vector<16xf32>,
      %mul3A_809 = arith.mulf %gather3A_808, %select_n3A : vector<16xf32>
      %swap3A_810 = arith.constant 0 : i32
      %swap3A_811 = arith.constant 13 : i32
      %swap3A_812 = arith.index_cast %swap3A_810 : i32 to index
      %swap3A_813 = arith.index_cast %swap3A_811 : i32 to index
      %swap3A_814 = arith.constant 0 : index
      %swap3A_815 = tpu.vector_load %arg7[%swap3A_812, %swap3A_813, %swap3A_814] {strides = array<i32>} : memref<1x16x1025xf32, #tpu.memory_space<vmem>>, vector<16xf32>,
      tpu.vector_store %arg7[%swap3A_812, %swap3A_813, %swap3A_814], %mul3A_809 {strides = array<i32>} : memref<1x16x1025xf32, #tpu.memory_space<vmem>>, vector<16xf32>,
      %gather3A_816 = arith.constant 53248 : i32
      %gather3A_817 = tpu.memref_slice %arg5[%gather3A_816] : memref<65536xf32, #tpu.memory_space<vmem>> -> memref<4096xf32, #tpu.memory_space<vmem>>
      %gather3A_818 = tpu.vector_load_idx %gather3A_817[%get3A_597] : memref<4096xf32, #tpu.memory_space<vmem>>[vector<16xi32>], vector<16xf32>,
      %add3A_819 = arith.constant 13 : i32
      %add3A_820 = vector.broadcast %add3A_819 : i32 to vector<16xi32>
      %add3A_821 = arith.addi %broadcast_in_dim3A_3, %add3A_820 : vector<16xi32>
      tpu.vector_store_idx %arg7[%broadcast_in_dim3A_3, %add3A_821, %broadcast_in_dim3A_13], %gather3A_818 masked %eq3A_11 : memref<1x16x1025xf32, #tpu.memory_space<vmem>>[vector<16xi32>, vector<16xi32>, vector<16xi32>], vector<16xf32>, vector<16xi1>
      %gather3A_822 = arith.constant 57344 : i32
      %gather3A_823 = tpu.memref_slice %arg5[%gather3A_822] : memref<65536xf32, #tpu.memory_space<vmem>> -> memref<4096xf32, #tpu.memory_space<vmem>>
      %gather3A_824 = tpu.vector_load_idx %gather3A_823[%get3A_593] : memref<4096xf32, #tpu.memory_space<vmem>>[vector<16xi32>], vector<16xf32>,
      %mul3A_825 = arith.mulf %gather3A_824, %select_n3A : vector<16xf32>
      %swap3A_826 = arith.constant 0 : i32
      %swap3A_827 = arith.constant 14 : i32
      %swap3A_828 = arith.index_cast %swap3A_826 : i32 to index
      %swap3A_829 = arith.index_cast %swap3A_827 : i32 to index
      %swap3A_830 = arith.constant 0 : index
      %swap3A_831 = tpu.vector_load %arg7[%swap3A_828, %swap3A_829, %swap3A_830] {strides = array<i32>} : memref<1x16x1025xf32, #tpu.memory_space<vmem>>, vector<16xf32>,
      tpu.vector_store %arg7[%swap3A_828, %swap3A_829, %swap3A_830], %mul3A_825 {strides = array<i32>} : memref<1x16x1025xf32, #tpu.memory_space<vmem>>, vector<16xf32>,
      %gather3A_832 = arith.constant 57344 : i32
      %gather3A_833 = tpu.memref_slice %arg5[%gather3A_832] : memref<65536xf32, #tpu.memory_space<vmem>> -> memref<4096xf32, #tpu.memory_space<vmem>>
      %gather3A_834 = tpu.vector_load_idx %gather3A_833[%get3A_597] : memref<4096xf32, #tpu.memory_space<vmem>>[vector<16xi32>], vector<16xf32>,
      %add3A_835 = arith.constant 14 : i32
      %add3A_836 = vector.broadcast %add3A_835 : i32 to vector<16xi32>
      %add3A_837 = arith.addi %broadcast_in_dim3A_3, %add3A_836 : vector<16xi32>
      tpu.vector_store_idx %arg7[%broadcast_in_dim3A_3, %add3A_837, %broadcast_in_dim3A_13], %gather3A_834 masked %eq3A_11 : memref<1x16x1025xf32, #tpu.memory_space<vmem>>[vector<16xi32>, vector<16xi32>, vector<16xi32>], vector<16xf32>, vector<16xi1>
      %gather3A_838 = arith.constant 61440 : i32
      %gather3A_839 = tpu.memref_slice %arg5[%gather3A_838] : memref<65536xf32, #tpu.memory_space<vmem>> -> memref<4096xf32, #tpu.memory_space<vmem>>
      %gather3A_840 = tpu.vector_load_idx %gather3A_839[%get3A_593] : memref<4096xf32, #tpu.memory_space<vmem>>[vector<16xi32>], vector<16xf32>,
      %mul3A_841 = arith.mulf %gather3A_840, %select_n3A : vector<16xf32>
      %swap3A_842 = arith.constant 0 : i32
      %swap3A_843 = arith.constant 15 : i32
      %swap3A_844 = arith.index_cast %swap3A_842 : i32 to index
      %swap3A_845 = arith.index_cast %swap3A_843 : i32 to index
      %swap3A_846 = arith.constant 0 : index
      %swap3A_847 = tpu.vector_load %arg7[%swap3A_844, %swap3A_845, %swap3A_846] {strides = array<i32>} : memref<1x16x1025xf32, #tpu.memory_space<vmem>>, vector<16xf32>,
      tpu.vector_store %arg7[%swap3A_844, %swap3A_845, %swap3A_846], %mul3A_841 {strides = array<i32>} : memref<1x16x1025xf32, #tpu.memory_space<vmem>>, vector<16xf32>,
      %gather3A_848 = arith.constant 61440 : i32
      %gather3A_849 = tpu.memref_slice %arg5[%gather3A_848] : memref<65536xf32, #tpu.memory_space<vmem>> -> memref<4096xf32, #tpu.memory_space<vmem>>
      %gather3A_850 = tpu.vector_load_idx %gather3A_849[%get3A_597] : memref<4096xf32, #tpu.memory_space<vmem>>[vector<16xi32>], vector<16xf32>,
      %add3A_851 = arith.constant 15 : i32
      %add3A_852 = vector.broadcast %add3A_851 : i32 to vector<16xi32>
      %add3A_853 = arith.addi %broadcast_in_dim3A_3, %add3A_852 : vector<16xi32>
      tpu.vector_store_idx %arg7[%broadcast_in_dim3A_3, %add3A_853, %broadcast_in_dim3A_13], %gather3A_850 masked %eq3A_11 : memref<1x16x1025xf32, #tpu.memory_space<vmem>>[vector<16xi32>, vector<16xi32>, vector<16xi32>], vector<16xf32>, vector<16xi1>
      "tpu.region"() ({
        %run_scoped3A = tpu.sem_alloc : memref<!tpu.dma_semaphore, #tpu.memory_space<semaphore_mem>>
        %dma_start3A_854 = arith.constant 1024 : i32
        %dma_start3A_855 = arith.constant 0 : i32
        %dma_start3A_856 = arith.constant 0 : i32
        %dma_start3A_857 = tpu.memref_slice %arg4[%dma_start3A_854, %dma_start3A_855, %dma_start3A_856] : memref<1025x16x1025xf32, #tpu.memory_space<hbm>> -> memref<1x16x1025xf32, #tpu.memory_space<hbm>>
        %dma_start3A_858 = arith.constant 1024 : i32
        %dma_start3A_859 = arith.constant 0 : i32
        %dma_start3A_860 = arith.constant 0 : i32
        %dma_start3A_861 = tpu.memref_slice %arg4[%dma_start3A_858, %dma_start3A_859, %dma_start3A_860] : memref<1025x16x1025xf32, #tpu.memory_space<hbm>> -> memref<1x16x1025xf32, #tpu.memory_space<hbm>>
        tpu.enqueue_dma source(%arg7 : memref<1x16x1025xf32, #tpu.memory_space<vmem>>) target(%dma_start3A_861 : memref<1x16x1025xf32, #tpu.memory_space<hbm>>) target_semaphore(%run_scoped3A : memref<!tpu.dma_semaphore, #tpu.memory_space<semaphore_mem>>)
        %dma_wait3A_862 = arith.constant 1024 : i32
        %dma_wait3A_863 = arith.constant 0 : i32
        %dma_wait3A_864 = arith.constant 0 : i32
        %dma_wait3A_865 = tpu.memref_slice %arg4[%dma_wait3A_862, %dma_wait3A_863, %dma_wait3A_864] : memref<1025x16x1025xf32, #tpu.memory_space<hbm>> -> memref<1x16x1025xf32, #tpu.memory_space<hbm>>
        %dma_wait3A_866 = arith.constant 1024 : i32
        %dma_wait3A_867 = arith.constant 0 : i32
        %dma_wait3A_868 = arith.constant 0 : i32
        %dma_wait3A_869 = tpu.memref_slice %arg4[%dma_wait3A_866, %dma_wait3A_867, %dma_wait3A_868] : memref<1025x16x1025xf32, #tpu.memory_space<hbm>> -> memref<1x16x1025xf32, #tpu.memory_space<hbm>>
        tpu.wait_dma2 semaphore(%run_scoped3A : memref<!tpu.dma_semaphore, #tpu.memory_space<semaphore_mem>>) src(%arg7 : memref<1x16x1025xf32, #tpu.memory_space<vmem>>) dst(%dma_wait3A_869 : memref<1x16x1025xf32, #tpu.memory_space<hbm>>)
        tpu.yield
      }) : () -> ()
    } else {
    }
    return
  }
}

</mosaic_0001>

<sc_bundles>
// kernel: kernel.3.cloned.1.call-start
scs
__scs_entry_jumppad:
0x0: {  	(pc) =	sbr.rel $0x88, $3  }
0x1: {  	(tag) =	ssettag $0x0;
	lr =	simm.s32 $0x1  }
0x2: {  	[smem:$0x3F9F] =	sst lr;
	_ =	strace $0xD0000000  }
0x3: {  	_ = 	snop  }
0x4: {  	_ = 	snop  }
0x5: {  	_ = 	snop  }
0x6: {  	_ = 	snop  }
0x7: {  	_ = 	snop  }
__scs_overlays_trampoline_lowered:
0x8: {  	[smem:$0x3FAE] =	sst s0  }
0x9: {  	[smem:$0x3FAF] =	sst s1  }
0xa: {  	[smem:$0x3FB0] =	sst s2  }
0xb: {  	[smem:$0x3FB1] =	sst s3  }
0xc: {  	[smem:$0x3FB2] =	sst s4  }
0xd: {  	[smem:$0x3FB3] =	sst s5  }
0xe: {  	[smem:$0x3FB4] =	sst s6  }
0xf: {  	[smem:$0x3FB5] =	sst s7  }
0x10: {  	[smem:$0x3FB6] =	sst s8  }
0x11: {  	[smem:$0x3FB7] =	sst s9;
	s0 =	simm.s32 @!p0 $0x0  }
0x12: {  	s1 =	sld [smem:$0x3F9D];
	s0 =	simm.s32 @p0 $0x1  }
0x13: {  	[smem:$0x3FB8] =	sst s0;
	s0 =	simm.s32 @!p1 $0x0  }
0x14: {  	s2 =	sld [smem:$0x3F9C];
	s0 =	simm.s32 @p1 $0x1  }
0x15: {  	[smem:$0x3FB9] =	sst s0;
	s0 =	simm.s32 @!p2 $0x0  }
0x16: {  	s3 =	sld [smem:$0x3FDB];
	s0 =	simm.s32 @p2 $0x1  }
0x17: {  	s4 =	simm.s32 $0x1BF5;
	[smem:$0x3FBB] =	sst s0  }
0x18: {  	s0 =	sld [smem:$0x3F9E];
	_ =	swait.ge [sflag:s4], $0x0  }
0x19: {  	s7 =	sld [smem:$0x3F9F]  }
0x1a: {  	s8 =	sadd.s32 $0xFFFFE003, lr  }
0x1b: {  	s9 =	sadd.s32 $0xFFFFFEF7, lr;
	s5 =	simm.s32 $0xFFFFFFFF;
	p2 =	slt.u32 s8, $0xFFFFF086  }
0x1c: {  	p1 =	slt.u32 s9, $0xF7A;
	s5 =	simm.s32 @!p2 $0x0  }
0x1d: {  	s5 =	simm.s32 @p1 $0x1;
	p0 =	seq.s32 s7, s2  }
0x1e: {  	s7 =	smul.u32 @!p0 $0xF7A, s2;
	p2 =	seq.s32 @!p0 s5, $0x0  }
0x1f: {  	s9 =	smul.u32 $0xF7A, s1;
	s8 =	simm.s32 @!p0 $0x1BF5;
	p2 =	por !p2, p0  }
0x20: {  	[sflag:s8] =	ssyncset.s32 @!p0 $0xFFFFF086;
	s6 =	sadd.s32 @!p0 s3, s7;
	s7 =	simm.s32 @!p0 $0x108  }
0x21: {  	s3 =	sadd.s32 s3, s9;
	s6 =	sadd.s32 @!p0 $0x88, s6;
	s7 =	simm.s32 @p2 $0x1082  }
0x22: {  	[simem:s7], [sflag:s8] =	dma.local @!p0 [hbm:s6], $0xF7A  }
0x23: {  	s9 =	sor.u32 $0xD0000000, s2;
	s6 =	simm.s32 $0x108;
	_ =	swait.ge @!p0 [sflag:s8], $0x0  }
0x24: {  	s3 =	sadd.s32 $0x88, s3;
	s6 =	simm.s32 @!p1 $0x1082;
	[sflag:s4] =	ssyncset.s32 $0xFFFFF086  }
0x25: {  	[simem:s6], [sflag:s4] =	dma.local [hbm:s3], $0xF7A  }
0x26: {  	[smem:$0x3F9F] =	sst s1;
	(tag) =	ssettag s2;
	_ =	strace s9  }
0x27: {  	s1 =	sld [smem:$0x3FAF]  }
0x28: {  	s2 =	sld [smem:$0x3FB0]  }
0x29: {  	s4 =	sld [smem:$0x3FB2]  }
0x2a: {  	p0 =	seq.s32 s5, $0x0;
	s5 =	sld [smem:$0x3FB3]  }
0x2b: {  	s6 =	sld [smem:$0x3FB4]  }
0x2c: {  	s7 =	sld [smem:$0x3FB5]  }
0x2d: {  	s3 =	simm.s32 $0x108;
	s8 =	sld [smem:$0x3FB6]  }
0x2e: {  	s3 =	simm.s32 @!p0 $0x1082;
	s9 =	sld [smem:$0x3FB7]  }
0x2f: {  	lr =	sadd.s32 s0, s3;
	s0 =	sld [smem:$0x3FAE]  }
0x30: {  	s3 =	sld [smem:$0x3FB1]  }
0x31: {  	[smem:$0x3FBA] =	sst s10  }
0x32: {  	s10 =	sld [smem:$0x3FB8];
	_ =	sdelay $0x3  }
0x33: {  	p0 =	seq.s32 s10, $0x1;
	s10 =	sld [smem:$0x3FBA];
	_ =	sdelay $0x3  }
0x34: {  	[smem:$0x3FBA] =	sst s10  }
0x35: {  	s10 =	sld [smem:$0x3FB9];
	_ =	sdelay $0x3  }
0x36: {  	p1 =	seq.s32 s10, $0x1;
	s10 =	sld [smem:$0x3FBA];
	_ =	sdelay $0x3  }
0x37: {  	[smem:$0x3FBA] =	sst s10  }
0x38: {  	s10 =	sld [smem:$0x3FBB]  }
0x39: {  	_ = 	snop;
	(pc) =	sbr.ind lr, $3  }
0x3a: {  	_ = 	snop  }
0x3b: {  	_ = 	snop  }
0x3c: {  	p2 =	seq.s32 s10, $0x1;
	s10 =	sld [smem:$0x3FBA]  }
0x3d: {  	_ =	shalt  }
0x3e: {  	_ =	shalt  }
0x3f: {  	_ =	shalt  }
0x40: {  	_ =	shalt  }
0x41: {  	_ =	shalt  }
0x42: {  	_ =	shalt  }
0x43: {  	_ =	shalt  }
0x44: {  	_ =	shalt  }
0x45: {  	_ =	shalt  }
0x46: {  	_ =	shalt  }
0x47: {  	_ =	shalt  }
0x48: {  	_ =	shalt  }
0x49: {  	_ =	shalt  }
0x4a: {  	_ =	shalt  }
0x4b: {  	_ =	shalt  }
0x4c: {  	_ =	shalt  }
0x4d: {  	_ =	shalt  }
0x4e: {  	_ =	shalt  }
0x4f: {  	_ =	shalt  }
0x50: {  	_ =	shalt  }
0x51: {  	_ =	shalt  }
0x52: {  	_ =	shalt  }
0x53: {  	_ =	shalt  }
0x54: {  	_ =	shalt  }
0x55: {  	_ =	shalt  }
0x56: {  	_ =	shalt  }
0x57: {  	_ =	shalt  }
0x58: {  	_ =	shalt  }
0x59: {  	_ =	shalt  }
0x5a: {  	_ =	shalt  }
0x5b: {  	_ =	shalt  }
0x5c: {  	_ =	shalt  }
0x5d: {  	_ =	shalt  }
0x5e: {  	_ =	shalt  }
0x5f: {  	_ =	shalt  }
0x60: {  	_ =	shalt  }
0x61: {  	_ =	shalt  }
0x62: {  	_ =	shalt  }
0x63: {  	_ =	shalt  }
0x64: {  	_ =	shalt  }
0x65: {  	_ =	shalt  }
0x66: {  	_ =	shalt  }
0x67: {  	_ =	shalt  }
0x68: {  	_ =	shalt  }
0x69: {  	_ =	shalt  }
0x6a: {  	_ =	shalt  }
0x6b: {  	_ =	shalt  }
0x6c: {  	_ =	shalt  }
0x6d: {  	_ =	shalt  }
0x6e: {  	_ =	shalt  }
0x6f: {  	_ =	shalt  }
0x70: {  	_ =	shalt  }
0x71: {  	_ =	shalt  }
0x72: {  	_ =	shalt  }
0x73: {  	_ =	shalt  }
0x74: {  	_ =	shalt  }
0x75: {  	_ =	shalt  }
0x76: {  	_ =	shalt  }
0x77: {  	_ =	shalt  }
0x78: {  	_ =	shalt  }
0x79: {  	_ =	shalt  }
0x7a: {  	_ =	shalt  }
0x7b: {  	_ =	shalt  }
0x7c: {  	_ =	shalt  }
0x7d: {  	_ =	shalt  }
0x7e: {  	_ =	shalt  }
0x7f: {  	_ =	shalt  }
0x80: {  	_ =	shalt  }
0x81: {  	_ =	shalt  }
0x82: {  	_ =	shalt  }
0x83: {  	_ =	shalt  }
0x84: {  	_ =	shalt  }
0x85: {  	_ =	shalt  }
0x86: {  	_ =	shalt  }
0x87: {  	_ =	shalt  }
.Lfunc_end0:
.L_simem_size_0:
called_computation_lowered:
.L_overlay_start_0:
0x88: {  	s2 =	sld [smem:$0x3FD9]  }
0x89: {  	s3 =	sld [smem:$0x3FFE];
	_ =	sdelay $0x1  }
0x8a: {  	s1 =	srdreg.scid  }
0x8b: {  	s0 =	sand.u32 $0x1, s1  }
0x8c: {  	s17 =	sshll.u32 s0, $0xA;
	s2 =	sadd.s32 s3, s2  }
0x8d: {  	s2 =	sadd.s32 s2, s17  }
0x8e: {  	[smem:$0x3FC6] =	sst s2  }
0x8f: {  	_ = 	snop  }
0x90: {  	s2 =	sld [smem:$0x3FD0];
	(tm) =	ssettm $0x1  }
0x91: {  	s18 =	sld [smem:$0x3FFB];
	_ =	sdelay $0x3  }
0x92: {  	_ =	strace s18  }
0x93: {  	s3 =	sld [smem:$0x3FFC];
	_ =	sdelay $0x3  }
0x94: {  	_ =	strace s3  }
0x95: {  	s3 =	sld [smem:$0x3FFD];
	_ =	sdelay $0x3  }
0x96: {  	_ =	strace s3  }
0x97: {  	_ =	strace $0x8FFFFFFF  }
0x98: {  	s19 =	sld [smem:$0x3FDB];
	_ =	sdelay $0x1  }
0x99: {  	s4 =	simm.s32 $_scs_section_size  }
0x9a: {  	s5 =	simm.s32 $_size__tile_overlayer_lowered;
	s6 =	simm.s32 $_tile_overlayer_lowered  }
0x9b: {  	s22 =	simm.s32 $0x1BFF;
	s21 =	sshll.u32 s6, $0x1;
	s3 =	sadd.s32 s4, s19  }
0x9c: {  	s7 =	simm.s32 $0x0;
	s20 =	sshll.u32 s5, $0x1;
	s5 =	sadd.s32 s21, s3  }
0x9d: {  	[timem:s7], [sflag:s22] =	dma.local [hbm:s5], s20  }
0x9e: {  	_ =	swait.ge [sflag:s22], s20  }
0x9f: {  	s4 =	ssub.s32 $0x0, s20;
	[sflag:s22] =	ssyncset.done $0x0  }
0xa0: {  	[sflag:s22] =	ssyncadd.s32 s4;
	_ =	sdelay $0x1  }
0xa1: {  	s23 =	simm.s32 $0x1B8B  }
0xa2: {  	_ =	swait.ge [sflag:s23], $0x1  }
0xa3: {  	[sflag:s23] =	ssyncset.done $0x0  }
0xa4: {  	s25 =	simm.s32 $0x1B8E;
	s24 =	sld [smem:$0x3FFE];
	[sflag:s23] =	ssyncadd.s32 $0xFFFFFFFF  }
0xa5: {  	s26 =	simm.s32 $execute0_lowered;
	[smem:$0x3FD2] =	sst s25  }
0xa6: {  	s5 =	sshll.u32 s26, $0x1;
	_ =	strace $0x80000046;
	[dreg:$0x1] =	wrdreg $0xFFFFFFFF  }
0xa7: {  	s28 =	simm.s32 $_size_execute0_lowered;
	s3 =	sadd.s32 s3, s5;
	[dreg:$0x0] =	wrdreg $0x0  }
0xa8: {  	s5 =	sshll.u32 s28, $0x1;
	[dreg:$0x2] =	wrdreg s3  }
0xa9: {  	[dreg:$0x3] =	wrdreg s5  }
0xaa: {  	[dreg:$0x4] =	wrdreg $0xC0  }
0xab: {  	_ =	task [dreg:s7], $0x5FFFF  }
0xac: {  	[dreg:$0x1] =	wrdreg $0xFFFFFFFF  }
0xad: {  	[dreg:$0x0] =	wrdreg $0x60  }
0xae: {  	[dreg:$0x2] =	wrdreg s24  }
0xaf: {  	[dreg:$0x3] =	wrdreg s2  }
0xb0: {  	[dreg:$0x4] =	wrdreg $0x9  }
0xb1: {  	_ =	task.clear_ibuf [dreg:s7], $0x5FFFF;
	_ =	strace $0x90000046  }
0xb2: {  	s29 =	simm.s32 $0x9;
	_ =	strace $0x80000048  }
0xb3: {  	_ =	swait.ge [sflag:s29], $0x1  }
0xb4: {  	[sflag:s29] =	ssyncadd.s32 $0xFFFFFFFF  }
0xb5: {  	_ =	strace $0x90000048  }
0xb6: {  	_ =	sfence  }
0xb7: {  	s30 =	sld [smem:$0x0];
	_ =	sdelay $0x2  }
0xb8: {  	s31 =	sshll.u32 s1, $0xD;
	s1 =	sshrl.u32 s1, $0x2  }
0xb9: {  	s3 =	sand.u32 $0x4000, s31;
	s1 =	sadd.s32 s1, s30  }
0xba: {  	s0 =	sor.u32 s3, s0;
	s1 =	sshll.u32 s1, $0x11  }
0xbb: {  	s0 =	sor.u32 s1, s0  }
0xbc: {  	s0 =	sadd.s32 $0x8F2B, s0  }
0xbd: {  	[sflag:s0] =	ssyncadd.remote.s32 $0x1  }
0xbe: {  	_ =	sfence.sel $0xFFFF  }
0xbf: {  	[dreg:$0x0] =	wrdreg $0xFFFFFFFF;
	(pc) =	sbr.abs _section_cstart, $3  }
0xc0: {  	[dreg:$0x1] =	wrdreg $0xFFFFFFFF  }
0xc1: {  	_ =	task.clear_ibuf [dreg:s7], $0x2FFFF;
	_ =	strace $0x9FFFFFFF  }
0xc2: {  	(tm) =	ssettm $0x7FFFFFFF  }
0xc3: {  	_ =	shalt  }
tec
execute0_lowered:
.L_overlay_start_1:
0x0: {  	(tag) =	ssettag $0x1  }
0x1: {  	s0 =	rddreg [dreg:$0x0]  }
0x2: {  	s1 =	srdreg.scid;
	s2 =	stileid.u32  }
0x3: {  	s6 =	rddreg [dreg:$0x1];
	s21 =	simm.s32 $0x0;
	s22 =	simm.s32 $0x1000  }
0x4: {  	s23 =	simm.s32 $0x2000;
	s19 =	simm.s32 $0x6000;
	s20 =	simm.s32 $0x7000  }
0x5: {  	s31 =	simm.s32 $0xB000;
	s30 =	simm.s32 $0xC000;
	s17 =	simm.s32 $0xD000  }
0x6: {  	s16 =	simm.s32 $0xE000;
	s1 =	sand.u32 $0x1, s1;
	s2 =	sshll.u32 s2, $0x1  }
0x7: {  	[smem:$0x7FF] =	sst s21;
	s7 =	sadd.s32 $0x400, s0;
	s24 =	sadd.s32 $0x2400, s0  }
0x8: {  	s0 =	sadd.s32 $0x26400, s0;
	_ =	strace $0x80000047;
	[dreg:$0x9] =	wrdreg s7  }
0x9: {  	s28 =	sadd.s32 $0x240000, s6;
	s2 =	sor.u32 s1, s2;
	[dreg:$0xa] =	wrdreg s24  }
0xa: {  	s1 =	ssub.s32 $0x2, s1;
	[dreg:$0xf] =	wrdreg s0;
	s3 =	smul.u32 $0x1200, s2  }
0xb: {  	v0 =	vimm.f32 $1.000000000e+00;
	vm0 =	vcmask $0x300;
	[dreg:$0x10] =	wrdreg s28;
	s4 =	sshrl.u32 s1, $0x1;
	s5 =	smul.u32 $0x12000, s2  }
0xc: {  	v1 =	vimm.s32 $0x2000;
	v2 =	vimm.s32 $0x2080;
	v3 =	vimm.s32 $0x2100;
	s25 =	sshll.u32 s2, $0x5;
	p0 =	sne.s32 s2, $0x0;
	p1 =	sne.s32 s2, $0x1F  }
.Ltmp0:
0xd: {  	v4 =	vimm.s32 $0x2180;
	v5 =	vimm.s32 $0x2200;
	v6 =	vimm.s32 $0x2280;
	[dreg:$0xb] =	wrdreg s25;
	s3 =	sadd.s32 s24, s3;
	(pc) =	sbr.rel .LBB2_1-.Ltmp0, $4  }
0xe: {  	v7 =	vimm.s32 $0x2300;
	v8 =	vimm.s32 $0x2380;
	v9 =	vimm.s32 $0x4400;
	s1 =	ssub.s32 s1, s4;
	s26 =	sadd.s32 s6, s5;
	[dreg:$0xc] =	wrdreg s3  }
0xf: {  	v10 =	vimm.s32 $0x4480;
	v11 =	vimm.s32 $0x4500;
	v12 =	vimm.s32 $0x4580;
	s25 =	simm.s32 $0x4000;
	s29 =	smax.u32 s1, $0x1;
	[dreg:$0xd] =	wrdreg s26  }
0x10: {  	v13 =	vimm.s32 $0x4600;
	v14 =	vimm.s32 $0x4680;
	v15 =	vimm.s32 $0x4700;
	s24 =	simm.s32 $0x3000;
	s3 =	sadd.s32 $0x900, s26;
	[dreg:$0x11] =	wrdreg s29  }
0x11: {  	v16 =	vimm.s32 $0x4780;
	v17 =	vimm.f32 $0.0e+00;
	v0 =	vsel vm0, $0x0, v0;
	s1 =	simm.s32 $0x0;
	s26 =	simm.s32 $0x5000;
	[dreg:$0xe] =	wrdreg s3  }
.LBB2_29:
0x12: {  	s1 =	sadd.s32 $0x1, s1;
	s0 =	rddreg [dreg:$0x11]  }
0x13: {  	p2 =	sne.s32 s1, s0  }
.Ltmp1:
0x14: {  	_ = 	snop;
	(pc) =	sbr.rel @!p2 .LBB2_30-.Ltmp1, $1  }
0x15: {  	_ =	sdelay $0x3  }
.LBB2_1:
0x16: {  	[dreg:$0x12] =	wrdreg s1  }
0x17: {  	s0 =	rddreg [dreg:$0x9];
	s2 =	simm.s32 $0x3  }
0x18: {  	[tilespmem:s21], [sflag:$0x3] =	stream.linear.gather [hbm4b:s0+s21], $0x10000, $0x38;
	[tilespmem:$0x1B400] =	vst v63  }
0x19: {  	_ =	swait.ge [sflag:s2], $0x10000  }
0x1a: {  	[sflag:s2] =	ssyncset.done $0x0  }
0x1b: {  	s18 =	simm.s32 $0x10000;
	s15 =	rddreg [dreg:$0xc];
	[sflag:s2] =	ssyncadd.s32 $0xFFFF0000  }
0x1c: {  	[tilespmem:s18], [sflag:$0x3] =	stream.linear.gather [hbm4b:s15+s21], $0x2400, $0x38;
	[tilespmem:$0x1B400] =	vst v63  }
0x1d: {  	s3 =	simm.s32 $0x30;
	s4 =	simm.s32 $0x180;
	_ =	swait.ge [sflag:s2], $0x2400  }
0x1e: {  	s0 =	sand.u32 $0x70, s3;
	s1 =	sand.u32 $0x3C00, s4;
	[sflag:s2] =	ssyncset.done $0x0  }
0x1f: {  	s0 =	sor.u32 s0, s1;
	[sflag:s2] =	ssyncadd.s32 $0xFFFFDC00  }
0x20: {  	s1 =	simm.s32 $0x10;
	s2 =	simm.s32 $0x80;
	v25 =	vld [tilespmem:s0+$0x10000]  }
0x21: {  	s3 =	sand.u32 $0x70, s1;
	s4 =	sand.u32 $0x1C00, s2  }
0x22: {  	s5 =	simm.s32 $0x20;
	s6 =	simm.s32 $0x100;
	s7 =	sor.u32 s3, s4  }
0x23: {  	s5 =	sand.u32 $0x70, s5;
	s8 =	sand.u32 $0x3C00, s6;
	v20 =	vld [tilespmem:s7+$0x10000]  }
0x24: {  	s9 =	simm.s32 $0x200;
	s10 =	simm.s32 $0x40;
	s8 =	sor.u32 s5, s8  }
0x25: {  	v18 =	vld [tilespmem:s8+$0x10000];
	s4 =	sand.u32 $0x70, s10;
	s3 =	sand.u32 $0x3C00, s9  }
0x26: {  	s4 =	sor.u32 s4, s3  }
0x27: {  	v19 =	vld [tilespmem:s4+$0x10000]  }
0x28: {  	v21 =	vld.idx.msk [tilespmem:v25+s21+$0x0], $0xffff;
	_ =	sdelay $0x2  }
0x29: {  	v22 =	vld.idx.msk [tilespmem:v20+s21+$0x0], $0xffff;
	_ =	sdelay $0x1  }
0x2a: {  	v23 =	vld.idx.msk [tilespmem:v18+s21+$0x0], $0xffff;
	[tilespmem:s0+$0x12400] =	vst v21  }
0x2b: {  	v21 =	vld.idx.msk [tilespmem:v25+s22+$0x0], $0xffff  }
0x2c: {  	v24 =	vld.idx.msk [tilespmem:v19+s21+$0x0], $0xffff  }
0x2d: {  	[tilespmem:s7+$0x12400] =	vst v22  }
0x2e: {  	v22 =	vld.idx.msk [tilespmem:v20+s22+$0x0], $0xffff  }
0x2f: {  	s11 =	sadd.s32 $0x12400, s0;
	[tilespmem:s8+$0x12400] =	vst v23  }
0x30: {  	v23 =	vld.idx.msk [tilespmem:v18+s22+$0x0], $0xffff;
	[tilespmem:s11+$0x80] =	vst v21  }
0x31: {  	[tilespmem:s4+$0x12400] =	vst v24;
	v21 =	vld.idx.msk [tilespmem:v25+s23+$0x0], $0xffff  }
0x32: {  	s12 =	sadd.s32 $0x12400, s7;
	v24 =	vld.idx.msk [tilespmem:v19+s22+$0x0], $0xffff  }
0x33: {  	[tilespmem:s12+$0x80] =	vst v22  }
0x34: {  	s6 =	sadd.s32 $0x12400, s8;
	v22 =	vld.idx.msk [tilespmem:v20+s23+$0x0], $0xffff  }
0x35: {  	[tilespmem:s6+$0x80] =	vst v23  }
0x36: {  	s9 =	sadd.s32 $0x12400, s4;
	v23 =	vld.idx.msk [tilespmem:v18+s23+$0x0], $0xffff;
	[tilespmem:s11+$0x100] =	vst v21  }
0x37: {  	[tilespmem:s9+$0x80] =	vst v24;
	v21 =	vld.idx.msk [tilespmem:v25+s24+$0x0], $0xffff  }
0x38: {  	v24 =	vld.idx.msk [tilespmem:v19+s23+$0x0], $0xffff  }
0x39: {  	[tilespmem:s12+$0x100] =	vst v22  }
0x3a: {  	v22 =	vld.idx.msk [tilespmem:v20+s24+$0x0], $0xffff  }
0x3b: {  	[tilespmem:s6+$0x100] =	vst v23  }
0x3c: {  	v23 =	vld.idx.msk [tilespmem:v18+s24+$0x0], $0xffff;
	[tilespmem:s11+$0x180] =	vst v21  }
0x3d: {  	[tilespmem:s9+$0x100] =	vst v24;
	v21 =	vld.idx.msk [tilespmem:v25+s25+$0x0], $0xffff  }
0x3e: {  	v24 =	vld.idx.msk [tilespmem:v19+s24+$0x0], $0xffff  }
0x3f: {  	[tilespmem:s12+$0x180] =	vst v22  }
0x40: {  	v22 =	vld.idx.msk [tilespmem:v20+s25+$0x0], $0xffff  }
0x41: {  	[tilespmem:s6+$0x180] =	vst v23  }
0x42: {  	v23 =	vld.idx.msk [tilespmem:v18+s25+$0x0], $0xffff;
	[tilespmem:s11+$0x200] =	vst v21  }
0x43: {  	[tilespmem:s9+$0x180] =	vst v24;
	v21 =	vld.idx.msk [tilespmem:v25+s26+$0x0], $0xffff  }
0x44: {  	v24 =	vld.idx.msk [tilespmem:v19+s25+$0x0], $0xffff  }
0x45: {  	[tilespmem:s12+$0x200] =	vst v22  }
0x46: {  	v22 =	vld.idx.msk [tilespmem:v20+s26+$0x0], $0xffff  }
0x47: {  	[tilespmem:s6+$0x200] =	vst v23  }
0x48: {  	v23 =	vld.idx.msk [tilespmem:v18+s26+$0x0], $0xffff;
	[tilespmem:s11+$0x280] =	vst v21  }
0x49: {  	[tilespmem:s9+$0x200] =	vst v24;
	v21 =	vld.idx.msk [tilespmem:v25+s19+$0x0], $0xffff  }
0x4a: {  	v24 =	vld.idx.msk [tilespmem:v19+s26+$0x0], $0xffff  }
0x4b: {  	[tilespmem:s12+$0x280] =	vst v22  }
0x4c: {  	v22 =	vld.idx.msk [tilespmem:v20+s19+$0x0], $0xffff  }
0x4d: {  	[tilespmem:s6+$0x280] =	vst v23  }
0x4e: {  	v23 =	vld.idx.msk [tilespmem:v18+s19+$0x0], $0xffff;
	[tilespmem:s11+$0x300] =	vst v21  }
0x4f: {  	s13 =	sand.u32 $0x7, s21;
	[tilespmem:s9+$0x280] =	vst v24;
	v21 =	vld.idx.msk [tilespmem:v25+s20+$0x0], $0xffff  }
0x50: {  	s18 =	simm.s32 $0x8000;
	s1 =	sor.u32 s2, s1;
	s3 =	sshll.u32 s13, $0x4;
	v24 =	vld.idx.msk [tilespmem:v19+s19+$0x0], $0xffff  }
0x51: {  	s15 =	simm.s32 $0x4;
	s1 =	sor.u32 $0x380, s1;
	s3 =	sadd.s32 $0x200, s3;
	[tilespmem:s12+$0x300] =	vst v22  }
0x52: {  	s13 =	sand.u32 $0x7, s15;
	s15 =	simm.s32 $0x280;
	s10 =	sadd.s32 $0xFFFFFFB0, s3;
	v22 =	vld.idx.msk [tilespmem:v20+s20+$0x0], $0xffff  }
0x53: {  	s14 =	sor.u32 $0x380, s10;
	s11 =	simm.s32 $0x70;
	[tilespmem:s6+$0x300] =	vst v23;
	s12 =	simm.s32 $0x380  }
0x54: {  	s10 =	simm.s32 $0x80;
	s2 =	sand.u32 $0x70, s11;
	v27 =	vld.idx.msk [tilespmem:v18+s20+$0x0], $0xffff;
	s5 =	sand.u32 $0x3C00, s12;
	[tilespmem:s14+$0x12400] =	vst v21  }
0x55: {  	s10 =	sand.u32 $0x70, s10;
	[tilespmem:s9+$0x300] =	vst v24;
	s9 =	simm.s32 $0x400;
	s2 =	sor.u32 s2, s5;
	v26 =	vld.idx.msk [tilespmem:v25+s18+$0x0], $0xffff  }
0x56: {  	s12 =	simm.s32 $0x60;
	s5 =	sshll.u32 s13, $0x4;
	s14 =	simm.s32 $0x50;
	v21 =	vld [tilespmem:s2+$0x10000]  }
0x57: {  	v28 =	vld.idx.msk [tilespmem:v19+s20+$0x0], $0xffff;
	s13 =	simm.s32 $0x300;
	[tilespmem:s1+$0x12400] =	vst v22;
	s1 =	sand.u32 $0x70, s14;
	s14 =	sand.u32 $0x1C00, s15  }
0x58: {  	s13 =	sand.u32 $0x3C00, s13;
	s15 =	sand.u32 $0x70, s12;
	v29 =	vld.idx.msk [tilespmem:v20+s18+$0x0], $0xffff;
	s14 =	sor.u32 s1, s14  }
0x59: {  	s11 =	sadd.s32 $0xFFFFFF20, s3;
	s9 =	sand.u32 $0x3C00, s9;
	s28 =	sor.u32 s15, s13;
	v23 =	vld [tilespmem:s14+$0x10000]  }
0x5a: {  	s3 =	simm.s32 $0x9000;
	s29 =	sor.u32 s10, s9;
	s9 =	sadd.s32 $0x400, s5;
	v24 =	vld [tilespmem:s28+$0x10000];
	[tilespmem:s0+$0x14800] =	vst v26  }
0x5b: {  	s15 =	sor.u32 $0x380, s11;
	s1 =	sadd.s32 $0xFFFFFE00, s9;
	v26 =	vld.idx.msk [tilespmem:v25+s3+$0x0], $0xffff  }
0x5c: {  	v22 =	vld [tilespmem:s29+$0x10000];
	[tilespmem:s15+$0x12400] =	vst v27;
	s1 =	sor.u32 $0x380, s1  }
0x5d: {  	v27 =	vld.idx.msk [tilespmem:v18+s18+$0x0], $0xffff;
	[tilespmem:s1+$0x12400] =	vst v28  }
0x5e: {  	v28 =	vld.idx.msk [tilespmem:v21+s21+$0x0], $0xffff;
	[tilespmem:s7+$0x14800] =	vst v29  }
0x5f: {  	v30 =	vld.idx.msk [tilespmem:v20+s3+$0x0], $0xffff  }
0x60: {  	s6 =	simm.s32 $0xA000;
	[tilespmem:s0+$0x14880] =	vst v26;
	v26 =	vld.idx.msk [tilespmem:v19+s18+$0x0], $0xffff  }
0x61: {  	v29 =	vld.idx.msk [tilespmem:v25+s6+$0x0], $0xffff  }
0x62: {  	[tilespmem:s8+$0x14800] =	vst v27;
	v31 =	vld.idx.msk [tilespmem:v23+s21+$0x0], $0xffff  }
0x63: {  	v27 =	vld.idx.msk [tilespmem:v24+s21+$0x0], $0xffff;
	[tilespmem:s2+$0x12400] =	vst v28  }
0x64: {  	v28 =	vld.idx.msk [tilespmem:v22+s21+$0x0], $0xffff;
	[tilespmem:s7+$0x14880] =	vst v30  }
0x65: {  	v32 =	vld.idx.msk [tilespmem:v21+s22+$0x0], $0xffff;
	[tilespmem:s4+$0x14800] =	vst v26  }
0x66: {  	v26 =	vld.idx.msk [tilespmem:v18+s3+$0x0], $0xffff;
	[tilespmem:s0+$0x14900] =	vst v29  }
0x67: {  	[tilespmem:s14+$0x12400] =	vst v31;
	v29 =	vld.idx.msk [tilespmem:v25+s31+$0x0], $0xffff  }
0x68: {  	[tilespmem:s28+$0x12400] =	vst v27;
	v30 =	vld.idx.msk [tilespmem:v19+s3+$0x0], $0xffff  }
0x69: {  	s11 =	sadd.s32 $0x12400, s2;
	v31 =	vld.idx.msk [tilespmem:v23+s22+$0x0], $0xffff;
	[tilespmem:s29+$0x12400] =	vst v28  }
0x6a: {  	v27 =	vld.idx.msk [tilespmem:v24+s22+$0x0], $0xffff;
	[tilespmem:s11+$0x80] =	vst v32  }
0x6b: {  	v28 =	vld.idx.msk [tilespmem:v22+s22+$0x0], $0xffff;
	[tilespmem:s8+$0x14880] =	vst v26  }
0x6c: {  	v32 =	vld.idx.msk [tilespmem:v21+s23+$0x0], $0xffff;
	[tilespmem:s0+$0x14980] =	vst v29  }
0x6d: {  	v26 =	vld.idx.msk [tilespmem:v20+s6+$0x0], $0xffff;
	[dreg:$0x3] =	wrdreg s14  }
0x6e: {  	s13 =	sadd.s32 $0x12400, s14;
	v29 =	vld.idx.msk [tilespmem:v25+s30+$0x0], $0xffff;
	[tilespmem:s4+$0x14880] =	vst v30  }
0x6f: {  	s14 =	sadd.s32 $0x12400, s28;
	[tilespmem:s13+$0x80] =	vst v31;
	v30 =	vld.idx.msk [tilespmem:v18+s6+$0x0], $0xffff  }
0x70: {  	s9 =	sadd.s32 $0x12400, s29;
	[tilespmem:s14+$0x80] =	vst v27;
	v31 =	vld.idx.msk [tilespmem:v23+s23+$0x0], $0xffff  }
0x71: {  	[tilespmem:s9+$0x80] =	vst v28;
	v27 =	vld.idx.msk [tilespmem:v24+s23+$0x0], $0xffff  }
0x72: {  	[tilespmem:s7+$0x14900] =	vst v26;
	v26 =	vld.idx.msk [tilespmem:v19+s6+$0x0], $0xffff  }
0x73: {  	[tilespmem:s11+$0x100] =	vst v32;
	v28 =	vld.idx.msk [tilespmem:v22+s23+$0x0], $0xffff  }
0x74: {  	v32 =	vld.idx.msk [tilespmem:v21+s24+$0x0], $0xffff;
	[tilespmem:s0+$0x14A00] =	vst v29  }
0x75: {  	[tilespmem:s8+$0x14900] =	vst v30;
	v30 =	vld.idx.msk [tilespmem:v20+s31+$0x0], $0xffff  }
0x76: {  	v29 =	vld.idx.msk [tilespmem:v25+s17+$0x0], $0xffff;
	[tilespmem:s13+$0x100] =	vst v31  }
0x77: {  	[tilespmem:s4+$0x14900] =	vst v26;
	v26 =	vld.idx.msk [tilespmem:v18+s31+$0x0], $0xffff  }
0x78: {  	[tilespmem:s14+$0x100] =	vst v27;
	v31 =	vld.idx.msk [tilespmem:v23+s24+$0x0], $0xffff  }
0x79: {  	[tilespmem:s9+$0x100] =	vst v28;
	v27 =	vld.idx.msk [tilespmem:v24+s24+$0x0], $0xffff  }
0x7a: {  	[tilespmem:s11+$0x180] =	vst v32;
	v28 =	vld.idx.msk [tilespmem:v22+s24+$0x0], $0xffff  }
0x7b: {  	v32 =	vld.idx.msk [tilespmem:v21+s25+$0x0], $0xffff;
	[tilespmem:s7+$0x14980] =	vst v30  }
0x7c: {  	v30 =	vld.idx.msk [tilespmem:v19+s31+$0x0], $0xffff;
	[tilespmem:s0+$0x14A80] =	vst v29  }
0x7d: {  	[tilespmem:s8+$0x14980] =	vst v26;
	v26 =	vld.idx.msk [tilespmem:v20+s30+$0x0], $0xffff  }
0x7e: {  	v29 =	vld.idx.msk [tilespmem:v25+s16+$0x0], $0xffff;
	[tilespmem:s13+$0x180] =	vst v31  }
0x7f: {  	[tilespmem:s14+$0x180] =	vst v27;
	v31 =	vld.idx.msk [tilespmem:v23+s25+$0x0], $0xffff  }
0x80: {  	[tilespmem:s9+$0x180] =	vst v28;
	v27 =	vld.idx.msk [tilespmem:v24+s25+$0x0], $0xffff  }
0x81: {  	[tilespmem:s11+$0x200] =	vst v32;
	v28 =	vld.idx.msk [tilespmem:v22+s25+$0x0], $0xffff  }
0x82: {  	v32 =	vld.idx.msk [tilespmem:v21+s26+$0x0], $0xffff;
	[tilespmem:s7+$0x14A00] =	vst v26  }
0x83: {  	[tilespmem:s0+$0x14B00] =	vst v29;
	v29 =	vld.idx.msk [tilespmem:v18+s30+$0x0], $0xffff  }
0x84: {  	s12 =	simm.s32 $0xF000;
	[tilespmem:s4+$0x14980] =	vst v30;
	v26 =	vld.idx.msk [tilespmem:v20+s17+$0x0], $0xffff  }
0x85: {  	v25 =	vld.idx.msk [tilespmem:v25+s12+$0x0], $0xffff;
	[tilespmem:s13+$0x200] =	vst v31  }
0x86: {  	[tilespmem:s14+$0x200] =	vst v27;
	v30 =	vld.idx.msk [tilespmem:v23+s26+$0x0], $0xffff  }
0x87: {  	[tilespmem:s9+$0x200] =	vst v28;
	v27 =	vld.idx.msk [tilespmem:v24+s26+$0x0], $0xffff  }
0x88: {  	[tilespmem:s11+$0x280] =	vst v32;
	v28 =	vld.idx.msk [tilespmem:v22+s26+$0x0], $0xffff  }
0x89: {  	v31 =	vld.idx.msk [tilespmem:v21+s19+$0x0], $0xffff;
	[tilespmem:s8+$0x14A00] =	vst v29  }
0x8a: {  	[tilespmem:s0+$0x14B80] =	vst v25;
	v25 =	vld.idx.msk [tilespmem:v19+s30+$0x0], $0xffff  }
0x8b: {  	[tilespmem:s7+$0x14A80] =	vst v26;
	v29 =	vld.idx.msk [tilespmem:v18+s17+$0x0], $0xffff  }
0x8c: {  	v26 =	vld.idx.msk [tilespmem:v20+s16+$0x0], $0xffff;
	[tilespmem:s13+$0x280] =	vst v30  }
0x8d: {  	[tilespmem:s14+$0x280] =	vst v27;
	v30 =	vld.idx.msk [tilespmem:v23+s19+$0x0], $0xffff  }
0x8e: {  	[tilespmem:s9+$0x280] =	vst v28;
	v27 =	vld.idx.msk [tilespmem:v24+s19+$0x0], $0xffff  }
0x8f: {  	s1 =	simm.s32 $0x4;
	[tilespmem:s11+$0x300] =	vst v31;
	v31 =	vld.idx.msk [tilespmem:v22+s19+$0x0], $0xffff  }
0x90: {  	s15 =	sand.u32 $0x7, s1;
	v32 =	vld.idx.msk [tilespmem:v21+s20+$0x0], $0xffff;
	[tilespmem:s4+$0x14A00] =	vst v25  }
0x91: {  	s6 =	simm.s32 $0x8;
	s0 =	sshll.u32 s15, $0x4;
	[tilespmem:s8+$0x14A80] =	vst v29;
	v33 =	vld.idx.msk [tilespmem:v19+s17+$0x0], $0xffff  }
0x92: {  	s31 =	sand.u32 $0x7, s6;
	s0 =	sadd.s32 $0x400, s0;
	v25 =	vld.idx.msk [tilespmem:v18+s16+$0x0], $0xffff;
	[tilespmem:s13+$0x300] =	vst v30  }
0x93: {  	s5 =	simm.s32 $0x5;
	s15 =	sshll.u32 s31, $0x4;
	s21 =	sadd.s32 $0xFFFFFFB0, s0;
	[tilespmem:s14+$0x300] =	vst v27;
	v29 =	vld.idx.msk [tilespmem:v23+s20+$0x0], $0xffff  }
0x94: {  	s30 =	sor.u32 $0x380, s21;
	s16 =	simm.s32 $0x50;
	s17 =	simm.s32 $0x280;
	[tilespmem:s9+$0x300] =	vst v31;
	v28 =	vld.idx.msk [tilespmem:v24+s20+$0x0], $0xffff  }
0x95: {  	s11 =	simm.s32 $0x600;
	s0 =	sadd.s32 $0xFFFFFF20, s0;
	s3 =	sor.u32 s17, s16;
	[tilespmem:s30+$0x12400] =	vst v32;
	v27 =	vld.idx.msk [tilespmem:v22+s20+$0x0], $0xffff  }
0x96: {  	s9 =	sor.u32 $0x380, s0;
	s13 =	simm.s32 $0xC0;
	s14 =	sor.u32 $0x380, s3;
	v30 =	vld.idx.msk [tilespmem:v21+s18+$0x0], $0xffff;
	[tilespmem:s4+$0x14A80] =	vst v33  }
.LBB2_2:
0x97: {  	s0 =	sadd.s32 $0xFFFFFFF0, s13;
	s3 =	sadd.s32 $0xFFFFFF80, s11  }
0x98: {  	s10 =	simm.s32 $0xE000;
	s0 =	sand.u32 $0x70, s0;
	s3 =	sand.u32 $0x3C00, s3  }
0x99: {  	s3 =	sor.u32 s0, s3;
	[tilespmem:s7+$0x14B00] =	vst v26;
	v26 =	vld.idx.msk [tilespmem:v19+s10+$0x0], $0xffff  }
0x9a: {  	s16 =	sadd.s32 $0xFFFFFFD0, s13;
	[tilespmem:s8+$0x14B00] =	vst v25;
	v25 =	vld [tilespmem:s3+$0x10000]  }
0x9b: {  	s17 =	sadd.s32 $0xFFFFFE80, s11;
	s18 =	sadd.s32 $0xFFFFFF00, s11;
	s30 =	simm.s32 $0x8000;
	v31 =	vld.idx.msk [tilespmem:v20+s12+$0x0], $0xffff  }
0x9c: {  	s31 =	sand.u32 $0x3C00, s11;
	s15 =	sadd.s32 s15, s11;
	s21 =	sand.u32 $0x1C00, s17;
	[tilespmem:s14+$0x12400] =	vst v29;
	v29 =	vld.idx.msk [tilespmem:v18+s12+$0x0], $0xffff  }
0x9d: {  	s12 =	sand.u32 $0x70, s16;
	s14 =	sadd.s32 $0xFFFFFFE0, s13;
	[tilespmem:s9+$0x12400] =	vst v28;
	s16 =	sor.u32 s17, s16;
	v28 =	vld.idx.msk [tilespmem:v23+s30+$0x0], $0xffff  }
0x9e: {  	[tilespmem:s2+$0x14800] =	vst v30;
	s17 =	sadd.s32 $0xFFFFFE00, s15;
	s0 =	sor.u32 s12, s21;
	v32 =	vld.idx.msk [tilespmem:v24+s30+$0x0], $0xffff;
	s21 =	simm.s32 $0x9000  }
0x9f: {  	s10 =	sand.u32 $0x70, s14;
	s14 =	sand.u32 $0x3C00, s18;
	s18 =	sand.u32 $0x70, s13;
	v30 =	vld.idx.msk [tilespmem:v21+s21+$0x0], $0xffff  }
0xa0: {  	v20 =	vmov v23;
	s12 =	sor.u32 s10, s14;
	s18 =	sor.u32 s18, s31;
	v23 =	vld [tilespmem:s0+$0x10000];
	s14 =	rddreg [dreg:$0x3];
	[tilespmem:s4+$0x14B00] =	vst v26  }
0xa1: {  	v18 =	vmov v24;
	v24 =	vld [tilespmem:s12+$0x10000];
	[tilespmem:s7+$0x14B80] =	vst v31;
	s7 =	smov.u32 s14;
	s14 =	sor.u32 $0x380, s16;
	s16 =	sor.u32 $0x380, s17  }
0xa2: {  	s30 =	simm.s32 $0xF000;
	v26 =	vld [tilespmem:s18+$0x10000];
	[tilespmem:s16+$0x12400] =	vst v27  }
0xa3: {  	s9 =	sadd.s32 $0x12400, s0;
	[tilespmem:s8+$0x14B80] =	vst v29;
	s17 =	smov.u32 s0;
	s0 =	simm.s32 $0x0;
	v27 =	vld.idx.msk [tilespmem:v19+s30+$0x0], $0xffff  }
0xa4: {  	[tilespmem:s7+$0x14800] =	vst v28;
	v29 =	vld.idx.msk [tilespmem:v25+s0+$0x0], $0xffff  }
0xa5: {  	s30 =	simm.s32 $0x8000;
	v31 =	vld.idx.msk [tilespmem:v20+s21+$0x0], $0xffff  }
0xa6: {  	s16 =	simm.s32 $0xA000;
	[tilespmem:s2+$0x14880] =	vst v30;
	v28 =	vld.idx.msk [tilespmem:v22+s30+$0x0], $0xffff  }
0xa7: {  	s8 =	smov.u32 s28;
	v30 =	vld.idx.msk [tilespmem:v21+s16+$0x0], $0xffff  }
0xa8: {  	[tilespmem:s8+$0x14800] =	vst v32;
	v60 =	vld.idx.msk [tilespmem:v23+s0+$0x0], $0xffff  }
0xa9: {  	v19 =	vmov v22;
	v33 =	vld.idx.msk [tilespmem:v24+s0+$0x0], $0xffff;
	[tilespmem:s4+$0x14B80] =	vst v27  }
0xaa: {  	v22 =	vmov v26;
	s4 =	smov.u32 s29;
	[tilespmem:s3+$0x12400] =	vst v29;
	v26 =	vld.idx.msk [tilespmem:v26+s0+$0x0], $0xffff  }
0xab: {  	v27 =	vld.idx.msk [tilespmem:v25+s22+$0x0], $0xffff;
	[tilespmem:s4+$0x14800] =	vst v28  }
0xac: {  	s31 =	sadd.s32 $0x12400, s18;
	s29 =	smov.u32 s18;
	s18 =	simm.s32 $0xB000;
	v28 =	vld.idx.msk [tilespmem:v18+s21+$0x0], $0xffff;
	[tilespmem:s2+$0x14900] =	vst v30  }
0xad: {  	[tilespmem:s7+$0x14880] =	vst v31;
	v29 =	vld.idx.msk [tilespmem:v21+s18+$0x0], $0xffff  }
0xae: {  	s28 =	smov.u32 s12;
	v30 =	vld.idx.msk [tilespmem:v19+s21+$0x0], $0xffff;
	[tilespmem:s17+$0x12400] =	vst v60  }
0xaf: {  	v31 =	vld.idx.msk [tilespmem:v23+s22+$0x0], $0xffff;
	[tilespmem:s28+$0x12400] =	vst v33  }
0xb0: {  	v61 =	vld.idx.msk [tilespmem:v24+s22+$0x0], $0xffff;
	[tilespmem:s29+$0x12400] =	vst v26  }
0xb1: {  	s15 =	sadd.s32 $0x12400, s3;
	[tilespmem:s8+$0x14880] =	vst v28;
	v28 =	vld.idx.msk [tilespmem:v20+s16+$0x0], $0xffff  }
0xb2: {  	[tilespmem:s15+$0x80] =	vst v27;
	v26 =	vld.idx.msk [tilespmem:v22+s22+$0x0], $0xffff  }
0xb3: {  	v27 =	vld.idx.msk [tilespmem:v25+s23+$0x0], $0xffff;
	[tilespmem:s2+$0x14980] =	vst v29  }
0xb4: {  	[dreg:$0x3] =	wrdreg s17;
	s17 =	simm.s32 $0xC000;
	[tilespmem:s4+$0x14880] =	vst v30;
	v30 =	vld.idx.msk [tilespmem:v18+s16+$0x0], $0xffff  }
0xb5: {  	s10 =	sadd.s32 $0x12400, s12;
	v29 =	vld.idx.msk [tilespmem:v21+s17+$0x0], $0xffff;
	[tilespmem:s9+$0x80] =	vst v31  }
0xb6: {  	v31 =	vld.idx.msk [tilespmem:v23+s23+$0x0], $0xffff;
	[tilespmem:s10+$0x80] =	vst v61  }
0xb7: {  	v32 =	vld.idx.msk [tilespmem:v24+s23+$0x0], $0xffff;
	[tilespmem:s31+$0x80] =	vst v26  }
0xb8: {  	[tilespmem:s15+$0x100] =	vst v27;
	v26 =	vld.idx.msk [tilespmem:v22+s23+$0x0], $0xffff  }
0xb9: {  	[tilespmem:s7+$0x14900] =	vst v28;
	v27 =	vld.idx.msk [tilespmem:v25+s24+$0x0], $0xffff  }
0xba: {  	[tilespmem:s2+$0x14A00] =	vst v29;
	v28 =	vld.idx.msk [tilespmem:v19+s16+$0x0], $0xffff;
	s16 =	simm.s32 $0xD000  }
0xbb: {  	v29 =	vld.idx.msk [tilespmem:v21+s16+$0x0], $0xffff;
	[tilespmem:s9+$0x100] =	vst v31  }
0xbc: {  	[tilespmem:s8+$0x14900] =	vst v30;
	v30 =	vld.idx.msk [tilespmem:v20+s18+$0x0], $0xffff  }
0xbd: {  	v31 =	vld.idx.msk [tilespmem:v23+s24+$0x0], $0xffff;
	[tilespmem:s10+$0x100] =	vst v32  }
0xbe: {  	v32 =	vld.idx.msk [tilespmem:v24+s24+$0x0], $0xffff;
	[tilespmem:s31+$0x100] =	vst v26  }
0xbf: {  	[tilespmem:s15+$0x180] =	vst v27;
	v26 =	vld.idx.msk [tilespmem:v22+s24+$0x0], $0xffff  }
0xc0: {  	v27 =	vld.idx.msk [tilespmem:v25+s25+$0x0], $0xffff;
	[tilespmem:s4+$0x14900] =	vst v28  }
0xc1: {  	s21 =	simm.s32 $0xE000;
	v28 =	vld.idx.msk [tilespmem:v18+s18+$0x0], $0xffff;
	[tilespmem:s2+$0x14A80] =	vst v29  }
0xc2: {  	v29 =	vld.idx.msk [tilespmem:v21+s21+$0x0], $0xffff;
	[tilespmem:s7+$0x14980] =	vst v30  }
0xc3: {  	v30 =	vld.idx.msk [tilespmem:v19+s18+$0x0], $0xffff;
	[tilespmem:s9+$0x180] =	vst v31  }
0xc4: {  	[tilespmem:s10+$0x180] =	vst v32;
	v31 =	vld.idx.msk [tilespmem:v23+s25+$0x0], $0xffff  }
0xc5: {  	v32 =	vld.idx.msk [tilespmem:v24+s25+$0x0], $0xffff;
	[tilespmem:s31+$0x180] =	vst v26  }
0xc6: {  	[tilespmem:s8+$0x14980] =	vst v28;
	v28 =	vld.idx.msk [tilespmem:v20+s17+$0x0], $0xffff  }
0xc7: {  	[tilespmem:s15+$0x200] =	vst v27;
	v26 =	vld.idx.msk [tilespmem:v22+s25+$0x0], $0xffff  }
0xc8: {  	s12 =	simm.s32 $0xF000;
	v27 =	vld.idx.msk [tilespmem:v25+s26+$0x0], $0xffff;
	[tilespmem:s2+$0x14B00] =	vst v29  }
0xc9: {  	v29 =	vld.idx.msk [tilespmem:v21+s12+$0x0], $0xffff;
	[tilespmem:s4+$0x14980] =	vst v30;
	v21 =	vmov v25  }
0xca: {  	v25 =	vld.idx.msk [tilespmem:v18+s17+$0x0], $0xffff;
	[tilespmem:s9+$0x200] =	vst v31  }
0xcb: {  	[tilespmem:s10+$0x200] =	vst v32;
	v30 =	vld.idx.msk [tilespmem:v23+s26+$0x0], $0xffff  }
0xcc: {  	v31 =	vld.idx.msk [tilespmem:v24+s26+$0x0], $0xffff;
	[tilespmem:s31+$0x200] =	vst v26  }
0xcd: {  	[tilespmem:s15+$0x280] =	vst v27;
	v26 =	vld.idx.msk [tilespmem:v22+s26+$0x0], $0xffff  }
0xce: {  	[tilespmem:s7+$0x14A00] =	vst v28;
	v27 =	vld.idx.msk [tilespmem:v21+s19+$0x0], $0xffff  }
0xcf: {  	[tilespmem:s2+$0x14B80] =	vst v29;
	v28 =	vld.idx.msk [tilespmem:v19+s17+$0x0], $0xffff  }
0xd0: {  	v29 =	vld.idx.msk [tilespmem:v20+s16+$0x0], $0xffff;
	[tilespmem:s8+$0x14A00] =	vst v25  }
0xd1: {  	v25 =	vld.idx.msk [tilespmem:v18+s16+$0x0], $0xffff;
	[tilespmem:s9+$0x280] =	vst v30  }
0xd2: {  	[tilespmem:s10+$0x280] =	vst v31;
	v30 =	vld.idx.msk [tilespmem:v23+s19+$0x0], $0xffff  }
0xd3: {  	v31 =	vld.idx.msk [tilespmem:v24+s19+$0x0], $0xffff;
	[tilespmem:s31+$0x280] =	vst v26  }
0xd4: {  	[tilespmem:s15+$0x300] =	vst v27;
	v27 =	vld.idx.msk [tilespmem:v22+s19+$0x0], $0xffff  }
0xd5: {  	s1 =	sadd.s32 $0x4, s1;
	s18 =	simm.s32 $0xE000;
	[tilespmem:s7+$0x14A80] =	vst v29;
	v62 =	vld.idx.msk [tilespmem:v21+s20+$0x0], $0xffff  }
0xd6: {  	s5 =	sadd.s32 $0x4, s5;
	s17 =	sand.u32 $0x7, s1;
	[tilespmem:s4+$0x14A00] =	vst v28;
	v26 =	vld.idx.msk [tilespmem:v20+s18+$0x0], $0xffff  }
0xd7: {  	p2 =	slt.u32 s5, $0x39;
	s2 =	smov.u32 s3;
	s3 =	sshll.u32 s17, $0x4;
	[tilespmem:s8+$0x14A80] =	vst v25;
	v63 =	vld.idx.msk [tilespmem:v19+s16+$0x0], $0xffff  }
.Ltmp2:
0xd8: {  	s3 =	sadd.s32 s11, s3;
	v25 =	vld.idx.msk [tilespmem:v18+s18+$0x0], $0xffff;
	[tilespmem:s9+$0x300] =	vst v30;
	(pc) =	sbr.rel @p2 .LBB2_2-.Ltmp2, $4  }
0xd9: {  	s21 =	sadd.s32 $0xFFFFFF20, s3;
	s3 =	sadd.s32 $0xFFFFFFB0, s3;
	[tilespmem:s10+$0x300] =	vst v31;
	v29 =	vld.idx.msk [tilespmem:v23+s20+$0x0], $0xffff  }
0xda: {  	s6 =	sadd.s32 $0x4, s6;
	s3 =	sor.u32 $0x380, s3;
	v28 =	vld.idx.msk [tilespmem:v24+s20+$0x0], $0xffff;
	[tilespmem:s31+$0x300] =	vst v27  }
0xdb: {  	s13 =	sadd.s32 $0x40, s13;
	s30 =	simm.s32 $0x8000;
	s31 =	sand.u32 $0x7, s6;
	[tilespmem:s3+$0x12400] =	vst v62;
	v27 =	vld.idx.msk [tilespmem:v22+s20+$0x0], $0xffff  }
0xdc: {  	s11 =	sadd.s32 $0x200, s11;
	s9 =	sor.u32 $0x380, s21;
	s15 =	sshll.u32 s31, $0x4;
	v30 =	vld.idx.msk [tilespmem:v21+s30+$0x0], $0xffff;
	[tilespmem:s4+$0x14A80] =	vst v63  }
0xdd: {  	_ =	sdelay $0x1  }
0xde: {  	s1 =	sadd.s32 s15, s11  }
0xdf: {  	s3 =	simm.s32 $0x8000;
	[tilespmem:s14+$0x12400] =	vst v29;
	s1 =	sadd.s32 $0xFFFFFE00, s1  }
0xe0: {  	[tilespmem:s9+$0x12400] =	vst v28;
	v52 =	vld.idx.msk [tilespmem:v23+s3+$0x0], $0xffff;
	s1 =	sor.u32 $0x380, s1  }
0xe1: {  	v53 =	vld.idx.msk [tilespmem:v24+s3+$0x0], $0xffff;
	[tilespmem:s1+$0x12400] =	vst v27  }
0xe2: {  	v27 =	vld.idx.msk [tilespmem:v22+s3+$0x0], $0xffff  }
0xe3: {  	[tilespmem:s2+$0x14800] =	vst v30  }
0xe4: {  	s14 =	simm.s32 $0x9000;
	s21 =	rddreg [dreg:$0x3]  }
0xe5: {  	v30 =	vld.idx.msk [tilespmem:v21+s14+$0x0], $0xffff;
	[tilespmem:s21+$0x14800] =	vst v52  }
0xe6: {  	[tilespmem:s28+$0x14800] =	vst v53;
	v28 =	vld.idx.msk [tilespmem:v23+s14+$0x0], $0xffff  }
0xe7: {  	[tilespmem:s29+$0x14800] =	vst v27;
	v54 =	vld.idx.msk [tilespmem:v24+s14+$0x0], $0xffff  }
0xe8: {  	v55 =	vld.idx.msk [tilespmem:v22+s14+$0x0], $0xffff;
	_ =	sdelay $0x1  }
0xe9: {  	s15 =	simm.s32 $0xA000;
	[tilespmem:s2+$0x14880] =	vst v30  }
0xea: {  	v30 =	vld.idx.msk [tilespmem:v21+s15+$0x0], $0xffff;
	[tilespmem:s21+$0x14880] =	vst v28  }
0xeb: {  	[tilespmem:s28+$0x14880] =	vst v54;
	v56 =	vld.idx.msk [tilespmem:v23+s15+$0x0], $0xffff  }
0xec: {  	[tilespmem:s29+$0x14880] =	vst v55;
	v57 =	vld.idx.msk [tilespmem:v24+s15+$0x0], $0xffff  }
0xed: {  	v29 =	vld.idx.msk [tilespmem:v22+s15+$0x0], $0xffff;
	_ =	sdelay $0x1  }
0xee: {  	s16 =	simm.s32 $0xB000;
	[tilespmem:s2+$0x14900] =	vst v30  }
0xef: {  	v30 =	vld.idx.msk [tilespmem:v21+s16+$0x0], $0xffff;
	[tilespmem:s21+$0x14900] =	vst v56  }
0xf0: {  	[tilespmem:s28+$0x14900] =	vst v57;
	v27 =	vld.idx.msk [tilespmem:v23+s16+$0x0], $0xffff  }
0xf1: {  	[tilespmem:s29+$0x14900] =	vst v29;
	v28 =	vld.idx.msk [tilespmem:v24+s16+$0x0], $0xffff  }
0xf2: {  	v29 =	vld.idx.msk [tilespmem:v22+s16+$0x0], $0xffff;
	_ =	sdelay $0x1  }
0xf3: {  	s17 =	simm.s32 $0xC000;
	[tilespmem:s2+$0x14980] =	vst v30  }
0xf4: {  	v30 =	vld.idx.msk [tilespmem:v21+s17+$0x0], $0xffff;
	[tilespmem:s21+$0x14980] =	vst v27  }
0xf5: {  	[tilespmem:s28+$0x14980] =	vst v28;
	v27 =	vld.idx.msk [tilespmem:v23+s17+$0x0], $0xffff  }
0xf6: {  	[tilespmem:s29+$0x14980] =	vst v29;
	v28 =	vld.idx.msk [tilespmem:v24+s17+$0x0], $0xffff  }
0xf7: {  	v29 =	vld.idx.msk [tilespmem:v22+s17+$0x0], $0xffff;
	_ =	sdelay $0x1  }
0xf8: {  	s18 =	simm.s32 $0xD000;
	[tilespmem:s2+$0x14A00] =	vst v30  }
0xf9: {  	v30 =	vld.idx.msk [tilespmem:v21+s18+$0x0], $0xffff;
	[tilespmem:s21+$0x14A00] =	vst v27  }
0xfa: {  	v27 =	vld.idx.msk [tilespmem:v23+s18+$0x0], $0xffff;
	[tilespmem:s28+$0x14A00] =	vst v28  }
0xfb: {  	v28 =	vld.idx.msk [tilespmem:v24+s18+$0x0], $0xffff;
	[tilespmem:s29+$0x14A00] =	vst v29  }
0xfc: {  	s30 =	simm.s32 $0xE000;
	[tilespmem:s7+$0x14B00] =	vst v26;
	v58 =	vld.idx.msk [tilespmem:v22+s18+$0x0], $0xffff  }
0xfd: {  	v59 =	vld.idx.msk [tilespmem:v19+s30+$0x0], $0xffff;
	[tilespmem:s8+$0x14B00] =	vst v25  }
0xfe: {  	v20 =	vld.idx.msk [tilespmem:v20+s12+$0x0], $0xffff;
	[tilespmem:s2+$0x14A80] =	vst v30  }
0xff: {  	v60 =	vld.idx.msk [tilespmem:v21+s30+$0x0], $0xffff;
	[tilespmem:s21+$0x14A80] =	vst v27  }
0x100: {  	v27 =	vld.idx.msk [tilespmem:v23+s30+$0x0], $0xffff;
	[tilespmem:s28+$0x14A80] =	vst v28  }
0x101: {  	v28 =	vld.idx.msk [tilespmem:v24+s30+$0x0], $0xffff;
	[tilespmem:s29+$0x14A80] =	vst v58  }
0x102: {  	[tilespmem:s4+$0x14B00] =	vst v59;
	v26 =	vld.idx.msk [tilespmem:v22+s30+$0x0], $0xffff  }
0x103: {  	v18 =	vld.idx.msk [tilespmem:v18+s12+$0x0], $0xffff;
	[tilespmem:s7+$0x14B80] =	vst v20  }
0x104: {  	v19 =	vld.idx.msk [tilespmem:v19+s12+$0x0], $0xffff;
	[tilespmem:s2+$0x14B00] =	vst v60  }
0x105: {  	v61 =	vld.idx.msk [tilespmem:v21+s12+$0x0], $0xffff;
	[tilespmem:s21+$0x14B00] =	vst v27  }
0x106: {  	v62 =	vld.idx.msk [tilespmem:v23+s12+$0x0], $0xffff;
	[tilespmem:s28+$0x14B00] =	vst v28  }
0x107: {  	v63 =	vld.idx.msk [tilespmem:v24+s12+$0x0], $0xffff;
	[tilespmem:s29+$0x14B00] =	vst v26  }
0x108: {  	[tilespmem:s8+$0x14B80] =	vst v18;
	v18 =	vld.idx.msk [tilespmem:v22+s12+$0x0], $0xffff  }
0x109: {  	[tilespmem:s4+$0x14B80] =	vst v19  }
0x10a: {  	s31 =	simm.s32 $0xE000;
	[tilespmem:s2+$0x14B80] =	vst v61  }
0x10b: {  	s5 =	simm.s32 $0xA000;
	s6 =	simm.s32 $0x9000;
	s1 =	simm.s32 $0x1E80;
	[tilespmem:s21+$0x14B80] =	vst v62  }
0x10c: {  	s7 =	simm.s32 $0x8000;
	s8 =	simm.s32 $0x0;
	s16 =	simm.s32 $0xB000;
	[tilespmem:s28+$0x14B80] =	vst v63  }
0x10d: {  	s17 =	simm.s32 $0xC000;
	s18 =	simm.s32 $0xD000;
	s2 =	simm.s32 $0x3D0;
	[tilespmem:s29+$0x14B80] =	vst v18  }
.LBB2_4:
0x10e: {  	s3 =	sand.u32 $0x3FFFFC00, s1;
	s4 =	sshra.s32 s0, $0x2  }
0x10f: {  	s3 =	sadd.s32 s4, s3  }
0x110: {  	v18 =	vld [tilespmem:s3+$0x10050];
	_ =	sdelay $0x7  }
0x111: {  	v19 =	vld.idx.msk [tilespmem:v18+s8+$0x0], $0xffff;
	_ =	sdelay $0x3  }
0x112: {  	s3 =	sadd.s32 $0x12400, s3  }
0x113: {  	[tilespmem:s3+$0x50] =	vst v19  }
0x114: {  	v19 =	vld.idx.msk [tilespmem:v18+s22+$0x0], $0xffff;
	_ =	sdelay $0x4  }
0x115: {  	[tilespmem:s3+$0xD0] =	vst v19  }
0x116: {  	v19 =	vld.idx.msk [tilespmem:v18+s23+$0x0], $0xffff;
	_ =	sdelay $0x4  }
0x117: {  	[tilespmem:s3+$0x150] =	vst v19  }
0x118: {  	v19 =	vld.idx.msk [tilespmem:v18+s24+$0x0], $0xffff;
	_ =	sdelay $0x4  }
0x119: {  	[tilespmem:s3+$0x1D0] =	vst v19  }
0x11a: {  	v19 =	vld.idx.msk [tilespmem:v18+s25+$0x0], $0xffff;
	_ =	sdelay $0x4  }
0x11b: {  	[tilespmem:s3+$0x250] =	vst v19  }
0x11c: {  	v19 =	vld.idx.msk [tilespmem:v18+s26+$0x0], $0xffff;
	_ =	sdelay $0x4  }
0x11d: {  	[tilespmem:s3+$0x2D0] =	vst v19  }
0x11e: {  	v19 =	vld.idx.msk [tilespmem:v18+s19+$0x0], $0xffff;
	_ =	sdelay $0x4  }
0x11f: {  	[tilespmem:s3+$0x350] =	vst v19  }
0x120: {  	v19 =	vld.idx.msk [tilespmem:v18+s20+$0x0], $0xffff;
	_ =	sdelay $0x2  }
0x121: {  	s30 =	sor.u32 s1, s2  }
0x122: {  	s4 =	sor.u32 $0x380, s30  }
0x123: {  	[tilespmem:s4+$0x12400] =	vst v19  }
0x124: {  	v19 =	vld.idx.msk [tilespmem:v18+s7+$0x0], $0xffff;
	_ =	sdelay $0x4  }
0x125: {  	[tilespmem:s3+$0x2450] =	vst v19  }
0x126: {  	v19 =	vld.idx.msk [tilespmem:v18+s6+$0x0], $0xffff;
	_ =	sdelay $0x4  }
0x127: {  	[tilespmem:s3+$0x24D0] =	vst v19  }
0x128: {  	v19 =	vld.idx.msk [tilespmem:v18+s5+$0x0], $0xffff;
	_ =	sdelay $0x4  }
0x129: {  	[tilespmem:s3+$0x2550] =	vst v19  }
0x12a: {  	v19 =	vld.idx.msk [tilespmem:v18+s16+$0x0], $0xffff;
	_ =	sdelay $0x4  }
0x12b: {  	[tilespmem:s3+$0x25D0] =	vst v19  }
0x12c: {  	v19 =	vld.idx.msk [tilespmem:v18+s17+$0x0], $0xffff;
	_ =	sdelay $0x4  }
0x12d: {  	[tilespmem:s3+$0x2650] =	vst v19  }
0x12e: {  	v19 =	vld.idx.msk [tilespmem:v18+s18+$0x0], $0xffff;
	_ =	sdelay $0x4  }
0x12f: {  	[tilespmem:s3+$0x26D0] =	vst v19  }
0x130: {  	v19 =	vld.idx.msk [tilespmem:v18+s31+$0x0], $0xffff;
	_ =	sdelay $0x4  }
0x131: {  	[tilespmem:s3+$0x2750] =	vst v19  }
0x132: {  	p2 =	sne.s32 s0, $0x80;
	v18 =	vld.idx.msk [tilespmem:v18+s12+$0x0], $0xffff  }
.Ltmp3:
0x133: {  	_ = 	snop;
	(pc) =	sbr.rel @p2 .LBB2_4-.Ltmp3, $2  }
0x134: {  	_ =	sdelay $0x2  }
0x135: {  	s1 =	sadd.s32 $0x80, s1;
	s2 =	sadd.s32 $0x10, s2;
	s0 =	sadd.s32 $0x40, s0;
	[tilespmem:s3+$0x27D0] =	vst v18  }
0x136: {  	v18 =	vld [tilespmem:$0x10000];
	_ =	sdelay $0x6  }
0x137: {  	v19 =	vld [tilespmem:$0x12000];
	s0 =	simm.s32 $0x0  }
0x138: {  	v20 =	vld.idx.msk [tilespmem:v18+s0+$0x0], $0xffff;
	_ =	sdelay $0x4  }
0x139: {  	v20 =	vmul.f32 v0, v20;
	_ =	sdelay $0x1  }
0x13a: {  	[tilespmem:$0x12400] =	vst v20  }
0x13b: {  	v20 =	vld.idx.msk [tilespmem:v19+s0+$0x0], $0xffff;
	_ =	sdelay $0x3  }
0x13c: {  	s1 =	simm.s32 $0x12400  }
0x13d: {  	[tilespmem:v1+s1+$0x0] =	vst.idx.msk $0x1, v20  }
0x13e: {  	v20 =	vld.idx.msk [tilespmem:v18+s22+$0x0], $0xffff;
	_ =	sdelay $0x4  }
0x13f: {  	v20 =	vmul.f32 v0, v20;
	_ =	sdelay $0x1  }
0x140: {  	[tilespmem:$0x12480] =	vst v20  }
0x141: {  	v20 =	vld.idx.msk [tilespmem:v19+s22+$0x0], $0xffff;
	_ =	sdelay $0x4  }
0x142: {  	[tilespmem:v2+s1+$0x0] =	vst.idx.msk $0x1, v20  }
0x143: {  	v20 =	vld.idx.msk [tilespmem:v18+s23+$0x0], $0xffff;
	_ =	sdelay $0x4  }
0x144: {  	v20 =	vmul.f32 v0, v20;
	_ =	sdelay $0x1  }
0x145: {  	[tilespmem:$0x12500] =	vst v20  }
0x146: {  	v20 =	vld.idx.msk [tilespmem:v19+s23+$0x0], $0xffff;
	_ =	sdelay $0x4  }
0x147: {  	[tilespmem:v3+s1+$0x0] =	vst.idx.msk $0x1, v20  }
0x148: {  	v20 =	vld.idx.msk [tilespmem:v18+s24+$0x0], $0xffff;
	_ =	sdelay $0x4  }
0x149: {  	v20 =	vmul.f32 v0, v20;
	_ =	sdelay $0x1  }
0x14a: {  	[tilespmem:$0x12580] =	vst v20  }
0x14b: {  	v20 =	vld.idx.msk [tilespmem:v19+s24+$0x0], $0xffff;
	_ =	sdelay $0x4  }
0x14c: {  	[tilespmem:v4+s1+$0x0] =	vst.idx.msk $0x1, v20  }
0x14d: {  	v20 =	vld.idx.msk [tilespmem:v18+s25+$0x0], $0xffff;
	_ =	sdelay $0x4  }
0x14e: {  	v20 =	vmul.f32 v0, v20;
	_ =	sdelay $0x1  }
0x14f: {  	[tilespmem:$0x12600] =	vst v20  }
0x150: {  	v20 =	vld.idx.msk [tilespmem:v19+s25+$0x0], $0xffff;
	_ =	sdelay $0x4  }
0x151: {  	[tilespmem:v5+s1+$0x0] =	vst.idx.msk $0x1, v20  }
0x152: {  	v20 =	vld.idx.msk [tilespmem:v18+s26+$0x0], $0xffff;
	_ =	sdelay $0x4  }
0x153: {  	v20 =	vmul.f32 v0, v20;
	_ =	sdelay $0x1  }
0x154: {  	[tilespmem:$0x12680] =	vst v20  }
0x155: {  	v20 =	vld.idx.msk [tilespmem:v19+s26+$0x0], $0xffff;
	_ =	sdelay $0x4  }
0x156: {  	[tilespmem:v6+s1+$0x0] =	vst.idx.msk $0x1, v20  }
0x157: {  	v20 =	vld.idx.msk [tilespmem:v18+s19+$0x0], $0xffff;
	_ =	sdelay $0x4  }
0x158: {  	v20 =	vmul.f32 v0, v20;
	_ =	sdelay $0x1  }
0x159: {  	[tilespmem:$0x12700] =	vst v20  }
0x15a: {  	v20 =	vld.idx.msk [tilespmem:v19+s19+$0x0], $0xffff;
	_ =	sdelay $0x4  }
0x15b: {  	[tilespmem:v7+s1+$0x0] =	vst.idx.msk $0x1, v20  }
0x15c: {  	v20 =	vld.idx.msk [tilespmem:v18+s20+$0x0], $0xffff;
	_ =	sdelay $0x4  }
0x15d: {  	v20 =	vmul.f32 v0, v20;
	_ =	sdelay $0x1  }
0x15e: {  	[tilespmem:$0x12780] =	vst v20  }
0x15f: {  	v20 =	vld.idx.msk [tilespmem:v19+s20+$0x0], $0xffff;
	_ =	sdelay $0x4  }
0x160: {  	[tilespmem:v8+s1+$0x0] =	vst.idx.msk $0x1, v20  }
0x161: {  	v20 =	vld.idx.msk [tilespmem:v18+s7+$0x0], $0xffff;
	_ =	sdelay $0x4  }
0x162: {  	v20 =	vmul.f32 v0, v20;
	_ =	sdelay $0x1  }
0x163: {  	[tilespmem:$0x14800] =	vst v20  }
0x164: {  	v20 =	vld.idx.msk [tilespmem:v19+s7+$0x0], $0xffff;
	_ =	sdelay $0x4  }
0x165: {  	[tilespmem:v9+s1+$0x0] =	vst.idx.msk $0x1, v20  }
0x166: {  	v20 =	vld.idx.msk [tilespmem:v18+s6+$0x0], $0xffff;
	_ =	sdelay $0x4  }
0x167: {  	v20 =	vmul.f32 v0, v20;
	_ =	sdelay $0x1  }
0x168: {  	[tilespmem:$0x14880] =	vst v20  }
0x169: {  	v20 =	vld.idx.msk [tilespmem:v19+s6+$0x0], $0xffff;
	_ =	sdelay $0x4  }
0x16a: {  	[tilespmem:v10+s1+$0x0] =	vst.idx.msk $0x1, v20  }
0x16b: {  	v20 =	vld.idx.msk [tilespmem:v18+s5+$0x0], $0xffff;
	_ =	sdelay $0x4  }
0x16c: {  	v20 =	vmul.f32 v0, v20;
	_ =	sdelay $0x1  }
0x16d: {  	[tilespmem:$0x14900] =	vst v20  }
0x16e: {  	v20 =	vld.idx.msk [tilespmem:v19+s5+$0x0], $0xffff;
	_ =	sdelay $0x4  }
0x16f: {  	[tilespmem:v11+s1+$0x0] =	vst.idx.msk $0x1, v20  }
0x170: {  	v20 =	vld.idx.msk [tilespmem:v18+s16+$0x0], $0xffff;
	_ =	sdelay $0x4  }
0x171: {  	v20 =	vmul.f32 v0, v20;
	_ =	sdelay $0x1  }
0x172: {  	[tilespmem:$0x14980] =	vst v20  }
0x173: {  	v20 =	vld.idx.msk [tilespmem:v19+s16+$0x0], $0xffff;
	_ =	sdelay $0x4  }
0x174: {  	[tilespmem:v12+s1+$0x0] =	vst.idx.msk $0x1, v20  }
0x175: {  	v20 =	vld.idx.msk [tilespmem:v18+s17+$0x0], $0xffff;
	_ =	sdelay $0x4  }
0x176: {  	v20 =	vmul.f32 v0, v20;
	_ =	sdelay $0x1  }
0x177: {  	[tilespmem:$0x14A00] =	vst v20  }
0x178: {  	v20 =	vld.idx.msk [tilespmem:v19+s17+$0x0], $0xffff;
	_ =	sdelay $0x4  }
0x179: {  	[tilespmem:v13+s1+$0x0] =	vst.idx.msk $0x1, v20  }
0x17a: {  	v20 =	vld.idx.msk [tilespmem:v18+s18+$0x0], $0xffff;
	_ =	sdelay $0x4  }
0x17b: {  	v20 =	vmul.f32 v0, v20;
	_ =	sdelay $0x1  }
0x17c: {  	[tilespmem:$0x14A80] =	vst v20  }
0x17d: {  	v20 =	vld.idx.msk [tilespmem:v19+s18+$0x0], $0xffff;
	_ =	sdelay $0x4  }
0x17e: {  	[tilespmem:v14+s1+$0x0] =	vst.idx.msk $0x1, v20  }
0x17f: {  	v20 =	vld.idx.msk [tilespmem:v18+s31+$0x0], $0xffff;
	_ =	sdelay $0x4  }
0x180: {  	v20 =	vmul.f32 v0, v20;
	_ =	sdelay $0x1  }
0x181: {  	[tilespmem:$0x14B00] =	vst v20  }
0x182: {  	v20 =	vld.idx.msk [tilespmem:v19+s31+$0x0], $0xffff;
	_ =	sdelay $0x4  }
0x183: {  	[tilespmem:v15+s1+$0x0] =	vst.idx.msk $0x1, v20  }
0x184: {  	v18 =	vld.idx.msk [tilespmem:v18+s12+$0x0], $0xffff;
	_ =	sdelay $0x4  }
0x185: {  	v18 =	vmul.f32 v0, v18;
	_ =	sdelay $0x1  }
0x186: {  	[tilespmem:$0x14B80] =	vst v18  }
0x187: {  	v18 =	vld.idx.msk [tilespmem:v19+s12+$0x0], $0xffff  }
.Ltmp4:
0x188: {  	_ = 	snop;
	(pc) =	sbr.rel @p0 .LBB2_9-.Ltmp4, $2  }
0x189: {  	_ =	sdelay $0x2  }
0x18a: {  	s7 =	simm.s32 $0x12400;
	[tilespmem:v16+s1+$0x0] =	vst.idx.msk $0x1, v18;
	s1 =	simm.s32 $0x0  }
.LBB2_6:
0x18b: {  	s2 =	sshrl.u32 s1, $0x3  }
0x18c: {  	s2 =	smul.u32 $0x9000, s2  }
0x18d: {  	s3 =	sshll.u32 s1, $0x7  }
0x18e: {  	s3 =	sand.u32 $0x380, s3;
	s2 =	sshra.s32 s2, $0x2  }
0x18f: {  	s2 =	sor.u32 s3, s2  }
0x190: {  	s30 =	sand.u32 $0x1C00, s0;
	s2 =	sadd.s32 $0x12400, s2  }
0x191: {  	s4 =	sand.u32 $0x70, s0;
	s5 =	sadd.s32 s30, s2  }
0x192: {  	s3 =	simm.s32 $0x10;
	s5 =	sadd.s32 s4, s5;
	s4 =	simm.s32 $0x0  }
.LBB2_7:
0x193: {  	p2 =	sne.s32 s3, $0x3F0  }
0x194: {  	[tilespmem:s5+$0x0] =	vst v17;
	s4 =	sadd.s32 $0x80, s4;
	s5 =	smov.u32 s3;
	s3 =	sadd.s32 $0x10, s3  }
.Ltmp5:
0x195: {  	(pc) =	sbr.rel @p2 .LBB2_7-.Ltmp5, $4  }
0x196: {  	_ = 	snop  }
0x197: {  	s6 =	sand.u32 $0x1C00, s4  }
0x198: {  	s5 =	sand.u32 $0x70, s5;
	s6 =	sadd.s32 s6, s2  }
0x199: {  	s5 =	sadd.s32 s5, s6  }
0x19a: {  	v18 =	vmov s1  }
0x19b: {  	v19 =	vshrl.u32 v18, $0x3  }
0x19c: {  	v18 =	vshll.u32 v18, $0x7;
	v19 =	vmul.u32 $0x2400, v19  }
0x19d: {  	v18 =	vand.u32 $0x380, v18  }
0x19e: {  	s1 =	sadd.s32 $0x1, s1;
	v18 =	vor.u32 v18, v19  }
0x19f: {  	p2 =	sne.s32 s1, $0x10;
	v18 =	vadd.s32 $0x2000, v18  }
.Ltmp6:
0x1a0: {  	_ = 	snop;
	(pc) =	sbr.rel @p2 .LBB2_6-.Ltmp6, $3  }
0x1a1: {  	_ =	sdelay $0x1  }
0x1a2: {  	[tilespmem:s5+$0x0] =	vst v17  }
0x1a3: {  	[tilespmem:v18+s7+$0x0] =	vst.idx.msk $0x1, v17  }
.LBB2_9:
0x1a4: {  	s29 =	simm.s32 $0x0  }
0x1a5: {  	s0 =	rddreg [dreg:$0xd];
	s15 =	simm.s32 $0x30;
	s1 =	simm.s32 $0x180  }
0x1a6: {  	s21 =	simm.s32 $0x10;
	s2 =	simm.s32 $0x80;
	s5 =	simm.s32 $0x20  }
0x1a7: {  	[hbm4b:s0+s29] =	stream.linear.scatter [tilespmem:s7], [sflag:$0x1], $0x4800, $0x38;
	[tilespmem:$0x1B400] =	vst v63  }
0x1a8: {  	s6 =	simm.s32 $0x100;
	s0 =	sand.u32 $0x70, s15;
	s1 =	sand.u32 $0x3C00, s1  }
0x1a9: {  	s3 =	sand.u32 $0x70, s21;
	s4 =	sand.u32 $0x1C00, s2;
	s0 =	sor.u32 s1, s0  }
0x1aa: {  	s9 =	sand.u32 $0x70, s5;
	s10 =	sand.u32 $0x3C00, s6;
	s8 =	sor.u32 s4, s3;
	v25 =	vld [tilespmem:s0+$0x10080]  }
0x1ab: {  	s9 =	sor.u32 s10, s9;
	v20 =	vld [tilespmem:s8+$0x10080]  }
0x1ac: {  	s11 =	simm.s32 $0x200;
	s12 =	simm.s32 $0x40;
	v18 =	vld [tilespmem:s9+$0x10080]  }
0x1ad: {  	s4 =	sand.u32 $0x70, s12;
	s3 =	sand.u32 $0x3C00, s11  }
0x1ae: {  	s7 =	sor.u32 s3, s4  }
0x1af: {  	v19 =	vld [tilespmem:s7+$0x10080];
	_ =	sdelay $0x2  }
0x1b0: {  	v21 =	vld.idx.msk [tilespmem:v25+s29+$0x0], $0xffff  }
0x1b1: {  	v22 =	vld.idx.msk [tilespmem:v20+s29+$0x0], $0xffff  }
0x1b2: {  	v23 =	vld.idx.msk [tilespmem:v18+s29+$0x0], $0xffff;
	_ =	sdelay $0x2  }
0x1b3: {  	v24 =	vld.idx.msk [tilespmem:v19+s29+$0x0], $0xffff;
	[tilespmem:s0+$0x16C00] =	vst v21  }
0x1b4: {  	[tilespmem:s8+$0x16C00] =	vst v22;
	v21 =	vld.idx.msk [tilespmem:v25+s22+$0x0], $0xffff  }
0x1b5: {  	[tilespmem:s9+$0x16C00] =	vst v23;
	v22 =	vld.idx.msk [tilespmem:v20+s22+$0x0], $0xffff  }
0x1b6: {  	v23 =	vld.idx.msk [tilespmem:v18+s22+$0x0], $0xffff;
	_ =	sdelay $0x1  }
0x1b7: {  	[tilespmem:s7+$0x16C00] =	vst v24  }
0x1b8: {  	v24 =	vld.idx.msk [tilespmem:v19+s22+$0x0], $0xffff;
	[tilespmem:s0+$0x16C80] =	vst v21  }
0x1b9: {  	[tilespmem:s8+$0x16C80] =	vst v22;
	v21 =	vld.idx.msk [tilespmem:v25+s23+$0x0], $0xffff  }
0x1ba: {  	[tilespmem:s9+$0x16C80] =	vst v23;
	v22 =	vld.idx.msk [tilespmem:v20+s23+$0x0], $0xffff  }
0x1bb: {  	v23 =	vld.idx.msk [tilespmem:v18+s23+$0x0], $0xffff;
	_ =	sdelay $0x1  }
0x1bc: {  	s13 =	sadd.s32 $0x16C00, s0;
	[tilespmem:s7+$0x16C80] =	vst v24  }
0x1bd: {  	s14 =	sadd.s32 $0x16C00, s8;
	v24 =	vld.idx.msk [tilespmem:v19+s23+$0x0], $0xffff;
	[tilespmem:s13+$0x100] =	vst v21  }
0x1be: {  	s15 =	sadd.s32 $0x16C00, s9;
	[tilespmem:s14+$0x100] =	vst v22;
	v21 =	vld.idx.msk [tilespmem:v25+s24+$0x0], $0xffff  }
0x1bf: {  	[tilespmem:s15+$0x100] =	vst v23;
	v22 =	vld.idx.msk [tilespmem:v20+s24+$0x0], $0xffff  }
0x1c0: {  	v23 =	vld.idx.msk [tilespmem:v18+s24+$0x0], $0xffff  }
0x1c1: {  	s28 =	sadd.s32 $0x16C00, s7  }
0x1c2: {  	[tilespmem:s28+$0x100] =	vst v24  }
0x1c3: {  	v24 =	vld.idx.msk [tilespmem:v19+s24+$0x0], $0xffff;
	[tilespmem:s13+$0x180] =	vst v21  }
0x1c4: {  	[tilespmem:s14+$0x180] =	vst v22;
	v21 =	vld.idx.msk [tilespmem:v25+s25+$0x0], $0xffff  }
0x1c5: {  	[tilespmem:s15+$0x180] =	vst v23;
	v22 =	vld.idx.msk [tilespmem:v20+s25+$0x0], $0xffff  }
0x1c6: {  	v23 =	vld.idx.msk [tilespmem:v18+s25+$0x0], $0xffff;
	_ =	sdelay $0x1  }
0x1c7: {  	[tilespmem:s28+$0x180] =	vst v24  }
0x1c8: {  	v24 =	vld.idx.msk [tilespmem:v19+s25+$0x0], $0xffff;
	[tilespmem:s13+$0x200] =	vst v21  }
0x1c9: {  	[tilespmem:s14+$0x200] =	vst v22;
	v21 =	vld.idx.msk [tilespmem:v25+s26+$0x0], $0xffff  }
0x1ca: {  	[tilespmem:s15+$0x200] =	vst v23;
	v22 =	vld.idx.msk [tilespmem:v20+s26+$0x0], $0xffff  }
0x1cb: {  	v23 =	vld.idx.msk [tilespmem:v18+s26+$0x0], $0xffff;
	_ =	sdelay $0x1  }
0x1cc: {  	[tilespmem:s28+$0x200] =	vst v24  }
0x1cd: {  	v24 =	vld.idx.msk [tilespmem:v19+s26+$0x0], $0xffff;
	[tilespmem:s13+$0x280] =	vst v21  }
0x1ce: {  	[tilespmem:s14+$0x280] =	vst v22;
	v21 =	vld.idx.msk [tilespmem:v25+s19+$0x0], $0xffff  }
0x1cf: {  	[tilespmem:s15+$0x280] =	vst v23;
	v22 =	vld.idx.msk [tilespmem:v20+s19+$0x0], $0xffff  }
0x1d0: {  	v23 =	vld.idx.msk [tilespmem:v18+s19+$0x0], $0xffff  }
0x1d1: {  	s10 =	sand.u32 $0x7, s29  }
0x1d2: {  	s3 =	sshll.u32 s10, $0x4;
	[tilespmem:s28+$0x280] =	vst v24  }
0x1d3: {  	s12 =	simm.s32 $0x4;
	s1 =	sor.u32 s2, s21;
	s3 =	sadd.s32 $0x200, s3;
	[tilespmem:s13+$0x300] =	vst v21  }
0x1d4: {  	s10 =	sadd.s32 $0xFFFFFFB0, s3;
	s5 =	sadd.s32 $0xFFFFFF20, s3;
	s3 =	simm.s32 $0x50;
	v24 =	vld.idx.msk [tilespmem:v19+s19+$0x0], $0xffff;
	[tilespmem:s14+$0x300] =	vst v22  }
0x1d5: {  	s13 =	simm.s32 $0x70;
	s14 =	simm.s32 $0x380;
	[tilespmem:s15+$0x300] =	vst v23;
	s15 =	sand.u32 $0x7, s12  }
0x1d6: {  	s12 =	simm.s32 $0x60;
	s2 =	sand.u32 $0x70, s13;
	s4 =	sand.u32 $0x3C00, s14  }
0x1d7: {  	v21 =	vld.idx.msk [tilespmem:v25+s20+$0x0], $0xffff;
	s6 =	sshll.u32 s15, $0x4;
	s13 =	simm.s32 $0x300;
	s12 =	sand.u32 $0x70, s12  }
0x1d8: {  	v22 =	vld.idx.msk [tilespmem:v20+s20+$0x0], $0xffff;
	s2 =	sor.u32 s4, s2;
	s4 =	simm.s32 $0x280;
	s15 =	sand.u32 $0x3C00, s13  }
0x1d9: {  	v27 =	vld.idx.msk [tilespmem:v18+s20+$0x0], $0xffff;
	[tilespmem:s28+$0x300] =	vst v24;
	s28 =	sand.u32 $0x70, s3;
	s14 =	sand.u32 $0x1C00, s4;
	s12 =	sor.u32 s15, s12  }
0x1da: {  	s13 =	sor.u32 s14, s28;
	v24 =	vld [tilespmem:s12+$0x10080]  }
0x1db: {  	s11 =	sor.u32 $0x380, s10;
	v23 =	vld [tilespmem:s13+$0x10080]  }
0x1dc: {  	s21 =	simm.s32 $0x8000;
	s1 =	sor.u32 $0x380, s1;
	[tilespmem:s11+$0x16C00] =	vst v21;
	v21 =	vld [tilespmem:s2+$0x10080]  }
0x1dd: {  	s5 =	sor.u32 $0x380, s5;
	[tilespmem:s1+$0x16C00] =	vst v22;
	v26 =	vld.idx.msk [tilespmem:v25+s21+$0x0], $0xffff  }
0x1de: {  	[tilespmem:s5+$0x16C00] =	vst v27;
	v29 =	vld.idx.msk [tilespmem:v20+s21+$0x0], $0xffff  }
0x1df: {  	s10 =	simm.s32 $0x400;
	s11 =	simm.s32 $0x80;
	v27 =	vld.idx.msk [tilespmem:v18+s21+$0x0], $0xffff  }
0x1e0: {  	s10 =	sand.u32 $0x3C00, s10;
	s11 =	sand.u32 $0x70, s11  }
0x1e1: {  	v28 =	vld.idx.msk [tilespmem:v19+s20+$0x0], $0xffff;
	s15 =	sor.u32 s10, s11  }
0x1e2: {  	s14 =	simm.s32 $0x9000;
	v22 =	vld [tilespmem:s15+$0x10080];
	[tilespmem:s0+$0x19000] =	vst v26  }
0x1e3: {  	s28 =	sadd.s32 $0x400, s6;
	[tilespmem:s8+$0x19000] =	vst v29;
	v26 =	vld.idx.msk [tilespmem:v25+s14+$0x0], $0xffff  }
0x1e4: {  	s1 =	sadd.s32 $0xFFFFFE00, s28;
	[tilespmem:s9+$0x19000] =	vst v27;
	v27 =	vld.idx.msk [tilespmem:v24+s29+$0x0], $0xffff  }
0x1e5: {  	s1 =	sor.u32 $0x380, s1;
	v30 =	vld.idx.msk [tilespmem:v20+s14+$0x0], $0xffff  }
0x1e6: {  	[tilespmem:s1+$0x16C00] =	vst v28;
	v28 =	vld.idx.msk [tilespmem:v21+s29+$0x0], $0xffff  }
0x1e7: {  	v31 =	vld.idx.msk [tilespmem:v23+s29+$0x0], $0xffff  }
0x1e8: {  	s5 =	simm.s32 $0xA000;
	[tilespmem:s0+$0x19080] =	vst v26;
	v26 =	vld.idx.msk [tilespmem:v19+s21+$0x0], $0xffff  }
0x1e9: {  	[tilespmem:s12+$0x16C00] =	vst v27;
	v29 =	vld.idx.msk [tilespmem:v25+s5+$0x0], $0xffff  }
0x1ea: {  	[tilespmem:s8+$0x19080] =	vst v30;
	v27 =	vld.idx.msk [tilespmem:v24+s22+$0x0], $0xffff  }
0x1eb: {  	[tilespmem:s2+$0x16C00] =	vst v28;
	v28 =	vld.idx.msk [tilespmem:v22+s29+$0x0], $0xffff  }
0x1ec: {  	[tilespmem:s13+$0x16C00] =	vst v31;
	v32 =	vld.idx.msk [tilespmem:v21+s22+$0x0], $0xffff  }
0x1ed: {  	[tilespmem:s7+$0x19000] =	vst v26;
	v26 =	vld.idx.msk [tilespmem:v18+s14+$0x0], $0xffff  }
0x1ee: {  	[tilespmem:s0+$0x19100] =	vst v29;
	v30 =	vld.idx.msk [tilespmem:v19+s14+$0x0], $0xffff  }
0x1ef: {  	[tilespmem:s12+$0x16C80] =	vst v27;
	v29 =	vld.idx.msk [tilespmem:v25+s16+$0x0], $0xffff  }
0x1f0: {  	v31 =	vld.idx.msk [tilespmem:v23+s22+$0x0], $0xffff;
	[tilespmem:s15+$0x16C00] =	vst v28  }
0x1f1: {  	[tilespmem:s2+$0x16C80] =	vst v32;
	v28 =	vld.idx.msk [tilespmem:v22+s22+$0x0], $0xffff  }
0x1f2: {  	v32 =	vld.idx.msk [tilespmem:v21+s23+$0x0], $0xffff;
	[tilespmem:s9+$0x19080] =	vst v26  }
0x1f3: {  	v26 =	vld.idx.msk [tilespmem:v20+s5+$0x0], $0xffff;
	[tilespmem:s7+$0x19080] =	vst v30  }
0x1f4: {  	v30 =	vld.idx.msk [tilespmem:v18+s5+$0x0], $0xffff;
	[tilespmem:s0+$0x19180] =	vst v29  }
0x1f5: {  	[tilespmem:s13+$0x16C80] =	vst v31;
	v29 =	vld.idx.msk [tilespmem:v25+s17+$0x0], $0xffff  }
0x1f6: {  	s6 =	sadd.s32 $0x16C00, s2;
	v27 =	vld.idx.msk [tilespmem:v24+s23+$0x0], $0xffff;
	[tilespmem:s15+$0x16C80] =	vst v28  }
0x1f7: {  	v31 =	vld.idx.msk [tilespmem:v23+s23+$0x0], $0xffff;
	[tilespmem:s6+$0x100] =	vst v32  }
0x1f8: {  	v28 =	vld.idx.msk [tilespmem:v22+s23+$0x0], $0xffff;
	[tilespmem:s8+$0x19100] =	vst v26  }
0x1f9: {  	v32 =	vld.idx.msk [tilespmem:v21+s24+$0x0], $0xffff;
	[tilespmem:s9+$0x19100] =	vst v30  }
0x1fa: {  	v26 =	vld.idx.msk [tilespmem:v19+s5+$0x0], $0xffff;
	[tilespmem:s0+$0x19200] =	vst v29  }
0x1fb: {  	s30 =	smov.u32 s13;
	s13 =	sadd.s32 $0x16C00, s13;
	v29 =	vld.idx.msk [tilespmem:v25+s18+$0x0], $0xffff;
	[dreg:$0x6] =	wrdreg s12  }
0x1fc: {  	[tilespmem:s13+$0x100] =	vst v31  }
0x1fd: {  	s14 =	sadd.s32 $0x16C00, s12;
	v30 =	vld.idx.msk [tilespmem:v20+s16+$0x0], $0xffff;
	[dreg:$0x4] =	wrdreg s15  }
0x1fe: {  	v31 =	vld.idx.msk [tilespmem:v23+s24+$0x0], $0xffff;
	[tilespmem:s14+$0x100] =	vst v27  }
0x1ff: {  	s15 =	sadd.s32 $0x16C00, s15;
	[tilespmem:s7+$0x19100] =	vst v26;
	v26 =	vld.idx.msk [tilespmem:v18+s16+$0x0], $0xffff  }
0x200: {  	[tilespmem:s15+$0x100] =	vst v28;
	v27 =	vld.idx.msk [tilespmem:v24+s24+$0x0], $0xffff  }
0x201: {  	[tilespmem:s6+$0x180] =	vst v32;
	v28 =	vld.idx.msk [tilespmem:v22+s24+$0x0], $0xffff  }
0x202: {  	v32 =	vld.idx.msk [tilespmem:v21+s25+$0x0], $0xffff;
	[tilespmem:s0+$0x19280] =	vst v29  }
0x203: {  	[tilespmem:s8+$0x19180] =	vst v30;
	v29 =	vld.idx.msk [tilespmem:v25+s31+$0x0], $0xffff  }
0x204: {  	v30 =	vld.idx.msk [tilespmem:v19+s16+$0x0], $0xffff;
	[tilespmem:s13+$0x180] =	vst v31  }
0x205: {  	[tilespmem:s9+$0x19180] =	vst v26;
	v26 =	vld.idx.msk [tilespmem:v20+s17+$0x0], $0xffff  }
0x206: {  	v31 =	vld.idx.msk [tilespmem:v23+s25+$0x0], $0xffff;
	[tilespmem:s14+$0x180] =	vst v27  }
0x207: {  	[tilespmem:s15+$0x180] =	vst v28;
	v27 =	vld.idx.msk [tilespmem:v24+s25+$0x0], $0xffff  }
0x208: {  	[tilespmem:s6+$0x200] =	vst v32;
	v28 =	vld.idx.msk [tilespmem:v22+s25+$0x0], $0xffff  }
0x209: {  	v32 =	vld.idx.msk [tilespmem:v21+s26+$0x0], $0xffff;
	[tilespmem:s0+$0x19300] =	vst v29  }
0x20a: {  	s12 =	simm.s32 $0xF000;
	[tilespmem:s7+$0x19180] =	vst v30;
	v29 =	vld.idx.msk [tilespmem:v18+s17+$0x0], $0xffff  }
0x20b: {  	v25 =	vld.idx.msk [tilespmem:v25+s12+$0x0], $0xffff;
	[tilespmem:s8+$0x19200] =	vst v26  }
0x20c: {  	[tilespmem:s13+$0x200] =	vst v31;
	v26 =	vld.idx.msk [tilespmem:v20+s18+$0x0], $0xffff  }
0x20d: {  	v30 =	vld.idx.msk [tilespmem:v23+s26+$0x0], $0xffff;
	[tilespmem:s14+$0x200] =	vst v27  }
0x20e: {  	[tilespmem:s15+$0x200] =	vst v28;
	v27 =	vld.idx.msk [tilespmem:v24+s26+$0x0], $0xffff  }
0x20f: {  	[tilespmem:s6+$0x280] =	vst v32;
	v28 =	vld.idx.msk [tilespmem:v22+s26+$0x0], $0xffff  }
0x210: {  	v31 =	vld.idx.msk [tilespmem:v21+s19+$0x0], $0xffff;
	[tilespmem:s9+$0x19200] =	vst v29  }
0x211: {  	[tilespmem:s0+$0x19380] =	vst v25;
	v25 =	vld.idx.msk [tilespmem:v19+s17+$0x0], $0xffff  }
0x212: {  	v29 =	vld.idx.msk [tilespmem:v18+s18+$0x0], $0xffff;
	[tilespmem:s8+$0x19280] =	vst v26  }
0x213: {  	[tilespmem:s13+$0x280] =	vst v30;
	v26 =	vld.idx.msk [tilespmem:v20+s31+$0x0], $0xffff  }
0x214: {  	v30 =	vld.idx.msk [tilespmem:v23+s19+$0x0], $0xffff;
	[tilespmem:s14+$0x280] =	vst v27  }
0x215: {  	[tilespmem:s15+$0x280] =	vst v28;
	v27 =	vld.idx.msk [tilespmem:v24+s19+$0x0], $0xffff  }
0x216: {  	s0 =	simm.s32 $0x4;
	[tilespmem:s6+$0x300] =	vst v31;
	v31 =	vld.idx.msk [tilespmem:v22+s19+$0x0], $0xffff  }
0x217: {  	s17 =	sand.u32 $0x7, s0;
	v32 =	vld.idx.msk [tilespmem:v21+s20+$0x0], $0xffff;
	[tilespmem:s7+$0x19200] =	vst v25  }
0x218: {  	s10 =	sshll.u32 s17, $0x4;
	[tilespmem:s9+$0x19280] =	vst v29;
	v33 =	vld.idx.msk [tilespmem:v19+s18+$0x0], $0xffff  }
0x219: {  	s10 =	sadd.s32 $0x400, s10;
	v25 =	vld.idx.msk [tilespmem:v18+s31+$0x0], $0xffff;
	[tilespmem:s13+$0x300] =	vst v30  }
0x21a: {  	s3 =	sor.u32 s4, s3;
	s1 =	simm.s32 $0x5;
	s18 =	sadd.s32 $0xFFFFFFB0, s10;
	v29 =	vld.idx.msk [tilespmem:v23+s20+$0x0], $0xffff;
	[tilespmem:s14+$0x300] =	vst v27  }
0x21b: {  	s11 =	simm.s32 $0xC0;
	s5 =	simm.s32 $0x8;
	s29 =	sor.u32 $0x380, s18;
	[tilespmem:s15+$0x300] =	vst v31;
	v28 =	vld.idx.msk [tilespmem:v24+s20+$0x0], $0xffff  }
0x21c: {  	s28 =	sadd.s32 $0xFFFFFF20, s10;
	s6 =	simm.s32 $0x600;
	s31 =	sand.u32 $0x7, s5;
	[tilespmem:s29+$0x16C00] =	vst v32;
	v27 =	vld.idx.msk [tilespmem:v22+s20+$0x0], $0xffff  }
0x21d: {  	s4 =	sor.u32 $0x380, s28;
	s14 =	sor.u32 $0x380, s3;
	s15 =	sshll.u32 s31, $0x4;
	v30 =	vld.idx.msk [tilespmem:v21+s21+$0x0], $0xffff;
	[tilespmem:s7+$0x19280] =	vst v33  }
.LBB2_10:
0x21e: {  	s3 =	sadd.s32 $0xFFFFFFF0, s11;
	s10 =	sadd.s32 $0xFFFFFF80, s6  }
0x21f: {  	s13 =	simm.s32 $0xE000;
	s3 =	sand.u32 $0x70, s3;
	s10 =	sand.u32 $0x3C00, s10  }
0x220: {  	s3 =	sor.u32 s10, s3;
	[tilespmem:s8+$0x19300] =	vst v26;
	v26 =	vld.idx.msk [tilespmem:v19+s13+$0x0], $0xffff  }
0x221: {  	[tilespmem:s9+$0x19300] =	vst v25;
	v25 =	vld [tilespmem:s3+$0x10080]  }
0x222: {  	s16 =	sadd.s32 $0xFFFFFFD0, s11;
	s17 =	sadd.s32 $0xFFFFFE80, s6;
	v31 =	vld.idx.msk [tilespmem:v20+s12+$0x0], $0xffff  }
0x223: {  	s18 =	sadd.s32 $0xFFFFFF00, s6;
	s28 =	simm.s32 $0x8000;
	s29 =	sand.u32 $0x70, s11;
	[tilespmem:s14+$0x16C00] =	vst v29;
	v29 =	vld.idx.msk [tilespmem:v18+s12+$0x0], $0xffff  }
0x224: {  	s31 =	sand.u32 $0x3C00, s6;
	s15 =	sadd.s32 s15, s6;
	s21 =	sand.u32 $0x1C00, s17;
	[tilespmem:s4+$0x16C00] =	vst v28;
	v28 =	vld.idx.msk [tilespmem:v23+s28+$0x0], $0xffff  }
0x225: {  	s13 =	sadd.s32 $0xFFFFFFE0, s11;
	s12 =	sand.u32 $0x70, s16;
	[tilespmem:s2+$0x19000] =	vst v30;
	v32 =	vld.idx.msk [tilespmem:v24+s28+$0x0], $0xffff;
	s28 =	simm.s32 $0x9000  }
0x226: {  	s18 =	sand.u32 $0x3C00, s18;
	s14 =	sand.u32 $0x70, s13;
	s12 =	sor.u32 s21, s12;
	v30 =	vld.idx.msk [tilespmem:v21+s28+$0x0], $0xffff  }
0x227: {  	v20 =	vmov v23;
	s13 =	sor.u32 s31, s29;
	s29 =	sadd.s32 $0xFFFFFE00, s15;
	s18 =	sor.u32 s18, s14;
	v23 =	vld [tilespmem:s12+$0x10080]  }
0x228: {  	s17 =	sor.u32 s17, s16;
	v18 =	vmov v24;
	s16 =	sor.u32 $0x380, s29;
	v24 =	vld [tilespmem:s18+$0x10080];
	[tilespmem:s7+$0x19300] =	vst v26  }
0x229: {  	s4 =	sadd.s32 $0x16C00, s12;
	s29 =	smov.u32 s12;
	s12 =	simm.s32 $0xF000;
	v26 =	vld [tilespmem:s13+$0x10080];
	[tilespmem:s16+$0x16C00] =	vst v27  }
0x22a: {  	s21 =	simm.s32 $0x8000;
	[tilespmem:s8+$0x19380] =	vst v31;
	s8 =	smov.u32 s30;
	v27 =	vld.idx.msk [tilespmem:v19+s12+$0x0], $0xffff  }
0x22b: {  	s15 =	simm.s32 $0x0;
	[tilespmem:s8+$0x19000] =	vst v28;
	v28 =	vld.idx.msk [tilespmem:v22+s21+$0x0], $0xffff  }
0x22c: {  	s14 =	sor.u32 $0x380, s17;
	s17 =	rddreg [dreg:$0x6];
	[tilespmem:s9+$0x19380] =	vst v29;
	v29 =	vld.idx.msk [tilespmem:v25+s15+$0x0], $0xffff  }
0x22d: {  	s10 =	sadd.s32 $0x16C00, s18;
	s16 =	smov.u32 s18;
	s18 =	simm.s32 $0xA000;
	[tilespmem:s2+$0x19080] =	vst v30;
	v31 =	vld.idx.msk [tilespmem:v20+s28+$0x0], $0xffff  }
0x22e: {  	s9 =	smov.u32 s17;
	v30 =	vld.idx.msk [tilespmem:v21+s18+$0x0], $0xffff  }
0x22f: {  	[tilespmem:s9+$0x19000] =	vst v32;
	v60 =	vld.idx.msk [tilespmem:v23+s15+$0x0], $0xffff  }
0x230: {  	v19 =	vmov v22;
	s21 =	rddreg [dreg:$0x4];
	v33 =	vld.idx.msk [tilespmem:v24+s15+$0x0], $0xffff;
	[tilespmem:s7+$0x19380] =	vst v27  }
0x231: {  	v22 =	vmov v26;
	s7 =	smov.u32 s21;
	[tilespmem:s3+$0x16C00] =	vst v29;
	v26 =	vld.idx.msk [tilespmem:v26+s15+$0x0], $0xffff  }
0x232: {  	v27 =	vld.idx.msk [tilespmem:v25+s22+$0x0], $0xffff;
	[tilespmem:s7+$0x19000] =	vst v28  }
0x233: {  	s21 =	simm.s32 $0xB000;
	v28 =	vld.idx.msk [tilespmem:v18+s28+$0x0], $0xffff;
	[tilespmem:s2+$0x19100] =	vst v30  }
0x234: {  	[tilespmem:s8+$0x19080] =	vst v31;
	v29 =	vld.idx.msk [tilespmem:v21+s21+$0x0], $0xffff  }
0x235: {  	v30 =	vld.idx.msk [tilespmem:v19+s28+$0x0], $0xffff;
	[tilespmem:s29+$0x16C00] =	vst v60  }
0x236: {  	s17 =	smov.u32 s13;
	[tilespmem:s16+$0x16C00] =	vst v33;
	v31 =	vld.idx.msk [tilespmem:v23+s22+$0x0], $0xffff  }
0x237: {  	v61 =	vld.idx.msk [tilespmem:v24+s22+$0x0], $0xffff;
	[tilespmem:s17+$0x16C00] =	vst v26  }
0x238: {  	[tilespmem:s9+$0x19080] =	vst v28;
	v28 =	vld.idx.msk [tilespmem:v20+s18+$0x0], $0xffff  }
0x239: {  	[tilespmem:s3+$0x16C80] =	vst v27;
	v26 =	vld.idx.msk [tilespmem:v22+s22+$0x0], $0xffff  }
0x23a: {  	v27 =	vld.idx.msk [tilespmem:v25+s23+$0x0], $0xffff;
	[tilespmem:s2+$0x19180] =	vst v29  }
0x23b: {  	s15 =	simm.s32 $0xC000;
	[tilespmem:s7+$0x19080] =	vst v30;
	v30 =	vld.idx.msk [tilespmem:v18+s18+$0x0], $0xffff  }
0x23c: {  	v29 =	vld.idx.msk [tilespmem:v21+s15+$0x0], $0xffff;
	[tilespmem:s29+$0x16C80] =	vst v31  }
0x23d: {  	[tilespmem:s16+$0x16C80] =	vst v61;
	v31 =	vld.idx.msk [tilespmem:v23+s23+$0x0], $0xffff  }
0x23e: {  	s31 =	sadd.s32 $0x16C00, s13;
	s13 =	sadd.s32 $0x16C00, s3;
	v32 =	vld.idx.msk [tilespmem:v24+s23+$0x0], $0xffff;
	[tilespmem:s17+$0x16C80] =	vst v26  }
0x23f: {  	[tilespmem:s13+$0x100] =	vst v27;
	v26 =	vld.idx.msk [tilespmem:v22+s23+$0x0], $0xffff  }
0x240: {  	[tilespmem:s8+$0x19100] =	vst v28;
	v27 =	vld.idx.msk [tilespmem:v25+s24+$0x0], $0xffff  }
0x241: {  	s30 =	smov.u32 s29;
	s29 =	simm.s32 $0xD000;
	[tilespmem:s2+$0x19200] =	vst v29;
	v28 =	vld.idx.msk [tilespmem:v19+s18+$0x0], $0xffff  }
0x242: {  	v29 =	vld.idx.msk [tilespmem:v21+s29+$0x0], $0xffff;
	[tilespmem:s4+$0x100] =	vst v31  }
0x243: {  	[tilespmem:s9+$0x19100] =	vst v30;
	v30 =	vld.idx.msk [tilespmem:v20+s21+$0x0], $0xffff  }
0x244: {  	[tilespmem:s10+$0x100] =	vst v32;
	v31 =	vld.idx.msk [tilespmem:v23+s24+$0x0], $0xffff  }
0x245: {  	v32 =	vld.idx.msk [tilespmem:v24+s24+$0x0], $0xffff;
	[tilespmem:s31+$0x100] =	vst v26  }
0x246: {  	[tilespmem:s13+$0x180] =	vst v27;
	v26 =	vld.idx.msk [tilespmem:v22+s24+$0x0], $0xffff  }
0x247: {  	v27 =	vld.idx.msk [tilespmem:v25+s25+$0x0], $0xffff;
	[tilespmem:s7+$0x19100] =	vst v28  }
0x248: {  	[dreg:$0x4] =	wrdreg s17;
	s17 =	simm.s32 $0xE000;
	v28 =	vld.idx.msk [tilespmem:v18+s21+$0x0], $0xffff;
	[tilespmem:s2+$0x19280] =	vst v29  }
0x249: {  	v29 =	vld.idx.msk [tilespmem:v21+s17+$0x0], $0xffff;
	[tilespmem:s8+$0x19180] =	vst v30  }
0x24a: {  	v30 =	vld.idx.msk [tilespmem:v19+s21+$0x0], $0xffff;
	[tilespmem:s10+$0x180] =	vst v32  }
0x24b: {  	[tilespmem:s4+$0x180] =	vst v31;
	v32 =	vld.idx.msk [tilespmem:v24+s25+$0x0], $0xffff  }
0x24c: {  	v31 =	vld.idx.msk [tilespmem:v23+s25+$0x0], $0xffff;
	[tilespmem:s31+$0x180] =	vst v26  }
0x24d: {  	[tilespmem:s9+$0x19180] =	vst v28;
	v28 =	vld.idx.msk [tilespmem:v20+s15+$0x0], $0xffff  }
0x24e: {  	[tilespmem:s13+$0x200] =	vst v27;
	v26 =	vld.idx.msk [tilespmem:v22+s25+$0x0], $0xffff  }
0x24f: {  	v27 =	vld.idx.msk [tilespmem:v25+s26+$0x0], $0xffff;
	[tilespmem:s2+$0x19300] =	vst v29  }
0x250: {  	v29 =	vld.idx.msk [tilespmem:v21+s12+$0x0], $0xffff;
	[tilespmem:s7+$0x19180] =	vst v30;
	v21 =	vmov v25  }
0x251: {  	v25 =	vld.idx.msk [tilespmem:v18+s15+$0x0], $0xffff;
	[tilespmem:s10+$0x200] =	vst v32  }
0x252: {  	[tilespmem:s4+$0x200] =	vst v31;
	v31 =	vld.idx.msk [tilespmem:v24+s26+$0x0], $0xffff  }
0x253: {  	v30 =	vld.idx.msk [tilespmem:v23+s26+$0x0], $0xffff;
	[tilespmem:s31+$0x200] =	vst v26  }
0x254: {  	[tilespmem:s13+$0x280] =	vst v27;
	v26 =	vld.idx.msk [tilespmem:v22+s26+$0x0], $0xffff  }
0x255: {  	[tilespmem:s8+$0x19200] =	vst v28;
	v27 =	vld.idx.msk [tilespmem:v21+s19+$0x0], $0xffff  }
0x256: {  	[tilespmem:s2+$0x19380] =	vst v29;
	v28 =	vld.idx.msk [tilespmem:v19+s15+$0x0], $0xffff  }
0x257: {  	v29 =	vld.idx.msk [tilespmem:v20+s29+$0x0], $0xffff;
	[tilespmem:s9+$0x19200] =	vst v25  }
0x258: {  	v25 =	vld.idx.msk [tilespmem:v18+s29+$0x0], $0xffff;
	[tilespmem:s10+$0x280] =	vst v31  }
0x259: {  	[tilespmem:s4+$0x280] =	vst v30;
	v31 =	vld.idx.msk [tilespmem:v24+s19+$0x0], $0xffff  }
0x25a: {  	v30 =	vld.idx.msk [tilespmem:v23+s19+$0x0], $0xffff;
	[tilespmem:s31+$0x280] =	vst v26  }
0x25b: {  	[tilespmem:s13+$0x300] =	vst v27;
	v27 =	vld.idx.msk [tilespmem:v22+s19+$0x0], $0xffff  }
0x25c: {  	s0 =	sadd.s32 $0x4, s0;
	s21 =	simm.s32 $0xE000;
	[tilespmem:s8+$0x19280] =	vst v29;
	v62 =	vld.idx.msk [tilespmem:v21+s20+$0x0], $0xffff  }
0x25d: {  	s1 =	sadd.s32 $0x4, s1;
	s18 =	sand.u32 $0x7, s0;
	[tilespmem:s7+$0x19200] =	vst v28;
	v26 =	vld.idx.msk [tilespmem:v20+s21+$0x0], $0xffff  }
0x25e: {  	p2 =	slt.u32 s1, $0x39;
	s2 =	smov.u32 s3;
	s3 =	sshll.u32 s18, $0x4;
	[tilespmem:s9+$0x19280] =	vst v25;
	v63 =	vld.idx.msk [tilespmem:v19+s29+$0x0], $0xffff  }
.Ltmp7:
0x25f: {  	s3 =	sadd.s32 s6, s3;
	v25 =	vld.idx.msk [tilespmem:v18+s21+$0x0], $0xffff;
	[tilespmem:s10+$0x300] =	vst v31;
	(pc) =	sbr.rel @p2 .LBB2_10-.Ltmp7, $4  }
0x260: {  	s28 =	sadd.s32 $0xFFFFFF20, s3;
	s3 =	sadd.s32 $0xFFFFFFB0, s3;
	[tilespmem:s4+$0x300] =	vst v30;
	v28 =	vld.idx.msk [tilespmem:v24+s20+$0x0], $0xffff  }
0x261: {  	s5 =	sadd.s32 $0x4, s5;
	s11 =	sadd.s32 $0x40, s11;
	s3 =	sor.u32 $0x380, s3;
	v29 =	vld.idx.msk [tilespmem:v23+s20+$0x0], $0xffff;
	[tilespmem:s31+$0x300] =	vst v27  }
0x262: {  	[dreg:$0x6] =	wrdreg s16;
	s29 =	sand.u32 $0x7, s5;
	[tilespmem:s3+$0x16C00] =	vst v62;
	s31 =	simm.s32 $0x8000;
	v27 =	vld.idx.msk [tilespmem:v22+s20+$0x0], $0xffff  }
0x263: {  	s6 =	sadd.s32 $0x200, s6;
	s15 =	sshll.u32 s29, $0x4;
	s4 =	sor.u32 $0x380, s28;
	v30 =	vld.idx.msk [tilespmem:v21+s31+$0x0], $0xffff;
	[tilespmem:s7+$0x19280] =	vst v63  }
0x264: {  	_ =	sdelay $0x2  }
0x265: {  	s1 =	simm.s32 $0x8000;
	[tilespmem:s14+$0x16C00] =	vst v29  }
0x266: {  	s0 =	sadd.s32 s15, s6;
	v52 =	vld.idx.msk [tilespmem:v23+s1+$0x0], $0xffff  }
0x267: {  	s0 =	sadd.s32 $0xFFFFFE00, s0;
	[tilespmem:s4+$0x16C00] =	vst v28  }
0x268: {  	s0 =	sor.u32 $0x380, s0;
	v53 =	vld.idx.msk [tilespmem:v24+s1+$0x0], $0xffff  }
0x269: {  	[tilespmem:s0+$0x16C00] =	vst v27  }
0x26a: {  	v27 =	vld.idx.msk [tilespmem:v22+s1+$0x0], $0xffff;
	[tilespmem:s2+$0x19000] =	vst v30  }
0x26b: {  	[tilespmem:s30+$0x19000] =	vst v52  }
0x26c: {  	s14 =	simm.s32 $0x9000;
	s21 =	rddreg [dreg:$0x6]  }
0x26d: {  	v30 =	vld.idx.msk [tilespmem:v21+s14+$0x0], $0xffff;
	[tilespmem:s21+$0x19000] =	vst v53  }
0x26e: {  	v28 =	vld.idx.msk [tilespmem:v23+s14+$0x0], $0xffff;
	s28 =	rddreg [dreg:$0x4]  }
0x26f: {  	v54 =	vld.idx.msk [tilespmem:v24+s14+$0x0], $0xffff;
	[tilespmem:s28+$0x19000] =	vst v27  }
0x270: {  	v55 =	vld.idx.msk [tilespmem:v22+s14+$0x0], $0xffff;
	_ =	sdelay $0x1  }
0x271: {  	s15 =	simm.s32 $0xA000;
	[tilespmem:s2+$0x19080] =	vst v30  }
0x272: {  	v30 =	vld.idx.msk [tilespmem:v21+s15+$0x0], $0xffff;
	[tilespmem:s30+$0x19080] =	vst v28  }
0x273: {  	v56 =	vld.idx.msk [tilespmem:v23+s15+$0x0], $0xffff;
	[tilespmem:s21+$0x19080] =	vst v54  }
0x274: {  	v57 =	vld.idx.msk [tilespmem:v24+s15+$0x0], $0xffff;
	[tilespmem:s28+$0x19080] =	vst v55  }
0x275: {  	v29 =	vld.idx.msk [tilespmem:v22+s15+$0x0], $0xffff;
	_ =	sdelay $0x1  }
0x276: {  	s16 =	simm.s32 $0xB000;
	[tilespmem:s2+$0x19100] =	vst v30  }
0x277: {  	v30 =	vld.idx.msk [tilespmem:v21+s16+$0x0], $0xffff;
	[tilespmem:s30+$0x19100] =	vst v56  }
0x278: {  	v27 =	vld.idx.msk [tilespmem:v23+s16+$0x0], $0xffff;
	[tilespmem:s21+$0x19100] =	vst v57  }
0x279: {  	v28 =	vld.idx.msk [tilespmem:v24+s16+$0x0], $0xffff;
	[tilespmem:s28+$0x19100] =	vst v29  }
0x27a: {  	v29 =	vld.idx.msk [tilespmem:v22+s16+$0x0], $0xffff;
	_ =	sdelay $0x1  }
0x27b: {  	s17 =	simm.s32 $0xC000;
	[tilespmem:s2+$0x19180] =	vst v30  }
0x27c: {  	v30 =	vld.idx.msk [tilespmem:v21+s17+$0x0], $0xffff;
	[tilespmem:s30+$0x19180] =	vst v27  }
0x27d: {  	v27 =	vld.idx.msk [tilespmem:v23+s17+$0x0], $0xffff;
	[tilespmem:s21+$0x19180] =	vst v28  }
0x27e: {  	v28 =	vld.idx.msk [tilespmem:v24+s17+$0x0], $0xffff;
	[tilespmem:s28+$0x19180] =	vst v29  }
0x27f: {  	v29 =	vld.idx.msk [tilespmem:v22+s17+$0x0], $0xffff;
	_ =	sdelay $0x1  }
0x280: {  	s18 =	simm.s32 $0xD000;
	[tilespmem:s2+$0x19200] =	vst v30  }
0x281: {  	v30 =	vld.idx.msk [tilespmem:v21+s18+$0x0], $0xffff;
	[tilespmem:s30+$0x19200] =	vst v27  }
0x282: {  	v27 =	vld.idx.msk [tilespmem:v23+s18+$0x0], $0xffff;
	[tilespmem:s21+$0x19200] =	vst v28  }
0x283: {  	v28 =	vld.idx.msk [tilespmem:v24+s18+$0x0], $0xffff;
	[tilespmem:s28+$0x19200] =	vst v29  }
0x284: {  	s29 =	simm.s32 $0xE000;
	[tilespmem:s8+$0x19300] =	vst v26;
	v58 =	vld.idx.msk [tilespmem:v22+s18+$0x0], $0xffff  }
0x285: {  	v59 =	vld.idx.msk [tilespmem:v19+s29+$0x0], $0xffff;
	[tilespmem:s9+$0x19300] =	vst v25  }
0x286: {  	v20 =	vld.idx.msk [tilespmem:v20+s12+$0x0], $0xffff;
	[tilespmem:s2+$0x19280] =	vst v30  }
0x287: {  	v60 =	vld.idx.msk [tilespmem:v21+s29+$0x0], $0xffff;
	[tilespmem:s30+$0x19280] =	vst v27  }
0x288: {  	v27 =	vld.idx.msk [tilespmem:v23+s29+$0x0], $0xffff;
	[tilespmem:s21+$0x19280] =	vst v28  }
0x289: {  	v28 =	vld.idx.msk [tilespmem:v24+s29+$0x0], $0xffff;
	[tilespmem:s28+$0x19280] =	vst v58  }
0x28a: {  	[tilespmem:s7+$0x19300] =	vst v59;
	v26 =	vld.idx.msk [tilespmem:v22+s29+$0x0], $0xffff  }
0x28b: {  	v18 =	vld.idx.msk [tilespmem:v18+s12+$0x0], $0xffff;
	[tilespmem:s8+$0x19380] =	vst v20  }
0x28c: {  	v19 =	vld.idx.msk [tilespmem:v19+s12+$0x0], $0xffff;
	[tilespmem:s2+$0x19300] =	vst v60  }
0x28d: {  	v61 =	vld.idx.msk [tilespmem:v21+s12+$0x0], $0xffff;
	[tilespmem:s30+$0x19300] =	vst v27  }
0x28e: {  	v62 =	vld.idx.msk [tilespmem:v23+s12+$0x0], $0xffff;
	[tilespmem:s21+$0x19300] =	vst v28  }
0x28f: {  	v63 =	vld.idx.msk [tilespmem:v24+s12+$0x0], $0xffff;
	[tilespmem:s28+$0x19300] =	vst v26  }
0x290: {  	[tilespmem:s9+$0x19380] =	vst v18;
	v18 =	vld.idx.msk [tilespmem:v22+s12+$0x0], $0xffff  }
0x291: {  	[tilespmem:s7+$0x19380] =	vst v19  }
0x292: {  	s31 =	simm.s32 $0xB000;
	s5 =	simm.s32 $0x9000;
	[tilespmem:s2+$0x19380] =	vst v61  }
0x293: {  	s6 =	simm.s32 $0x8000;
	s4 =	simm.s32 $0xA000;
	s0 =	simm.s32 $0x1E80;
	[tilespmem:s30+$0x19380] =	vst v62  }
0x294: {  	s1 =	simm.s32 $0x3D0;
	s8 =	simm.s32 $0xD000;
	s7 =	simm.s32 $0xE000;
	[tilespmem:s21+$0x19380] =	vst v63  }
0x295: {  	s9 =	simm.s32 $0x0;
	s30 =	simm.s32 $0xC000;
	s21 =	simm.s32 $0x0;
	[tilespmem:s28+$0x19380] =	vst v18  }
.LBB2_12:
0x296: {  	s2 =	sand.u32 $0x3FFFFC00, s0;
	s3 =	sshra.s32 s9, $0x2  }
0x297: {  	s2 =	sadd.s32 s3, s2  }
0x298: {  	v18 =	vld [tilespmem:s2+$0x100D0];
	_ =	sdelay $0x7  }
0x299: {  	v19 =	vld.idx.msk [tilespmem:v18+s21+$0x0], $0xffff;
	_ =	sdelay $0x3  }
0x29a: {  	s2 =	sadd.s32 $0x16C00, s2  }
0x29b: {  	[tilespmem:s2+$0x50] =	vst v19  }
0x29c: {  	v19 =	vld.idx.msk [tilespmem:v18+s22+$0x0], $0xffff;
	_ =	sdelay $0x4  }
0x29d: {  	[tilespmem:s2+$0xD0] =	vst v19  }
0x29e: {  	v19 =	vld.idx.msk [tilespmem:v18+s23+$0x0], $0xffff;
	_ =	sdelay $0x4  }
0x29f: {  	[tilespmem:s2+$0x150] =	vst v19  }
0x2a0: {  	v19 =	vld.idx.msk [tilespmem:v18+s24+$0x0], $0xffff;
	_ =	sdelay $0x4  }
0x2a1: {  	[tilespmem:s2+$0x1D0] =	vst v19  }
0x2a2: {  	v19 =	vld.idx.msk [tilespmem:v18+s25+$0x0], $0xffff;
	_ =	sdelay $0x4  }
0x2a3: {  	[tilespmem:s2+$0x250] =	vst v19  }
0x2a4: {  	v19 =	vld.idx.msk [tilespmem:v18+s26+$0x0], $0xffff;
	_ =	sdelay $0x4  }
0x2a5: {  	[tilespmem:s2+$0x2D0] =	vst v19  }
0x2a6: {  	v19 =	vld.idx.msk [tilespmem:v18+s19+$0x0], $0xffff;
	_ =	sdelay $0x4  }
0x2a7: {  	[tilespmem:s2+$0x350] =	vst v19  }
0x2a8: {  	v19 =	vld.idx.msk [tilespmem:v18+s20+$0x0], $0xffff;
	_ =	sdelay $0x2  }
0x2a9: {  	s29 =	sor.u32 s0, s1  }
0x2aa: {  	s3 =	sor.u32 $0x380, s29  }
0x2ab: {  	[tilespmem:s3+$0x16C00] =	vst v19  }
0x2ac: {  	v19 =	vld.idx.msk [tilespmem:v18+s6+$0x0], $0xffff;
	_ =	sdelay $0x4  }
0x2ad: {  	[tilespmem:s2+$0x2450] =	vst v19  }
0x2ae: {  	v19 =	vld.idx.msk [tilespmem:v18+s5+$0x0], $0xffff;
	_ =	sdelay $0x4  }
0x2af: {  	[tilespmem:s2+$0x24D0] =	vst v19  }
0x2b0: {  	v19 =	vld.idx.msk [tilespmem:v18+s4+$0x0], $0xffff;
	_ =	sdelay $0x4  }
0x2b1: {  	[tilespmem:s2+$0x2550] =	vst v19  }
0x2b2: {  	v19 =	vld.idx.msk [tilespmem:v18+s31+$0x0], $0xffff;
	_ =	sdelay $0x4  }
0x2b3: {  	[tilespmem:s2+$0x25D0] =	vst v19  }
0x2b4: {  	v19 =	vld.idx.msk [tilespmem:v18+s30+$0x0], $0xffff;
	_ =	sdelay $0x4  }
0x2b5: {  	[tilespmem:s2+$0x2650] =	vst v19  }
0x2b6: {  	v19 =	vld.idx.msk [tilespmem:v18+s8+$0x0], $0xffff;
	_ =	sdelay $0x4  }
0x2b7: {  	[tilespmem:s2+$0x26D0] =	vst v19  }
0x2b8: {  	v19 =	vld.idx.msk [tilespmem:v18+s7+$0x0], $0xffff;
	_ =	sdelay $0x4  }
0x2b9: {  	[tilespmem:s2+$0x2750] =	vst v19  }
0x2ba: {  	p2 =	sne.s32 s9, $0x80;
	v18 =	vld.idx.msk [tilespmem:v18+s12+$0x0], $0xffff  }
.Ltmp8:
0x2bb: {  	_ = 	snop;
	(pc) =	sbr.rel @p2 .LBB2_12-.Ltmp8, $2  }
0x2bc: {  	_ =	sdelay $0x2  }
0x2bd: {  	s0 =	sadd.s32 $0x80, s0;
	s1 =	sadd.s32 $0x10, s1;
	s9 =	sadd.s32 $0x40, s9;
	[tilespmem:s2+$0x27D0] =	vst v18  }
0x2be: {  	v18 =	vld [tilespmem:$0x10080];
	_ =	sdelay $0x6  }
0x2bf: {  	v19 =	vld [tilespmem:$0x12080]  }
0x2c0: {  	v20 =	vld.idx.msk [tilespmem:v18+s21+$0x0], $0xffff;
	_ =	sdelay $0x4  }
0x2c1: {  	v20 =	vmul.f32 v0, v20;
	_ =	sdelay $0x1  }
0x2c2: {  	[tilespmem:$0x16C00] =	vst v20  }
0x2c3: {  	v20 =	vld.idx.msk [tilespmem:v19+s21+$0x0], $0xffff;
	_ =	sdelay $0x3  }
0x2c4: {  	s1 =	simm.s32 $0x16C00  }
0x2c5: {  	[tilespmem:v1+s1+$0x0] =	vst.idx.msk $0x1, v20  }
0x2c6: {  	v20 =	vld.idx.msk [tilespmem:v18+s22+$0x0], $0xffff;
	_ =	sdelay $0x4  }
0x2c7: {  	v20 =	vmul.f32 v0, v20;
	_ =	sdelay $0x1  }
0x2c8: {  	[tilespmem:$0x16C80] =	vst v20  }
0x2c9: {  	v20 =	vld.idx.msk [tilespmem:v19+s22+$0x0], $0xffff;
	_ =	sdelay $0x4  }
0x2ca: {  	[tilespmem:v2+s1+$0x0] =	vst.idx.msk $0x1, v20  }
0x2cb: {  	v20 =	vld.idx.msk [tilespmem:v18+s23+$0x0], $0xffff;
	_ =	sdelay $0x4  }
0x2cc: {  	v20 =	vmul.f32 v0, v20;
	_ =	sdelay $0x1  }
0x2cd: {  	[tilespmem:$0x16D00] =	vst v20  }
0x2ce: {  	v20 =	vld.idx.msk [tilespmem:v19+s23+$0x0], $0xffff;
	_ =	sdelay $0x4  }
0x2cf: {  	[tilespmem:v3+s1+$0x0] =	vst.idx.msk $0x1, v20  }
0x2d0: {  	v20 =	vld.idx.msk [tilespmem:v18+s24+$0x0], $0xffff;
	_ =	sdelay $0x4  }
0x2d1: {  	v20 =	vmul.f32 v0, v20;
	_ =	sdelay $0x1  }
0x2d2: {  	[tilespmem:$0x16D80] =	vst v20  }
0x2d3: {  	v20 =	vld.idx.msk [tilespmem:v19+s24+$0x0], $0xffff;
	_ =	sdelay $0x4  }
0x2d4: {  	[tilespmem:v4+s1+$0x0] =	vst.idx.msk $0x1, v20  }
0x2d5: {  	v20 =	vld.idx.msk [tilespmem:v18+s25+$0x0], $0xffff;
	_ =	sdelay $0x4  }
0x2d6: {  	v20 =	vmul.f32 v0, v20;
	_ =	sdelay $0x1  }
0x2d7: {  	[tilespmem:$0x16E00] =	vst v20  }
0x2d8: {  	v20 =	vld.idx.msk [tilespmem:v19+s25+$0x0], $0xffff;
	_ =	sdelay $0x4  }
0x2d9: {  	[tilespmem:v5+s1+$0x0] =	vst.idx.msk $0x1, v20  }
0x2da: {  	v20 =	vld.idx.msk [tilespmem:v18+s26+$0x0], $0xffff;
	_ =	sdelay $0x4  }
0x2db: {  	v20 =	vmul.f32 v0, v20;
	_ =	sdelay $0x1  }
0x2dc: {  	[tilespmem:$0x16E80] =	vst v20  }
0x2dd: {  	v20 =	vld.idx.msk [tilespmem:v19+s26+$0x0], $0xffff;
	_ =	sdelay $0x4  }
0x2de: {  	[tilespmem:v6+s1+$0x0] =	vst.idx.msk $0x1, v20  }
0x2df: {  	v20 =	vld.idx.msk [tilespmem:v18+s19+$0x0], $0xffff;
	_ =	sdelay $0x4  }
0x2e0: {  	v20 =	vmul.f32 v0, v20;
	_ =	sdelay $0x1  }
0x2e1: {  	[tilespmem:$0x16F00] =	vst v20  }
0x2e2: {  	v20 =	vld.idx.msk [tilespmem:v19+s19+$0x0], $0xffff;
	_ =	sdelay $0x4  }
0x2e3: {  	[tilespmem:v7+s1+$0x0] =	vst.idx.msk $0x1, v20  }
0x2e4: {  	v20 =	vld.idx.msk [tilespmem:v18+s20+$0x0], $0xffff;
	_ =	sdelay $0x4  }
0x2e5: {  	v20 =	vmul.f32 v0, v20;
	_ =	sdelay $0x1  }
0x2e6: {  	[tilespmem:$0x16F80] =	vst v20  }
0x2e7: {  	v20 =	vld.idx.msk [tilespmem:v19+s20+$0x0], $0xffff;
	_ =	sdelay $0x4  }
0x2e8: {  	[tilespmem:v8+s1+$0x0] =	vst.idx.msk $0x1, v20  }
0x2e9: {  	v20 =	vld.idx.msk [tilespmem:v18+s6+$0x0], $0xffff;
	_ =	sdelay $0x4  }
0x2ea: {  	v20 =	vmul.f32 v0, v20;
	_ =	sdelay $0x1  }
0x2eb: {  	[tilespmem:$0x19000] =	vst v20  }
0x2ec: {  	v20 =	vld.idx.msk [tilespmem:v19+s6+$0x0], $0xffff;
	_ =	sdelay $0x4  }
0x2ed: {  	[tilespmem:v9+s1+$0x0] =	vst.idx.msk $0x1, v20  }
0x2ee: {  	v20 =	vld.idx.msk [tilespmem:v18+s5+$0x0], $0xffff;
	_ =	sdelay $0x4  }
0x2ef: {  	v20 =	vmul.f32 v0, v20;
	_ =	sdelay $0x1  }
0x2f0: {  	[tilespmem:$0x19080] =	vst v20  }
0x2f1: {  	v20 =	vld.idx.msk [tilespmem:v19+s5+$0x0], $0xffff;
	_ =	sdelay $0x4  }
0x2f2: {  	[tilespmem:v10+s1+$0x0] =	vst.idx.msk $0x1, v20  }
0x2f3: {  	v20 =	vld.idx.msk [tilespmem:v18+s4+$0x0], $0xffff;
	_ =	sdelay $0x4  }
0x2f4: {  	v20 =	vmul.f32 v0, v20;
	_ =	sdelay $0x1  }
0x2f5: {  	[tilespmem:$0x19100] =	vst v20  }
0x2f6: {  	v20 =	vld.idx.msk [tilespmem:v19+s4+$0x0], $0xffff;
	_ =	sdelay $0x4  }
0x2f7: {  	[tilespmem:v11+s1+$0x0] =	vst.idx.msk $0x1, v20  }
0x2f8: {  	v20 =	vld.idx.msk [tilespmem:v18+s31+$0x0], $0xffff;
	_ =	sdelay $0x4  }
0x2f9: {  	v20 =	vmul.f32 v0, v20;
	_ =	sdelay $0x1  }
0x2fa: {  	[tilespmem:$0x19180] =	vst v20  }
0x2fb: {  	v20 =	vld.idx.msk [tilespmem:v19+s31+$0x0], $0xffff;
	_ =	sdelay $0x4  }
0x2fc: {  	[tilespmem:v12+s1+$0x0] =	vst.idx.msk $0x1, v20  }
0x2fd: {  	v20 =	vld.idx.msk [tilespmem:v18+s30+$0x0], $0xffff;
	_ =	sdelay $0x4  }
0x2fe: {  	v20 =	vmul.f32 v0, v20;
	_ =	sdelay $0x1  }
0x2ff: {  	[tilespmem:$0x19200] =	vst v20  }
0x300: {  	v20 =	vld.idx.msk [tilespmem:v19+s30+$0x0], $0xffff;
	_ =	sdelay $0x4  }
0x301: {  	[tilespmem:v13+s1+$0x0] =	vst.idx.msk $0x1, v20  }
0x302: {  	v20 =	vld.idx.msk [tilespmem:v18+s8+$0x0], $0xffff;
	_ =	sdelay $0x4  }
0x303: {  	v20 =	vmul.f32 v0, v20;
	_ =	sdelay $0x1  }
0x304: {  	[tilespmem:$0x19280] =	vst v20  }
0x305: {  	v20 =	vld.idx.msk [tilespmem:v19+s8+$0x0], $0xffff;
	_ =	sdelay $0x4  }
0x306: {  	[tilespmem:v14+s1+$0x0] =	vst.idx.msk $0x1, v20  }
0x307: {  	v20 =	vld.idx.msk [tilespmem:v18+s7+$0x0], $0xffff;
	_ =	sdelay $0x4  }
0x308: {  	v20 =	vmul.f32 v0, v20;
	_ =	sdelay $0x1  }
0x309: {  	[tilespmem:$0x19300] =	vst v20  }
0x30a: {  	v20 =	vld.idx.msk [tilespmem:v19+s7+$0x0], $0xffff;
	_ =	sdelay $0x4  }
0x30b: {  	[tilespmem:v15+s1+$0x0] =	vst.idx.msk $0x1, v20  }
0x30c: {  	v18 =	vld.idx.msk [tilespmem:v18+s12+$0x0], $0xffff;
	_ =	sdelay $0x4  }
0x30d: {  	v18 =	vmul.f32 v0, v18;
	_ =	sdelay $0x1  }
0x30e: {  	[tilespmem:$0x19380] =	vst v18  }
0x30f: {  	v18 =	vld.idx.msk [tilespmem:v19+s12+$0x0], $0xffff;
	_ =	sdelay $0x4  }
0x310: {  	s0 =	rddreg [dreg:$0xe];
	[tilespmem:v16+s1+$0x0] =	vst.idx.msk $0x1, v18  }
0x311: {  	[hbm4b:s0+s21] =	stream.linear.scatter [tilespmem:s1], [sflag:$0x2], $0x4800, $0x38;
	[tilespmem:$0x1B400] =	vst v63  }
0x312: {  	s4 =	simm.s32 $0x1;
	s0 =	simm.s32 $0x1  }
.LBB2_14:
0x313: {  	s10 =	sshll.u32 s0, $0x1  }
0x314: {  	s2 =	rddreg [dreg:$0xb];
	s1 =	sand.u32 $0x6, s10  }
0x315: {  	[dreg:$0x14] =	wrdreg s0;
	s0 =	sadd.s32 s2, s10;
	p2 =	sne.s32 s1, $0x0  }
0x316: {  	[dreg:$0x15] =	wrdreg s0;
	s0 =	sshrl.u32 @!p2 s0, $0x3  }
0x317: {  	s11 =	sshll.u32 s4, $0xA;
	s12 =	simm.s32 $0x1;
	s0 =	smul.u32 @!p2 $0x480, s0  }
0x318: {  	s6 =	simm.s32 $0x200;
	s14 =	simm.s32 $0x40;
	s2 =	rddreg [dreg:$0xa]  }
0x319: {  	s3 =	simm.s32 @!p2 $0x10000;
	s0 =	sadd.s32 @!p2 s2, s0;
	s2 =	simm.s32 @!p2 $0x0  }
0x31a: {  	[tilespmem:s3], [sflag:$0x3] =	stream.linear.gather @!p2 [hbm4b:s0+s2], $0x2400, $0x38;
	[tilespmem:$0x1B400] =	vst v63  }
0x31b: {  	s17 =	simm.s32 $0x180;
	s5 =	simm.s32 $0x30;
	s0 =	simm.s32 @!p2 $0x3  }
0x31c: {  	s28 =	simm.s32 $0x10;
	s16 =	simm.s32 $0x20;
	_ =	swait.ge @!p2 [sflag:s0], $0x2400  }
0x31d: {  	s7 =	sand.u32 $0x3C00, s17;
	s13 =	sshll.u32 s1, $0x7;
	[sflag:s0] =	ssyncset.done @!p2 $0x0  }
0x31e: {  	[dreg:$0x13] =	wrdreg s4;
	[sflag:s0] =	ssyncadd.s32 @!p2 $0xFFFFDC00;
	s0 =	sand.u32 $0xC00, s11  }
0x31f: {  	_ =	swait.ge [sflag:s12], $0x4800;
	[dreg:$0x18] =	wrdreg s0;
	s0 =	sor.u32 $0x10000, s13  }
0x320: {  	s8 =	sand.u32 $0x70, s5;
	s3 =	simm.s32 $0x80;
	[dreg:$0x7] =	wrdreg s0  }
0x321: {  	s10 =	sand.u32 $0x1C00, s3;
	s11 =	sand.u32 $0x70, s28;
	s2 =	rddreg [dreg:$0x7]  }
0x322: {  	[dreg:$0x16] =	wrdreg s13;
	[sflag:s12] =	ssyncset.done $0x0;
	s18 =	sadd.s32 s7, s2  }
0x323: {  	[sflag:s12] =	ssyncadd.s32 $0xFFFFB800;
	s15 =	sadd.s32 s10, s2;
	s9 =	sadd.s32 s8, s18  }
0x324: {  	s6 =	sand.u32 $0x3C00, s6;
	s12 =	simm.s32 $0x100;
	v25 =	vld [tilespmem:s9+$0x0];
	s9 =	sadd.s32 s11, s15  }
0x325: {  	s12 =	sand.u32 $0x3C00, s12;
	s17 =	sadd.s32 s6, s2;
	s15 =	sand.u32 $0x70, s14;
	v20 =	vld [tilespmem:s9+$0x0]  }
0x326: {  	s13 =	sadd.s32 s12, s2;
	s9 =	sand.u32 $0x70, s16;
	s4 =	sadd.s32 s15, s17  }
0x327: {  	s13 =	sadd.s32 s9, s13;
	v19 =	vld [tilespmem:s4+$0x0]  }
0x328: {  	v18 =	vld [tilespmem:s13+$0x0];
	_ =	sdelay $0x3  }
0x329: {  	v21 =	vld.idx.msk [tilespmem:v25+s21+$0x0], $0xffff  }
0x32a: {  	v22 =	vld.idx.msk [tilespmem:v20+s21+$0x0], $0xffff;
	_ =	sdelay $0x1  }
0x32b: {  	v24 =	vld.idx.msk [tilespmem:v19+s21+$0x0], $0xffff  }
0x32c: {  	s4 =	sor.u32 s8, s7;
	v23 =	vld.idx.msk [tilespmem:v18+s21+$0x0], $0xffff  }
0x32d: {  	s14 =	sor.u32 s11, s10;
	[tilespmem:s4+$0x12400] =	vst v21  }
0x32e: {  	v21 =	vld.idx.msk [tilespmem:v25+s22+$0x0], $0xffff;
	[tilespmem:s14+$0x12400] =	vst v22  }
0x32f: {  	s13 =	sor.u32 s15, s6;
	v22 =	vld.idx.msk [tilespmem:v20+s22+$0x0], $0xffff  }
0x330: {  	s10 =	sor.u32 s9, s12;
	[tilespmem:s13+$0x12400] =	vst v24  }
0x331: {  	[tilespmem:s10+$0x12400] =	vst v23;
	v24 =	vld.idx.msk [tilespmem:v19+s22+$0x0], $0xffff  }
0x332: {  	s7 =	sadd.s32 $0x12400, s4;
	v23 =	vld.idx.msk [tilespmem:v18+s22+$0x0], $0xffff  }
0x333: {  	s18 =	sadd.s32 $0x12400, s14;
	[tilespmem:s7+$0x80] =	vst v21  }
0x334: {  	v21 =	vld.idx.msk [tilespmem:v25+s23+$0x0], $0xffff;
	[tilespmem:s18+$0x80] =	vst v22  }
0x335: {  	s6 =	sadd.s32 $0x12400, s13;
	v22 =	vld.idx.msk [tilespmem:v20+s23+$0x0], $0xffff  }
0x336: {  	s9 =	sadd.s32 $0x12400, s10;
	[tilespmem:s6+$0x80] =	vst v24  }
0x337: {  	[tilespmem:s9+$0x80] =	vst v23;
	v24 =	vld.idx.msk [tilespmem:v19+s23+$0x0], $0xffff  }
0x338: {  	v23 =	vld.idx.msk [tilespmem:v18+s23+$0x0], $0xffff  }
0x339: {  	[tilespmem:s7+$0x100] =	vst v21  }
0x33a: {  	v21 =	vld.idx.msk [tilespmem:v25+s24+$0x0], $0xffff;
	[tilespmem:s18+$0x100] =	vst v22  }
0x33b: {  	v22 =	vld.idx.msk [tilespmem:v20+s24+$0x0], $0xffff  }
0x33c: {  	[tilespmem:s6+$0x100] =	vst v24  }
0x33d: {  	[tilespmem:s9+$0x100] =	vst v23;
	v24 =	vld.idx.msk [tilespmem:v19+s24+$0x0], $0xffff  }
0x33e: {  	v23 =	vld.idx.msk [tilespmem:v18+s24+$0x0], $0xffff  }
0x33f: {  	[tilespmem:s7+$0x180] =	vst v21  }
0x340: {  	v21 =	vld.idx.msk [tilespmem:v25+s25+$0x0], $0xffff;
	[tilespmem:s18+$0x180] =	vst v22  }
0x341: {  	v22 =	vld.idx.msk [tilespmem:v20+s25+$0x0], $0xffff  }
0x342: {  	[tilespmem:s6+$0x180] =	vst v24  }
0x343: {  	[tilespmem:s9+$0x180] =	vst v23;
	v24 =	vld.idx.msk [tilespmem:v19+s25+$0x0], $0xffff  }
0x344: {  	v23 =	vld.idx.msk [tilespmem:v18+s25+$0x0], $0xffff  }
0x345: {  	[tilespmem:s7+$0x200] =	vst v21  }
0x346: {  	v21 =	vld.idx.msk [tilespmem:v25+s26+$0x0], $0xffff;
	[tilespmem:s18+$0x200] =	vst v22  }
0x347: {  	v22 =	vld.idx.msk [tilespmem:v20+s26+$0x0], $0xffff  }
0x348: {  	[tilespmem:s6+$0x200] =	vst v24  }
0x349: {  	[tilespmem:s9+$0x200] =	vst v23;
	v24 =	vld.idx.msk [tilespmem:v19+s26+$0x0], $0xffff  }
0x34a: {  	v23 =	vld.idx.msk [tilespmem:v18+s26+$0x0], $0xffff  }
0x34b: {  	[tilespmem:s7+$0x280] =	vst v21  }
0x34c: {  	v21 =	vld.idx.msk [tilespmem:v25+s19+$0x0], $0xffff;
	[tilespmem:s18+$0x280] =	vst v22  }
0x34d: {  	v22 =	vld.idx.msk [tilespmem:v20+s19+$0x0], $0xffff  }
0x34e: {  	[tilespmem:s6+$0x280] =	vst v24  }
0x34f: {  	s1 =	simm.s32 $0x0;
	[tilespmem:s9+$0x280] =	vst v23;
	v26 =	vld.idx.msk [tilespmem:v19+s19+$0x0], $0xffff  }
0x350: {  	s1 =	sand.u32 $0x7, s1;
	v23 =	vld.idx.msk [tilespmem:v18+s19+$0x0], $0xffff  }
0x351: {  	s29 =	simm.s32 $0x8000;
	s1 =	sshll.u32 s1, $0x4;
	s3 =	sor.u32 s3, s28;
	[tilespmem:s7+$0x300] =	vst v21  }
0x352: {  	s5 =	sadd.s32 $0x200, s1;
	s28 =	sor.u32 $0x380, s3;
	s0 =	simm.s32 $0x4;
	v21 =	vld.idx.msk [tilespmem:v25+s20+$0x0], $0xffff;
	[tilespmem:s18+$0x300] =	vst v22  }
0x353: {  	s0 =	sand.u32 $0x7, s0;
	s11 =	sadd.s32 $0xFFFFFFB0, s5;
	s12 =	simm.s32 $0x380;
	v22 =	vld.idx.msk [tilespmem:v20+s20+$0x0], $0xffff  }
0x354: {  	s3 =	sor.u32 $0x380, s11;
	s15 =	simm.s32 $0x70;
	s11 =	sand.u32 $0x3C00, s12;
	[tilespmem:s6+$0x300] =	vst v26  }
0x355: {  	s0 =	sshll.u32 s0, $0x4;
	s8 =	sand.u32 $0x70, s15;
	s7 =	sadd.s32 s11, s2;
	[tilespmem:s9+$0x300] =	vst v23;
	v29 =	vld.idx.msk [tilespmem:v19+s20+$0x0], $0xffff  }
0x356: {  	s0 =	sadd.s32 $0x400, s0;
	s16 =	simm.s32 $0x280;
	s18 =	sadd.s32 s8, s7;
	v27 =	vld.idx.msk [tilespmem:v18+s20+$0x0], $0xffff  }
0x357: {  	s5 =	sadd.s32 $0xFFFFFF20, s5;
	s7 =	simm.s32 $0x50;
	s9 =	sand.u32 $0x1C00, s16;
	[tilespmem:s3+$0x12400] =	vst v21;
	v21 =	vld [tilespmem:s18+$0x0]  }
0x358: {  	s0 =	sadd.s32 $0xFFFFFE00, s0;
	s15 =	sand.u32 $0x70, s7;
	v24 =	vld.idx.msk [tilespmem:v25+s29+$0x0], $0xffff;
	[tilespmem:s28+$0x12400] =	vst v22;
	s28 =	sadd.s32 s9, s2  }
0x359: {  	s17 =	simm.s32 $0x300;
	s0 =	sor.u32 $0x380, s0;
	v28 =	vld.idx.msk [tilespmem:v20+s29+$0x0], $0xffff;
	s1 =	sadd.s32 s15, s28  }
0x35a: {  	s5 =	sor.u32 $0x380, s5;
	s12 =	sand.u32 $0x3C00, s17;
	s16 =	simm.s32 $0x60;
	[tilespmem:s0+$0x12400] =	vst v29;
	v23 =	vld [tilespmem:s1+$0x0]  }
0x35b: {  	s17 =	sadd.s32 s12, s2;
	s16 =	sand.u32 $0x70, s16;
	s18 =	simm.s32 $0x400;
	[tilespmem:s5+$0x12400] =	vst v27;
	v29 =	vld.idx.msk [tilespmem:v19+s29+$0x0], $0xffff  }
0x35c: {  	s17 =	sadd.s32 s16, s17;
	s18 =	sand.u32 $0x3C00, s18;
	s1 =	simm.s32 $0x80;
	v27 =	vld.idx.msk [tilespmem:v18+s29+$0x0], $0xffff  }
0x35d: {  	s2 =	sadd.s32 s18, s2;
	s28 =	simm.s32 $0x9000;
	s3 =	sand.u32 $0x70, s1;
	[tilespmem:s4+$0x14800] =	vst v24;
	v24 =	vld [tilespmem:s17+$0x0]  }
0x35e: {  	s6 =	sadd.s32 s3, s2;
	v26 =	vld.idx.msk [tilespmem:v25+s28+$0x0], $0xffff  }
0x35f: {  	v22 =	vld [tilespmem:s6+$0x0];
	[tilespmem:s14+$0x14800] =	vst v28  }
0x360: {  	v30 =	vld.idx.msk [tilespmem:v20+s28+$0x0], $0xffff  }
0x361: {  	v28 =	vld.idx.msk [tilespmem:v21+s21+$0x0], $0xffff;
	[tilespmem:s13+$0x14800] =	vst v29  }
0x362: {  	v29 =	vld.idx.msk [tilespmem:v19+s28+$0x0], $0xffff  }
0x363: {  	s0 =	simm.s32 $0xA000;
	v31 =	vld.idx.msk [tilespmem:v23+s21+$0x0], $0xffff;
	[tilespmem:s4+$0x14880] =	vst v26  }
0x364: {  	[tilespmem:s10+$0x14800] =	vst v27;
	v26 =	vld.idx.msk [tilespmem:v25+s0+$0x0], $0xffff  }
0x365: {  	s6 =	sor.u32 s8, s11;
	[tilespmem:s14+$0x14880] =	vst v30;
	v30 =	vld.idx.msk [tilespmem:v18+s28+$0x0], $0xffff  }
0x366: {  	[tilespmem:s6+$0x12400] =	vst v28;
	v27 =	vld.idx.msk [tilespmem:v24+s21+$0x0], $0xffff  }
0x367: {  	s5 =	sor.u32 s15, s9;
	v28 =	vld.idx.msk [tilespmem:v22+s21+$0x0], $0xffff;
	[tilespmem:s13+$0x14880] =	vst v29  }
0x368: {  	v32 =	vld.idx.msk [tilespmem:v21+s22+$0x0], $0xffff;
	[tilespmem:s5+$0x12400] =	vst v31  }
0x369: {  	v31 =	vld.idx.msk [tilespmem:v23+s22+$0x0], $0xffff;
	[tilespmem:s4+$0x14900] =	vst v26  }
0x36a: {  	s11 =	sor.u32 s16, s12;
	[tilespmem:s10+$0x14880] =	vst v30;
	v30 =	vld.idx.msk [tilespmem:v20+s0+$0x0], $0xffff  }
0x36b: {  	s29 =	sor.u32 s3, s18;
	v26 =	vld.idx.msk [tilespmem:v25+s31+$0x0], $0xffff;
	[tilespmem:s11+$0x12400] =	vst v27  }
0x36c: {  	s15 =	sadd.s32 $0x12400, s6;
	[tilespmem:s29+$0x12400] =	vst v28;
	v29 =	vld.idx.msk [tilespmem:v18+s0+$0x0], $0xffff  }
0x36d: {  	s16 =	sadd.s32 $0x12400, s5;
	[tilespmem:s15+$0x80] =	vst v32;
	v27 =	vld.idx.msk [tilespmem:v24+s22+$0x0], $0xffff  }
0x36e: {  	v28 =	vld.idx.msk [tilespmem:v22+s22+$0x0], $0xffff;
	[tilespmem:s16+$0x80] =	vst v31  }
0x36f: {  	v32 =	vld.idx.msk [tilespmem:v21+s23+$0x0], $0xffff;
	[tilespmem:s14+$0x14900] =	vst v30  }
0x370: {  	v31 =	vld.idx.msk [tilespmem:v23+s23+$0x0], $0xffff;
	[tilespmem:s4+$0x14980] =	vst v26  }
0x371: {  	s28 =	sadd.s32 $0x12400, s11;
	[tilespmem:s10+$0x14900] =	vst v29;
	v30 =	vld.idx.msk [tilespmem:v20+s31+$0x0], $0xffff  }
0x372: {  	s2 =	sadd.s32 $0x12400, s29;
	v26 =	vld.idx.msk [tilespmem:v25+s30+$0x0], $0xffff;
	[tilespmem:s28+$0x80] =	vst v27  }
0x373: {  	[tilespmem:s2+$0x80] =	vst v28;
	v27 =	vld.idx.msk [tilespmem:v24+s23+$0x0], $0xffff  }
0x374: {  	[tilespmem:s15+$0x100] =	vst v32;
	v28 =	vld.idx.msk [tilespmem:v22+s23+$0x0], $0xffff  }
0x375: {  	v32 =	vld.idx.msk [tilespmem:v21+s24+$0x0], $0xffff;
	[tilespmem:s16+$0x100] =	vst v31  }
0x376: {  	v31 =	vld.idx.msk [tilespmem:v23+s24+$0x0], $0xffff;
	[tilespmem:s14+$0x14980] =	vst v30  }
0x377: {  	s18 =	simm.s32 $0xD000;
	[tilespmem:s4+$0x14A00] =	vst v26;
	v26 =	vld.idx.msk [tilespmem:v19+s0+$0x0], $0xffff  }
0x378: {  	v29 =	vld.idx.msk [tilespmem:v25+s18+$0x0], $0xffff;
	[tilespmem:s28+$0x100] =	vst v27  }
0x379: {  	[tilespmem:s2+$0x100] =	vst v28;
	v27 =	vld.idx.msk [tilespmem:v24+s24+$0x0], $0xffff  }
0x37a: {  	[tilespmem:s15+$0x180] =	vst v32;
	v28 =	vld.idx.msk [tilespmem:v22+s24+$0x0], $0xffff  }
0x37b: {  	v32 =	vld.idx.msk [tilespmem:v21+s25+$0x0], $0xffff;
	[tilespmem:s16+$0x180] =	vst v31  }
0x37c: {  	[tilespmem:s13+$0x14900] =	vst v26;
	v26 =	vld.idx.msk [tilespmem:v18+s31+$0x0], $0xffff  }
0x37d: {  	v31 =	vld.idx.msk [tilespmem:v23+s25+$0x0], $0xffff;
	[tilespmem:s4+$0x14A80] =	vst v29  }
0x37e: {  	s21 =	simm.s32 $0xE000;
	v30 =	vld.idx.msk [tilespmem:v19+s31+$0x0], $0xffff;
	[tilespmem:s28+$0x180] =	vst v27  }
0x37f: {  	v29 =	vld.idx.msk [tilespmem:v25+s21+$0x0], $0xffff;
	[tilespmem:s2+$0x180] =	vst v28  }
0x380: {  	[tilespmem:s15+$0x200] =	vst v32;
	v27 =	vld.idx.msk [tilespmem:v24+s25+$0x0], $0xffff  }
0x381: {  	v28 =	vld.idx.msk [tilespmem:v22+s25+$0x0], $0xffff;
	[tilespmem:s10+$0x14980] =	vst v26  }
0x382: {  	v32 =	vld.idx.msk [tilespmem:v21+s26+$0x0], $0xffff;
	[tilespmem:s16+$0x200] =	vst v31  }
0x383: {  	v26 =	vld.idx.msk [tilespmem:v20+s30+$0x0], $0xffff;
	[tilespmem:s13+$0x14980] =	vst v30  }
0x384: {  	v30 =	vld.idx.msk [tilespmem:v23+s26+$0x0], $0xffff;
	[tilespmem:s4+$0x14B00] =	vst v29  }
0x385: {  	s22 =	simm.s32 $0xF000;
	v29 =	vld.idx.msk [tilespmem:v18+s30+$0x0], $0xffff;
	[tilespmem:s28+$0x200] =	vst v27  }
0x386: {  	v25 =	vld.idx.msk [tilespmem:v25+s22+$0x0], $0xffff;
	[tilespmem:s2+$0x200] =	vst v28  }
0x387: {  	[tilespmem:s15+$0x280] =	vst v32;
	v27 =	vld.idx.msk [tilespmem:v24+s26+$0x0], $0xffff  }
0x388: {  	v28 =	vld.idx.msk [tilespmem:v22+s26+$0x0], $0xffff;
	[tilespmem:s14+$0x14A00] =	vst v26  }
0x389: {  	v31 =	vld.idx.msk [tilespmem:v21+s19+$0x0], $0xffff;
	[tilespmem:s16+$0x280] =	vst v30  }
0x38a: {  	v26 =	vld.idx.msk [tilespmem:v20+s18+$0x0], $0xffff;
	[tilespmem:s10+$0x14A00] =	vst v29  }
0x38b: {  	v30 =	vld.idx.msk [tilespmem:v23+s19+$0x0], $0xffff;
	[tilespmem:s4+$0x14B80] =	vst v25  }
0x38c: {  	v25 =	vld.idx.msk [tilespmem:v19+s30+$0x0], $0xffff;
	[tilespmem:s28+$0x280] =	vst v27  }
0x38d: {  	v29 =	vld.idx.msk [tilespmem:v18+s18+$0x0], $0xffff;
	[tilespmem:s2+$0x280] =	vst v28  }
0x38e: {  	[tilespmem:s15+$0x300] =	vst v31;
	v63 =	vld.idx.msk [tilespmem:v24+s19+$0x0], $0xffff  }
0x38f: {  	v28 =	vld.idx.msk [tilespmem:v22+s19+$0x0], $0xffff;
	[tilespmem:s14+$0x14A80] =	vst v26  }
0x390: {  	s31 =	simm.s32 $0x4;
	v31 =	vld.idx.msk [tilespmem:v21+s20+$0x0], $0xffff;
	[tilespmem:s16+$0x300] =	vst v30  }
0x391: {  	s23 =	sand.u32 $0x7, s31;
	[tilespmem:s13+$0x14A00] =	vst v25;
	v25 =	vld.idx.msk [tilespmem:v20+s21+$0x0], $0xffff  }
0x392: {  	s24 =	simm.s32 $0x280;
	s4 =	sshll.u32 s23, $0x4;
	[tilespmem:s10+$0x14A80] =	vst v29;
	v29 =	vld.idx.msk [tilespmem:v23+s20+$0x0], $0xffff  }
0x393: {  	s9 =	simm.s32 $0x5;
	s25 =	sor.u32 s24, s7;
	s4 =	sadd.s32 $0x400, s4;
	v27 =	vld.idx.msk [tilespmem:v19+s18+$0x0], $0xffff  }
0x394: {  	s8 =	simm.s32 $0x8;
	s12 =	sor.u32 $0x380, s25;
	s26 =	sadd.s32 $0xFFFFFFB0, s4;
	v26 =	vld.idx.msk [tilespmem:v18+s21+$0x0], $0xffff;
	[tilespmem:s28+$0x300] =	vst v63  }
0x395: {  	s4 =	sadd.s32 $0xFFFFFF20, s4;
	s30 =	sor.u32 $0x380, s26;
	[tilespmem:s2+$0x300] =	vst v28;
	s28 =	sand.u32 $0x7, s8;
	v30 =	vld.idx.msk [tilespmem:v24+s20+$0x0], $0xffff  }
0x396: {  	s3 =	sor.u32 $0x380, s4;
	s4 =	simm.s32 $0x600;
	[tilespmem:s30+$0x12400] =	vst v31;
	s18 =	sshll.u32 s28, $0x4;
	v28 =	vld.idx.msk [tilespmem:v22+s20+$0x0], $0xffff  }
.LBB2_15:
0x397: {  	s7 =	sadd.s32 $0xFFFFFF80, s4;
	s0 =	simm.s32 $0x8000  }
0x398: {  	s1 =	sadd.s32 $0x40, s1;
	s2 =	simm.s32 $0xE000;
	s24 =	rddreg [dreg:$0x7];
	v31 =	vld.idx.msk [tilespmem:v21+s0+$0x0], $0xffff;
	[tilespmem:s13+$0x14A80] =	vst v27  }
0x399: {  	s30 =	simm.s32 $0xF000;
	s15 =	sadd.s32 $0xFFFFFFF0, s1;
	s16 =	sand.u32 $0x3C00, s7;
	[tilespmem:s14+$0x14B00] =	vst v25;
	v27 =	vld.idx.msk [tilespmem:v19+s2+$0x0], $0xffff  }
0x39a: {  	s20 =	sadd.s32 $0xFFFFFF00, s4;
	s17 =	sand.u32 $0x70, s15;
	s25 =	sadd.s32 s16, s24;
	[tilespmem:s10+$0x14B00] =	vst v26;
	v32 =	vld.idx.msk [tilespmem:v20+s30+$0x0], $0xffff  }
0x39b: {  	s22 =	sand.u32 $0x3C00, s4;
	s7 =	sadd.s32 $0xFFFFFE80, s4;
	s15 =	sadd.s32 s17, s25;
	v26 =	vld.idx.msk [tilespmem:v18+s30+$0x0], $0xffff  }
0x39c: {  	s21 =	sadd.s32 $0xFFFFFFE0, s1;
	s20 =	sand.u32 $0x3C00, s20;
	s19 =	sand.u32 $0x1C00, s7;
	[tilespmem:s12+$0x12400] =	vst v29;
	v25 =	vld [tilespmem:s15+$0x0]  }
0x39d: {  	s28 =	sadd.s32 s20, s24;
	s21 =	sand.u32 $0x70, s21;
	s12 =	sadd.s32 $0xFFFFFFD0, s1;
	[tilespmem:s3+$0x12400] =	vst v30;
	v29 =	vld.idx.msk [tilespmem:v23+s0+$0x0], $0xffff  }
0x39e: {  	s26 =	sadd.s32 s19, s24;
	s25 =	sadd.s32 s21, s28;
	s23 =	sand.u32 $0x70, s12;
	v30 =	vld.idx.msk [tilespmem:v24+s0+$0x0], $0xffff;
	[tilespmem:s6+$0x14800] =	vst v31  }
0x39f: {  	s24 =	sadd.s32 s22, s24;
	v20 =	vmov v23;
	v18 =	vmov v24;
	v24 =	vld [tilespmem:s25+$0x0];
	s3 =	sadd.s32 s23, s26;
	[tilespmem:s13+$0x14B00] =	vst v27  }
0x3a0: {  	s2 =	simm.s32 $0x9000;
	s20 =	sor.u32 s21, s20;
	s26 =	sand.u32 $0x70, s1;
	v23 =	vld [tilespmem:s3+$0x0];
	[tilespmem:s14+$0x14B80] =	vst v32  }
0x3a1: {  	v31 =	vld.idx.msk [tilespmem:v21+s2+$0x0], $0xffff;
	s21 =	sadd.s32 s26, s24;
	s22 =	sor.u32 s26, s22;
	s26 =	sadd.s32 s18, s4;
	[tilespmem:s10+$0x14B80] =	vst v26  }
0x3a2: {  	s18 =	sadd.s32 $0xFFFFFE00, s26;
	v26 =	vld [tilespmem:s21+$0x0];
	[tilespmem:s5+$0x14800] =	vst v29  }
0x3a3: {  	v27 =	vld.idx.msk [tilespmem:v19+s30+$0x0], $0xffff;
	s26 =	sor.u32 $0x380, s18;
	[tilespmem:s11+$0x14800] =	vst v30  }
0x3a4: {  	[tilespmem:s26+$0x12400] =	vst v28;
	v30 =	vld.idx.msk [tilespmem:v20+s2+$0x0], $0xffff  }
0x3a5: {  	s3 =	sadd.s32 $0x12400, s20;
	s21 =	simm.s32 $0x0;
	v28 =	vld.idx.msk [tilespmem:v22+s0+$0x0], $0xffff  }
0x3a6: {  	s10 =	smov.u32 s11;
	s11 =	smov.u32 s20;
	s20 =	simm.s32 $0xA000;
	v29 =	vld.idx.msk [tilespmem:v25+s21+$0x0], $0xffff;
	[tilespmem:s6+$0x14880] =	vst v31  }
0x3a7: {  	v31 =	vld.idx.msk [tilespmem:v21+s20+$0x0], $0xffff  }
0x3a8: {  	s14 =	sor.u32 s7, s12;
	v19 =	vmov v22;
	v33 =	vld.idx.msk [tilespmem:v24+s21+$0x0], $0xffff  }
0x3a9: {  	s19 =	sor.u32 s23, s19;
	s12 =	sor.u32 $0x380, s14;
	s14 =	smov.u32 s5;
	[tilespmem:s13+$0x14B80] =	vst v27;
	v32 =	vld.idx.msk [tilespmem:v23+s21+$0x0], $0xffff  }
0x3aa: {  	s16 =	sor.u32 s17, s16;
	s15 =	sadd.s32 $0x12400, s19;
	v22 =	vmov v26;
	[tilespmem:s14+$0x14880] =	vst v30;
	v26 =	vld.idx.msk [tilespmem:v26+s21+$0x0], $0xffff  }
0x3ab: {  	s5 =	smov.u32 s19;
	s19 =	simm.s32 $0x1000;
	s13 =	smov.u32 s29;
	[tilespmem:s16+$0x12400] =	vst v29;
	v29 =	vld.idx.msk [tilespmem:v18+s2+$0x0], $0xffff  }
0x3ac: {  	[tilespmem:s13+$0x14800] =	vst v28;
	v27 =	vld.idx.msk [tilespmem:v25+s19+$0x0], $0xffff  }
0x3ad: {  	s26 =	simm.s32 $0xB000;
	[tilespmem:s6+$0x14900] =	vst v31;
	v28 =	vld.idx.msk [tilespmem:v19+s2+$0x0], $0xffff  }
0x3ae: {  	[tilespmem:s11+$0x12400] =	vst v33;
	v30 =	vld.idx.msk [tilespmem:v21+s26+$0x0], $0xffff  }
0x3af: {  	s29 =	smov.u32 s22;
	v61 =	vld.idx.msk [tilespmem:v24+s19+$0x0], $0xffff;
	[tilespmem:s5+$0x12400] =	vst v32  }
0x3b0: {  	v31 =	vld.idx.msk [tilespmem:v23+s19+$0x0], $0xffff;
	[tilespmem:s29+$0x12400] =	vst v26  }
0x3b1: {  	s17 =	sadd.s32 $0x12400, s16;
	[tilespmem:s10+$0x14880] =	vst v29;
	v29 =	vld.idx.msk [tilespmem:v20+s20+$0x0], $0xffff  }
0x3b2: {  	[tilespmem:s17+$0x80] =	vst v27;
	v26 =	vld.idx.msk [tilespmem:v22+s19+$0x0], $0xffff  }
0x3b3: {  	s28 =	simm.s32 $0x2000;
	[tilespmem:s13+$0x14880] =	vst v28;
	v28 =	vld.idx.msk [tilespmem:v18+s20+$0x0], $0xffff  }
0x3b4: {  	s7 =	sadd.s32 $0x12400, s22;
	s22 =	simm.s32 $0xC000;
	v27 =	vld.idx.msk [tilespmem:v25+s28+$0x0], $0xffff;
	[tilespmem:s6+$0x14980] =	vst v30  }
0x3b5: {  	[tilespmem:s3+$0x80] =	vst v61;
	v30 =	vld.idx.msk [tilespmem:v21+s22+$0x0], $0xffff  }
0x3b6: {  	v32 =	vld.idx.msk [tilespmem:v24+s28+$0x0], $0xffff;
	[tilespmem:s15+$0x80] =	vst v31  }
0x3b7: {  	v31 =	vld.idx.msk [tilespmem:v23+s28+$0x0], $0xffff;
	[tilespmem:s14+$0x14900] =	vst v29  }
0x3b8: {  	[tilespmem:s7+$0x80] =	vst v26  }
0x3b9: {  	[tilespmem:s10+$0x14900] =	vst v28;
	v26 =	vld.idx.msk [tilespmem:v22+s28+$0x0], $0xffff  }
0x3ba: {  	s23 =	simm.s32 $0x3000;
	[tilespmem:s17+$0x100] =	vst v27;
	v29 =	vld.idx.msk [tilespmem:v19+s20+$0x0], $0xffff  }
0x3bb: {  	s28 =	simm.s32 $0xD000;
	v27 =	vld.idx.msk [tilespmem:v25+s23+$0x0], $0xffff;
	[tilespmem:s6+$0x14A00] =	vst v30  }
0x3bc: {  	[tilespmem:s3+$0x100] =	vst v32;
	v28 =	vld.idx.msk [tilespmem:v21+s28+$0x0], $0xffff  }
0x3bd: {  	v32 =	vld.idx.msk [tilespmem:v24+s23+$0x0], $0xffff;
	[tilespmem:s15+$0x100] =	vst v31  }
0x3be: {  	v30 =	vld.idx.msk [tilespmem:v20+s26+$0x0], $0xffff  }
0x3bf: {  	v31 =	vld.idx.msk [tilespmem:v23+s23+$0x0], $0xffff;
	[tilespmem:s7+$0x100] =	vst v26  }
0x3c0: {  	[tilespmem:s17+$0x180] =	vst v27;
	v26 =	vld.idx.msk [tilespmem:v22+s23+$0x0], $0xffff  }
0x3c1: {  	s24 =	simm.s32 $0x4000;
	[tilespmem:s13+$0x14900] =	vst v29;
	v29 =	vld.idx.msk [tilespmem:v18+s26+$0x0], $0xffff  }
0x3c2: {  	s2 =	simm.s32 $0xE000;
	v27 =	vld.idx.msk [tilespmem:v25+s24+$0x0], $0xffff;
	[tilespmem:s6+$0x14A80] =	vst v28  }
0x3c3: {  	[tilespmem:s3+$0x180] =	vst v32;
	v28 =	vld.idx.msk [tilespmem:v21+s2+$0x0], $0xffff  }
0x3c4: {  	v32 =	vld.idx.msk [tilespmem:v24+s24+$0x0], $0xffff;
	[tilespmem:s14+$0x14980] =	vst v30  }
0x3c5: {  	v30 =	vld.idx.msk [tilespmem:v19+s26+$0x0], $0xffff;
	[tilespmem:s15+$0x180] =	vst v31  }
0x3c6: {  	v31 =	vld.idx.msk [tilespmem:v23+s24+$0x0], $0xffff;
	[tilespmem:s7+$0x180] =	vst v26  }
0x3c7: {  	[tilespmem:s10+$0x14980] =	vst v29;
	v29 =	vld.idx.msk [tilespmem:v20+s22+$0x0], $0xffff  }
0x3c8: {  	s25 =	simm.s32 $0x5000;
	[tilespmem:s17+$0x200] =	vst v27;
	v26 =	vld.idx.msk [tilespmem:v22+s24+$0x0], $0xffff  }
0x3c9: {  	v27 =	vld.idx.msk [tilespmem:v25+s25+$0x0], $0xffff;
	[tilespmem:s6+$0x14B00] =	vst v28  }
0x3ca: {  	v28 =	vld.idx.msk [tilespmem:v21+s30+$0x0], $0xffff;
	[tilespmem:s13+$0x14980] =	vst v30  }
0x3cb: {  	v21 =	vmov v25;
	v25 =	vld.idx.msk [tilespmem:v18+s22+$0x0], $0xffff;
	[tilespmem:s3+$0x200] =	vst v32  }
0x3cc: {  	[tilespmem:s15+$0x200] =	vst v31;
	v31 =	vld.idx.msk [tilespmem:v24+s25+$0x0], $0xffff  }
0x3cd: {  	v30 =	vld.idx.msk [tilespmem:v23+s25+$0x0], $0xffff;
	[tilespmem:s7+$0x200] =	vst v26  }
0x3ce: {  	[tilespmem:s14+$0x14A00] =	vst v29;
	v26 =	vld.idx.msk [tilespmem:v22+s25+$0x0], $0xffff  }
0x3cf: {  	s20 =	simm.s32 $0x6000;
	[tilespmem:s17+$0x280] =	vst v27;
	v29 =	vld.idx.msk [tilespmem:v20+s28+$0x0], $0xffff  }
0x3d0: {  	v27 =	vld.idx.msk [tilespmem:v21+s20+$0x0], $0xffff;
	[tilespmem:s6+$0x14B80] =	vst v28  }
0x3d1: {  	v28 =	vld.idx.msk [tilespmem:v19+s22+$0x0], $0xffff;
	[tilespmem:s10+$0x14A00] =	vst v25  }
0x3d2: {  	[tilespmem:s15+$0x280] =	vst v30;
	v30 =	vld.idx.msk [tilespmem:v18+s28+$0x0], $0xffff  }
0x3d3: {  	[tilespmem:s3+$0x280] =	vst v31;
	v62 =	vld.idx.msk [tilespmem:v23+s20+$0x0], $0xffff  }
0x3d4: {  	v31 =	vld.idx.msk [tilespmem:v24+s20+$0x0], $0xffff;
	[tilespmem:s7+$0x280] =	vst v26  }
0x3d5: {  	s25 =	simm.s32 $0xE000;
	[tilespmem:s14+$0x14A80] =	vst v29;
	v63 =	vld.idx.msk [tilespmem:v22+s20+$0x0], $0xffff  }
0x3d6: {  	s9 =	sadd.s32 $0x4, s9;
	s31 =	sadd.s32 $0x4, s31;
	s23 =	simm.s32 $0x7000;
	[tilespmem:s17+$0x300] =	vst v27;
	v25 =	vld.idx.msk [tilespmem:v20+s25+$0x0], $0xffff  }
0x3d7: {  	p2 =	slt.u32 s9, $0x39;
	s24 =	sand.u32 $0x7, s31;
	[tilespmem:s13+$0x14A00] =	vst v28;
	v34 =	vld.idx.msk [tilespmem:v21+s23+$0x0], $0xffff  }
.Ltmp9:
0x3d8: {  	s6 =	smov.u32 s16;
	s16 =	sshll.u32 s24, $0x4;
	v27 =	vld.idx.msk [tilespmem:v19+s28+$0x0], $0xffff;
	[tilespmem:s10+$0x14A80] =	vst v30;
	(pc) =	sbr.rel @p2 .LBB2_15-.Ltmp9, $4  }
0x3d9: {  	s16 =	sadd.s32 s4, s16;
	[tilespmem:s15+$0x300] =	vst v62;
	v26 =	vld.idx.msk [tilespmem:v18+s25+$0x0], $0xffff  }
0x3da: {  	s8 =	sadd.s32 $0x4, s8;
	s28 =	sadd.s32 $0xFFFFFFB0, s16;
	[tilespmem:s3+$0x300] =	vst v31;
	v29 =	vld.idx.msk [tilespmem:v23+s23+$0x0], $0xffff  }
0x3db: {  	s30 =	sand.u32 $0x7, s8;
	s26 =	sadd.s32 $0xFFFFFF20, s16;
	s15 =	sor.u32 $0x380, s28;
	v30 =	vld.idx.msk [tilespmem:v24+s23+$0x0], $0xffff;
	[tilespmem:s7+$0x300] =	vst v63  }
0x3dc: {  	s18 =	sshll.u32 s30, $0x4;
	s4 =	sadd.s32 $0x200, s4;
	s3 =	sor.u32 $0x380, s26;
	[tilespmem:s15+$0x12400] =	vst v34;
	v28 =	vld.idx.msk [tilespmem:v22+s23+$0x0], $0xffff  }
0x3dd: {  	_ =	sdelay $0x2  }
0x3de: {  	s1 =	sadd.s32 s18, s4;
	s0 =	simm.s32 $0x8000  }
0x3df: {  	v31 =	vld.idx.msk [tilespmem:v21+s0+$0x0], $0xffff;
	s1 =	sadd.s32 $0xFFFFFE00, s1;
	[tilespmem:s12+$0x12400] =	vst v29  }
0x3e0: {  	s1 =	sor.u32 $0x380, s1;
	[tilespmem:s3+$0x12400] =	vst v30;
	v29 =	vld.idx.msk [tilespmem:v23+s0+$0x0], $0xffff  }
0x3e1: {  	v30 =	vld.idx.msk [tilespmem:v24+s0+$0x0], $0xffff;
	[tilespmem:s1+$0x12400] =	vst v28  }
0x3e2: {  	v28 =	vld.idx.msk [tilespmem:v22+s0+$0x0], $0xffff;
	_ =	sdelay $0x1  }
0x3e3: {  	s16 =	simm.s32 $0x9000;
	[tilespmem:s6+$0x14800] =	vst v31  }
0x3e4: {  	v31 =	vld.idx.msk [tilespmem:v21+s16+$0x0], $0xffff;
	[tilespmem:s5+$0x14800] =	vst v29  }
0x3e5: {  	[tilespmem:s11+$0x14800] =	vst v30;
	v29 =	vld.idx.msk [tilespmem:v23+s16+$0x0], $0xffff  }
0x3e6: {  	v30 =	vld.idx.msk [tilespmem:v24+s16+$0x0], $0xffff;
	[tilespmem:s29+$0x14800] =	vst v28  }
0x3e7: {  	v28 =	vld.idx.msk [tilespmem:v22+s16+$0x0], $0xffff;
	_ =	sdelay $0x1  }
0x3e8: {  	s17 =	simm.s32 $0xA000;
	[tilespmem:s6+$0x14880] =	vst v31  }
0x3e9: {  	v31 =	vld.idx.msk [tilespmem:v21+s17+$0x0], $0xffff;
	[tilespmem:s5+$0x14880] =	vst v29  }
0x3ea: {  	[tilespmem:s11+$0x14880] =	vst v30;
	v29 =	vld.idx.msk [tilespmem:v23+s17+$0x0], $0xffff  }
0x3eb: {  	[tilespmem:s29+$0x14880] =	vst v28;
	v52 =	vld.idx.msk [tilespmem:v24+s17+$0x0], $0xffff  }
0x3ec: {  	v53 =	vld.idx.msk [tilespmem:v22+s17+$0x0], $0xffff;
	_ =	sdelay $0x1  }
0x3ed: {  	s18 =	simm.s32 $0xB000;
	[tilespmem:s6+$0x14900] =	vst v31  }
0x3ee: {  	v31 =	vld.idx.msk [tilespmem:v21+s18+$0x0], $0xffff;
	[tilespmem:s5+$0x14900] =	vst v29  }
0x3ef: {  	[tilespmem:s11+$0x14900] =	vst v52;
	v54 =	vld.idx.msk [tilespmem:v23+s18+$0x0], $0xffff  }
0x3f0: {  	[tilespmem:s29+$0x14900] =	vst v53;
	v55 =	vld.idx.msk [tilespmem:v24+s18+$0x0], $0xffff  }
0x3f1: {  	v30 =	vld.idx.msk [tilespmem:v22+s18+$0x0], $0xffff;
	_ =	sdelay $0x1  }
0x3f2: {  	s22 =	simm.s32 $0xC000;
	[tilespmem:s6+$0x14980] =	vst v31  }
0x3f3: {  	v31 =	vld.idx.msk [tilespmem:v21+s22+$0x0], $0xffff;
	[tilespmem:s5+$0x14980] =	vst v54  }
0x3f4: {  	[tilespmem:s11+$0x14980] =	vst v55;
	v28 =	vld.idx.msk [tilespmem:v23+s22+$0x0], $0xffff  }
0x3f5: {  	[tilespmem:s29+$0x14980] =	vst v30;
	v29 =	vld.idx.msk [tilespmem:v24+s22+$0x0], $0xffff  }
0x3f6: {  	v30 =	vld.idx.msk [tilespmem:v22+s22+$0x0], $0xffff  }
0x3f7: {  	[tilespmem:s13+$0x14A80] =	vst v27  }
0x3f8: {  	s23 =	simm.s32 $0xD000;
	[tilespmem:s6+$0x14A00] =	vst v31  }
0x3f9: {  	v56 =	vld.idx.msk [tilespmem:v21+s23+$0x0], $0xffff;
	[tilespmem:s5+$0x14A00] =	vst v28  }
0x3fa: {  	v28 =	vld.idx.msk [tilespmem:v23+s23+$0x0], $0xffff;
	[tilespmem:s11+$0x14A00] =	vst v29  }
0x3fb: {  	v29 =	vld.idx.msk [tilespmem:v24+s23+$0x0], $0xffff;
	[tilespmem:s29+$0x14A00] =	vst v30  }
0x3fc: {  	[tilespmem:s14+$0x14B00] =	vst v25;
	s2 =	simm.s32 $0xE000;
	v57 =	vld.idx.msk [tilespmem:v22+s23+$0x0], $0xffff  }
0x3fd: {  	s24 =	simm.s32 $0xF000;
	v58 =	vld.idx.msk [tilespmem:v19+s2+$0x0], $0xffff;
	[tilespmem:s10+$0x14B00] =	vst v26  }
0x3fe: {  	v20 =	vld.idx.msk [tilespmem:v20+s24+$0x0], $0xffff;
	[tilespmem:s6+$0x14A80] =	vst v56  }
0x3ff: {  	v59 =	vld.idx.msk [tilespmem:v21+s2+$0x0], $0xffff;
	[tilespmem:s5+$0x14A80] =	vst v28  }
0x400: {  	v60 =	vld.idx.msk [tilespmem:v23+s2+$0x0], $0xffff;
	[tilespmem:s11+$0x14A80] =	vst v29  }
0x401: {  	v61 =	vld.idx.msk [tilespmem:v24+s2+$0x0], $0xffff;
	[tilespmem:s29+$0x14A80] =	vst v57  }
0x402: {  	[tilespmem:s13+$0x14B00] =	vst v58;
	v25 =	vld.idx.msk [tilespmem:v22+s2+$0x0], $0xffff  }
0x403: {  	v18 =	vld.idx.msk [tilespmem:v18+s24+$0x0], $0xffff;
	[tilespmem:s14+$0x14B80] =	vst v20  }
0x404: {  	v19 =	vld.idx.msk [tilespmem:v19+s24+$0x0], $0xffff;
	[tilespmem:s6+$0x14B00] =	vst v59  }
0x405: {  	v20 =	vld.idx.msk [tilespmem:v21+s24+$0x0], $0xffff;
	[tilespmem:s5+$0x14B00] =	vst v60  }
0x406: {  	v62 =	vld.idx.msk [tilespmem:v23+s24+$0x0], $0xffff;
	[tilespmem:s11+$0x14B00] =	vst v61  }
0x407: {  	v63 =	vld.idx.msk [tilespmem:v24+s24+$0x0], $0xffff;
	[tilespmem:s29+$0x14B00] =	vst v25  }
0x408: {  	[tilespmem:s10+$0x14B80] =	vst v18;
	v18 =	vld.idx.msk [tilespmem:v22+s24+$0x0], $0xffff  }
0x409: {  	[tilespmem:s13+$0x14B80] =	vst v19  }
0x40a: {  	[tilespmem:s6+$0x14B80] =	vst v20  }
0x40b: {  	[tilespmem:s5+$0x14B80] =	vst v62  }
0x40c: {  	[tilespmem:s11+$0x14B80] =	vst v63  }
0x40d: {  	s8 =	simm.s32 $0x8000;
	s7 =	simm.s32 $0x9000;
	[tilespmem:s29+$0x14B80] =	vst v18  }
0x40e: {  	s31 =	simm.s32 $0xB000;
	s30 =	simm.s32 $0xC000;
	s25 =	rddreg [dreg:$0x18]  }
0x40f: {  	s28 =	simm.s32 $0xE000;
	s1 =	simm.s32 $0x1E80;
	s0 =	sshrl.u32 s25, $0x2  }
0x410: {  	s22 =	simm.s32 $0x7000;
	s23 =	simm.s32 $0x2000;
	s26 =	sadd.s32 $0x10050, s0  }
0x411: {  	s2 =	simm.s32 $0x3D0;
	s24 =	simm.s32 $0x3000;
	s6 =	simm.s32 $0xA000;
	v18 =	vmov s26  }
0x412: {  	s5 =	simm.s32 $0xF000;
	s29 =	simm.s32 $0xD000;
	s25 =	simm.s32 $0x4000  }
0x413: {  	[dreg:$0x17] =	wrdreg s0;
	s0 =	simm.s32 $0x0;
	s26 =	simm.s32 $0x5000  }
.LBB2_17:
0x414: {  	s3 =	sand.u32 $0x3FFFFC00, s1;
	s4 =	sshra.s32 s0, $0x2  }
0x415: {  	s3 =	sadd.s32 s4, s3  }
0x416: {  	v19 =	vld.idx.msk [tilespmem:v18+s3+$0x0 ss:$0x1], $0xffff;
	_ =	sdelay $0x7  }
0x417: {  	v20 =	vld.idx.msk [tilespmem:v19+s21+$0x0], $0xffff;
	_ =	sdelay $0x3  }
0x418: {  	s3 =	sadd.s32 $0x12400, s3  }
0x419: {  	[tilespmem:s3+$0x50] =	vst v20  }
0x41a: {  	v20 =	vld.idx.msk [tilespmem:v19+s19+$0x0], $0xffff;
	_ =	sdelay $0x4  }
0x41b: {  	[tilespmem:s3+$0xD0] =	vst v20  }
0x41c: {  	v20 =	vld.idx.msk [tilespmem:v19+s23+$0x0], $0xffff;
	_ =	sdelay $0x4  }
0x41d: {  	[tilespmem:s3+$0x150] =	vst v20  }
0x41e: {  	v20 =	vld.idx.msk [tilespmem:v19+s24+$0x0], $0xffff;
	_ =	sdelay $0x4  }
0x41f: {  	[tilespmem:s3+$0x1D0] =	vst v20  }
0x420: {  	v20 =	vld.idx.msk [tilespmem:v19+s25+$0x0], $0xffff;
	_ =	sdelay $0x4  }
0x421: {  	[tilespmem:s3+$0x250] =	vst v20  }
0x422: {  	v20 =	vld.idx.msk [tilespmem:v19+s26+$0x0], $0xffff;
	_ =	sdelay $0x4  }
0x423: {  	[tilespmem:s3+$0x2D0] =	vst v20  }
0x424: {  	v20 =	vld.idx.msk [tilespmem:v19+s20+$0x0], $0xffff;
	_ =	sdelay $0x4  }
0x425: {  	[tilespmem:s3+$0x350] =	vst v20  }
0x426: {  	v20 =	vld.idx.msk [tilespmem:v19+s22+$0x0], $0xffff;
	_ =	sdelay $0x2  }
0x427: {  	s18 =	sor.u32 s1, s2  }
0x428: {  	s4 =	sor.u32 $0x380, s18  }
0x429: {  	[tilespmem:s4+$0x12400] =	vst v20  }
0x42a: {  	v20 =	vld.idx.msk [tilespmem:v19+s8+$0x0], $0xffff;
	_ =	sdelay $0x4  }
0x42b: {  	[tilespmem:s3+$0x2450] =	vst v20  }
0x42c: {  	v20 =	vld.idx.msk [tilespmem:v19+s7+$0x0], $0xffff;
	_ =	sdelay $0x4  }
0x42d: {  	[tilespmem:s3+$0x24D0] =	vst v20  }
0x42e: {  	v20 =	vld.idx.msk [tilespmem:v19+s6+$0x0], $0xffff;
	_ =	sdelay $0x4  }
0x42f: {  	[tilespmem:s3+$0x2550] =	vst v20  }
0x430: {  	v20 =	vld.idx.msk [tilespmem:v19+s31+$0x0], $0xffff;
	_ =	sdelay $0x4  }
0x431: {  	[tilespmem:s3+$0x25D0] =	vst v20  }
0x432: {  	v20 =	vld.idx.msk [tilespmem:v19+s30+$0x0], $0xffff;
	_ =	sdelay $0x4  }
0x433: {  	[tilespmem:s3+$0x2650] =	vst v20  }
0x434: {  	v20 =	vld.idx.msk [tilespmem:v19+s29+$0x0], $0xffff;
	_ =	sdelay $0x4  }
0x435: {  	[tilespmem:s3+$0x26D0] =	vst v20  }
0x436: {  	v20 =	vld.idx.msk [tilespmem:v19+s28+$0x0], $0xffff;
	_ =	sdelay $0x4  }
0x437: {  	[tilespmem:s3+$0x2750] =	vst v20  }
0x438: {  	p2 =	sne.s32 s0, $0x80;
	v19 =	vld.idx.msk [tilespmem:v19+s5+$0x0], $0xffff  }
.Ltmp10:
0x439: {  	_ = 	snop;
	(pc) =	sbr.rel @p2 .LBB2_17-.Ltmp10, $2  }
0x43a: {  	_ =	sdelay $0x2  }
0x43b: {  	s1 =	sadd.s32 $0x80, s1;
	s2 =	sadd.s32 $0x10, s2;
	s0 =	sadd.s32 $0x40, s0;
	[tilespmem:s3+$0x27D0] =	vst v19  }
0x43c: {  	s4 =	rddreg [dreg:$0x16]  }
0x43d: {  	v18 =	vld [tilespmem:s4+$0x10000];
	_ =	sdelay $0x6  }
0x43e: {  	s0 =	simm.s32 $0x0;
	v19 =	vld [tilespmem:s4+$0x12000]  }
0x43f: {  	v20 =	vld.idx.msk [tilespmem:v18+s0+$0x0], $0xffff;
	_ =	sdelay $0x4  }
0x440: {  	v20 =	vmul.f32 v0, v20;
	_ =	sdelay $0x1  }
0x441: {  	[tilespmem:$0x12400] =	vst v20  }
0x442: {  	v20 =	vld.idx.msk [tilespmem:v19+s0+$0x0], $0xffff;
	_ =	sdelay $0x3  }
0x443: {  	s3 =	simm.s32 $0x12400  }
0x444: {  	[tilespmem:v1+s3+$0x0] =	vst.idx.msk $0x1, v20  }
0x445: {  	v20 =	vld.idx.msk [tilespmem:v18+s19+$0x0], $0xffff;
	_ =	sdelay $0x4  }
0x446: {  	v20 =	vmul.f32 v0, v20;
	_ =	sdelay $0x1  }
0x447: {  	[tilespmem:$0x12480] =	vst v20  }
0x448: {  	v20 =	vld.idx.msk [tilespmem:v19+s19+$0x0], $0xffff;
	_ =	sdelay $0x4  }
0x449: {  	[tilespmem:v2+s3+$0x0] =	vst.idx.msk $0x1, v20  }
0x44a: {  	v20 =	vld.idx.msk [tilespmem:v18+s23+$0x0], $0xffff;
	_ =	sdelay $0x4  }
0x44b: {  	v20 =	vmul.f32 v0, v20;
	_ =	sdelay $0x1  }
0x44c: {  	[tilespmem:$0x12500] =	vst v20  }
0x44d: {  	v20 =	vld.idx.msk [tilespmem:v19+s23+$0x0], $0xffff;
	_ =	sdelay $0x4  }
0x44e: {  	[tilespmem:v3+s3+$0x0] =	vst.idx.msk $0x1, v20  }
0x44f: {  	v20 =	vld.idx.msk [tilespmem:v18+s24+$0x0], $0xffff;
	_ =	sdelay $0x4  }
0x450: {  	v20 =	vmul.f32 v0, v20;
	_ =	sdelay $0x1  }
0x451: {  	[tilespmem:$0x12580] =	vst v20  }
0x452: {  	v20 =	vld.idx.msk [tilespmem:v19+s24+$0x0], $0xffff;
	_ =	sdelay $0x4  }
0x453: {  	[tilespmem:v4+s3+$0x0] =	vst.idx.msk $0x1, v20  }
0x454: {  	v20 =	vld.idx.msk [tilespmem:v18+s25+$0x0], $0xffff;
	_ =	sdelay $0x4  }
0x455: {  	v20 =	vmul.f32 v0, v20;
	_ =	sdelay $0x1  }
0x456: {  	[tilespmem:$0x12600] =	vst v20  }
0x457: {  	v20 =	vld.idx.msk [tilespmem:v19+s25+$0x0], $0xffff;
	_ =	sdelay $0x4  }
0x458: {  	[tilespmem:v5+s3+$0x0] =	vst.idx.msk $0x1, v20  }
0x459: {  	v20 =	vld.idx.msk [tilespmem:v18+s26+$0x0], $0xffff;
	_ =	sdelay $0x4  }
0x45a: {  	v20 =	vmul.f32 v0, v20;
	_ =	sdelay $0x1  }
0x45b: {  	[tilespmem:$0x12680] =	vst v20  }
0x45c: {  	v20 =	vld.idx.msk [tilespmem:v19+s26+$0x0], $0xffff;
	_ =	sdelay $0x4  }
0x45d: {  	[tilespmem:v6+s3+$0x0] =	vst.idx.msk $0x1, v20  }
0x45e: {  	v20 =	vld.idx.msk [tilespmem:v18+s20+$0x0], $0xffff;
	_ =	sdelay $0x4  }
0x45f: {  	v20 =	vmul.f32 v0, v20;
	_ =	sdelay $0x1  }
0x460: {  	[tilespmem:$0x12700] =	vst v20  }
0x461: {  	v20 =	vld.idx.msk [tilespmem:v19+s20+$0x0], $0xffff;
	_ =	sdelay $0x4  }
0x462: {  	[tilespmem:v7+s3+$0x0] =	vst.idx.msk $0x1, v20  }
0x463: {  	v20 =	vld.idx.msk [tilespmem:v18+s22+$0x0], $0xffff;
	_ =	sdelay $0x4  }
0x464: {  	v20 =	vmul.f32 v0, v20;
	_ =	sdelay $0x1  }
0x465: {  	[tilespmem:$0x12780] =	vst v20  }
0x466: {  	v20 =	vld.idx.msk [tilespmem:v19+s22+$0x0], $0xffff;
	_ =	sdelay $0x4  }
0x467: {  	[tilespmem:v8+s3+$0x0] =	vst.idx.msk $0x1, v20  }
0x468: {  	v20 =	vld.idx.msk [tilespmem:v18+s8+$0x0], $0xffff;
	_ =	sdelay $0x4  }
0x469: {  	v20 =	vmul.f32 v0, v20;
	_ =	sdelay $0x1  }
0x46a: {  	[tilespmem:$0x14800] =	vst v20  }
0x46b: {  	v20 =	vld.idx.msk [tilespmem:v19+s8+$0x0], $0xffff;
	_ =	sdelay $0x4  }
0x46c: {  	[tilespmem:v9+s3+$0x0] =	vst.idx.msk $0x1, v20  }
0x46d: {  	v20 =	vld.idx.msk [tilespmem:v18+s7+$0x0], $0xffff;
	_ =	sdelay $0x4  }
0x46e: {  	v20 =	vmul.f32 v0, v20;
	_ =	sdelay $0x1  }
0x46f: {  	[tilespmem:$0x14880] =	vst v20  }
0x470: {  	v20 =	vld.idx.msk [tilespmem:v19+s7+$0x0], $0xffff;
	_ =	sdelay $0x4  }
0x471: {  	[tilespmem:v10+s3+$0x0] =	vst.idx.msk $0x1, v20  }
0x472: {  	v20 =	vld.idx.msk [tilespmem:v18+s6+$0x0], $0xffff;
	_ =	sdelay $0x4  }
0x473: {  	v20 =	vmul.f32 v0, v20;
	_ =	sdelay $0x1  }
0x474: {  	[tilespmem:$0x14900] =	vst v20  }
0x475: {  	v20 =	vld.idx.msk [tilespmem:v19+s6+$0x0], $0xffff;
	_ =	sdelay $0x4  }
0x476: {  	[tilespmem:v11+s3+$0x0] =	vst.idx.msk $0x1, v20  }
0x477: {  	v20 =	vld.idx.msk [tilespmem:v18+s31+$0x0], $0xffff;
	_ =	sdelay $0x4  }
0x478: {  	v20 =	vmul.f32 v0, v20;
	_ =	sdelay $0x1  }
0x479: {  	[tilespmem:$0x14980] =	vst v20  }
0x47a: {  	v20 =	vld.idx.msk [tilespmem:v19+s31+$0x0], $0xffff;
	_ =	sdelay $0x4  }
0x47b: {  	[tilespmem:v12+s3+$0x0] =	vst.idx.msk $0x1, v20  }
0x47c: {  	v20 =	vld.idx.msk [tilespmem:v18+s30+$0x0], $0xffff;
	_ =	sdelay $0x4  }
0x47d: {  	v20 =	vmul.f32 v0, v20;
	_ =	sdelay $0x1  }
0x47e: {  	[tilespmem:$0x14A00] =	vst v20  }
0x47f: {  	v20 =	vld.idx.msk [tilespmem:v19+s30+$0x0], $0xffff;
	_ =	sdelay $0x4  }
0x480: {  	[tilespmem:v13+s3+$0x0] =	vst.idx.msk $0x1, v20  }
0x481: {  	v20 =	vld.idx.msk [tilespmem:v18+s29+$0x0], $0xffff;
	_ =	sdelay $0x4  }
0x482: {  	v20 =	vmul.f32 v0, v20;
	_ =	sdelay $0x1  }
0x483: {  	[tilespmem:$0x14A80] =	vst v20  }
0x484: {  	v20 =	vld.idx.msk [tilespmem:v19+s29+$0x0], $0xffff;
	_ =	sdelay $0x4  }
0x485: {  	[tilespmem:v14+s3+$0x0] =	vst.idx.msk $0x1, v20  }
0x486: {  	v20 =	vld.idx.msk [tilespmem:v18+s28+$0x0], $0xffff;
	_ =	sdelay $0x4  }
0x487: {  	v20 =	vmul.f32 v0, v20;
	_ =	sdelay $0x1  }
0x488: {  	[tilespmem:$0x14B00] =	vst v20  }
0x489: {  	v20 =	vld.idx.msk [tilespmem:v19+s28+$0x0], $0xffff;
	_ =	sdelay $0x4  }
0x48a: {  	[tilespmem:v15+s3+$0x0] =	vst.idx.msk $0x1, v20  }
0x48b: {  	v18 =	vld.idx.msk [tilespmem:v18+s5+$0x0], $0xffff;
	_ =	sdelay $0x4  }
0x48c: {  	v18 =	vmul.f32 v0, v18;
	_ =	sdelay $0x1  }
0x48d: {  	[tilespmem:$0x14B80] =	vst v18  }
0x48e: {  	v18 =	vld.idx.msk [tilespmem:v19+s5+$0x0], $0xffff;
	_ =	sdelay $0x1  }
0x48f: {  	s1 =	rddreg [dreg:$0x15]  }
0x490: {  	s1 =	smul.u32 $0x900, s1  }
0x491: {  	s2 =	rddreg [dreg:$0x1]  }
0x492: {  	s15 =	simm.s32 $0x2;
	s16 =	sadd.s32 $0x10080, s4;
	s1 =	sadd.s32 s2, s1;
	[tilespmem:v16+s3+$0x0] =	vst.idx.msk $0x1, v18  }
0x493: {  	[hbm4b:s1+s0] =	stream.linear.scatter [tilespmem:s3], [sflag:$0x1], $0x4800, $0x38;
	[tilespmem:$0x1B400] =	vst v63  }
0x494: {  	s3 =	simm.s32 $0x180;
	_ =	swait.ge [sflag:s15], $0x4800;
	[dreg:$0x5] =	wrdreg s16  }
0x495: {  	s7 =	simm.s32 $0x30;
	s8 =	sand.u32 $0x3C00, s3;
	s2 =	rddreg [dreg:$0x5]  }
0x496: {  	s18 =	sand.u32 $0x70, s7;
	[sflag:s15] =	ssyncset.done $0x0;
	s14 =	sadd.s32 s8, s2  }
0x497: {  	s1 =	simm.s32 $0x80;
	[sflag:s15] =	ssyncadd.s32 $0xFFFFB800;
	s9 =	sadd.s32 s18, s14  }
0x498: {  	s10 =	sand.u32 $0x1C00, s1;
	s3 =	simm.s32 $0x10;
	v25 =	vld [tilespmem:s9+$0x0]  }
0x499: {  	s17 =	simm.s32 $0x200;
	s11 =	sand.u32 $0x70, s3;
	s15 =	sadd.s32 s10, s2  }
0x49a: {  	s4 =	simm.s32 $0x40;
	s6 =	sand.u32 $0x3C00, s17;
	s9 =	sadd.s32 s11, s15  }
0x49b: {  	s12 =	simm.s32 $0x100;
	s17 =	sadd.s32 s6, s2;
	s15 =	sand.u32 $0x70, s4;
	v20 =	vld [tilespmem:s9+$0x0]  }
0x49c: {  	s12 =	sand.u32 $0x3C00, s12;
	s16 =	simm.s32 $0x20;
	s4 =	sadd.s32 s15, s17  }
0x49d: {  	s13 =	sadd.s32 s12, s2;
	s9 =	sand.u32 $0x70, s16;
	v19 =	vld [tilespmem:s4+$0x0]  }
0x49e: {  	s13 =	sadd.s32 s9, s13  }
0x49f: {  	v18 =	vld [tilespmem:s13+$0x0]  }
0x4a0: {  	v21 =	vld.idx.msk [tilespmem:v25+s21+$0x0], $0xffff;
	_ =	sdelay $0x2  }
0x4a1: {  	v22 =	vld.idx.msk [tilespmem:v20+s21+$0x0], $0xffff  }
0x4a2: {  	s4 =	sor.u32 s18, s8  }
0x4a3: {  	v24 =	vld.idx.msk [tilespmem:v19+s21+$0x0], $0xffff;
	[tilespmem:s4+$0x16C00] =	vst v21  }
0x4a4: {  	v21 =	vld.idx.msk [tilespmem:v25+s19+$0x0], $0xffff  }
0x4a5: {  	s14 =	sor.u32 s11, s10;
	v23 =	vld.idx.msk [tilespmem:v18+s21+$0x0], $0xffff  }
0x4a6: {  	[tilespmem:s14+$0x16C00] =	vst v22  }
0x4a7: {  	s13 =	sor.u32 s15, s6;
	v22 =	vld.idx.msk [tilespmem:v20+s19+$0x0], $0xffff  }
0x4a8: {  	s7 =	sadd.s32 $0x16C00, s4;
	[tilespmem:s13+$0x16C00] =	vst v24  }
0x4a9: {  	s10 =	sor.u32 s9, s12;
	v24 =	vld.idx.msk [tilespmem:v19+s19+$0x0], $0xffff;
	[tilespmem:s7+$0x80] =	vst v21  }
0x4aa: {  	[tilespmem:s10+$0x16C00] =	vst v23;
	v21 =	vld.idx.msk [tilespmem:v25+s23+$0x0], $0xffff  }
0x4ab: {  	s18 =	sadd.s32 $0x16C00, s14;
	v23 =	vld.idx.msk [tilespmem:v18+s19+$0x0], $0xffff  }
0x4ac: {  	[tilespmem:s18+$0x80] =	vst v22  }
0x4ad: {  	s6 =	sadd.s32 $0x16C00, s13;
	v22 =	vld.idx.msk [tilespmem:v20+s23+$0x0], $0xffff  }
0x4ae: {  	[tilespmem:s6+$0x80] =	vst v24  }
0x4af: {  	s9 =	sadd.s32 $0x16C00, s10;
	v24 =	vld.idx.msk [tilespmem:v19+s23+$0x0], $0xffff;
	[tilespmem:s7+$0x100] =	vst v21  }
0x4b0: {  	[tilespmem:s9+$0x80] =	vst v23;
	v21 =	vld.idx.msk [tilespmem:v25+s24+$0x0], $0xffff  }
0x4b1: {  	v23 =	vld.idx.msk [tilespmem:v18+s23+$0x0], $0xffff  }
0x4b2: {  	[tilespmem:s18+$0x100] =	vst v22  }
0x4b3: {  	v22 =	vld.idx.msk [tilespmem:v20+s24+$0x0], $0xffff  }
0x4b4: {  	[tilespmem:s6+$0x100] =	vst v24  }
0x4b5: {  	v24 =	vld.idx.msk [tilespmem:v19+s24+$0x0], $0xffff;
	[tilespmem:s7+$0x180] =	vst v21  }
0x4b6: {  	[tilespmem:s9+$0x100] =	vst v23;
	v21 =	vld.idx.msk [tilespmem:v25+s25+$0x0], $0xffff  }
0x4b7: {  	v23 =	vld.idx.msk [tilespmem:v18+s24+$0x0], $0xffff  }
0x4b8: {  	[tilespmem:s18+$0x180] =	vst v22  }
0x4b9: {  	v22 =	vld.idx.msk [tilespmem:v20+s25+$0x0], $0xffff  }
0x4ba: {  	[tilespmem:s6+$0x180] =	vst v24  }
0x4bb: {  	v24 =	vld.idx.msk [tilespmem:v19+s25+$0x0], $0xffff;
	[tilespmem:s7+$0x200] =	vst v21  }
0x4bc: {  	[tilespmem:s9+$0x180] =	vst v23;
	v21 =	vld.idx.msk [tilespmem:v25+s26+$0x0], $0xffff  }
0x4bd: {  	v23 =	vld.idx.msk [tilespmem:v18+s25+$0x0], $0xffff  }
0x4be: {  	[tilespmem:s18+$0x200] =	vst v22  }
0x4bf: {  	v22 =	vld.idx.msk [tilespmem:v20+s26+$0x0], $0xffff  }
0x4c0: {  	[tilespmem:s6+$0x200] =	vst v24  }
0x4c1: {  	v24 =	vld.idx.msk [tilespmem:v19+s26+$0x0], $0xffff;
	[tilespmem:s7+$0x280] =	vst v21  }
0x4c2: {  	[tilespmem:s9+$0x200] =	vst v23;
	v21 =	vld.idx.msk [tilespmem:v25+s20+$0x0], $0xffff  }
0x4c3: {  	v23 =	vld.idx.msk [tilespmem:v18+s26+$0x0], $0xffff  }
0x4c4: {  	[tilespmem:s18+$0x280] =	vst v22  }
0x4c5: {  	v22 =	vld.idx.msk [tilespmem:v20+s20+$0x0], $0xffff  }
0x4c6: {  	[tilespmem:s6+$0x280] =	vst v24  }
0x4c7: {  	s0 =	sand.u32 $0x7, s0;
	v26 =	vld.idx.msk [tilespmem:v19+s20+$0x0], $0xffff;
	[tilespmem:s7+$0x300] =	vst v21  }
0x4c8: {  	s5 =	simm.s32 $0x4;
	s0 =	sshll.u32 s0, $0x4;
	[tilespmem:s9+$0x280] =	vst v23;
	v21 =	vld.idx.msk [tilespmem:v25+s22+$0x0], $0xffff  }
0x4c9: {  	s1 =	sor.u32 s1, s3;
	s0 =	sadd.s32 $0x200, s0;
	s11 =	simm.s32 $0x380;
	v23 =	vld.idx.msk [tilespmem:v18+s20+$0x0], $0xffff  }
0x4ca: {  	s11 =	sand.u32 $0x3C00, s11;
	s8 =	sadd.s32 $0xFFFFFFB0, s0;
	s12 =	simm.s32 $0x70;
	[tilespmem:s18+$0x300] =	vst v22  }
0x4cb: {  	s17 =	sadd.s32 s11, s2;
	s3 =	sor.u32 $0x380, s8;
	s8 =	sand.u32 $0x70, s12;
	v22 =	vld.idx.msk [tilespmem:v20+s22+$0x0], $0xffff  }
0x4cc: {  	s5 =	sand.u32 $0x7, s5;
	s1 =	sor.u32 $0x380, s1;
	s7 =	sadd.s32 s8, s17;
	[tilespmem:s6+$0x300] =	vst v26  }
0x4cd: {  	s16 =	simm.s32 $0x8000;
	s0 =	sadd.s32 $0xFFFFFF20, s0;
	s15 =	simm.s32 $0x280;
	[tilespmem:s3+$0x16C00] =	vst v21;
	v21 =	vld [tilespmem:s7+$0x0]  }
0x4ce: {  	s17 =	simm.s32 $0x50;
	s18 =	simm.s32 $0x8000;
	[tilespmem:s9+$0x300] =	vst v23;
	s9 =	sand.u32 $0x1C00, s15;
	v24 =	vld.idx.msk [tilespmem:v25+s16+$0x0], $0xffff  }
0x4cf: {  	s15 =	sand.u32 $0x70, s17;
	v29 =	vld.idx.msk [tilespmem:v19+s22+$0x0], $0xffff;
	s3 =	simm.s32 $0x300;
	s7 =	sadd.s32 s9, s2  }
0x4d0: {  	v27 =	vld.idx.msk [tilespmem:v18+s22+$0x0], $0xffff;
	s16 =	simm.s32 $0x60;
	[tilespmem:s1+$0x16C00] =	vst v22;
	s12 =	sand.u32 $0x3C00, s3;
	s1 =	sadd.s32 s15, s7  }
0x4d1: {  	s7 =	simm.s32 $0x400;
	s17 =	sadd.s32 s12, s2;
	v28 =	vld.idx.msk [tilespmem:v20+s18+$0x0], $0xffff;
	s16 =	sand.u32 $0x70, s16  }
0x4d2: {  	v23 =	vld [tilespmem:s1+$0x0];
	s1 =	simm.s32 $0x80;
	s18 =	sand.u32 $0x3C00, s7;
	s17 =	sadd.s32 s16, s17  }
0x4d3: {  	s3 =	simm.s32 $0x9000;
	s2 =	sadd.s32 s18, s2;
	[tilespmem:s4+$0x19000] =	vst v24;
	v24 =	vld [tilespmem:s17+$0x0];
	s17 =	sand.u32 $0x70, s1  }
0x4d4: {  	s5 =	sshll.u32 s5, $0x4;
	s0 =	sor.u32 $0x380, s0;
	v26 =	vld.idx.msk [tilespmem:v25+s3+$0x0], $0xffff;
	s6 =	sadd.s32 s17, s2  }
0x4d5: {  	[tilespmem:s0+$0x16C00] =	vst v27;
	s0 =	sadd.s32 $0x400, s5;
	v22 =	vld [tilespmem:s6+$0x0]  }
0x4d6: {  	s0 =	sadd.s32 $0xFFFFFE00, s0;
	[tilespmem:s14+$0x19000] =	vst v28;
	s6 =	simm.s32 $0x8000;
	v28 =	vld.idx.msk [tilespmem:v21+s21+$0x0], $0xffff  }
0x4d7: {  	s0 =	sor.u32 $0x380, s0;
	v27 =	vld.idx.msk [tilespmem:v18+s6+$0x0], $0xffff  }
0x4d8: {  	[tilespmem:s0+$0x16C00] =	vst v29;
	v30 =	vld.idx.msk [tilespmem:v20+s3+$0x0], $0xffff  }
0x4d9: {  	v29 =	vld.idx.msk [tilespmem:v19+s6+$0x0], $0xffff  }
0x4da: {  	s7 =	simm.s32 $0xA000;
	s6 =	sor.u32 s8, s11;
	v31 =	vld.idx.msk [tilespmem:v23+s21+$0x0], $0xffff;
	[tilespmem:s4+$0x19080] =	vst v26  }
0x4db: {  	v26 =	vld.idx.msk [tilespmem:v25+s7+$0x0], $0xffff;
	[tilespmem:s6+$0x16C00] =	vst v28  }
0x4dc: {  	[tilespmem:s10+$0x19000] =	vst v27;
	v27 =	vld.idx.msk [tilespmem:v24+s21+$0x0], $0xffff  }
0x4dd: {  	[tilespmem:s14+$0x19080] =	vst v30;
	v32 =	vld.idx.msk [tilespmem:v21+s19+$0x0], $0xffff  }
0x4de: {  	s0 =	sor.u32 s15, s9;
	[tilespmem:s13+$0x19000] =	vst v29;
	v30 =	vld.idx.msk [tilespmem:v18+s3+$0x0], $0xffff  }
0x4df: {  	[tilespmem:s0+$0x16C00] =	vst v31;
	v29 =	vld.idx.msk [tilespmem:v19+s3+$0x0], $0xffff  }
0x4e0: {  	s11 =	sor.u32 s16, s12;
	v28 =	vld.idx.msk [tilespmem:v22+s21+$0x0], $0xffff;
	[tilespmem:s4+$0x19100] =	vst v26  }
0x4e1: {  	s12 =	sadd.s32 $0x16C00, s6;
	v31 =	vld.idx.msk [tilespmem:v23+s19+$0x0], $0xffff;
	[tilespmem:s11+$0x16C00] =	vst v27  }
0x4e2: {  	v26 =	vld.idx.msk [tilespmem:v25+s31+$0x0], $0xffff;
	[tilespmem:s12+$0x80] =	vst v32  }
0x4e3: {  	v27 =	vld.idx.msk [tilespmem:v24+s19+$0x0], $0xffff;
	[tilespmem:s10+$0x19080] =	vst v30  }
0x4e4: {  	s5 =	sor.u32 s17, s18;
	v32 =	vld.idx.msk [tilespmem:v21+s23+$0x0], $0xffff;
	[tilespmem:s13+$0x19080] =	vst v29  }
0x4e5: {  	s15 =	sadd.s32 $0x16C00, s0;
	v30 =	vld.idx.msk [tilespmem:v20+s7+$0x0], $0xffff;
	[tilespmem:s5+$0x16C00] =	vst v28  }
0x4e6: {  	[tilespmem:s15+$0x80] =	vst v31;
	v29 =	vld.idx.msk [tilespmem:v18+s7+$0x0], $0xffff  }
0x4e7: {  	s17 =	sadd.s32 $0x16C00, s11;
	v28 =	vld.idx.msk [tilespmem:v22+s19+$0x0], $0xffff;
	[tilespmem:s4+$0x19180] =	vst v26  }
0x4e8: {  	v31 =	vld.idx.msk [tilespmem:v23+s23+$0x0], $0xffff;
	[tilespmem:s17+$0x80] =	vst v27  }
0x4e9: {  	v26 =	vld.idx.msk [tilespmem:v25+s30+$0x0], $0xffff;
	[tilespmem:s12+$0x100] =	vst v32  }
0x4ea: {  	[tilespmem:s14+$0x19100] =	vst v30;
	v27 =	vld.idx.msk [tilespmem:v24+s23+$0x0], $0xffff  }
0x4eb: {  	s18 =	sadd.s32 $0x16C00, s5;
	v32 =	vld.idx.msk [tilespmem:v21+s24+$0x0], $0xffff;
	[tilespmem:s10+$0x19100] =	vst v29  }
0x4ec: {  	v30 =	vld.idx.msk [tilespmem:v20+s31+$0x0], $0xffff;
	[tilespmem:s18+$0x80] =	vst v28  }
0x4ed: {  	[tilespmem:s15+$0x100] =	vst v31;
	v28 =	vld.idx.msk [tilespmem:v22+s23+$0x0], $0xffff  }
0x4ee: {  	v31 =	vld.idx.msk [tilespmem:v23+s24+$0x0], $0xffff;
	[tilespmem:s4+$0x19200] =	vst v26  }
0x4ef: {  	v26 =	vld.idx.msk [tilespmem:v19+s7+$0x0], $0xffff;
	[tilespmem:s17+$0x100] =	vst v27  }
0x4f0: {  	v29 =	vld.idx.msk [tilespmem:v25+s29+$0x0], $0xffff;
	[tilespmem:s12+$0x180] =	vst v32  }
0x4f1: {  	[tilespmem:s14+$0x19180] =	vst v30;
	v27 =	vld.idx.msk [tilespmem:v24+s24+$0x0], $0xffff  }
0x4f2: {  	v32 =	vld.idx.msk [tilespmem:v21+s25+$0x0], $0xffff;
	[tilespmem:s18+$0x100] =	vst v28  }
0x4f3: {  	[tilespmem:s15+$0x180] =	vst v31;
	v28 =	vld.idx.msk [tilespmem:v22+s24+$0x0], $0xffff  }
0x4f4: {  	v31 =	vld.idx.msk [tilespmem:v23+s25+$0x0], $0xffff;
	[tilespmem:s13+$0x19100] =	vst v26  }
0x4f5: {  	v26 =	vld.idx.msk [tilespmem:v18+s31+$0x0], $0xffff;
	[tilespmem:s4+$0x19280] =	vst v29  }
0x4f6: {  	v30 =	vld.idx.msk [tilespmem:v19+s31+$0x0], $0xffff;
	[tilespmem:s17+$0x180] =	vst v27  }
0x4f7: {  	v29 =	vld.idx.msk [tilespmem:v25+s28+$0x0], $0xffff;
	[tilespmem:s12+$0x200] =	vst v32  }
0x4f8: {  	v27 =	vld.idx.msk [tilespmem:v24+s25+$0x0], $0xffff;
	[tilespmem:s18+$0x180] =	vst v28  }
0x4f9: {  	v32 =	vld.idx.msk [tilespmem:v21+s26+$0x0], $0xffff;
	[tilespmem:s15+$0x200] =	vst v31  }
0x4fa: {  	v28 =	vld.idx.msk [tilespmem:v22+s25+$0x0], $0xffff;
	[tilespmem:s10+$0x19180] =	vst v26  }
0x4fb: {  	v26 =	vld.idx.msk [tilespmem:v20+s30+$0x0], $0xffff;
	[tilespmem:s13+$0x19180] =	vst v30  }
0x4fc: {  	v30 =	vld.idx.msk [tilespmem:v23+s26+$0x0], $0xffff;
	[tilespmem:s4+$0x19300] =	vst v29  }
0x4fd: {  	s19 =	simm.s32 $0xF000;
	v29 =	vld.idx.msk [tilespmem:v18+s30+$0x0], $0xffff;
	[tilespmem:s17+$0x200] =	vst v27  }
0x4fe: {  	v25 =	vld.idx.msk [tilespmem:v25+s19+$0x0], $0xffff;
	[tilespmem:s12+$0x280] =	vst v32  }
0x4ff: {  	v27 =	vld.idx.msk [tilespmem:v24+s26+$0x0], $0xffff;
	[tilespmem:s18+$0x200] =	vst v28  }
0x500: {  	v31 =	vld.idx.msk [tilespmem:v21+s20+$0x0], $0xffff;
	[tilespmem:s14+$0x19200] =	vst v26  }
0x501: {  	v28 =	vld.idx.msk [tilespmem:v22+s26+$0x0], $0xffff;
	[tilespmem:s15+$0x280] =	vst v30  }
0x502: {  	v26 =	vld.idx.msk [tilespmem:v20+s29+$0x0], $0xffff;
	[tilespmem:s10+$0x19200] =	vst v29  }
0x503: {  	v30 =	vld.idx.msk [tilespmem:v23+s20+$0x0], $0xffff;
	[tilespmem:s4+$0x19380] =	vst v25  }
0x504: {  	v25 =	vld.idx.msk [tilespmem:v19+s30+$0x0], $0xffff;
	[tilespmem:s17+$0x280] =	vst v27  }
0x505: {  	v29 =	vld.idx.msk [tilespmem:v18+s29+$0x0], $0xffff;
	[tilespmem:s12+$0x300] =	vst v31  }
0x506: {  	v63 =	vld.idx.msk [tilespmem:v24+s20+$0x0], $0xffff;
	[tilespmem:s18+$0x280] =	vst v28  }
0x507: {  	v31 =	vld.idx.msk [tilespmem:v21+s22+$0x0], $0xffff;
	[tilespmem:s14+$0x19280] =	vst v26  }
0x508: {  	s21 =	simm.s32 $0xE000;
	s31 =	simm.s32 $0x4;
	v28 =	vld.idx.msk [tilespmem:v22+s20+$0x0], $0xffff;
	[tilespmem:s15+$0x300] =	vst v30  }
0x509: {  	s9 =	simm.s32 $0x5;
	s24 =	sand.u32 $0x7, s31;
	[tilespmem:s13+$0x19200] =	vst v25;
	v25 =	vld.idx.msk [tilespmem:v20+s21+$0x0], $0xffff  }
0x50a: {  	s8 =	simm.s32 $0x8;
	s23 =	simm.s32 $0xD000;
	s4 =	sshll.u32 s24, $0x4;
	[tilespmem:s10+$0x19280] =	vst v29;
	v29 =	vld.idx.msk [tilespmem:v23+s22+$0x0], $0xffff  }
0x50b: {  	s25 =	simm.s32 $0x280;
	s26 =	simm.s32 $0x50;
	s4 =	sadd.s32 $0x400, s4;
	v27 =	vld.idx.msk [tilespmem:v19+s23+$0x0], $0xffff  }
0x50c: {  	s3 =	sor.u32 s25, s26;
	s29 =	sand.u32 $0x7, s8;
	s28 =	sadd.s32 $0xFFFFFFB0, s4;
	v26 =	vld.idx.msk [tilespmem:v18+s21+$0x0], $0xffff;
	[tilespmem:s17+$0x300] =	vst v63  }
0x50d: {  	s12 =	sor.u32 $0x380, s3;
	s4 =	sadd.s32 $0xFFFFFF20, s4;
	s30 =	sor.u32 $0x380, s28;
	v30 =	vld.idx.msk [tilespmem:v24+s22+$0x0], $0xffff;
	[tilespmem:s18+$0x300] =	vst v28  }
0x50e: {  	s3 =	sor.u32 $0x380, s4;
	s4 =	simm.s32 $0x600;
	[tilespmem:s30+$0x16C00] =	vst v31;
	s18 =	sshll.u32 s29, $0x4;
	v28 =	vld.idx.msk [tilespmem:v22+s22+$0x0], $0xffff  }
.LBB2_19:
0x50f: {  	s7 =	sadd.s32 $0xFFFFFF80, s4;
	s30 =	simm.s32 $0x8000  }
0x510: {  	s1 =	sadd.s32 $0x40, s1;
	s2 =	simm.s32 $0xE000;
	s24 =	rddreg [dreg:$0x5];
	v31 =	vld.idx.msk [tilespmem:v21+s30+$0x0], $0xffff;
	[tilespmem:s13+$0x19280] =	vst v27  }
0x511: {  	s28 =	simm.s32 $0xF000;
	s15 =	sadd.s32 $0xFFFFFFF0, s1;
	s16 =	sand.u32 $0x3C00, s7;
	[tilespmem:s14+$0x19300] =	vst v25;
	v27 =	vld.idx.msk [tilespmem:v19+s2+$0x0], $0xffff  }
0x512: {  	s17 =	sand.u32 $0x70, s15;
	s25 =	sadd.s32 s16, s24;
	[tilespmem:s10+$0x19300] =	vst v26;
	v32 =	vld.idx.msk [tilespmem:v20+s28+$0x0], $0xffff  }
0x513: {  	s20 =	sadd.s32 $0xFFFFFF00, s4;
	s15 =	sadd.s32 s17, s25;
	v26 =	vld.idx.msk [tilespmem:v18+s28+$0x0], $0xffff  }
0x514: {  	s22 =	sand.u32 $0x3C00, s4;
	s21 =	sadd.s32 $0xFFFFFFE0, s1;
	s20 =	sand.u32 $0x3C00, s20;
	[tilespmem:s12+$0x16C00] =	vst v29;
	v25 =	vld [tilespmem:s15+$0x0]  }
0x515: {  	s7 =	sadd.s32 $0xFFFFFE80, s4;
	s29 =	sadd.s32 s20, s24;
	s21 =	sand.u32 $0x70, s21;
	[tilespmem:s3+$0x16C00] =	vst v30;
	v29 =	vld.idx.msk [tilespmem:v23+s30+$0x0], $0xffff  }
0x516: {  	s19 =	sand.u32 $0x1C00, s7;
	s25 =	sadd.s32 s21, s29;
	s12 =	sadd.s32 $0xFFFFFFD0, s1;
	v30 =	vld.idx.msk [tilespmem:v24+s30+$0x0], $0xffff  }
0x517: {  	s26 =	sadd.s32 s19, s24;
	s29 =	simm.s32 $0x9000;
	v20 =	vmov v23;
	v18 =	vmov v24;
	s23 =	sand.u32 $0x70, s12;
	v24 =	vld [tilespmem:s25+$0x0];
	[tilespmem:s6+$0x19000] =	vst v31  }
0x518: {  	s24 =	sadd.s32 s22, s24;
	s3 =	sadd.s32 s23, s26;
	s26 =	sand.u32 $0x70, s1;
	v31 =	vld.idx.msk [tilespmem:v21+s29+$0x0], $0xffff;
	[tilespmem:s13+$0x19300] =	vst v27  }
0x519: {  	s20 =	sor.u32 s21, s20;
	v23 =	vld [tilespmem:s3+$0x0];
	s21 =	sadd.s32 s26, s24;
	[tilespmem:s14+$0x19380] =	vst v32  }
0x51a: {  	[tilespmem:s10+$0x19380] =	vst v26;
	v26 =	vld [tilespmem:s21+$0x0]  }
0x51b: {  	[tilespmem:s0+$0x19000] =	vst v29;
	v27 =	vld.idx.msk [tilespmem:v19+s28+$0x0], $0xffff  }
0x51c: {  	s22 =	sor.u32 s26, s22;
	s26 =	simm.s32 $0x0;
	s21 =	sadd.s32 s18, s4;
	[tilespmem:s11+$0x19000] =	vst v30;
	v30 =	vld.idx.msk [tilespmem:v20+s29+$0x0], $0xffff  }
0x51d: {  	s18 =	sadd.s32 $0xFFFFFE00, s21;
	s21 =	simm.s32 $0xA000;
	v29 =	vld.idx.msk [tilespmem:v25+s26+$0x0], $0xffff;
	[tilespmem:s6+$0x19080] =	vst v31  }
0x51e: {  	s18 =	sor.u32 $0x380, s18;
	v31 =	vld.idx.msk [tilespmem:v21+s21+$0x0], $0xffff  }
0x51f: {  	[tilespmem:s18+$0x16C00] =	vst v28;
	v33 =	vld.idx.msk [tilespmem:v24+s26+$0x0], $0xffff  }
0x520: {  	v28 =	vld.idx.msk [tilespmem:v22+s30+$0x0], $0xffff  }
0x521: {  	s16 =	sor.u32 s17, s16;
	s14 =	sor.u32 s7, s12;
	v32 =	vld.idx.msk [tilespmem:v23+s26+$0x0], $0xffff;
	[tilespmem:s13+$0x19380] =	vst v27  }
0x522: {  	s7 =	sadd.s32 $0x16C00, s22;
	s12 =	sor.u32 $0x380, s14;
	v19 =	vmov v22;
	s14 =	smov.u32 s0;
	[tilespmem:s16+$0x16C00] =	vst v29;
	v29 =	vld.idx.msk [tilespmem:v18+s29+$0x0], $0xffff  }
0x523: {  	v22 =	vmov v26;
	s13 =	smov.u32 s5;
	s5 =	smov.u32 s22;
	s22 =	simm.s32 $0x1000;
	[tilespmem:s14+$0x19080] =	vst v30;
	v26 =	vld.idx.msk [tilespmem:v26+s26+$0x0], $0xffff  }
0x524: {  	s10 =	smov.u32 s11;
	s11 =	smov.u32 s20;
	s30 =	simm.s32 $0xB000;
	v27 =	vld.idx.msk [tilespmem:v25+s22+$0x0], $0xffff;
	[tilespmem:s6+$0x19100] =	vst v31  }
0x525: {  	s19 =	sor.u32 s23, s19;
	[tilespmem:s11+$0x16C00] =	vst v33;
	v30 =	vld.idx.msk [tilespmem:v21+s30+$0x0], $0xffff  }
0x526: {  	s0 =	smov.u32 s19;
	[tilespmem:s13+$0x19000] =	vst v28;
	v61 =	vld.idx.msk [tilespmem:v24+s22+$0x0], $0xffff  }
0x527: {  	[tilespmem:s0+$0x16C00] =	vst v32;
	v28 =	vld.idx.msk [tilespmem:v19+s29+$0x0], $0xffff  }
0x528: {  	v31 =	vld.idx.msk [tilespmem:v23+s22+$0x0], $0xffff;
	[tilespmem:s10+$0x19080] =	vst v29  }
0x529: {  	s17 =	sadd.s32 $0x16C00, s16;
	v29 =	vld.idx.msk [tilespmem:v20+s21+$0x0], $0xffff;
	[tilespmem:s5+$0x16C00] =	vst v26  }
0x52a: {  	s23 =	simm.s32 $0x2000;
	[tilespmem:s17+$0x80] =	vst v27;
	v26 =	vld.idx.msk [tilespmem:v22+s22+$0x0], $0xffff  }
0x52b: {  	s29 =	simm.s32 $0xC000;
	v27 =	vld.idx.msk [tilespmem:v25+s23+$0x0], $0xffff;
	[tilespmem:s6+$0x19180] =	vst v30  }
0x52c: {  	s3 =	sadd.s32 $0x16C00, s20;
	v30 =	vld.idx.msk [tilespmem:v21+s29+$0x0], $0xffff;
	[tilespmem:s13+$0x19080] =	vst v28  }
0x52d: {  	s15 =	sadd.s32 $0x16C00, s19;
	v28 =	vld.idx.msk [tilespmem:v18+s21+$0x0], $0xffff;
	[tilespmem:s3+$0x80] =	vst v61  }
0x52e: {  	[tilespmem:s15+$0x80] =	vst v31;
	v32 =	vld.idx.msk [tilespmem:v24+s23+$0x0], $0xffff  }
0x52f: {  	v31 =	vld.idx.msk [tilespmem:v23+s23+$0x0], $0xffff;
	[tilespmem:s14+$0x19100] =	vst v29  }
0x530: {  	[tilespmem:s7+$0x80] =	vst v26  }
0x531: {  	s24 =	simm.s32 $0x3000;
	[tilespmem:s17+$0x100] =	vst v27;
	v26 =	vld.idx.msk [tilespmem:v22+s23+$0x0], $0xffff  }
0x532: {  	v27 =	vld.idx.msk [tilespmem:v25+s24+$0x0], $0xffff;
	[tilespmem:s6+$0x19200] =	vst v30  }
0x533: {  	s18 =	simm.s32 $0xD000;
	v29 =	vld.idx.msk [tilespmem:v19+s21+$0x0], $0xffff;
	[tilespmem:s10+$0x19100] =	vst v28  }
0x534: {  	v28 =	vld.idx.msk [tilespmem:v21+s18+$0x0], $0xffff;
	[tilespmem:s3+$0x100] =	vst v32  }
0x535: {  	[tilespmem:s15+$0x100] =	vst v31;
	v32 =	vld.idx.msk [tilespmem:v24+s24+$0x0], $0xffff  }
0x536: {  	v30 =	vld.idx.msk [tilespmem:v20+s30+$0x0], $0xffff  }
0x537: {  	v31 =	vld.idx.msk [tilespmem:v23+s24+$0x0], $0xffff;
	[tilespmem:s7+$0x100] =	vst v26  }
0x538: {  	s25 =	simm.s32 $0x4000;
	[tilespmem:s17+$0x180] =	vst v27;
	v26 =	vld.idx.msk [tilespmem:v22+s24+$0x0], $0xffff  }
0x539: {  	v27 =	vld.idx.msk [tilespmem:v25+s25+$0x0], $0xffff;
	[tilespmem:s13+$0x19100] =	vst v29  }
0x53a: {  	v29 =	vld.idx.msk [tilespmem:v18+s30+$0x0], $0xffff;
	[tilespmem:s6+$0x19280] =	vst v28  }
0x53b: {  	v28 =	vld.idx.msk [tilespmem:v21+s2+$0x0], $0xffff;
	[tilespmem:s3+$0x180] =	vst v32  }
0x53c: {  	[tilespmem:s14+$0x19180] =	vst v30;
	v30 =	vld.idx.msk [tilespmem:v19+s30+$0x0], $0xffff  }
0x53d: {  	v32 =	vld.idx.msk [tilespmem:v24+s25+$0x0], $0xffff;
	[tilespmem:s15+$0x180] =	vst v31  }
0x53e: {  	v31 =	vld.idx.msk [tilespmem:v23+s25+$0x0], $0xffff;
	[tilespmem:s7+$0x180] =	vst v26  }
0x53f: {  	[tilespmem:s10+$0x19180] =	vst v29;
	v29 =	vld.idx.msk [tilespmem:v20+s29+$0x0], $0xffff  }
0x540: {  	s26 =	simm.s32 $0x5000;
	[tilespmem:s17+$0x200] =	vst v27;
	v26 =	vld.idx.msk [tilespmem:v22+s25+$0x0], $0xffff  }
0x541: {  	v27 =	vld.idx.msk [tilespmem:v25+s26+$0x0], $0xffff;
	[tilespmem:s6+$0x19300] =	vst v28  }
0x542: {  	v28 =	vld.idx.msk [tilespmem:v21+s28+$0x0], $0xffff;
	[tilespmem:s13+$0x19180] =	vst v30  }
0x543: {  	v21 =	vmov v25;
	v25 =	vld.idx.msk [tilespmem:v18+s29+$0x0], $0xffff;
	[tilespmem:s3+$0x200] =	vst v32  }
0x544: {  	[tilespmem:s15+$0x200] =	vst v31;
	v31 =	vld.idx.msk [tilespmem:v24+s26+$0x0], $0xffff  }
0x545: {  	v30 =	vld.idx.msk [tilespmem:v23+s26+$0x0], $0xffff;
	[tilespmem:s14+$0x19200] =	vst v29  }
0x546: {  	[tilespmem:s7+$0x200] =	vst v26;
	v29 =	vld.idx.msk [tilespmem:v20+s18+$0x0], $0xffff  }
0x547: {  	s19 =	simm.s32 $0x6000;
	[tilespmem:s17+$0x280] =	vst v27;
	v26 =	vld.idx.msk [tilespmem:v22+s26+$0x0], $0xffff  }
0x548: {  	v27 =	vld.idx.msk [tilespmem:v21+s19+$0x0], $0xffff;
	[tilespmem:s6+$0x19380] =	vst v28  }
0x549: {  	v28 =	vld.idx.msk [tilespmem:v19+s29+$0x0], $0xffff;
	[tilespmem:s10+$0x19200] =	vst v25  }
0x54a: {  	[tilespmem:s15+$0x280] =	vst v30;
	v30 =	vld.idx.msk [tilespmem:v18+s18+$0x0], $0xffff  }
0x54b: {  	[tilespmem:s3+$0x280] =	vst v31;
	v62 =	vld.idx.msk [tilespmem:v23+s19+$0x0], $0xffff  }
0x54c: {  	v31 =	vld.idx.msk [tilespmem:v24+s19+$0x0], $0xffff;
	[tilespmem:s14+$0x19280] =	vst v29  }
0x54d: {  	[tilespmem:s7+$0x280] =	vst v26;
	v25 =	vld.idx.msk [tilespmem:v20+s2+$0x0], $0xffff  }
0x54e: {  	s9 =	sadd.s32 $0x4, s9;
	s31 =	sadd.s32 $0x4, s31;
	s20 =	simm.s32 $0x7000;
	[tilespmem:s17+$0x300] =	vst v27;
	v63 =	vld.idx.msk [tilespmem:v22+s19+$0x0], $0xffff  }
0x54f: {  	p2 =	slt.u32 s9, $0x39;
	s21 =	sand.u32 $0x7, s31;
	v34 =	vld.idx.msk [tilespmem:v21+s20+$0x0], $0xffff;
	[tilespmem:s13+$0x19200] =	vst v28  }
.Ltmp11:
0x550: {  	s6 =	smov.u32 s16;
	s16 =	sshll.u32 s21, $0x4;
	v27 =	vld.idx.msk [tilespmem:v19+s18+$0x0], $0xffff;
	[tilespmem:s10+$0x19280] =	vst v30;
	(pc) =	sbr.rel @p2 .LBB2_19-.Ltmp11, $4  }
0x551: {  	s16 =	sadd.s32 s4, s16;
	[tilespmem:s15+$0x300] =	vst v62;
	v26 =	vld.idx.msk [tilespmem:v18+s2+$0x0], $0xffff  }
0x552: {  	s8 =	sadd.s32 $0x4, s8;
	s29 =	sadd.s32 $0xFFFFFFB0, s16;
	[tilespmem:s3+$0x300] =	vst v31;
	v29 =	vld.idx.msk [tilespmem:v23+s20+$0x0], $0xffff  }
0x553: {  	s30 =	sand.u32 $0x7, s8;
	s28 =	sadd.s32 $0xFFFFFF20, s16;
	s15 =	sor.u32 $0x380, s29;
	v30 =	vld.idx.msk [tilespmem:v24+s20+$0x0], $0xffff;
	[tilespmem:s7+$0x300] =	vst v63  }
0x554: {  	s4 =	sadd.s32 $0x200, s4;
	s18 =	sshll.u32 s30, $0x4;
	s3 =	sor.u32 $0x380, s28;
	[tilespmem:s15+$0x16C00] =	vst v34;
	v28 =	vld.idx.msk [tilespmem:v22+s20+$0x0], $0xffff  }
0x555: {  	_ =	sdelay $0x2  }
0x556: {  	s1 =	sadd.s32 s18, s4;
	s2 =	simm.s32 $0x8000  }
0x557: {  	v31 =	vld.idx.msk [tilespmem:v21+s2+$0x0], $0xffff;
	s1 =	sadd.s32 $0xFFFFFE00, s1;
	[tilespmem:s12+$0x16C00] =	vst v29  }
0x558: {  	s1 =	sor.u32 $0x380, s1;
	[tilespmem:s3+$0x16C00] =	vst v30;
	v29 =	vld.idx.msk [tilespmem:v23+s2+$0x0], $0xffff  }
0x559: {  	v30 =	vld.idx.msk [tilespmem:v24+s2+$0x0], $0xffff;
	[tilespmem:s1+$0x16C00] =	vst v28  }
0x55a: {  	v28 =	vld.idx.msk [tilespmem:v22+s2+$0x0], $0xffff;
	_ =	sdelay $0x1  }
0x55b: {  	s12 =	simm.s32 $0x9000;
	[tilespmem:s6+$0x19000] =	vst v31  }
0x55c: {  	v31 =	vld.idx.msk [tilespmem:v21+s12+$0x0], $0xffff;
	[tilespmem:s0+$0x19000] =	vst v29  }
0x55d: {  	[tilespmem:s11+$0x19000] =	vst v30;
	v29 =	vld.idx.msk [tilespmem:v23+s12+$0x0], $0xffff  }
0x55e: {  	v30 =	vld.idx.msk [tilespmem:v24+s12+$0x0], $0xffff;
	[tilespmem:s5+$0x19000] =	vst v28  }
0x55f: {  	v28 =	vld.idx.msk [tilespmem:v22+s12+$0x0], $0xffff;
	_ =	sdelay $0x1  }
0x560: {  	s15 =	simm.s32 $0xA000;
	[tilespmem:s6+$0x19080] =	vst v31  }
0x561: {  	v31 =	vld.idx.msk [tilespmem:v21+s15+$0x0], $0xffff;
	[tilespmem:s0+$0x19080] =	vst v29  }
0x562: {  	[tilespmem:s11+$0x19080] =	vst v30;
	v29 =	vld.idx.msk [tilespmem:v23+s15+$0x0], $0xffff  }
0x563: {  	[tilespmem:s5+$0x19080] =	vst v28;
	v52 =	vld.idx.msk [tilespmem:v24+s15+$0x0], $0xffff  }
0x564: {  	v53 =	vld.idx.msk [tilespmem:v22+s15+$0x0], $0xffff;
	_ =	sdelay $0x1  }
0x565: {  	s16 =	simm.s32 $0xB000;
	[tilespmem:s6+$0x19100] =	vst v31  }
0x566: {  	v31 =	vld.idx.msk [tilespmem:v21+s16+$0x0], $0xffff;
	[tilespmem:s0+$0x19100] =	vst v29  }
0x567: {  	[tilespmem:s11+$0x19100] =	vst v52;
	v54 =	vld.idx.msk [tilespmem:v23+s16+$0x0], $0xffff  }
0x568: {  	[tilespmem:s5+$0x19100] =	vst v53;
	v55 =	vld.idx.msk [tilespmem:v24+s16+$0x0], $0xffff  }
0x569: {  	v30 =	vld.idx.msk [tilespmem:v22+s16+$0x0], $0xffff;
	_ =	sdelay $0x1  }
0x56a: {  	s17 =	simm.s32 $0xC000;
	[tilespmem:s6+$0x19180] =	vst v31  }
0x56b: {  	v31 =	vld.idx.msk [tilespmem:v21+s17+$0x0], $0xffff;
	[tilespmem:s0+$0x19180] =	vst v54  }
0x56c: {  	[tilespmem:s11+$0x19180] =	vst v55;
	v28 =	vld.idx.msk [tilespmem:v23+s17+$0x0], $0xffff  }
0x56d: {  	[tilespmem:s5+$0x19180] =	vst v30;
	v29 =	vld.idx.msk [tilespmem:v24+s17+$0x0], $0xffff  }
0x56e: {  	v30 =	vld.idx.msk [tilespmem:v22+s17+$0x0], $0xffff  }
0x56f: {  	[tilespmem:s13+$0x19280] =	vst v27  }
0x570: {  	s18 =	simm.s32 $0xD000;
	[tilespmem:s6+$0x19200] =	vst v31  }
0x571: {  	v56 =	vld.idx.msk [tilespmem:v21+s18+$0x0], $0xffff;
	[tilespmem:s0+$0x19200] =	vst v28  }
0x572: {  	v28 =	vld.idx.msk [tilespmem:v23+s18+$0x0], $0xffff;
	[tilespmem:s11+$0x19200] =	vst v29  }
0x573: {  	v29 =	vld.idx.msk [tilespmem:v24+s18+$0x0], $0xffff;
	[tilespmem:s5+$0x19200] =	vst v30  }
0x574: {  	[tilespmem:s14+$0x19300] =	vst v25;
	s21 =	simm.s32 $0xE000;
	v57 =	vld.idx.msk [tilespmem:v22+s18+$0x0], $0xffff  }
0x575: {  	s28 =	simm.s32 $0xF000;
	v58 =	vld.idx.msk [tilespmem:v19+s21+$0x0], $0xffff;
	[tilespmem:s10+$0x19300] =	vst v26  }
0x576: {  	v20 =	vld.idx.msk [tilespmem:v20+s28+$0x0], $0xffff;
	[tilespmem:s6+$0x19280] =	vst v56  }
0x577: {  	v59 =	vld.idx.msk [tilespmem:v21+s21+$0x0], $0xffff;
	[tilespmem:s0+$0x19280] =	vst v28  }
0x578: {  	v60 =	vld.idx.msk [tilespmem:v23+s21+$0x0], $0xffff;
	[tilespmem:s11+$0x19280] =	vst v29  }
0x579: {  	v61 =	vld.idx.msk [tilespmem:v24+s21+$0x0], $0xffff;
	[tilespmem:s5+$0x19280] =	vst v57  }
0x57a: {  	[tilespmem:s13+$0x19300] =	vst v58;
	v25 =	vld.idx.msk [tilespmem:v22+s21+$0x0], $0xffff  }
0x57b: {  	v18 =	vld.idx.msk [tilespmem:v18+s28+$0x0], $0xffff;
	[tilespmem:s14+$0x19380] =	vst v20  }
0x57c: {  	v19 =	vld.idx.msk [tilespmem:v19+s28+$0x0], $0xffff;
	[tilespmem:s6+$0x19300] =	vst v59  }
0x57d: {  	v20 =	vld.idx.msk [tilespmem:v21+s28+$0x0], $0xffff;
	[tilespmem:s0+$0x19300] =	vst v60  }
0x57e: {  	v62 =	vld.idx.msk [tilespmem:v23+s28+$0x0], $0xffff;
	[tilespmem:s11+$0x19300] =	vst v61  }
0x57f: {  	v63 =	vld.idx.msk [tilespmem:v24+s28+$0x0], $0xffff;
	[tilespmem:s5+$0x19300] =	vst v25  }
0x580: {  	[tilespmem:s10+$0x19380] =	vst v18;
	v18 =	vld.idx.msk [tilespmem:v22+s28+$0x0], $0xffff  }
0x581: {  	[tilespmem:s13+$0x19380] =	vst v19  }
0x582: {  	[tilespmem:s6+$0x19380] =	vst v20  }
0x583: {  	[tilespmem:s0+$0x19380] =	vst v62  }
0x584: {  	[tilespmem:s11+$0x19380] =	vst v63  }
0x585: {  	[tilespmem:s5+$0x19380] =	vst v18  }
0x586: {  	s31 =	simm.s32 $0xB000;
	s0 =	rddreg [dreg:$0x17]  }
0x587: {  	s30 =	simm.s32 $0xC000;
	s7 =	simm.s32 $0x9000;
	s29 =	sadd.s32 $0x100D0, s0  }
0x588: {  	s8 =	simm.s32 $0x8000;
	s1 =	simm.s32 $0x1E80;
	s2 =	simm.s32 $0x3D0;
	v18 =	vmov s29  }
0x589: {  	s16 =	simm.s32 $0xE000;
	s17 =	simm.s32 $0xD000;
	s21 =	simm.s32 $0x0  }
0x58a: {  	s6 =	simm.s32 $0xA000;
	s5 =	simm.s32 $0xF000;
	s0 =	simm.s32 $0x0  }
.LBB2_21:
0x58b: {  	s3 =	sand.u32 $0x3FFFFC00, s1;
	s4 =	sshra.s32 s0, $0x2  }
0x58c: {  	s3 =	sadd.s32 s4, s3  }
0x58d: {  	v19 =	vld.idx.msk [tilespmem:v18+s3+$0x0 ss:$0x1], $0xffff;
	_ =	sdelay $0x7  }
0x58e: {  	v20 =	vld.idx.msk [tilespmem:v19+s21+$0x0], $0xffff;
	_ =	sdelay $0x3  }
0x58f: {  	s3 =	sadd.s32 $0x16C00, s3  }
0x590: {  	[tilespmem:s3+$0x50] =	vst v20  }
0x591: {  	v20 =	vld.idx.msk [tilespmem:v19+s22+$0x0], $0xffff;
	_ =	sdelay $0x4  }
0x592: {  	[tilespmem:s3+$0xD0] =	vst v20  }
0x593: {  	v20 =	vld.idx.msk [tilespmem:v19+s23+$0x0], $0xffff;
	_ =	sdelay $0x4  }
0x594: {  	[tilespmem:s3+$0x150] =	vst v20  }
0x595: {  	v20 =	vld.idx.msk [tilespmem:v19+s24+$0x0], $0xffff;
	_ =	sdelay $0x4  }
0x596: {  	[tilespmem:s3+$0x1D0] =	vst v20  }
0x597: {  	v20 =	vld.idx.msk [tilespmem:v19+s25+$0x0], $0xffff;
	_ =	sdelay $0x4  }
0x598: {  	[tilespmem:s3+$0x250] =	vst v20  }
0x599: {  	v20 =	vld.idx.msk [tilespmem:v19+s26+$0x0], $0xffff;
	_ =	sdelay $0x4  }
0x59a: {  	[tilespmem:s3+$0x2D0] =	vst v20  }
0x59b: {  	v20 =	vld.idx.msk [tilespmem:v19+s19+$0x0], $0xffff;
	_ =	sdelay $0x4  }
0x59c: {  	[tilespmem:s3+$0x350] =	vst v20  }
0x59d: {  	v20 =	vld.idx.msk [tilespmem:v19+s20+$0x0], $0xffff;
	_ =	sdelay $0x2  }
0x59e: {  	s29 =	sor.u32 s1, s2  }
0x59f: {  	s4 =	sor.u32 $0x380, s29  }
0x5a0: {  	[tilespmem:s4+$0x16C00] =	vst v20  }
0x5a1: {  	v20 =	vld.idx.msk [tilespmem:v19+s8+$0x0], $0xffff;
	_ =	sdelay $0x4  }
0x5a2: {  	[tilespmem:s3+$0x2450] =	vst v20  }
0x5a3: {  	v20 =	vld.idx.msk [tilespmem:v19+s7+$0x0], $0xffff;
	_ =	sdelay $0x4  }
0x5a4: {  	[tilespmem:s3+$0x24D0] =	vst v20  }
0x5a5: {  	v20 =	vld.idx.msk [tilespmem:v19+s6+$0x0], $0xffff;
	_ =	sdelay $0x4  }
0x5a6: {  	[tilespmem:s3+$0x2550] =	vst v20  }
0x5a7: {  	v20 =	vld.idx.msk [tilespmem:v19+s31+$0x0], $0xffff;
	_ =	sdelay $0x4  }
0x5a8: {  	[tilespmem:s3+$0x25D0] =	vst v20  }
0x5a9: {  	v20 =	vld.idx.msk [tilespmem:v19+s30+$0x0], $0xffff;
	_ =	sdelay $0x4  }
0x5aa: {  	[tilespmem:s3+$0x2650] =	vst v20  }
0x5ab: {  	v20 =	vld.idx.msk [tilespmem:v19+s17+$0x0], $0xffff;
	_ =	sdelay $0x4  }
0x5ac: {  	[tilespmem:s3+$0x26D0] =	vst v20  }
0x5ad: {  	v20 =	vld.idx.msk [tilespmem:v19+s16+$0x0], $0xffff;
	_ =	sdelay $0x4  }
0x5ae: {  	[tilespmem:s3+$0x2750] =	vst v20  }
0x5af: {  	p2 =	sne.s32 s0, $0x80;
	v19 =	vld.idx.msk [tilespmem:v19+s5+$0x0], $0xffff  }
.Ltmp12:
0x5b0: {  	_ = 	snop;
	(pc) =	sbr.rel @p2 .LBB2_21-.Ltmp12, $2  }
0x5b1: {  	_ =	sdelay $0x2  }
0x5b2: {  	s1 =	sadd.s32 $0x80, s1;
	s2 =	sadd.s32 $0x10, s2;
	s0 =	sadd.s32 $0x40, s0;
	[tilespmem:s3+$0x27D0] =	vst v19  }
0x5b3: {  	s0 =	rddreg [dreg:$0x16]  }
0x5b4: {  	v18 =	vld [tilespmem:s0+$0x10080];
	_ =	sdelay $0x6  }
0x5b5: {  	v19 =	vld [tilespmem:s0+$0x12080]  }
0x5b6: {  	v20 =	vld.idx.msk [tilespmem:v18+s21+$0x0], $0xffff;
	_ =	sdelay $0x4  }
0x5b7: {  	v20 =	vmul.f32 v0, v20;
	_ =	sdelay $0x1  }
0x5b8: {  	[tilespmem:$0x16C00] =	vst v20  }
0x5b9: {  	v20 =	vld.idx.msk [tilespmem:v19+s21+$0x0], $0xffff;
	_ =	sdelay $0x3  }
0x5ba: {  	s2 =	simm.s32 $0x16C00  }
0x5bb: {  	[tilespmem:v1+s2+$0x0] =	vst.idx.msk $0x1, v20  }
0x5bc: {  	v20 =	vld.idx.msk [tilespmem:v18+s22+$0x0], $0xffff;
	_ =	sdelay $0x4  }
0x5bd: {  	v20 =	vmul.f32 v0, v20;
	_ =	sdelay $0x1  }
0x5be: {  	[tilespmem:$0x16C80] =	vst v20  }
0x5bf: {  	v20 =	vld.idx.msk [tilespmem:v19+s22+$0x0], $0xffff;
	_ =	sdelay $0x4  }
0x5c0: {  	[tilespmem:v2+s2+$0x0] =	vst.idx.msk $0x1, v20  }
0x5c1: {  	v20 =	vld.idx.msk [tilespmem:v18+s23+$0x0], $0xffff;
	_ =	sdelay $0x4  }
0x5c2: {  	v20 =	vmul.f32 v0, v20;
	_ =	sdelay $0x1  }
0x5c3: {  	[tilespmem:$0x16D00] =	vst v20  }
0x5c4: {  	v20 =	vld.idx.msk [tilespmem:v19+s23+$0x0], $0xffff;
	_ =	sdelay $0x4  }
0x5c5: {  	[tilespmem:v3+s2+$0x0] =	vst.idx.msk $0x1, v20  }
0x5c6: {  	v20 =	vld.idx.msk [tilespmem:v18+s24+$0x0], $0xffff;
	_ =	sdelay $0x4  }
0x5c7: {  	v20 =	vmul.f32 v0, v20;
	_ =	sdelay $0x1  }
0x5c8: {  	[tilespmem:$0x16D80] =	vst v20  }
0x5c9: {  	v20 =	vld.idx.msk [tilespmem:v19+s24+$0x0], $0xffff;
	_ =	sdelay $0x4  }
0x5ca: {  	[tilespmem:v4+s2+$0x0] =	vst.idx.msk $0x1, v20  }
0x5cb: {  	v20 =	vld.idx.msk [tilespmem:v18+s25+$0x0], $0xffff;
	_ =	sdelay $0x4  }
0x5cc: {  	v20 =	vmul.f32 v0, v20;
	_ =	sdelay $0x1  }
0x5cd: {  	[tilespmem:$0x16E00] =	vst v20  }
0x5ce: {  	v20 =	vld.idx.msk [tilespmem:v19+s25+$0x0], $0xffff;
	_ =	sdelay $0x4  }
0x5cf: {  	[tilespmem:v5+s2+$0x0] =	vst.idx.msk $0x1, v20  }
0x5d0: {  	v20 =	vld.idx.msk [tilespmem:v18+s26+$0x0], $0xffff;
	_ =	sdelay $0x4  }
0x5d1: {  	v20 =	vmul.f32 v0, v20;
	_ =	sdelay $0x1  }
0x5d2: {  	[tilespmem:$0x16E80] =	vst v20  }
0x5d3: {  	v20 =	vld.idx.msk [tilespmem:v19+s26+$0x0], $0xffff;
	_ =	sdelay $0x4  }
0x5d4: {  	[tilespmem:v6+s2+$0x0] =	vst.idx.msk $0x1, v20  }
0x5d5: {  	v20 =	vld.idx.msk [tilespmem:v18+s19+$0x0], $0xffff;
	_ =	sdelay $0x4  }
0x5d6: {  	v20 =	vmul.f32 v0, v20;
	_ =	sdelay $0x1  }
0x5d7: {  	[tilespmem:$0x16F00] =	vst v20  }
0x5d8: {  	v20 =	vld.idx.msk [tilespmem:v19+s19+$0x0], $0xffff;
	_ =	sdelay $0x4  }
0x5d9: {  	[tilespmem:v7+s2+$0x0] =	vst.idx.msk $0x1, v20  }
0x5da: {  	v20 =	vld.idx.msk [tilespmem:v18+s20+$0x0], $0xffff;
	_ =	sdelay $0x4  }
0x5db: {  	v20 =	vmul.f32 v0, v20;
	_ =	sdelay $0x1  }
0x5dc: {  	[tilespmem:$0x16F80] =	vst v20  }
0x5dd: {  	v20 =	vld.idx.msk [tilespmem:v19+s20+$0x0], $0xffff;
	_ =	sdelay $0x4  }
0x5de: {  	[tilespmem:v8+s2+$0x0] =	vst.idx.msk $0x1, v20  }
0x5df: {  	v20 =	vld.idx.msk [tilespmem:v18+s8+$0x0], $0xffff;
	_ =	sdelay $0x4  }
0x5e0: {  	v20 =	vmul.f32 v0, v20;
	_ =	sdelay $0x1  }
0x5e1: {  	[tilespmem:$0x19000] =	vst v20  }
0x5e2: {  	v20 =	vld.idx.msk [tilespmem:v19+s8+$0x0], $0xffff;
	_ =	sdelay $0x4  }
0x5e3: {  	[tilespmem:v9+s2+$0x0] =	vst.idx.msk $0x1, v20  }
0x5e4: {  	v20 =	vld.idx.msk [tilespmem:v18+s7+$0x0], $0xffff;
	_ =	sdelay $0x4  }
0x5e5: {  	v20 =	vmul.f32 v0, v20;
	_ =	sdelay $0x1  }
0x5e6: {  	[tilespmem:$0x19080] =	vst v20  }
0x5e7: {  	v20 =	vld.idx.msk [tilespmem:v19+s7+$0x0], $0xffff;
	_ =	sdelay $0x4  }
0x5e8: {  	[tilespmem:v10+s2+$0x0] =	vst.idx.msk $0x1, v20  }
0x5e9: {  	v20 =	vld.idx.msk [tilespmem:v18+s6+$0x0], $0xffff;
	_ =	sdelay $0x4  }
0x5ea: {  	v20 =	vmul.f32 v0, v20;
	_ =	sdelay $0x1  }
0x5eb: {  	[tilespmem:$0x19100] =	vst v20  }
0x5ec: {  	v20 =	vld.idx.msk [tilespmem:v19+s6+$0x0], $0xffff;
	_ =	sdelay $0x4  }
0x5ed: {  	[tilespmem:v11+s2+$0x0] =	vst.idx.msk $0x1, v20  }
0x5ee: {  	v20 =	vld.idx.msk [tilespmem:v18+s31+$0x0], $0xffff;
	_ =	sdelay $0x4  }
0x5ef: {  	v20 =	vmul.f32 v0, v20;
	_ =	sdelay $0x1  }
0x5f0: {  	[tilespmem:$0x19180] =	vst v20  }
0x5f1: {  	v20 =	vld.idx.msk [tilespmem:v19+s31+$0x0], $0xffff;
	_ =	sdelay $0x4  }
0x5f2: {  	[tilespmem:v12+s2+$0x0] =	vst.idx.msk $0x1, v20  }
0x5f3: {  	v20 =	vld.idx.msk [tilespmem:v18+s30+$0x0], $0xffff;
	_ =	sdelay $0x4  }
0x5f4: {  	v20 =	vmul.f32 v0, v20;
	_ =	sdelay $0x1  }
0x5f5: {  	[tilespmem:$0x19200] =	vst v20  }
0x5f6: {  	v20 =	vld.idx.msk [tilespmem:v19+s30+$0x0], $0xffff;
	_ =	sdelay $0x4  }
0x5f7: {  	[tilespmem:v13+s2+$0x0] =	vst.idx.msk $0x1, v20  }
0x5f8: {  	v20 =	vld.idx.msk [tilespmem:v18+s17+$0x0], $0xffff;
	_ =	sdelay $0x4  }
0x5f9: {  	v20 =	vmul.f32 v0, v20;
	_ =	sdelay $0x1  }
0x5fa: {  	[tilespmem:$0x19280] =	vst v20  }
0x5fb: {  	v20 =	vld.idx.msk [tilespmem:v19+s17+$0x0], $0xffff;
	_ =	sdelay $0x4  }
0x5fc: {  	[tilespmem:v14+s2+$0x0] =	vst.idx.msk $0x1, v20  }
0x5fd: {  	v20 =	vld.idx.msk [tilespmem:v18+s16+$0x0], $0xffff;
	_ =	sdelay $0x4  }
0x5fe: {  	v20 =	vmul.f32 v0, v20;
	_ =	sdelay $0x1  }
0x5ff: {  	[tilespmem:$0x19300] =	vst v20  }
0x600: {  	v20 =	vld.idx.msk [tilespmem:v19+s16+$0x0], $0xffff;
	_ =	sdelay $0x4  }
0x601: {  	[tilespmem:v15+s2+$0x0] =	vst.idx.msk $0x1, v20  }
0x602: {  	v18 =	vld.idx.msk [tilespmem:v18+s5+$0x0], $0xffff;
	_ =	sdelay $0x4  }
0x603: {  	v18 =	vmul.f32 v0, v18;
	_ =	sdelay $0x1  }
0x604: {  	[tilespmem:$0x19380] =	vst v18  }
0x605: {  	s28 =	rddreg [dreg:$0x15];
	v18 =	vld.idx.msk [tilespmem:v19+s5+$0x0], $0xffff  }
0x606: {  	s0 =	smul.u32 $0x4800, s28;
	_ =	sdelay $0x1  }
0x607: {  	s1 =	rddreg [dreg:$0x1];
	s0 =	sshrl.u32 s0, $0x3  }
0x608: {  	s0 =	sadd.s32 s1, s0  }
0x609: {  	s29 =	rddreg [dreg:$0x14];
	s0 =	sadd.s32 $0x900, s0;
	[tilespmem:v16+s2+$0x0] =	vst.idx.msk $0x1, v18  }
0x60a: {  	[hbm4b:s0+s21] =	stream.linear.scatter [tilespmem:s2], [sflag:$0x2], $0x4800, $0x38;
	[tilespmem:$0x1B400] =	vst v63  }
0x60b: {  	s0 =	sadd.s32 $0x1, s29  }
0x60c: {  	p2 =	sne.s32 s0, $0x10  }
.Ltmp13:
0x60d: {  	_ = 	snop;
	(pc) =	sbr.rel @p2 .LBB2_14-.Ltmp13, $3  }
0x60e: {  	_ =	sdelay $0x1  }
0x60f: {  	s4 =	rddreg [dreg:$0x13]  }
0x610: {  	s4 =	sadd.s32 $0x1, s4  }
0x611: {  	s0 =	simm.s32 $0x1  }
0x612: {  	_ =	swait.ge [sflag:s0], $0x4800  }
.Ltmp14:
0x613: {  	[sflag:s0] =	ssyncset.done $0x0;
	(pc) =	sbr.rel @p1 .LBB2_29-.Ltmp14, $4  }
0x614: {  	s29 =	simm.s32 $0x2;
	[sflag:s0] =	ssyncadd.s32 $0xFFFFB800  }
0x615: {  	_ =	swait.ge [sflag:s29], $0x4800  }
0x616: {  	[sflag:s29] =	ssyncset.done $0x0  }
0x617: {  	s1 =	rddreg [dreg:$0x12];
	[sflag:s29] =	ssyncadd.s32 $0xFFFFB800  }
0x618: {  	s18 =	simm.s32 $0x0;
	s1 =	rddreg [dreg:$0xf];
	s0 =	simm.s32 $0x10000  }
0x619: {  	[tilespmem:s0], [sflag:$0x3] =	stream.linear.gather [hbm4b:s1+s18], $0x80, $0x38;
	[tilespmem:$0x1B400] =	vst v63  }
0x61a: {  	s2 =	simm.s32 $0x10400;
	s8 =	sadd.s32 $0x80, s1  }
0x61b: {  	[tilespmem:s2], [sflag:$0x3] =	stream.linear.gather [hbm4b:s8+s18], $0x80, $0x38;
	[tilespmem:$0x1B400] =	vst v63  }
0x61c: {  	s10 =	simm.s32 $0x10800;
	s9 =	sadd.s32 $0x100, s1  }
0x61d: {  	[tilespmem:s10], [sflag:$0x3] =	stream.linear.gather [hbm4b:s9+s18], $0x80, $0x38;
	[tilespmem:$0x1B400] =	vst v63  }
0x61e: {  	s12 =	simm.s32 $0x10C00;
	s11 =	sadd.s32 $0x180, s1  }
0x61f: {  	[tilespmem:s12], [sflag:$0x3] =	stream.linear.gather [hbm4b:s11+s18], $0x80, $0x38;
	[tilespmem:$0x1B400] =	vst v63  }
0x620: {  	s14 =	simm.s32 $0x11000;
	s21 =	simm.s32 $0x11400;
	s13 =	sadd.s32 $0x200, s1  }
0x621: {  	[tilespmem:s14], [sflag:$0x3] =	stream.linear.gather [hbm4b:s13+s18], $0x80, $0x38;
	[tilespmem:$0x1B400] =	vst v63  }
0x622: {  	s29 =	simm.s32 $0x11800;
	s3 =	simm.s32 $0x11C00;
	s15 =	sadd.s32 $0x280, s1  }
0x623: {  	[tilespmem:s21], [sflag:$0x3] =	stream.linear.gather [hbm4b:s15+s18], $0x80, $0x38;
	[tilespmem:$0x1B400] =	vst v63  }
0x624: {  	s5 =	simm.s32 $0x12000;
	s6 =	simm.s32 $0x3;
	s28 =	sadd.s32 $0x300, s1  }
0x625: {  	[tilespmem:s29], [sflag:$0x3] =	stream.linear.gather [hbm4b:s28+s18], $0x80, $0x38;
	[tilespmem:$0x1B400] =	vst v63  }
0x626: {  	s7 =	simm.s32 $0x30;
	s2 =	sadd.s32 $0x380, s1;
	s8 =	simm.s32 $0x180  }
0x627: {  	[tilespmem:s3], [sflag:$0x3] =	stream.linear.gather [hbm4b:s2+s18], $0x80, $0x38;
	[tilespmem:$0x1B400] =	vst v63  }
0x628: {  	s4 =	sadd.s32 $0x400, s1;
	s0 =	sand.u32 $0x70, s7;
	s1 =	sand.u32 $0x3C00, s8  }
0x629: {  	[tilespmem:s5], [sflag:$0x3] =	stream.linear.gather [hbm4b:s4+s18], $0x80, $0x38;
	[tilespmem:$0x1B400] =	vst v63  }
0x62a: {  	s0 =	sor.u32 s0, s1;
	s1 =	simm.s32 $0x10;
	_ =	swait.ge [sflag:s6], $0x480  }
0x62b: {  	s11 =	simm.s32 $0x200;
	s2 =	simm.s32 $0x80;
	[sflag:s6] =	ssyncset.done $0x0  }
0x62c: {  	s3 =	sand.u32 $0x70, s1;
	s4 =	sand.u32 $0x1C00, s2;
	[sflag:s6] =	ssyncadd.s32 $0xFFFFFB80  }
0x62d: {  	s5 =	simm.s32 $0x20;
	s8 =	sor.u32 s3, s4;
	s6 =	simm.s32 $0x100;
	v25 =	vld [tilespmem:s0+$0x10000]  }
0x62e: {  	s12 =	simm.s32 $0x40;
	s9 =	sand.u32 $0x70, s5;
	s10 =	sand.u32 $0x3C00, s6;
	v20 =	vld [tilespmem:s8+$0x10000]  }
0x62f: {  	s4 =	sand.u32 $0x70, s12;
	s3 =	sand.u32 $0x3C00, s11;
	s9 =	sor.u32 s9, s10  }
0x630: {  	s7 =	sor.u32 s4, s3;
	v18 =	vld [tilespmem:s9+$0x10000]  }
0x631: {  	v19 =	vld [tilespmem:s7+$0x10000];
	_ =	sdelay $0x3  }
0x632: {  	v21 =	vld.idx.msk [tilespmem:v25+s18+$0x0], $0xffff  }
0x633: {  	v22 =	vld.idx.msk [tilespmem:v20+s18+$0x0], $0xffff;
	_ =	sdelay $0x1  }
0x634: {  	v23 =	vld.idx.msk [tilespmem:v18+s18+$0x0], $0xffff  }
0x635: {  	v24 =	vld.idx.msk [tilespmem:v19+s18+$0x0], $0xffff  }
0x636: {  	[tilespmem:s0+$0x12400] =	vst v21  }
0x637: {  	[tilespmem:s8+$0x12400] =	vst v22;
	v21 =	vld.idx.msk [tilespmem:v25+s22+$0x0], $0xffff  }
0x638: {  	v22 =	vld.idx.msk [tilespmem:v20+s22+$0x0], $0xffff  }
0x639: {  	[tilespmem:s9+$0x12400] =	vst v23  }
0x63a: {  	[tilespmem:s7+$0x12400] =	vst v24;
	v23 =	vld.idx.msk [tilespmem:v18+s22+$0x0], $0xffff  }
0x63b: {  	s13 =	sadd.s32 $0x12400, s0;
	v24 =	vld.idx.msk [tilespmem:v19+s22+$0x0], $0xffff  }
0x63c: {  	s14 =	sadd.s32 $0x12400, s8;
	[tilespmem:s13+$0x80] =	vst v21  }
0x63d: {  	[tilespmem:s14+$0x80] =	vst v22;
	v21 =	vld.idx.msk [tilespmem:v25+s23+$0x0], $0xffff  }
0x63e: {  	s15 =	sadd.s32 $0x12400, s9;
	v22 =	vld.idx.msk [tilespmem:v20+s23+$0x0], $0xffff  }
0x63f: {  	s21 =	sadd.s32 $0x12400, s7;
	[tilespmem:s15+$0x80] =	vst v23  }
0x640: {  	[tilespmem:s21+$0x80] =	vst v24;
	v23 =	vld.idx.msk [tilespmem:v18+s23+$0x0], $0xffff  }
0x641: {  	v24 =	vld.idx.msk [tilespmem:v19+s23+$0x0], $0xffff  }
0x642: {  	[tilespmem:s13+$0x100] =	vst v21  }
0x643: {  	[tilespmem:s14+$0x100] =	vst v22;
	v21 =	vld.idx.msk [tilespmem:v25+s24+$0x0], $0xffff  }
0x644: {  	v22 =	vld.idx.msk [tilespmem:v20+s24+$0x0], $0xffff  }
0x645: {  	[tilespmem:s15+$0x100] =	vst v23  }
0x646: {  	[tilespmem:s21+$0x100] =	vst v24;
	v23 =	vld.idx.msk [tilespmem:v18+s24+$0x0], $0xffff  }
0x647: {  	v24 =	vld.idx.msk [tilespmem:v19+s24+$0x0], $0xffff  }
0x648: {  	[tilespmem:s13+$0x180] =	vst v21  }
0x649: {  	[tilespmem:s14+$0x180] =	vst v22;
	v21 =	vld.idx.msk [tilespmem:v25+s25+$0x0], $0xffff  }
0x64a: {  	v22 =	vld.idx.msk [tilespmem:v20+s25+$0x0], $0xffff  }
0x64b: {  	[tilespmem:s15+$0x180] =	vst v23  }
0x64c: {  	[tilespmem:s21+$0x180] =	vst v24;
	v23 =	vld.idx.msk [tilespmem:v18+s25+$0x0], $0xffff  }
0x64d: {  	v24 =	vld.idx.msk [tilespmem:v19+s25+$0x0], $0xffff  }
0x64e: {  	[tilespmem:s13+$0x200] =	vst v21  }
0x64f: {  	[tilespmem:s14+$0x200] =	vst v22;
	v21 =	vld.idx.msk [tilespmem:v25+s26+$0x0], $0xffff  }
0x650: {  	v22 =	vld.idx.msk [tilespmem:v20+s26+$0x0], $0xffff  }
0x651: {  	[tilespmem:s15+$0x200] =	vst v23  }
0x652: {  	[tilespmem:s21+$0x200] =	vst v24;
	v23 =	vld.idx.msk [tilespmem:v18+s26+$0x0], $0xffff  }
0x653: {  	v24 =	vld.idx.msk [tilespmem:v19+s26+$0x0], $0xffff  }
0x654: {  	[tilespmem:s13+$0x280] =	vst v21  }
0x655: {  	[tilespmem:s14+$0x280] =	vst v22;
	v21 =	vld.idx.msk [tilespmem:v25+s19+$0x0], $0xffff  }
0x656: {  	v22 =	vld.idx.msk [tilespmem:v20+s19+$0x0], $0xffff  }
0x657: {  	[tilespmem:s15+$0x280] =	vst v23  }
0x658: {  	[tilespmem:s21+$0x280] =	vst v24;
	v23 =	vld.idx.msk [tilespmem:v18+s19+$0x0], $0xffff  }
0x659: {  	s29 =	sand.u32 $0x7, s18;
	s1 =	sor.u32 s2, s1;
	s12 =	simm.s32 $0x70;
	v24 =	vld.idx.msk [tilespmem:v19+s19+$0x0], $0xffff  }
0x65a: {  	s11 =	simm.s32 $0x4;
	s3 =	sshll.u32 s29, $0x4;
	s2 =	sand.u32 $0x70, s12;
	[tilespmem:s13+$0x300] =	vst v21  }
0x65b: {  	s3 =	sadd.s32 $0x200, s3;
	[tilespmem:s14+$0x300] =	vst v22;
	s13 =	simm.s32 $0x380;
	s14 =	sand.u32 $0x7, s11;
	v21 =	vld.idx.msk [tilespmem:v25+s20+$0x0], $0xffff  }
0x65c: {  	s10 =	sadd.s32 $0xFFFFFFB0, s3;
	s4 =	sand.u32 $0x3C00, s13;
	s6 =	sshll.u32 s14, $0x4  }
0x65d: {  	v22 =	vld.idx.msk [tilespmem:v20+s20+$0x0], $0xffff;
	[tilespmem:s15+$0x300] =	vst v23;
	s2 =	sor.u32 s2, s4;
	s15 =	simm.s32 $0x50;
	s4 =	simm.s32 $0x280  }
0x65e: {  	[tilespmem:s21+$0x300] =	vst v24;
	s13 =	simm.s32 $0x300;
	s21 =	sand.u32 $0x70, s15;
	s14 =	sand.u32 $0x1C00, s4  }
0x65f: {  	s10 =	sor.u32 $0x380, s10;
	v27 =	vld.idx.msk [tilespmem:v18+s20+$0x0], $0xffff;
	s15 =	sand.u32 $0x3C00, s13;
	s13 =	sor.u32 s21, s14  }
0x660: {  	s28 =	simm.s32 $0x8000;
	v23 =	vld [tilespmem:s13+$0x10000];
	[tilespmem:s10+$0x12400] =	vst v21  }
0x661: {  	s1 =	sor.u32 $0x380, s1;
	v26 =	vld.idx.msk [tilespmem:v25+s28+$0x0], $0xffff  }
0x662: {  	s12 =	simm.s32 $0x60;
	v21 =	vld [tilespmem:s2+$0x10000];
	[tilespmem:s1+$0x12400] =	vst v22  }
0x663: {  	s12 =	sand.u32 $0x70, s12;
	s11 =	simm.s32 $0x80;
	s10 =	simm.s32 $0x400;
	v29 =	vld.idx.msk [tilespmem:v20+s28+$0x0], $0xffff  }
0x664: {  	v28 =	vld.idx.msk [tilespmem:v19+s20+$0x0], $0xffff;
	s14 =	sand.u32 $0x70, s11;
	s15 =	sor.u32 s12, s15;
	s10 =	sand.u32 $0x3C00, s10  }
0x665: {  	s5 =	sadd.s32 $0xFFFFFF20, s3;
	v24 =	vld [tilespmem:s15+$0x10000];
	s12 =	sor.u32 s14, s10  }
0x666: {  	s29 =	simm.s32 $0x9000;
	s5 =	sor.u32 $0x380, s5;
	v22 =	vld [tilespmem:s12+$0x10000];
	[tilespmem:s0+$0x14800] =	vst v26  }
0x667: {  	s21 =	sadd.s32 $0x400, s6;
	[tilespmem:s5+$0x12400] =	vst v27;
	v26 =	vld.idx.msk [tilespmem:v25+s29+$0x0], $0xffff  }
0x668: {  	s1 =	sadd.s32 $0xFFFFFE00, s21;
	v27 =	vld.idx.msk [tilespmem:v18+s28+$0x0], $0xffff;
	[tilespmem:s8+$0x14800] =	vst v29  }
0x669: {  	s1 =	sor.u32 $0x380, s1;
	v30 =	vld.idx.msk [tilespmem:v20+s29+$0x0], $0xffff  }
0x66a: {  	[tilespmem:s1+$0x12400] =	vst v28;
	v28 =	vld.idx.msk [tilespmem:v21+s18+$0x0], $0xffff  }
0x66b: {  	v31 =	vld.idx.msk [tilespmem:v23+s18+$0x0], $0xffff  }
0x66c: {  	s3 =	simm.s32 $0xA000;
	[tilespmem:s0+$0x14880] =	vst v26;
	v26 =	vld.idx.msk [tilespmem:v19+s28+$0x0], $0xffff  }
0x66d: {  	[tilespmem:s9+$0x14800] =	vst v27;
	v29 =	vld.idx.msk [tilespmem:v25+s3+$0x0], $0xffff  }
0x66e: {  	v27 =	vld.idx.msk [tilespmem:v24+s18+$0x0], $0xffff;
	[tilespmem:s8+$0x14880] =	vst v30  }
0x66f: {  	[tilespmem:s2+$0x12400] =	vst v28;
	v28 =	vld.idx.msk [tilespmem:v22+s18+$0x0], $0xffff  }
0x670: {  	[tilespmem:s13+$0x12400] =	vst v31;
	v32 =	vld.idx.msk [tilespmem:v21+s22+$0x0], $0xffff  }
0x671: {  	[tilespmem:s7+$0x14800] =	vst v26;
	v26 =	vld.idx.msk [tilespmem:v18+s29+$0x0], $0xffff  }
0x672: {  	[tilespmem:s0+$0x14900] =	vst v29;
	v30 =	vld.idx.msk [tilespmem:v19+s29+$0x0], $0xffff  }
0x673: {  	[tilespmem:s15+$0x12400] =	vst v27;
	v29 =	vld.idx.msk [tilespmem:v25+s31+$0x0], $0xffff  }
0x674: {  	s5 =	sadd.s32 $0x12400, s2;
	v31 =	vld.idx.msk [tilespmem:v23+s22+$0x0], $0xffff;
	[tilespmem:s12+$0x12400] =	vst v28  }
0x675: {  	v27 =	vld.idx.msk [tilespmem:v24+s22+$0x0], $0xffff;
	[tilespmem:s5+$0x80] =	vst v32  }
0x676: {  	v28 =	vld.idx.msk [tilespmem:v22+s22+$0x0], $0xffff;
	[tilespmem:s9+$0x14880] =	vst v26  }
0x677: {  	v32 =	vld.idx.msk [tilespmem:v21+s23+$0x0], $0xffff;
	[tilespmem:s7+$0x14880] =	vst v30  }
0x678: {  	v26 =	vld.idx.msk [tilespmem:v20+s3+$0x0], $0xffff;
	[tilespmem:s0+$0x14980] =	vst v29  }
0x679: {  	s6 =	sadd.s32 $0x12400, s13;
	v29 =	vld.idx.msk [tilespmem:v25+s30+$0x0], $0xffff;
	[dreg:$0x8] =	wrdreg s15  }
0x67a: {  	s11 =	sadd.s32 $0x12400, s15;
	[tilespmem:s6+$0x80] =	vst v31;
	v30 =	vld.idx.msk [tilespmem:v18+s3+$0x0], $0xffff  }
0x67b: {  	s21 =	smov.u32 s13;
	s13 =	sadd.s32 $0x12400, s12;
	[tilespmem:s11+$0x80] =	vst v27;
	v31 =	vld.idx.msk [tilespmem:v23+s23+$0x0], $0xffff  }
0x67c: {  	[tilespmem:s13+$0x80] =	vst v28;
	v27 =	vld.idx.msk [tilespmem:v24+s23+$0x0], $0xffff  }
0x67d: {  	[tilespmem:s8+$0x14900] =	vst v26;
	v26 =	vld.idx.msk [tilespmem:v19+s3+$0x0], $0xffff  }
0x67e: {  	[tilespmem:s5+$0x100] =	vst v32;
	v28 =	vld.idx.msk [tilespmem:v22+s23+$0x0], $0xffff  }
0x67f: {  	v32 =	vld.idx.msk [tilespmem:v21+s24+$0x0], $0xffff;
	[tilespmem:s0+$0x14A00] =	vst v29  }
0x680: {  	[tilespmem:s9+$0x14900] =	vst v30;
	v29 =	vld.idx.msk [tilespmem:v25+s17+$0x0], $0xffff  }
0x681: {  	v30 =	vld.idx.msk [tilespmem:v20+s31+$0x0], $0xffff;
	[tilespmem:s6+$0x100] =	vst v31  }
0x682: {  	[tilespmem:s7+$0x14900] =	vst v26;
	v26 =	vld.idx.msk [tilespmem:v18+s31+$0x0], $0xffff  }
0x683: {  	[tilespmem:s11+$0x100] =	vst v27;
	v31 =	vld.idx.msk [tilespmem:v23+s24+$0x0], $0xffff  }
0x684: {  	[tilespmem:s13+$0x100] =	vst v28;
	v27 =	vld.idx.msk [tilespmem:v24+s24+$0x0], $0xffff  }
0x685: {  	[tilespmem:s5+$0x180] =	vst v32;
	v28 =	vld.idx.msk [tilespmem:v22+s24+$0x0], $0xffff  }
0x686: {  	v32 =	vld.idx.msk [tilespmem:v21+s25+$0x0], $0xffff;
	[tilespmem:s0+$0x14A80] =	vst v29  }
0x687: {  	[tilespmem:s8+$0x14980] =	vst v30;
	v30 =	vld.idx.msk [tilespmem:v19+s31+$0x0], $0xffff  }
0x688: {  	v29 =	vld.idx.msk [tilespmem:v25+s16+$0x0], $0xffff;
	[tilespmem:s9+$0x14980] =	vst v26  }
0x689: {  	v26 =	vld.idx.msk [tilespmem:v20+s30+$0x0], $0xffff;
	[tilespmem:s6+$0x180] =	vst v31  }
0x68a: {  	[tilespmem:s11+$0x180] =	vst v27;
	v31 =	vld.idx.msk [tilespmem:v23+s25+$0x0], $0xffff  }
0x68b: {  	[tilespmem:s13+$0x180] =	vst v28;
	v27 =	vld.idx.msk [tilespmem:v24+s25+$0x0], $0xffff  }
0x68c: {  	[tilespmem:s5+$0x200] =	vst v32;
	v28 =	vld.idx.msk [tilespmem:v22+s25+$0x0], $0xffff  }
0x68d: {  	v32 =	vld.idx.msk [tilespmem:v21+s26+$0x0], $0xffff;
	[tilespmem:s7+$0x14980] =	vst v30  }
0x68e: {  	s14 =	simm.s32 $0xF000;
	[tilespmem:s0+$0x14B00] =	vst v29;
	v29 =	vld.idx.msk [tilespmem:v18+s30+$0x0], $0xffff  }
0x68f: {  	[tilespmem:s8+$0x14A00] =	vst v26;
	v25 =	vld.idx.msk [tilespmem:v25+s14+$0x0], $0xffff  }
0x690: {  	v26 =	vld.idx.msk [tilespmem:v20+s17+$0x0], $0xffff;
	[tilespmem:s6+$0x200] =	vst v31  }
0x691: {  	[tilespmem:s11+$0x200] =	vst v27;
	v30 =	vld.idx.msk [tilespmem:v23+s26+$0x0], $0xffff  }
0x692: {  	[tilespmem:s13+$0x200] =	vst v28;
	v27 =	vld.idx.msk [tilespmem:v24+s26+$0x0], $0xffff  }
0x693: {  	[tilespmem:s5+$0x280] =	vst v32;
	v28 =	vld.idx.msk [tilespmem:v22+s26+$0x0], $0xffff  }
0x694: {  	v31 =	vld.idx.msk [tilespmem:v21+s19+$0x0], $0xffff;
	[tilespmem:s9+$0x14A00] =	vst v29  }
0x695: {  	[tilespmem:s0+$0x14B80] =	vst v25;
	v25 =	vld.idx.msk [tilespmem:v19+s30+$0x0], $0xffff  }
0x696: {  	v29 =	vld.idx.msk [tilespmem:v18+s17+$0x0], $0xffff;
	[tilespmem:s8+$0x14A80] =	vst v26  }
0x697: {  	v26 =	vld.idx.msk [tilespmem:v20+s16+$0x0], $0xffff;
	[tilespmem:s6+$0x280] =	vst v30  }
0x698: {  	[tilespmem:s11+$0x280] =	vst v27;
	v30 =	vld.idx.msk [tilespmem:v23+s19+$0x0], $0xffff  }
0x699: {  	[tilespmem:s13+$0x280] =	vst v28;
	v27 =	vld.idx.msk [tilespmem:v24+s19+$0x0], $0xffff  }
0x69a: {  	s0 =	simm.s32 $0x4;
	[tilespmem:s5+$0x300] =	vst v31;
	v31 =	vld.idx.msk [tilespmem:v22+s19+$0x0], $0xffff  }
0x69b: {  	s15 =	sand.u32 $0x7, s0;
	v32 =	vld.idx.msk [tilespmem:v21+s20+$0x0], $0xffff;
	[tilespmem:s7+$0x14A00] =	vst v25  }
0x69c: {  	s10 =	sshll.u32 s15, $0x4;
	[tilespmem:s9+$0x14A80] =	vst v29;
	v33 =	vld.idx.msk [tilespmem:v19+s17+$0x0], $0xffff  }
0x69d: {  	s1 =	simm.s32 $0x5;
	s10 =	sadd.s32 $0x400, s10;
	v25 =	vld.idx.msk [tilespmem:v18+s16+$0x0], $0xffff;
	[tilespmem:s6+$0x300] =	vst v30  }
0x69e: {  	s18 =	simm.s32 $0x50;
	s5 =	simm.s32 $0x8;
	s19 =	sadd.s32 $0xFFFFFFB0, s10;
	[tilespmem:s11+$0x300] =	vst v27;
	v29 =	vld.idx.msk [tilespmem:v23+s20+$0x0], $0xffff  }
0x69f: {  	s3 =	sor.u32 s4, s18;
	s31 =	sand.u32 $0x7, s5;
	s30 =	sor.u32 $0x380, s19;
	[tilespmem:s13+$0x300] =	vst v31;
	v28 =	vld.idx.msk [tilespmem:v24+s20+$0x0], $0xffff  }
0x6a0: {  	s14 =	sor.u32 $0x380, s3;
	s29 =	sadd.s32 $0xFFFFFF20, s10;
	s15 =	sshll.u32 s31, $0x4;
	[tilespmem:s30+$0x12400] =	vst v32;
	v27 =	vld.idx.msk [tilespmem:v22+s20+$0x0], $0xffff  }
0x6a1: {  	s4 =	sor.u32 $0x380, s29;
	s6 =	simm.s32 $0x600;
	s11 =	simm.s32 $0xC0;
	v30 =	vld.idx.msk [tilespmem:v21+s28+$0x0], $0xffff;
	[tilespmem:s7+$0x14A80] =	vst v33  }
.LBB2_25:
0x6a2: {  	s3 =	sadd.s32 $0xFFFFFFF0, s11;
	s10 =	sadd.s32 $0xFFFFFF80, s6  }
0x6a3: {  	s16 =	simm.s32 $0xE000;
	s3 =	sand.u32 $0x70, s3;
	s10 =	sand.u32 $0x3C00, s10  }
0x6a4: {  	s3 =	sor.u32 s3, s10;
	[tilespmem:s8+$0x14B00] =	vst v26;
	v26 =	vld.idx.msk [tilespmem:v19+s16+$0x0], $0xffff  }
0x6a5: {  	s28 =	simm.s32 $0xF000;
	[tilespmem:s9+$0x14B00] =	vst v25;
	v25 =	vld [tilespmem:s3+$0x10000]  }
0x6a6: {  	s17 =	sadd.s32 $0xFFFFFE80, s6;
	s29 =	sadd.s32 $0xFFFFFFE0, s11;
	v31 =	vld.idx.msk [tilespmem:v20+s28+$0x0], $0xffff  }
0x6a7: {  	s16 =	sadd.s32 $0xFFFFFFD0, s11;
	[tilespmem:s14+$0x12400] =	vst v29;
	v29 =	vld.idx.msk [tilespmem:v18+s28+$0x0], $0xffff;
	s14 =	sand.u32 $0x70, s29;
	s29 =	simm.s32 $0x8000  }
0x6a8: {  	s30 =	sand.u32 $0x1C00, s17;
	s20 =	sand.u32 $0x70, s16;
	[tilespmem:s4+$0x12400] =	vst v28;
	v28 =	vld.idx.msk [tilespmem:v23+s29+$0x0], $0xffff  }
0x6a9: {  	s18 =	sadd.s32 $0xFFFFFF00, s6;
	[tilespmem:s2+$0x14800] =	vst v30;
	s19 =	sor.u32 s20, s30;
	v32 =	vld.idx.msk [tilespmem:v24+s29+$0x0], $0xffff;
	s30 =	simm.s32 $0x9000  }
0x6aa: {  	s31 =	sand.u32 $0x70, s11;
	s15 =	sadd.s32 s15, s6;
	s18 =	sand.u32 $0x3C00, s18;
	v30 =	vld.idx.msk [tilespmem:v21+s30+$0x0], $0xffff  }
0x6ab: {  	v20 =	vmov v23;
	s20 =	sand.u32 $0x3C00, s6;
	s18 =	sor.u32 s14, s18;
	s29 =	sadd.s32 $0xFFFFFE00, s15;
	v23 =	vld [tilespmem:s19+$0x10000]  }
0x6ac: {  	v18 =	vmov v24;
	s20 =	sor.u32 s31, s20;
	v24 =	vld [tilespmem:s18+$0x10000];
	s15 =	sor.u32 $0x380, s29;
	[tilespmem:s7+$0x14B00] =	vst v26  }
0x6ad: {  	s17 =	sor.u32 s17, s16;
	v26 =	vld [tilespmem:s20+$0x10000];
	[tilespmem:s15+$0x12400] =	vst v27  }
0x6ae: {  	s13 =	simm.s32 $0x8000;
	s14 =	sor.u32 $0x380, s17;
	[tilespmem:s8+$0x14B80] =	vst v31;
	s8 =	smov.u32 s21;
	v27 =	vld.idx.msk [tilespmem:v19+s28+$0x0], $0xffff  }
0x6af: {  	s10 =	sadd.s32 $0x12400, s18;
	s17 =	smov.u32 s18;
	s18 =	simm.s32 $0x0;
	[tilespmem:s8+$0x14800] =	vst v28;
	v28 =	vld.idx.msk [tilespmem:v22+s13+$0x0], $0xffff  }
0x6b0: {  	[tilespmem:s9+$0x14B80] =	vst v29;
	v29 =	vld.idx.msk [tilespmem:v25+s18+$0x0], $0xffff  }
0x6b1: {  	s16 =	rddreg [dreg:$0x8];
	s21 =	simm.s32 $0xA000;
	[tilespmem:s2+$0x14880] =	vst v30;
	v31 =	vld.idx.msk [tilespmem:v20+s30+$0x0], $0xffff  }
0x6b2: {  	s9 =	smov.u32 s16;
	v30 =	vld.idx.msk [tilespmem:v21+s21+$0x0], $0xffff  }
0x6b3: {  	[tilespmem:s9+$0x14800] =	vst v32;
	v60 =	vld.idx.msk [tilespmem:v23+s18+$0x0], $0xffff  }
0x6b4: {  	v19 =	vmov v22;
	v33 =	vld.idx.msk [tilespmem:v24+s18+$0x0], $0xffff;
	[tilespmem:s7+$0x14B80] =	vst v27  }
0x6b5: {  	v22 =	vmov v26;
	s7 =	smov.u32 s12;
	[tilespmem:s3+$0x12400] =	vst v29;
	v26 =	vld.idx.msk [tilespmem:v26+s18+$0x0], $0xffff  }
0x6b6: {  	v27 =	vld.idx.msk [tilespmem:v25+s22+$0x0], $0xffff;
	[tilespmem:s7+$0x14800] =	vst v28  }
0x6b7: {  	s13 =	simm.s32 $0xB000;
	v28 =	vld.idx.msk [tilespmem:v18+s30+$0x0], $0xffff;
	[tilespmem:s2+$0x14900] =	vst v30  }
0x6b8: {  	s29 =	smov.u32 s19;
	[tilespmem:s8+$0x14880] =	vst v31;
	v29 =	vld.idx.msk [tilespmem:v21+s13+$0x0], $0xffff  }
0x6b9: {  	v30 =	vld.idx.msk [tilespmem:v19+s30+$0x0], $0xffff;
	[tilespmem:s29+$0x12400] =	vst v60  }
0x6ba: {  	s12 =	smov.u32 s20;
	[tilespmem:s17+$0x12400] =	vst v33;
	v31 =	vld.idx.msk [tilespmem:v23+s22+$0x0], $0xffff  }
0x6bb: {  	v61 =	vld.idx.msk [tilespmem:v24+s22+$0x0], $0xffff;
	[tilespmem:s12+$0x12400] =	vst v26  }
0x6bc: {  	s15 =	sadd.s32 $0x12400, s3;
	[tilespmem:s9+$0x14880] =	vst v28;
	v28 =	vld.idx.msk [tilespmem:v20+s21+$0x0], $0xffff  }
0x6bd: {  	[tilespmem:s15+$0x80] =	vst v27;
	v26 =	vld.idx.msk [tilespmem:v22+s22+$0x0], $0xffff  }
0x6be: {  	v27 =	vld.idx.msk [tilespmem:v25+s23+$0x0], $0xffff;
	[tilespmem:s2+$0x14980] =	vst v29  }
0x6bf: {  	s4 =	sadd.s32 $0x12400, s19;
	[dreg:$0x8] =	wrdreg s17;
	s17 =	simm.s32 $0xC000;
	[tilespmem:s7+$0x14880] =	vst v30;
	v30 =	vld.idx.msk [tilespmem:v18+s21+$0x0], $0xffff  }
0x6c0: {  	v29 =	vld.idx.msk [tilespmem:v21+s17+$0x0], $0xffff;
	[tilespmem:s4+$0x80] =	vst v31  }
0x6c1: {  	s31 =	sadd.s32 $0x12400, s20;
	[tilespmem:s10+$0x80] =	vst v61;
	v31 =	vld.idx.msk [tilespmem:v23+s23+$0x0], $0xffff  }
0x6c2: {  	v32 =	vld.idx.msk [tilespmem:v24+s23+$0x0], $0xffff;
	[tilespmem:s31+$0x80] =	vst v26  }
0x6c3: {  	[tilespmem:s15+$0x100] =	vst v27;
	v26 =	vld.idx.msk [tilespmem:v22+s23+$0x0], $0xffff  }
0x6c4: {  	[tilespmem:s8+$0x14900] =	vst v28;
	v27 =	vld.idx.msk [tilespmem:v25+s24+$0x0], $0xffff  }
0x6c5: {  	s16 =	simm.s32 $0xD000;
	[tilespmem:s2+$0x14A00] =	vst v29;
	v28 =	vld.idx.msk [tilespmem:v19+s21+$0x0], $0xffff  }
0x6c6: {  	v29 =	vld.idx.msk [tilespmem:v21+s16+$0x0], $0xffff;
	[tilespmem:s4+$0x100] =	vst v31  }
0x6c7: {  	[tilespmem:s9+$0x14900] =	vst v30;
	v30 =	vld.idx.msk [tilespmem:v20+s13+$0x0], $0xffff  }
0x6c8: {  	[tilespmem:s10+$0x100] =	vst v32;
	v31 =	vld.idx.msk [tilespmem:v23+s24+$0x0], $0xffff  }
0x6c9: {  	v32 =	vld.idx.msk [tilespmem:v24+s24+$0x0], $0xffff;
	[tilespmem:s31+$0x100] =	vst v26  }
0x6ca: {  	[tilespmem:s15+$0x180] =	vst v27;
	v26 =	vld.idx.msk [tilespmem:v22+s24+$0x0], $0xffff  }
0x6cb: {  	v27 =	vld.idx.msk [tilespmem:v25+s25+$0x0], $0xffff;
	[tilespmem:s7+$0x14900] =	vst v28  }
0x6cc: {  	s30 =	simm.s32 $0xE000;
	v28 =	vld.idx.msk [tilespmem:v18+s13+$0x0], $0xffff;
	[tilespmem:s2+$0x14A80] =	vst v29  }
0x6cd: {  	v29 =	vld.idx.msk [tilespmem:v21+s30+$0x0], $0xffff;
	[tilespmem:s8+$0x14980] =	vst v30  }
0x6ce: {  	v30 =	vld.idx.msk [tilespmem:v19+s13+$0x0], $0xffff;
	[tilespmem:s10+$0x180] =	vst v32  }
0x6cf: {  	[tilespmem:s4+$0x180] =	vst v31;
	v32 =	vld.idx.msk [tilespmem:v24+s25+$0x0], $0xffff  }
0x6d0: {  	v31 =	vld.idx.msk [tilespmem:v23+s25+$0x0], $0xffff;
	[tilespmem:s31+$0x180] =	vst v26  }
0x6d1: {  	[tilespmem:s9+$0x14980] =	vst v28;
	v28 =	vld.idx.msk [tilespmem:v20+s17+$0x0], $0xffff  }
0x6d2: {  	[tilespmem:s15+$0x200] =	vst v27;
	v26 =	vld.idx.msk [tilespmem:v22+s25+$0x0], $0xffff  }
0x6d3: {  	v27 =	vld.idx.msk [tilespmem:v25+s26+$0x0], $0xffff;
	[tilespmem:s2+$0x14B00] =	vst v29  }
0x6d4: {  	v29 =	vld.idx.msk [tilespmem:v21+s28+$0x0], $0xffff;
	[tilespmem:s7+$0x14980] =	vst v30;
	v21 =	vmov v25  }
0x6d5: {  	v25 =	vld.idx.msk [tilespmem:v18+s17+$0x0], $0xffff;
	[tilespmem:s10+$0x200] =	vst v32  }
0x6d6: {  	[tilespmem:s4+$0x200] =	vst v31;
	v31 =	vld.idx.msk [tilespmem:v24+s26+$0x0], $0xffff  }
0x6d7: {  	v30 =	vld.idx.msk [tilespmem:v23+s26+$0x0], $0xffff;
	[tilespmem:s31+$0x200] =	vst v26  }
0x6d8: {  	s19 =	simm.s32 $0x6000;
	[tilespmem:s15+$0x280] =	vst v27;
	v26 =	vld.idx.msk [tilespmem:v22+s26+$0x0], $0xffff  }
0x6d9: {  	[tilespmem:s8+$0x14A00] =	vst v28;
	v27 =	vld.idx.msk [tilespmem:v21+s19+$0x0], $0xffff  }
0x6da: {  	[tilespmem:s2+$0x14B80] =	vst v29;
	v28 =	vld.idx.msk [tilespmem:v19+s17+$0x0], $0xffff  }
0x6db: {  	v29 =	vld.idx.msk [tilespmem:v20+s16+$0x0], $0xffff;
	[tilespmem:s9+$0x14A00] =	vst v25  }
0x6dc: {  	v25 =	vld.idx.msk [tilespmem:v18+s16+$0x0], $0xffff;
	[tilespmem:s10+$0x280] =	vst v31  }
0x6dd: {  	[tilespmem:s4+$0x280] =	vst v30;
	v31 =	vld.idx.msk [tilespmem:v24+s19+$0x0], $0xffff  }
0x6de: {  	v30 =	vld.idx.msk [tilespmem:v23+s19+$0x0], $0xffff;
	[tilespmem:s31+$0x280] =	vst v26  }
0x6df: {  	s20 =	simm.s32 $0x7000;
	[tilespmem:s15+$0x300] =	vst v27;
	v27 =	vld.idx.msk [tilespmem:v22+s19+$0x0], $0xffff  }
0x6e0: {  	s0 =	sadd.s32 $0x4, s0;
	s28 =	simm.s32 $0xE000;
	[tilespmem:s8+$0x14A80] =	vst v29;
	v62 =	vld.idx.msk [tilespmem:v21+s20+$0x0], $0xffff  }
0x6e1: {  	s1 =	sadd.s32 $0x4, s1;
	s17 =	sand.u32 $0x7, s0;
	[tilespmem:s7+$0x14A00] =	vst v28;
	v26 =	vld.idx.msk [tilespmem:v20+s28+$0x0], $0xffff  }
0x6e2: {  	p2 =	slt.u32 s1, $0x39;
	s2 =	smov.u32 s3;
	s3 =	sshll.u32 s17, $0x4;
	[tilespmem:s9+$0x14A80] =	vst v25;
	v63 =	vld.idx.msk [tilespmem:v19+s16+$0x0], $0xffff  }
.Ltmp15:
0x6e3: {  	s3 =	sadd.s32 s6, s3;
	v25 =	vld.idx.msk [tilespmem:v18+s28+$0x0], $0xffff;
	[tilespmem:s10+$0x300] =	vst v31;
	(pc) =	sbr.rel @p2 .LBB2_25-.Ltmp15, $4  }
0x6e4: {  	s21 =	smov.u32 s29;
	s29 =	sadd.s32 $0xFFFFFF20, s3;
	s3 =	sadd.s32 $0xFFFFFFB0, s3;
	[tilespmem:s4+$0x300] =	vst v30;
	v28 =	vld.idx.msk [tilespmem:v24+s20+$0x0], $0xffff  }
0x6e5: {  	s5 =	sadd.s32 $0x4, s5;
	s3 =	sor.u32 $0x380, s3;
	v29 =	vld.idx.msk [tilespmem:v23+s20+$0x0], $0xffff;
	[tilespmem:s31+$0x300] =	vst v27  }
0x6e6: {  	s11 =	sadd.s32 $0x40, s11;
	s30 =	sand.u32 $0x7, s5;
	[tilespmem:s3+$0x12400] =	vst v62;
	s31 =	simm.s32 $0x8000;
	v27 =	vld.idx.msk [tilespmem:v22+s20+$0x0], $0xffff  }
0x6e7: {  	s6 =	sadd.s32 $0x200, s6;
	s15 =	sshll.u32 s30, $0x4;
	s4 =	sor.u32 $0x380, s29;
	v30 =	vld.idx.msk [tilespmem:v21+s31+$0x0], $0xffff;
	[tilespmem:s7+$0x14A80] =	vst v63  }
0x6e8: {  	_ = 	snop  }
0x6e9: {  	s0 =	sadd.s32 s15, s6  }
0x6ea: {  	s0 =	sadd.s32 $0xFFFFFE00, s0  }
0x6eb: {  	s1 =	simm.s32 $0x8000;
	[tilespmem:s14+$0x12400] =	vst v29;
	s0 =	sor.u32 $0x380, s0  }
0x6ec: {  	v52 =	vld.idx.msk [tilespmem:v23+s1+$0x0], $0xffff;
	[tilespmem:s0+$0x12400] =	vst v27  }
0x6ed: {  	[tilespmem:s4+$0x12400] =	vst v28;
	v27 =	vld.idx.msk [tilespmem:v22+s1+$0x0], $0xffff  }
0x6ee: {  	v53 =	vld.idx.msk [tilespmem:v24+s1+$0x0], $0xffff;
	_ =	sdelay $0x1  }
0x6ef: {  	s11 =	simm.s32 $0x9000;
	[tilespmem:s2+$0x14800] =	vst v30  }
0x6f0: {  	v30 =	vld.idx.msk [tilespmem:v21+s11+$0x0], $0xffff;
	[tilespmem:s21+$0x14800] =	vst v52  }
0x6f1: {  	s29 =	rddreg [dreg:$0x8];
	v28 =	vld.idx.msk [tilespmem:v23+s11+$0x0], $0xffff;
	[tilespmem:s12+$0x14800] =	vst v27  }
0x6f2: {  	[tilespmem:s29+$0x14800] =	vst v53;
	v55 =	vld.idx.msk [tilespmem:v22+s11+$0x0], $0xffff  }
0x6f3: {  	v54 =	vld.idx.msk [tilespmem:v24+s11+$0x0], $0xffff;
	_ =	sdelay $0x1  }
0x6f4: {  	s13 =	simm.s32 $0xA000;
	[tilespmem:s2+$0x14880] =	vst v30  }
0x6f5: {  	v30 =	vld.idx.msk [tilespmem:v21+s13+$0x0], $0xffff;
	[tilespmem:s21+$0x14880] =	vst v28  }
0x6f6: {  	v56 =	vld.idx.msk [tilespmem:v23+s13+$0x0], $0xffff;
	[tilespmem:s12+$0x14880] =	vst v55  }
0x6f7: {  	[tilespmem:s29+$0x14880] =	vst v54;
	v29 =	vld.idx.msk [tilespmem:v22+s13+$0x0], $0xffff  }
0x6f8: {  	v57 =	vld.idx.msk [tilespmem:v24+s13+$0x0], $0xffff;
	_ =	sdelay $0x1  }
0x6f9: {  	s14 =	simm.s32 $0xB000;
	[tilespmem:s2+$0x14900] =	vst v30  }
0x6fa: {  	v30 =	vld.idx.msk [tilespmem:v21+s14+$0x0], $0xffff;
	[tilespmem:s21+$0x14900] =	vst v56  }
0x6fb: {  	v27 =	vld.idx.msk [tilespmem:v23+s14+$0x0], $0xffff;
	[tilespmem:s12+$0x14900] =	vst v29  }
0x6fc: {  	[tilespmem:s29+$0x14900] =	vst v57;
	v29 =	vld.idx.msk [tilespmem:v22+s14+$0x0], $0xffff  }
0x6fd: {  	v28 =	vld.idx.msk [tilespmem:v24+s14+$0x0], $0xffff;
	_ =	sdelay $0x1  }
0x6fe: {  	s15 =	simm.s32 $0xC000;
	[tilespmem:s2+$0x14980] =	vst v30  }
0x6ff: {  	v30 =	vld.idx.msk [tilespmem:v21+s15+$0x0], $0xffff;
	[tilespmem:s21+$0x14980] =	vst v27  }
0x700: {  	v27 =	vld.idx.msk [tilespmem:v23+s15+$0x0], $0xffff;
	[tilespmem:s12+$0x14980] =	vst v29  }
0x701: {  	[tilespmem:s29+$0x14980] =	vst v28;
	v29 =	vld.idx.msk [tilespmem:v22+s15+$0x0], $0xffff  }
0x702: {  	v28 =	vld.idx.msk [tilespmem:v24+s15+$0x0], $0xffff;
	_ =	sdelay $0x1  }
0x703: {  	s16 =	simm.s32 $0xD000;
	[tilespmem:s2+$0x14A00] =	vst v30  }
0x704: {  	v30 =	vld.idx.msk [tilespmem:v21+s16+$0x0], $0xffff;
	[tilespmem:s21+$0x14A00] =	vst v27  }
0x705: {  	v27 =	vld.idx.msk [tilespmem:v23+s16+$0x0], $0xffff;
	[tilespmem:s12+$0x14A00] =	vst v29  }
0x706: {  	[tilespmem:s29+$0x14A00] =	vst v28;
	v58 =	vld.idx.msk [tilespmem:v22+s16+$0x0], $0xffff  }
0x707: {  	s17 =	simm.s32 $0xE000;
	[tilespmem:s8+$0x14B00] =	vst v26;
	v28 =	vld.idx.msk [tilespmem:v24+s16+$0x0], $0xffff  }
0x708: {  	s28 =	simm.s32 $0xF000;
	v59 =	vld.idx.msk [tilespmem:v19+s17+$0x0], $0xffff;
	[tilespmem:s9+$0x14B00] =	vst v25  }
0x709: {  	v18 =	vld.idx.msk [tilespmem:v18+s28+$0x0], $0xffff;
	[tilespmem:s2+$0x14A80] =	vst v30  }
0x70a: {  	v60 =	vld.idx.msk [tilespmem:v21+s17+$0x0], $0xffff;
	[tilespmem:s21+$0x14A80] =	vst v27  }
0x70b: {  	v27 =	vld.idx.msk [tilespmem:v23+s17+$0x0], $0xffff;
	[tilespmem:s12+$0x14A80] =	vst v58  }
0x70c: {  	[tilespmem:s29+$0x14A80] =	vst v28;
	v26 =	vld.idx.msk [tilespmem:v22+s17+$0x0], $0xffff  }
0x70d: {  	[tilespmem:s7+$0x14B00] =	vst v59;
	v28 =	vld.idx.msk [tilespmem:v24+s17+$0x0], $0xffff  }
0x70e: {  	v20 =	vld.idx.msk [tilespmem:v20+s28+$0x0], $0xffff;
	[tilespmem:s9+$0x14B80] =	vst v18  }
0x70f: {  	v19 =	vld.idx.msk [tilespmem:v19+s28+$0x0], $0xffff;
	[tilespmem:s2+$0x14B00] =	vst v60  }
0x710: {  	v61 =	vld.idx.msk [tilespmem:v21+s28+$0x0], $0xffff;
	[tilespmem:s21+$0x14B00] =	vst v27  }
0x711: {  	v62 =	vld.idx.msk [tilespmem:v23+s28+$0x0], $0xffff;
	[tilespmem:s12+$0x14B00] =	vst v26  }
0x712: {  	[tilespmem:s29+$0x14B00] =	vst v28;
	v18 =	vld.idx.msk [tilespmem:v22+s28+$0x0], $0xffff  }
0x713: {  	[tilespmem:s8+$0x14B80] =	vst v20;
	v63 =	vld.idx.msk [tilespmem:v24+s28+$0x0], $0xffff  }
0x714: {  	[tilespmem:s7+$0x14B80] =	vst v19  }
0x715: {  	s31 =	simm.s32 $0xB000;
	s30 =	simm.s32 $0xC000;
	[tilespmem:s2+$0x14B80] =	vst v61  }
0x716: {  	s5 =	simm.s32 $0xA000;
	s6 =	simm.s32 $0x9000;
	s4 =	simm.s32 $0xF000;
	[tilespmem:s21+$0x14B80] =	vst v62  }
0x717: {  	s0 =	simm.s32 $0x1E80;
	s1 =	simm.s32 $0x3D0;
	s7 =	simm.s32 $0x8000;
	[tilespmem:s12+$0x14B80] =	vst v18  }
0x718: {  	s16 =	simm.s32 $0xE000;
	s17 =	simm.s32 $0xD000;
	s21 =	simm.s32 $0x0;
	[tilespmem:s29+$0x14B80] =	vst v63  }
.LBB2_27:
0x719: {  	s2 =	sand.u32 $0x3FFFFC00, s0;
	s3 =	sshra.s32 s18, $0x2  }
0x71a: {  	s2 =	sadd.s32 s3, s2  }
0x71b: {  	v18 =	vld [tilespmem:s2+$0x10050];
	_ =	sdelay $0x7  }
0x71c: {  	v19 =	vld.idx.msk [tilespmem:v18+s21+$0x0], $0xffff;
	_ =	sdelay $0x3  }
0x71d: {  	s2 =	sadd.s32 $0x12400, s2  }
0x71e: {  	[tilespmem:s2+$0x50] =	vst v19  }
0x71f: {  	v19 =	vld.idx.msk [tilespmem:v18+s22+$0x0], $0xffff;
	_ =	sdelay $0x4  }
0x720: {  	[tilespmem:s2+$0xD0] =	vst v19  }
0x721: {  	v19 =	vld.idx.msk [tilespmem:v18+s23+$0x0], $0xffff;
	_ =	sdelay $0x4  }
0x722: {  	[tilespmem:s2+$0x150] =	vst v19  }
0x723: {  	v19 =	vld.idx.msk [tilespmem:v18+s24+$0x0], $0xffff;
	_ =	sdelay $0x4  }
0x724: {  	[tilespmem:s2+$0x1D0] =	vst v19  }
0x725: {  	v19 =	vld.idx.msk [tilespmem:v18+s25+$0x0], $0xffff;
	_ =	sdelay $0x4  }
0x726: {  	[tilespmem:s2+$0x250] =	vst v19  }
0x727: {  	v19 =	vld.idx.msk [tilespmem:v18+s26+$0x0], $0xffff;
	_ =	sdelay $0x4  }
0x728: {  	[tilespmem:s2+$0x2D0] =	vst v19  }
0x729: {  	v19 =	vld.idx.msk [tilespmem:v18+s19+$0x0], $0xffff;
	_ =	sdelay $0x4  }
0x72a: {  	[tilespmem:s2+$0x350] =	vst v19  }
0x72b: {  	v19 =	vld.idx.msk [tilespmem:v18+s20+$0x0], $0xffff;
	_ =	sdelay $0x2  }
0x72c: {  	s29 =	sor.u32 s0, s1  }
0x72d: {  	s3 =	sor.u32 $0x380, s29  }
0x72e: {  	[tilespmem:s3+$0x12400] =	vst v19  }
0x72f: {  	v19 =	vld.idx.msk [tilespmem:v18+s7+$0x0], $0xffff;
	_ =	sdelay $0x4  }
0x730: {  	[tilespmem:s2+$0x2450] =	vst v19  }
0x731: {  	v19 =	vld.idx.msk [tilespmem:v18+s6+$0x0], $0xffff;
	_ =	sdelay $0x4  }
0x732: {  	[tilespmem:s2+$0x24D0] =	vst v19  }
0x733: {  	v19 =	vld.idx.msk [tilespmem:v18+s5+$0x0], $0xffff;
	_ =	sdelay $0x4  }
0x734: {  	[tilespmem:s2+$0x2550] =	vst v19  }
0x735: {  	v19 =	vld.idx.msk [tilespmem:v18+s31+$0x0], $0xffff;
	_ =	sdelay $0x4  }
0x736: {  	[tilespmem:s2+$0x25D0] =	vst v19  }
0x737: {  	v19 =	vld.idx.msk [tilespmem:v18+s30+$0x0], $0xffff;
	_ =	sdelay $0x4  }
0x738: {  	[tilespmem:s2+$0x2650] =	vst v19  }
0x739: {  	v19 =	vld.idx.msk [tilespmem:v18+s17+$0x0], $0xffff;
	_ =	sdelay $0x4  }
0x73a: {  	[tilespmem:s2+$0x26D0] =	vst v19  }
0x73b: {  	v19 =	vld.idx.msk [tilespmem:v18+s16+$0x0], $0xffff;
	_ =	sdelay $0x4  }
0x73c: {  	[tilespmem:s2+$0x2750] =	vst v19  }
0x73d: {  	p2 =	sne.s32 s18, $0x80;
	v18 =	vld.idx.msk [tilespmem:v18+s4+$0x0], $0xffff  }
.Ltmp16:
0x73e: {  	_ = 	snop;
	(pc) =	sbr.rel @p2 .LBB2_27-.Ltmp16, $2  }
0x73f: {  	_ =	sdelay $0x2  }
0x740: {  	s0 =	sadd.s32 $0x80, s0;
	s1 =	sadd.s32 $0x10, s1;
	s18 =	sadd.s32 $0x40, s18;
	[tilespmem:s2+$0x27D0] =	vst v18  }
0x741: {  	v18 =	vld [tilespmem:$0x10000];
	_ =	sdelay $0x6  }
0x742: {  	v19 =	vld [tilespmem:$0x12000]  }
0x743: {  	v20 =	vld.idx.msk [tilespmem:v18+s21+$0x0], $0xffff;
	_ =	sdelay $0x4  }
0x744: {  	v20 =	vmul.f32 v0, v20;
	_ =	sdelay $0x1  }
0x745: {  	[tilespmem:$0x12400] =	vst v20  }
0x746: {  	v20 =	vld.idx.msk [tilespmem:v19+s21+$0x0], $0xffff;
	_ =	sdelay $0x3  }
0x747: {  	s1 =	simm.s32 $0x12400  }
0x748: {  	[tilespmem:v1+s1+$0x0] =	vst.idx.msk $0x1, v20  }
0x749: {  	v20 =	vld.idx.msk [tilespmem:v18+s22+$0x0], $0xffff;
	_ =	sdelay $0x4  }
0x74a: {  	v20 =	vmul.f32 v0, v20;
	_ =	sdelay $0x1  }
0x74b: {  	[tilespmem:$0x12480] =	vst v20  }
0x74c: {  	v20 =	vld.idx.msk [tilespmem:v19+s22+$0x0], $0xffff;
	_ =	sdelay $0x4  }
0x74d: {  	[tilespmem:v2+s1+$0x0] =	vst.idx.msk $0x1, v20  }
0x74e: {  	v20 =	vld.idx.msk [tilespmem:v18+s23+$0x0], $0xffff;
	_ =	sdelay $0x4  }
0x74f: {  	v20 =	vmul.f32 v0, v20;
	_ =	sdelay $0x1  }
0x750: {  	[tilespmem:$0x12500] =	vst v20  }
0x751: {  	v20 =	vld.idx.msk [tilespmem:v19+s23+$0x0], $0xffff;
	_ =	sdelay $0x4  }
0x752: {  	[tilespmem:v3+s1+$0x0] =	vst.idx.msk $0x1, v20  }
0x753: {  	v20 =	vld.idx.msk [tilespmem:v18+s24+$0x0], $0xffff;
	_ =	sdelay $0x4  }
0x754: {  	v20 =	vmul.f32 v0, v20;
	_ =	sdelay $0x1  }
0x755: {  	[tilespmem:$0x12580] =	vst v20  }
0x756: {  	v20 =	vld.idx.msk [tilespmem:v19+s24+$0x0], $0xffff;
	_ =	sdelay $0x4  }
0x757: {  	[tilespmem:v4+s1+$0x0] =	vst.idx.msk $0x1, v20  }
0x758: {  	v20 =	vld.idx.msk [tilespmem:v18+s25+$0x0], $0xffff;
	_ =	sdelay $0x4  }
0x759: {  	v20 =	vmul.f32 v0, v20;
	_ =	sdelay $0x1  }
0x75a: {  	[tilespmem:$0x12600] =	vst v20  }
0x75b: {  	v20 =	vld.idx.msk [tilespmem:v19+s25+$0x0], $0xffff;
	_ =	sdelay $0x4  }
0x75c: {  	[tilespmem:v5+s1+$0x0] =	vst.idx.msk $0x1, v20  }
0x75d: {  	v20 =	vld.idx.msk [tilespmem:v18+s26+$0x0], $0xffff;
	_ =	sdelay $0x4  }
0x75e: {  	v20 =	vmul.f32 v0, v20;
	_ =	sdelay $0x1  }
0x75f: {  	[tilespmem:$0x12680] =	vst v20  }
0x760: {  	v20 =	vld.idx.msk [tilespmem:v19+s26+$0x0], $0xffff;
	_ =	sdelay $0x4  }
0x761: {  	[tilespmem:v6+s1+$0x0] =	vst.idx.msk $0x1, v20  }
0x762: {  	v20 =	vld.idx.msk [tilespmem:v18+s19+$0x0], $0xffff;
	_ =	sdelay $0x4  }
0x763: {  	v20 =	vmul.f32 v0, v20;
	_ =	sdelay $0x1  }
0x764: {  	[tilespmem:$0x12700] =	vst v20  }
0x765: {  	v20 =	vld.idx.msk [tilespmem:v19+s19+$0x0], $0xffff;
	_ =	sdelay $0x4  }
0x766: {  	[tilespmem:v7+s1+$0x0] =	vst.idx.msk $0x1, v20  }
0x767: {  	v20 =	vld.idx.msk [tilespmem:v18+s20+$0x0], $0xffff;
	_ =	sdelay $0x4  }
0x768: {  	v20 =	vmul.f32 v0, v20;
	_ =	sdelay $0x1  }
0x769: {  	[tilespmem:$0x12780] =	vst v20  }
0x76a: {  	v20 =	vld.idx.msk [tilespmem:v19+s20+$0x0], $0xffff;
	_ =	sdelay $0x4  }
0x76b: {  	[tilespmem:v8+s1+$0x0] =	vst.idx.msk $0x1, v20  }
0x76c: {  	v20 =	vld.idx.msk [tilespmem:v18+s7+$0x0], $0xffff;
	_ =	sdelay $0x4  }
0x76d: {  	v20 =	vmul.f32 v0, v20;
	_ =	sdelay $0x1  }
0x76e: {  	[tilespmem:$0x14800] =	vst v20  }
0x76f: {  	v20 =	vld.idx.msk [tilespmem:v19+s7+$0x0], $0xffff;
	_ =	sdelay $0x4  }
0x770: {  	[tilespmem:v9+s1+$0x0] =	vst.idx.msk $0x1, v20  }
0x771: {  	v20 =	vld.idx.msk [tilespmem:v18+s6+$0x0], $0xffff;
	_ =	sdelay $0x4  }
0x772: {  	v20 =	vmul.f32 v0, v20;
	_ =	sdelay $0x1  }
0x773: {  	[tilespmem:$0x14880] =	vst v20  }
0x774: {  	v20 =	vld.idx.msk [tilespmem:v19+s6+$0x0], $0xffff;
	_ =	sdelay $0x4  }
0x775: {  	[tilespmem:v10+s1+$0x0] =	vst.idx.msk $0x1, v20  }
0x776: {  	v20 =	vld.idx.msk [tilespmem:v18+s5+$0x0], $0xffff;
	_ =	sdelay $0x4  }
0x777: {  	v20 =	vmul.f32 v0, v20;
	_ =	sdelay $0x1  }
0x778: {  	[tilespmem:$0x14900] =	vst v20  }
0x779: {  	v20 =	vld.idx.msk [tilespmem:v19+s5+$0x0], $0xffff;
	_ =	sdelay $0x4  }
0x77a: {  	[tilespmem:v11+s1+$0x0] =	vst.idx.msk $0x1, v20  }
0x77b: {  	v20 =	vld.idx.msk [tilespmem:v18+s31+$0x0], $0xffff;
	_ =	sdelay $0x4  }
0x77c: {  	v20 =	vmul.f32 v0, v20;
	_ =	sdelay $0x1  }
0x77d: {  	[tilespmem:$0x14980] =	vst v20  }
0x77e: {  	v20 =	vld.idx.msk [tilespmem:v19+s31+$0x0], $0xffff;
	_ =	sdelay $0x4  }
0x77f: {  	[tilespmem:v12+s1+$0x0] =	vst.idx.msk $0x1, v20  }
0x780: {  	v20 =	vld.idx.msk [tilespmem:v18+s30+$0x0], $0xffff;
	_ =	sdelay $0x4  }
0x781: {  	v20 =	vmul.f32 v0, v20;
	_ =	sdelay $0x1  }
0x782: {  	[tilespmem:$0x14A00] =	vst v20  }
0x783: {  	v20 =	vld.idx.msk [tilespmem:v19+s30+$0x0], $0xffff;
	_ =	sdelay $0x4  }
0x784: {  	[tilespmem:v13+s1+$0x0] =	vst.idx.msk $0x1, v20  }
0x785: {  	v20 =	vld.idx.msk [tilespmem:v18+s17+$0x0], $0xffff;
	_ =	sdelay $0x4  }
0x786: {  	v20 =	vmul.f32 v0, v20;
	_ =	sdelay $0x1  }
0x787: {  	[tilespmem:$0x14A80] =	vst v20  }
0x788: {  	v20 =	vld.idx.msk [tilespmem:v19+s17+$0x0], $0xffff;
	_ =	sdelay $0x4  }
0x789: {  	[tilespmem:v14+s1+$0x0] =	vst.idx.msk $0x1, v20  }
0x78a: {  	v20 =	vld.idx.msk [tilespmem:v18+s16+$0x0], $0xffff;
	_ =	sdelay $0x4  }
0x78b: {  	v20 =	vmul.f32 v0, v20;
	_ =	sdelay $0x1  }
0x78c: {  	[tilespmem:$0x14B00] =	vst v20  }
0x78d: {  	v20 =	vld.idx.msk [tilespmem:v19+s16+$0x0], $0xffff;
	_ =	sdelay $0x4  }
0x78e: {  	[tilespmem:v15+s1+$0x0] =	vst.idx.msk $0x1, v20  }
0x78f: {  	v18 =	vld.idx.msk [tilespmem:v18+s4+$0x0], $0xffff;
	_ =	sdelay $0x4  }
0x790: {  	v18 =	vmul.f32 v0, v18;
	_ =	sdelay $0x1  }
0x791: {  	[tilespmem:$0x14B80] =	vst v18  }
0x792: {  	v18 =	vld.idx.msk [tilespmem:v19+s4+$0x0], $0xffff;
	_ =	sdelay $0x4  }
.Ltmp17:
0x793: {  	s0 =	rddreg [dreg:$0x10];
	s29 =	simm.s32 $0x3;
	[tilespmem:v16+s1+$0x0] =	vst.idx.msk $0x1, v18;
	(pc) =	sbr.rel .LBB2_29-.Ltmp17, $4  }
0x794: {  	[hbm4b:s0+s21] =	stream.linear.scatter [tilespmem:s1], [sflag:$0x3], $0x4800, $0x38;
	[tilespmem:$0x1B400] =	vst v63  }
0x795: {  	_ =	swait.ge [sflag:s29], $0x4800  }
0x796: {  	[sflag:s29] =	ssyncset.done $0x0  }
0x797: {  	s1 =	rddreg [dreg:$0x12];
	[sflag:s29] =	ssyncadd.s32 $0xFFFFB800  }
.LBB2_30:
0x798: {  	_ =	sfence.sel $0x180000  }
0x799: {  	[bflag:$0x0] =	sbarrier.arrive $0xFFFF  }
0x79a: {  	_ =	strace $0x90000047  }
0x79b: {  	s0 =	stileid.u32;
	[bflag:$0x2] =	sbarrier.arrive $0xFFFF  }
0x79c: {  	p0 =	sne.s32 s0, $0x0;
	s0 =	rddreg [dreg:$0x2]  }
0x79d: {  	s0 =	sadd.s32 @!p0 $0x100000, s0  }
0x79e: {  	[sflag:s0] =	ssyncadd.tile.s32 @!p0 $0x1;
	_ =	shalt  }
.Lfunc_end2:
_tile_overlayer_lowered:
.L_overlay_start_2:
0x79f: {  	(tag) =	ssettag $0x2  }
0x7a0: {  	s0 =	rddreg [dreg:$0x0];
	s2 =	stileid.u32  }
0x7a1: {  	s1 =	rddreg [dreg:$0x1];
	p0 =	sne.s32 s2, $0x0  }
0x7a2: {  	s3 =	rddreg [dreg:$0x2];
	[bflag:$0x3] =	sbarrier.arrive $0xFFFF;
	s2 =	simm.s32 @!p0 $0x1C03  }
0x7a3: {  	[timem:s3], [sflag:s2] =	dma.local @!p0 [hbm:s0], s1  }
0x7a4: {  	s0 =	simm.s32 @!p0 $0x3  }
0x7a5: {  	_ =	swait.ge @!p0 [sflag:s0], s1  }
0x7a6: {  	s1 =	ssub.s32 @!p0 $0x0, s1;
	[sflag:s0] =	ssyncset.done @!p0 $0x0  }
0x7a7: {  	[sflag:s0] =	ssyncadd.s32 @!p0 s1  }
0x7a8: {  	[bflag:$0x3] =	sbarrier.arrive $0xFFFF  }
0x7a9: {  	_ =	shalt  }

</sc_bundles>
